<compile_context>
chip_gen: v7x
topology: tpu7x:2x2x1
jax: 0.10.2.dev20260603
libtpu: 0.0.44.dev20260713+nightly
codegen_flags: <defaults>
</compile_context>

<pallas_src>
import functools

import jax
import jax.numpy as jnp
from jax import lax
from jax.experimental import pallas as pl
from jax.experimental.pallas import tpu as pltpu
from jax.experimental.pallas import tpu_sc as plsc

NN = 10000
EE = 320000
HH = 64
CH = 128
NCHUNK = EE // CH
NTILE = 32
BASEC = NCHUNK // NTILE
REMC = NCHUNK % NTILE
MAXC = BASEC + 1
NB = 8
SLOTS = 80
RPT = 640
ACC_R = RPT * 16
NPAIR = NN // 2
NLD = ACC_R // 2


@functools.cache
def _deg_kernel_fn():
    return functools.partial(
        pl.kernel,
        mesh=plsc.VectorSubcoreMesh(core_axis_name="c", subcore_axis_name="s"),
        out_type=jax.ShapeDtypeStruct((2, ACC_R, HH), jnp.float32),
        scratch_types=[
            pltpu.VMEM((MAXC, 2, CH), jnp.int32),
            pltpu.VMEM((CH, 16), jnp.float32),
            pltpu.VMEM_SHARED((ACC_R, 16), jnp.float32),
            pltpu.SemaphoreType.DMA,
        ],
        compiler_params=pltpu.CompilerParams(use_tc_tiling_on_sc=False),
    )(_deg_body)


def _load_tile_chunks(edge_hbm, idx_v, wid):
    nch = BASEC + jnp.where(wid < REMC, 1, 0)
    start = wid * BASEC + jnp.minimum(wid, REMC)
    pltpu.sync_copy(edge_hbm.at[pl.ds(start, BASEC)],
                    idx_v.at[pl.ds(0, BASEC)])

    @pl.when(wid < REMC)
    def _():
        pltpu.sync_copy(edge_hbm.at[pl.ds(start + BASEC, 1)],
                        idx_v.at[pl.ds(BASEC, 1)])

    return nch


def _deg_body(ones_hbm, edge_hbm, zero_hbm, out_hbm, idx_v, ones_v, acc_sh,
              sem):
    cid = lax.axis_index("c")
    sid = lax.axis_index("s")
    wid = cid * 16 + sid
    nch = _load_tile_chunks(edge_hbm, idx_v, wid)
    pltpu.sync_copy(ones_hbm, ones_v)
    pltpu.sync_copy(zero_hbm, acc_sh.at[pl.ds(sid * RPT, RPT)])
    plsc.subcore_barrier()

    def fire(j, carry):
        @pl.when(j < nch)
        def _():
            pltpu.async_copy(ones_v, acc_sh.at[idx_v.at[j, 1]], sem, add=True)
        return carry

    lax.fori_loop(0, MAXC, fire, 0)

    def drain(j, carry):
        @pl.when(j < nch)
        def _():
            pltpu.make_async_copy(ones_v, acc_sh.at[idx_v.at[j, 1]],
                                  sem).wait()
        return carry

    lax.fori_loop(0, MAXC, drain, 0)
    plsc.subcore_barrier()
    for k in range(4):
        pltpu.sync_copy(acc_sh.at[pl.ds(sid * RPT, RPT)],
                        out_hbm.at[cid, pl.ds(sid * RPT, RPT),
                                   pl.ds(16 * k, 16)])


@functools.cache
def _msg_kernel_fn():
    return functools.partial(
        pl.kernel,
        mesh=plsc.VectorSubcoreMesh(core_axis_name="c", subcore_axis_name="s"),
        out_type=jax.ShapeDtypeStruct((2, ACC_R, HH), jnp.float32),
        scratch_types=[
            pltpu.VMEM((MAXC, 2, CH), jnp.int32),
            pltpu.VMEM((NB, CH, HH), jnp.float32),
            pltpu.VMEM_SHARED((ACC_R, HH), jnp.float32),
            pltpu.SemaphoreType.DMA,
            pltpu.SemaphoreType.DMA,
        ],
        compiler_params=pltpu.CompilerParams(use_tc_tiling_on_sc=False),
    )(_msg_body)


def _msg_body(y_hbm, edge_hbm, zero_hbm, out_hbm, idx_v, rows_v, acc_sh,
              semg, sems):
    cid = lax.axis_index("c")
    sid = lax.axis_index("s")
    wid = cid * 16 + sid
    nch = _load_tile_chunks(edge_hbm, idx_v, wid)
    pltpu.sync_copy(zero_hbm, acc_sh.at[pl.ds(sid * RPT, RPT)])
    plsc.subcore_barrier()

    for b in range(NB - 1):
        @pl.when(b < nch)
        def _():
            pltpu.async_copy(y_hbm.at[idx_v.at[b, 0]], rows_v.at[b], semg)

    def grp(g, carry):
        for b in range(NB):
            s = g * NB + b

            @pl.when(s < nch)
            def _():
                pltpu.make_async_copy(y_hbm.at[idx_v.at[s, 0]],
                                      rows_v.at[b], semg).wait()
                pltpu.async_copy(rows_v.at[b], acc_sh.at[idx_v.at[s, 1]],
                                 sems, add=True)

                @pl.when(s >= 1)
                def _():
                    pltpu.make_async_copy(
                        rows_v.at[(b - 1) % NB],
                        acc_sh.at[idx_v.at[s, 1]], sems).wait()

                @pl.when(s + NB - 1 < nch)
                def _():
                    pltpu.async_copy(y_hbm.at[idx_v.at[s + NB - 1, 0]],
                                     rows_v.at[(b - 1) % NB], semg)
        return carry

    lax.fori_loop(0, SLOTS // NB, grp, 0)

    @pl.when(nch >= 1)
    def _():
        pltpu.make_async_copy(rows_v.at[0], acc_sh.at[idx_v.at[0, 1]],
                              sems).wait()

    plsc.subcore_barrier()
    pltpu.sync_copy(acc_sh.at[pl.ds(sid * RPT, RPT)],
                    out_hbm.at[cid, pl.ds(sid * RPT, RPT)])


def _bd2(w):
    fi, fo = w.shape
    z = jnp.zeros((fi, fo), jnp.float32)
    return jnp.concatenate([jnp.concatenate([w, z], axis=1),
                            jnp.concatenate([z, w], axis=1)], axis=0)


def _dup(v):
    return jnp.concatenate([v, v])


def _b0a_body(x_ref, win_ref, bin_ref, h0_ref):
    h0_ref[...] = jnp.dot(x_ref[...], _bd2(win_ref[...]),
                          preferred_element_type=jnp.float32) + _dup(bin_ref[...])


def _b0b_body(a_ref, h0_ref, w1_ref, dinv_ref, y1s_ref):
    a = a_ref[...]
    deg = a[0:NPAIR] + a[NLD:NLD + NPAIR] + 1.0
    dinv = 1.0 / jnp.sqrt(deg)
    y1 = jnp.dot(h0_ref[...], _bd2(w1_ref[...]),
                 preferred_element_type=jnp.float32)
    dinv_ref[...] = dinv
    y1s_ref[...] = dinv * y1


def _norm_relu(t, g_ref, be_ref):
    mc = jnp.mean(t, axis=0, keepdims=True)
    mh = 0.5 * (mc[:, :HH] + mc[:, HH:])
    m2c = jnp.mean(t * t, axis=0, keepdims=True)
    vh = 0.5 * (m2c[:, :HH] + m2c[:, HH:]) - mh * mh
    mp = jnp.concatenate([mh, mh], axis=1)
    vp = jnp.concatenate([vh, vh], axis=1)
    t = _dup(g_ref[...]) * (t - mp) / jnp.sqrt(vp + 1e-5) + _dup(be_ref[...])
    return jnp.maximum(t, 0.0)


def _bmid_body(msg_ref, ys_ref, hprev_ref, dinv_ref, b_ref, g_ref, be_ref,
               wn_ref, hout_ref, ysn_ref):
    msgv = msg_ref[...]
    dinv = dinv_ref[...]
    p = msgv[0:NPAIR] + msgv[NLD:NLD + NPAIR] + ys_ref[...]
    t = dinv * p + _dup(b_ref[...])
    h = _norm_relu(t, g_ref, be_ref) + hprev_ref[...]
    hout_ref[...] = h
    yn = jnp.dot(h, _bd2(wn_ref[...]), preferred_element_type=jnp.float32)
    ysn_ref[...] = dinv * yn


def _b3a_body(x_ref, wbp_ref, bbp_ref, wh_ref, bh_ref, pb_ref):
    byp = jnp.dot(x_ref[...], _bd2(wbp_ref[...]),
                  preferred_element_type=jnp.float32) + _dup(bbp_ref[...])
    wh = wh_ref[...]
    pb_ref[...] = (jnp.dot(byp, _bd2(wh[HH:]),
                           preferred_element_type=jnp.float32)
                   + _dup(bh_ref[...]))


def _b3_body(msg_ref, ys_ref, dinv_ref, b_ref, g_ref, be_ref, pb_ref,
             wh_ref, out_ref):
    msgv = msg_ref[...]
    dinv = dinv_ref[...]
    p = msgv[0:NPAIR] + msgv[NLD:NLD + NPAIR] + ys_ref[...]
    t = dinv * p + _dup(b_ref[...])
    h3 = _norm_relu(t, g_ref, be_ref)
    wh = wh_ref[...]
    params = (jnp.dot(h3, _bd2(wh[:HH]), preferred_element_type=jnp.float32)
              + pb_ref[...])
    k0 = jnp.clip(params[:, 0:1] * 5.0 + 2.5, 0.2, 10.0)
    a0 = params[:, 1:2]
    t0 = jnp.clip(params[:, 2:3] + 0.5, 0.05, 2.0)
    k1 = jnp.clip(params[:, 3:4] * 5.0 + 2.5, 0.2, 10.0)
    a1 = params[:, 4:5]
    t1 = jnp.clip(params[:, 5:6] + 0.5, 0.05, 2.0)
    out_ref[...] = jnp.concatenate([k0, a0, t0, k1, a1, t1], axis=1)


def _sds(shape):
    return jax.ShapeDtypeStruct(shape, jnp.float32)


def kernel(x, edge_index, W_in, b_in, W1, b1, g1, be1, W2, b2, g2, be2,
           W3, b3, g3, be3, W_bp, b_bp, W_h, b_h):
    edges = jnp.transpose(edge_index.reshape(2, NCHUNK, CH),
                          (1, 0, 2)).reshape(NCHUNK, 2, CH)
    ones16 = jnp.ones((CH, 16), jnp.float32)
    z16 = jnp.zeros((RPT, 16), jnp.float32)
    z64 = jnp.zeros((RPT, HH), jnp.float32)
    xp = x.reshape(NPAIR, 256)

    a = _deg_kernel_fn()(ones16, edges, z16)
    h0 = pl.pallas_call(
        _b0a_body, out_shape=_sds((NPAIR, 128)))(xp, W_in, b_in)
    pbase = pl.pallas_call(
        _b3a_body, out_shape=_sds((NPAIR, 6)))(xp, W_bp, b_bp, W_h, b_h)
    dinv, y1s = pl.pallas_call(
        _b0b_body, out_shape=(_sds((NPAIR, 128)), _sds((NPAIR, 128))),
    )(a.reshape(2 * NLD, 128), h0, W1)

    m1 = _msg_kernel_fn()(y1s.reshape(NN, HH), edges, z64)
    h1, y2s = pl.pallas_call(
        _bmid_body, out_shape=(_sds((NPAIR, 128)), _sds((NPAIR, 128))),
    )(m1.reshape(2 * NLD, 128), y1s, h0, dinv, b1, g1, be1, W2)

    m2 = _msg_kernel_fn()(y2s.reshape(NN, HH), edges, z64)
    h2, y3s = pl.pallas_call(
        _bmid_body, out_shape=(_sds((NPAIR, 128)), _sds((NPAIR, 128))),
    )(m2.reshape(2 * NLD, 128), y2s, h1, dinv, b2, g2, be2, W3)

    m3 = _msg_kernel_fn()(y3s.reshape(NN, HH), edges, z64)
    outp = pl.pallas_call(
        _b3_body, out_shape=_sds((NPAIR, 6)),
    )(m3.reshape(2 * NLD, 128), y3s, dinv, b3, g3, be3, pbase, W_h)
    return outp.reshape(NN, 3)

# --- scband reference (transcript-rebuilt; emitter-appended) ---
"""Pipeline reference for scband-spdeparameter-gnn-41162966564962 (READ-ONLY COPY).

The authoritative reference and input builder live on the scoring server;
editing this copy changes nothing except your own understanding.
"""

import jax, jax.numpy as jnp
import numpy as np

N = 10000
E = 320000
D_IN = 128
H = 64
D_OUT = 3


def setup_inputs(seed: int = 0) -> dict:
    key = jax.random.key(seed)
    ks = jax.random.split(key, 24)
    inp = {}
    inp["x"] = jax.random.normal(ks[0], (N, D_IN), dtype=jnp.float32)
    inp["edge_index"] = jax.random.randint(ks[1], (2, E), 0, N, dtype=jnp.int32)
    def lin(k, fan_in, fan_out):
        s = 1.0 / np.sqrt(fan_in)
        kw, kb = jax.random.split(k)
        W = jax.random.uniform(kw, (fan_in, fan_out), jnp.float32, -s, s)
        b = jax.random.uniform(kb, (fan_out,), jnp.float32, -s, s)
        return W, b
    inp["W_in"], inp["b_in"] = lin(ks[2], D_IN, H)
    inp["W1"], inp["b1"] = lin(ks[3], H, H)
    inp["g1"] = jnp.ones((H,), jnp.float32); inp["be1"] = jnp.zeros((H,), jnp.float32)
    inp["W2"], inp["b2"] = lin(ks[4], H, H)
    inp["g2"] = jnp.ones((H,), jnp.float32); inp["be2"] = jnp.zeros((H,), jnp.float32)
    inp["W3"], inp["b3"] = lin(ks[5], H, H)
    inp["g3"] = jnp.ones((H,), jnp.float32); inp["be3"] = jnp.zeros((H,), jnp.float32)
    inp["W_bp"], inp["b_bp"] = lin(ks[6], D_IN, D_OUT)
    inp["W_h"], inp["b_h"] = lin(ks[7], H + D_OUT, D_OUT)
    return inp


def gcn_conv(x, src, dst, W, b):
    x = x @ W
    deg = jax.ops.segment_sum(jnp.ones(src.shape[0], dtype=x.dtype), dst, num_segments=N)
    dinv = jnp.where(deg > 0, 1.0 / jnp.sqrt(deg), 0.0)
    norm = dinv[src] * dinv[dst]
    out = jax.ops.segment_sum(x[src] * norm[:, None], dst, num_segments=N)
    return out + b


def batch_norm(x, g, b):
    m = jnp.mean(x, axis=0)
    v = jnp.var(x, axis=0)
    return g * (x - m) / jnp.sqrt(v + 1e-5) + b


def reference(x, edge_index, W_in, b_in, W1, b1, g1, be1, W2, b2, g2, be2, W3, b3, g3, be3, W_bp, b_bp, W_h, b_h):
    loop = jnp.arange(N, dtype=edge_index.dtype)
    src = jnp.concatenate([edge_index[0], loop])
    dst = jnp.concatenate([edge_index[1], loop])
    orig = x
    h = x @ W_in + b_in
    idn = h
    h = gcn_conv(h, src, dst, W1, b1)
    h = batch_norm(h, g1, be1)
    h = jax.nn.relu(h)
    h = h + idn
    idn = h
    h = gcn_conv(h, src, dst, W2, b2)
    h = batch_norm(h, g2, be2)
    h = jax.nn.relu(h)
    h = h + idn
    h = gcn_conv(h, src, dst, W3, b3)
    h = batch_norm(h, g3, be3)
    h = jax.nn.relu(h)
    bypass = orig @ W_bp + b_bp
    combined = jnp.concatenate([h, bypass], axis=1)
    params = combined @ W_h + b_h
    kappa = jnp.clip(params[:, 0] * 5.0 + 2.5, 0.2, 10.0)
    alpha = params[:, 1] * 1.0
    tau = jnp.clip(params[:, 2] * 1.0 + 0.5, 0.05, 2.0)
    return jnp.stack([kappa, alpha, tau], axis=1)

if __name__ == "__main__":
    import jax
    _d = setup_inputs()
    print(jax.jit(kernel)(*tuple(_d.values())))

</pallas_src>

<mosaic_0001>
#map = affine_map<(d0, d1) -> (0, 0)>
#map1 = affine_map<(d0, d1) -> (0, 0, 0)>
module attributes {stable_mosaic.version = 14 : i64} {
  func.func @_deg_body(%arg0: i32, %arg1: i32, %arg2: memref<128x16xf32, #tpu.memory_space<hbm>>, %arg3: memref<2500x2x128xi32, #tpu.memory_space<hbm>>, %arg4: memref<640x16xf32, #tpu.memory_space<hbm>>, %arg5: memref<2x10240x64xf32, #tpu.memory_space<hbm>>, %arg6: memref<79x2x128xi32, #tpu.memory_space<vmem>>, %arg7: memref<128x16xf32, #tpu.memory_space<vmem>>, %arg8: memref<10240x16xf32, #tpu.memory_space<vmem_shared>>, %arg9: memref<!tpu.dma_semaphore, #tpu.memory_space<semaphore_mem>>) attributes {dimension_semantics = [#tpu.dimension_semantics<core_parallel>, #tpu.dimension_semantics<subcore_parallel>], iteration_bounds = array<i64: 2, 16>, scalar_prefetch = 0 : i64, scratch_operands = 4 : i64, tpu.core_type = #tpu.core_type<sc_vector_subcore>, window_params = [{transform_indices = #map}, {transform_indices = #map1}, {transform_indices = #map}, {transform_indices = #map1}]} {
    %mul3A = arith.constant 16 : i32
    %mul3A_0 = arith.muli %arg0, %mul3A : i32
    %add3A = arith.addi %mul3A_0, %arg1 : i32
    %lt3A = arith.constant 4 : i32
    %lt3A_1 = arith.cmpi slt, %add3A, %lt3A : i32
    %jit3A = arith.constant 1 : i32
    %jit3A_2 = arith.constant 0 : i32
    %select_n3A = arith.select %lt3A_1, %jit3A, %jit3A_2 : i32
    %add3A_3 = arith.constant 78 : i32
    %add3A_4 = arith.addi %add3A_3, %select_n3A : i32
    %mul3A_5 = arith.constant 78 : i32
    %mul3A_6 = arith.muli %add3A, %mul3A_5 : i32
    %min3A = arith.constant 4 : i32
    %min3A_7 = arith.minsi %add3A, %min3A : i32
    %add3A_8 = arith.addi %mul3A_6, %min3A_7 : i32
    "tpu.region"() ({
      %run_scoped3A = tpu.sem_alloc : memref<!tpu.dma_semaphore, #tpu.memory_space<semaphore_mem>>
      %dma_start3A = arith.constant 0 : i32
      %dma_start3A_42 = arith.constant 0 : i32
      %dma_start3A_43 = arith.constant 0 : i32
      %dma_start3A_44 = tpu.memref_slice %arg6[%dma_start3A, %dma_start3A_42, %dma_start3A_43] : memref<79x2x128xi32, #tpu.memory_space<vmem>> -> memref<78x2x128xi32, #tpu.memory_space<vmem>>
      %dma_start3A_45 = arith.constant 0 : i32
      %dma_start3A_46 = arith.constant 0 : i32
      %dma_start3A_47 = tpu.memref_slice %arg3[%add3A_8, %dma_start3A_45, %dma_start3A_46] : memref<2500x2x128xi32, #tpu.memory_space<hbm>> -> memref<78x2x128xi32, #tpu.memory_space<hbm>>
      %dma_start3A_48 = arith.constant 0 : i32
      %dma_start3A_49 = arith.constant 0 : i32
      %dma_start3A_50 = arith.constant 0 : i32
      %dma_start3A_51 = tpu.memref_slice %arg6[%dma_start3A_48, %dma_start3A_49, %dma_start3A_50] : memref<79x2x128xi32, #tpu.memory_space<vmem>> -> memref<78x2x128xi32, #tpu.memory_space<vmem>>
      %dma_start3A_52 = arith.constant 0 : i32
      %dma_start3A_53 = arith.constant 0 : i32
      %dma_start3A_54 = tpu.memref_slice %arg3[%add3A_8, %dma_start3A_52, %dma_start3A_53] : memref<2500x2x128xi32, #tpu.memory_space<hbm>> -> memref<78x2x128xi32, #tpu.memory_space<hbm>>
      tpu.enqueue_dma source(%dma_start3A_54 : memref<78x2x128xi32, #tpu.memory_space<hbm>>) target(%dma_start3A_51 : memref<78x2x128xi32, #tpu.memory_space<vmem>>) target_semaphore(%run_scoped3A : memref<!tpu.dma_semaphore, #tpu.memory_space<semaphore_mem>>)
      %dma_wait3A = arith.constant 0 : i32
      %dma_wait3A_55 = arith.constant 0 : i32
      %dma_wait3A_56 = arith.constant 0 : i32
      %dma_wait3A_57 = tpu.memref_slice %arg6[%dma_wait3A, %dma_wait3A_55, %dma_wait3A_56] : memref<79x2x128xi32, #tpu.memory_space<vmem>> -> memref<78x2x128xi32, #tpu.memory_space<vmem>>
      %dma_wait3A_58 = arith.constant 0 : i32
      %dma_wait3A_59 = arith.constant 0 : i32
      %dma_wait3A_60 = tpu.memref_slice %arg3[%add3A_8, %dma_wait3A_58, %dma_wait3A_59] : memref<2500x2x128xi32, #tpu.memory_space<hbm>> -> memref<78x2x128xi32, #tpu.memory_space<hbm>>
      %dma_wait3A_61 = arith.constant 0 : i32
      %dma_wait3A_62 = arith.constant 0 : i32
      %dma_wait3A_63 = arith.constant 0 : i32
      %dma_wait3A_64 = tpu.memref_slice %arg6[%dma_wait3A_61, %dma_wait3A_62, %dma_wait3A_63] : memref<79x2x128xi32, #tpu.memory_space<vmem>> -> memref<78x2x128xi32, #tpu.memory_space<vmem>>
      %dma_wait3A_65 = arith.constant 0 : i32
      %dma_wait3A_66 = arith.constant 0 : i32
      %dma_wait3A_67 = tpu.memref_slice %arg3[%add3A_8, %dma_wait3A_65, %dma_wait3A_66] : memref<2500x2x128xi32, #tpu.memory_space<hbm>> -> memref<78x2x128xi32, #tpu.memory_space<hbm>>
      tpu.wait_dma2 semaphore(%run_scoped3A : memref<!tpu.dma_semaphore, #tpu.memory_space<semaphore_mem>>) src(%dma_wait3A_67 : memref<78x2x128xi32, #tpu.memory_space<hbm>>) dst(%dma_wait3A_64 : memref<78x2x128xi32, #tpu.memory_space<vmem>>)
      tpu.yield
    }) : () -> ()
    %lt3A_9 = arith.constant 4 : i32
    %lt3A_10 = arith.cmpi slt, %add3A, %lt3A_9 : i32
    %convert_element_type3A = arith.extui %lt3A_10 : i1 to i32
    %cond3A = arith.constant 0 : i32
    %cond3A_11 = arith.cmpi ne, %convert_element_type3A, %cond3A : i32
    scf.if %cond3A_11 {
      %add3A_42 = arith.constant 78 : i32
      %add3A_43 = arith.addi %add3A_8, %add3A_42 : i32
      "tpu.region"() ({
        %run_scoped3A = tpu.sem_alloc : memref<!tpu.dma_semaphore, #tpu.memory_space<semaphore_mem>>
        %dma_start3A = arith.constant 78 : i32
        %dma_start3A_44 = arith.constant 0 : i32
        %dma_start3A_45 = arith.constant 0 : i32
        %dma_start3A_46 = tpu.memref_slice %arg6[%dma_start3A, %dma_start3A_44, %dma_start3A_45] : memref<79x2x128xi32, #tpu.memory_space<vmem>> -> memref<1x2x128xi32, #tpu.memory_space<vmem>>
        %dma_start3A_47 = arith.constant 0 : i32
        %dma_start3A_48 = arith.constant 0 : i32
        %dma_start3A_49 = tpu.memref_slice %arg3[%add3A_43, %dma_start3A_47, %dma_start3A_48] : memref<2500x2x128xi32, #tpu.memory_space<hbm>> -> memref<1x2x128xi32, #tpu.memory_space<hbm>>
        %dma_start3A_50 = arith.constant 78 : i32
        %dma_start3A_51 = arith.constant 0 : i32
        %dma_start3A_52 = arith.constant 0 : i32
        %dma_start3A_53 = tpu.memref_slice %arg6[%dma_start3A_50, %dma_start3A_51, %dma_start3A_52] : memref<79x2x128xi32, #tpu.memory_space<vmem>> -> memref<1x2x128xi32, #tpu.memory_space<vmem>>
        %dma_start3A_54 = arith.constant 0 : i32
        %dma_start3A_55 = arith.constant 0 : i32
        %dma_start3A_56 = tpu.memref_slice %arg3[%add3A_43, %dma_start3A_54, %dma_start3A_55] : memref<2500x2x128xi32, #tpu.memory_space<hbm>> -> memref<1x2x128xi32, #tpu.memory_space<hbm>>
        tpu.enqueue_dma source(%dma_start3A_56 : memref<1x2x128xi32, #tpu.memory_space<hbm>>) target(%dma_start3A_53 : memref<1x2x128xi32, #tpu.memory_space<vmem>>) target_semaphore(%run_scoped3A : memref<!tpu.dma_semaphore, #tpu.memory_space<semaphore_mem>>)
        %dma_wait3A = arith.constant 78 : i32
        %dma_wait3A_57 = arith.constant 0 : i32
        %dma_wait3A_58 = arith.constant 0 : i32
        %dma_wait3A_59 = tpu.memref_slice %arg6[%dma_wait3A, %dma_wait3A_57, %dma_wait3A_58] : memref<79x2x128xi32, #tpu.memory_space<vmem>> -> memref<1x2x128xi32, #tpu.memory_space<vmem>>
        %dma_wait3A_60 = arith.constant 0 : i32
        %dma_wait3A_61 = arith.constant 0 : i32
        %dma_wait3A_62 = tpu.memref_slice %arg3[%add3A_43, %dma_wait3A_60, %dma_wait3A_61] : memref<2500x2x128xi32, #tpu.memory_space<hbm>> -> memref<1x2x128xi32, #tpu.memory_space<hbm>>
        %dma_wait3A_63 = arith.constant 78 : i32
        %dma_wait3A_64 = arith.constant 0 : i32
        %dma_wait3A_65 = arith.constant 0 : i32
        %dma_wait3A_66 = tpu.memref_slice %arg6[%dma_wait3A_63, %dma_wait3A_64, %dma_wait3A_65] : memref<79x2x128xi32, #tpu.memory_space<vmem>> -> memref<1x2x128xi32, #tpu.memory_space<vmem>>
        %dma_wait3A_67 = arith.constant 0 : i32
        %dma_wait3A_68 = arith.constant 0 : i32
        %dma_wait3A_69 = tpu.memref_slice %arg3[%add3A_43, %dma_wait3A_67, %dma_wait3A_68] : memref<2500x2x128xi32, #tpu.memory_space<hbm>> -> memref<1x2x128xi32, #tpu.memory_space<hbm>>
        tpu.wait_dma2 semaphore(%run_scoped3A : memref<!tpu.dma_semaphore, #tpu.memory_space<semaphore_mem>>) src(%dma_wait3A_69 : memref<1x2x128xi32, #tpu.memory_space<hbm>>) dst(%dma_wait3A_66 : memref<1x2x128xi32, #tpu.memory_space<vmem>>)
        tpu.yield
      }) : () -> ()
    } else {
    }
    "tpu.region"() ({
      %run_scoped3A = tpu.sem_alloc : memref<!tpu.dma_semaphore, #tpu.memory_space<semaphore_mem>>
      tpu.enqueue_dma source(%arg2 : memref<128x16xf32, #tpu.memory_space<hbm>>) target(%arg7 : memref<128x16xf32, #tpu.memory_space<vmem>>) target_semaphore(%run_scoped3A : memref<!tpu.dma_semaphore, #tpu.memory_space<semaphore_mem>>)
      tpu.wait_dma2 semaphore(%run_scoped3A : memref<!tpu.dma_semaphore, #tpu.memory_space<semaphore_mem>>) src(%arg2 : memref<128x16xf32, #tpu.memory_space<hbm>>) dst(%arg7 : memref<128x16xf32, #tpu.memory_space<vmem>>)
      tpu.yield
    }) : () -> ()
    %mul3A_12 = arith.constant 640 : i32
    %mul3A_13 = arith.muli %arg1, %mul3A_12 : i32
    "tpu.region"() ({
      %run_scoped3A = tpu.sem_alloc : memref<!tpu.dma_semaphore, #tpu.memory_space<semaphore_mem>>
      %dma_start3A = arith.constant 0 : i32
      %dma_start3A_42 = tpu.memref_slice %arg8[%mul3A_13, %dma_start3A] : memref<10240x16xf32, #tpu.memory_space<vmem_shared>> -> memref<640x16xf32, #tpu.memory_space<vmem_shared>>
      tpu.enqueue_dma source(%arg4 : memref<640x16xf32, #tpu.memory_space<hbm>>) target(%dma_start3A_42 : memref<640x16xf32, #tpu.memory_space<vmem_shared>>) target_semaphore(%run_scoped3A : memref<!tpu.dma_semaphore, #tpu.memory_space<semaphore_mem>>)
      %dma_wait3A = arith.constant 0 : i32
      %dma_wait3A_43 = tpu.memref_slice %arg8[%mul3A_13, %dma_wait3A] : memref<10240x16xf32, #tpu.memory_space<vmem_shared>> -> memref<640x16xf32, #tpu.memory_space<vmem_shared>>
      tpu.wait_dma2 semaphore(%run_scoped3A : memref<!tpu.dma_semaphore, #tpu.memory_space<semaphore_mem>>) src(%arg4 : memref<640x16xf32, #tpu.memory_space<hbm>>) dst(%dma_wait3A_43 : memref<640x16xf32, #tpu.memory_space<vmem_shared>>)
      tpu.yield
    }) : () -> ()
    %barrier3A = arith.constant 0 : index
    tpu.barrier barrier_id(%barrier3A)
    %scan3A = arith.constant 0 : i32
    %scan3A_14 = arith.constant 0 : i32
    %scan3A_15 = arith.constant 79 : i32
    %scan3A_16 = arith.addi %scan3A_14, %scan3A_15 : i32
    %scan3A_17 = arith.constant 1 : i32
    scf.for %scan3A_42 = %scan3A_14 to %scan3A_16 step %scan3A_17  : i32 {
      %lt3A_43 = arith.cmpi slt, %scan3A_42, %add3A_4 : i32
      %convert_element_type3A_44 = arith.extui %lt3A_43 : i1 to i32
      %cond3A_45 = arith.constant 0 : i32
      %cond3A_46 = arith.cmpi ne, %convert_element_type3A_44, %cond3A_45 : i32
      scf.if %cond3A_46 {
        %dma_start3A = arith.constant 1 : i32
        %dma_start3A_47 = arith.constant 0 : i32
        %dma_start3A_48 = tpu.memref_slice %arg6[%scan3A_42, %dma_start3A, %dma_start3A_47] : memref<79x2x128xi32, #tpu.memory_space<vmem>> -> memref<1x1x128xi32, #tpu.memory_space<vmem>>
        %dma_start3A_49 = tpu.memref_squeeze %dma_start3A_48 : memref<1x1x128xi32, #tpu.memory_space<vmem>> -> memref<128xi32, #tpu.memory_space<vmem>>
        %dma_start3A_50 = arith.constant 0 : i32
        %dma_start3A_51 = arith.constant 0 : i32
        %dma_start3A_52 = tpu.memref_slice %arg8[%dma_start3A_50, %dma_start3A_51] : memref<10240x16xf32, #tpu.memory_space<vmem_shared>> -> memref<10240x16xf32, #tpu.memory_space<vmem_shared>>
        tpu.enqueue_indirect_dma source(%arg7 : memref<128x16xf32, #tpu.memory_space<vmem>>) target(%dma_start3A_52 : memref<10240x16xf32, #tpu.memory_space<vmem_shared>>) offsets(%dma_start3A_49 : memref<128xi32, #tpu.memory_space<vmem>>) semaphore(%arg9 : memref<!tpu.dma_semaphore, #tpu.memory_space<semaphore_mem>>) {add = true}
      } else {
      }
    }
    %scan3A_18 = arith.constant 79 : i32
    %scan3A_19 = arith.constant 0 : i32
    %scan3A_20 = arith.constant 0 : i32
    %scan3A_21 = arith.constant 79 : i32
    %scan3A_22 = arith.addi %scan3A_20, %scan3A_21 : i32
    %scan3A_23 = arith.constant 1 : i32
    scf.for %scan3A_42 = %scan3A_20 to %scan3A_22 step %scan3A_23  : i32 {
      %lt3A_43 = arith.cmpi slt, %scan3A_42, %add3A_4 : i32
      %convert_element_type3A_44 = arith.extui %lt3A_43 : i1 to i32
      %cond3A_45 = arith.constant 0 : i32
      %cond3A_46 = arith.cmpi ne, %convert_element_type3A_44, %cond3A_45 : i32
      scf.if %cond3A_46 {
        %dma_wait3A = arith.constant 1 : i32
        %dma_wait3A_47 = arith.constant 0 : i32
        %dma_wait3A_48 = tpu.memref_slice %arg6[%scan3A_42, %dma_wait3A, %dma_wait3A_47] : memref<79x2x128xi32, #tpu.memory_space<vmem>> -> memref<1x1x128xi32, #tpu.memory_space<vmem>>
        %dma_wait3A_49 = tpu.memref_squeeze %dma_wait3A_48 : memref<1x1x128xi32, #tpu.memory_space<vmem>> -> memref<128xi32, #tpu.memory_space<vmem>>
        %dma_wait3A_50 = arith.constant 0 : i32
        %dma_wait3A_51 = arith.constant 0 : i32
        %dma_wait3A_52 = tpu.memref_slice %arg8[%dma_wait3A_50, %dma_wait3A_51] : memref<10240x16xf32, #tpu.memory_space<vmem_shared>> -> memref<10240x16xf32, #tpu.memory_space<vmem_shared>>
        tpu.wait_indirect_dma semaphore(%arg9 : memref<!tpu.dma_semaphore, #tpu.memory_space<semaphore_mem>>) src(%arg7 : memref<128x16xf32, #tpu.memory_space<vmem>>) dst(%dma_wait3A_52 : memref<10240x16xf32, #tpu.memory_space<vmem_shared>>)
      } else {
      }
    }
    %scan3A_24 = arith.constant 79 : i32
    %barrier3A_25 = arith.constant 0 : index
    tpu.barrier barrier_id(%barrier3A_25)
    %mul3A_26 = arith.constant 640 : i32
    %mul3A_27 = arith.muli %arg1, %mul3A_26 : i32
    %mul3A_28 = arith.constant 640 : i32
    %mul3A_29 = arith.muli %arg1, %mul3A_28 : i32
    "tpu.region"() ({
      %run_scoped3A = tpu.sem_alloc : memref<!tpu.dma_semaphore, #tpu.memory_space<semaphore_mem>>
      %dma_start3A = arith.constant 0 : i32
      %dma_start3A_42 = tpu.memref_slice %arg5[%arg0, %mul3A_29, %dma_start3A] : memref<2x10240x64xf32, #tpu.memory_space<hbm>> -> memref<1x640x16xf32, #tpu.memory_space<hbm>>
      %dma_start3A_43 = tpu.memref_squeeze %dma_start3A_42 : memref<1x640x16xf32, #tpu.memory_space<hbm>> -> memref<640x16xf32, #tpu.memory_space<hbm>>
      %dma_start3A_44 = arith.constant 0 : i32
      %dma_start3A_45 = tpu.memref_slice %arg8[%mul3A_27, %dma_start3A_44] : memref<10240x16xf32, #tpu.memory_space<vmem_shared>> -> memref<640x16xf32, #tpu.memory_space<vmem_shared>>
      tpu.enqueue_dma source(%dma_start3A_45 : memref<640x16xf32, #tpu.memory_space<vmem_shared>>) target(%dma_start3A_43 : memref<640x16xf32, #tpu.memory_space<hbm>>) target_semaphore(%run_scoped3A : memref<!tpu.dma_semaphore, #tpu.memory_space<semaphore_mem>>)
      %dma_wait3A = arith.constant 0 : i32
      %dma_wait3A_46 = tpu.memref_slice %arg5[%arg0, %mul3A_29, %dma_wait3A] : memref<2x10240x64xf32, #tpu.memory_space<hbm>> -> memref<1x640x16xf32, #tpu.memory_space<hbm>>
      %dma_wait3A_47 = tpu.memref_squeeze %dma_wait3A_46 : memref<1x640x16xf32, #tpu.memory_space<hbm>> -> memref<640x16xf32, #tpu.memory_space<hbm>>
      %dma_wait3A_48 = arith.constant 0 : i32
      %dma_wait3A_49 = tpu.memref_slice %arg8[%mul3A_27, %dma_wait3A_48] : memref<10240x16xf32, #tpu.memory_space<vmem_shared>> -> memref<640x16xf32, #tpu.memory_space<vmem_shared>>
      tpu.wait_dma2 semaphore(%run_scoped3A : memref<!tpu.dma_semaphore, #tpu.memory_space<semaphore_mem>>) src(%dma_wait3A_49 : memref<640x16xf32, #tpu.memory_space<vmem_shared>>) dst(%dma_wait3A_47 : memref<640x16xf32, #tpu.memory_space<hbm>>)
      tpu.yield
    }) : () -> ()
    %mul3A_30 = arith.constant 640 : i32
    %mul3A_31 = arith.muli %arg1, %mul3A_30 : i32
    %mul3A_32 = arith.constant 640 : i32
    %mul3A_33 = arith.muli %arg1, %mul3A_32 : i32
    "tpu.region"() ({
      %run_scoped3A = tpu.sem_alloc : memref<!tpu.dma_semaphore, #tpu.memory_space<semaphore_mem>>
      %dma_start3A = arith.constant 16 : i32
      %dma_start3A_42 = tpu.memref_slice %arg5[%arg0, %mul3A_33, %dma_start3A] : memref<2x10240x64xf32, #tpu.memory_space<hbm>> -> memref<1x640x16xf32, #tpu.memory_space<hbm>>
      %dma_start3A_43 = tpu.memref_squeeze %dma_start3A_42 : memref<1x640x16xf32, #tpu.memory_space<hbm>> -> memref<640x16xf32, #tpu.memory_space<hbm>>
      %dma_start3A_44 = arith.constant 0 : i32
      %dma_start3A_45 = tpu.memref_slice %arg8[%mul3A_31, %dma_start3A_44] : memref<10240x16xf32, #tpu.memory_space<vmem_shared>> -> memref<640x16xf32, #tpu.memory_space<vmem_shared>>
      tpu.enqueue_dma source(%dma_start3A_45 : memref<640x16xf32, #tpu.memory_space<vmem_shared>>) target(%dma_start3A_43 : memref<640x16xf32, #tpu.memory_space<hbm>>) target_semaphore(%run_scoped3A : memref<!tpu.dma_semaphore, #tpu.memory_space<semaphore_mem>>)
      %dma_wait3A = arith.constant 16 : i32
      %dma_wait3A_46 = tpu.memref_slice %arg5[%arg0, %mul3A_33, %dma_wait3A] : memref<2x10240x64xf32, #tpu.memory_space<hbm>> -> memref<1x640x16xf32, #tpu.memory_space<hbm>>
      %dma_wait3A_47 = tpu.memref_squeeze %dma_wait3A_46 : memref<1x640x16xf32, #tpu.memory_space<hbm>> -> memref<640x16xf32, #tpu.memory_space<hbm>>
      %dma_wait3A_48 = arith.constant 0 : i32
      %dma_wait3A_49 = tpu.memref_slice %arg8[%mul3A_31, %dma_wait3A_48] : memref<10240x16xf32, #tpu.memory_space<vmem_shared>> -> memref<640x16xf32, #tpu.memory_space<vmem_shared>>
      tpu.wait_dma2 semaphore(%run_scoped3A : memref<!tpu.dma_semaphore, #tpu.memory_space<semaphore_mem>>) src(%dma_wait3A_49 : memref<640x16xf32, #tpu.memory_space<vmem_shared>>) dst(%dma_wait3A_47 : memref<640x16xf32, #tpu.memory_space<hbm>>)
      tpu.yield
    }) : () -> ()
    %mul3A_34 = arith.constant 640 : i32
    %mul3A_35 = arith.muli %arg1, %mul3A_34 : i32
    %mul3A_36 = arith.constant 640 : i32
    %mul3A_37 = arith.muli %arg1, %mul3A_36 : i32
    "tpu.region"() ({
      %run_scoped3A = tpu.sem_alloc : memref<!tpu.dma_semaphore, #tpu.memory_space<semaphore_mem>>
      %dma_start3A = arith.constant 32 : i32
      %dma_start3A_42 = tpu.memref_slice %arg5[%arg0, %mul3A_37, %dma_start3A] : memref<2x10240x64xf32, #tpu.memory_space<hbm>> -> memref<1x640x16xf32, #tpu.memory_space<hbm>>
      %dma_start3A_43 = tpu.memref_squeeze %dma_start3A_42 : memref<1x640x16xf32, #tpu.memory_space<hbm>> -> memref<640x16xf32, #tpu.memory_space<hbm>>
      %dma_start3A_44 = arith.constant 0 : i32
      %dma_start3A_45 = tpu.memref_slice %arg8[%mul3A_35, %dma_start3A_44] : memref<10240x16xf32, #tpu.memory_space<vmem_shared>> -> memref<640x16xf32, #tpu.memory_space<vmem_shared>>
      tpu.enqueue_dma source(%dma_start3A_45 : memref<640x16xf32, #tpu.memory_space<vmem_shared>>) target(%dma_start3A_43 : memref<640x16xf32, #tpu.memory_space<hbm>>) target_semaphore(%run_scoped3A : memref<!tpu.dma_semaphore, #tpu.memory_space<semaphore_mem>>)
      %dma_wait3A = arith.constant 32 : i32
      %dma_wait3A_46 = tpu.memref_slice %arg5[%arg0, %mul3A_37, %dma_wait3A] : memref<2x10240x64xf32, #tpu.memory_space<hbm>> -> memref<1x640x16xf32, #tpu.memory_space<hbm>>
      %dma_wait3A_47 = tpu.memref_squeeze %dma_wait3A_46 : memref<1x640x16xf32, #tpu.memory_space<hbm>> -> memref<640x16xf32, #tpu.memory_space<hbm>>
      %dma_wait3A_48 = arith.constant 0 : i32
      %dma_wait3A_49 = tpu.memref_slice %arg8[%mul3A_35, %dma_wait3A_48] : memref<10240x16xf32, #tpu.memory_space<vmem_shared>> -> memref<640x16xf32, #tpu.memory_space<vmem_shared>>
      tpu.wait_dma2 semaphore(%run_scoped3A : memref<!tpu.dma_semaphore, #tpu.memory_space<semaphore_mem>>) src(%dma_wait3A_49 : memref<640x16xf32, #tpu.memory_space<vmem_shared>>) dst(%dma_wait3A_47 : memref<640x16xf32, #tpu.memory_space<hbm>>)
      tpu.yield
    }) : () -> ()
    %mul3A_38 = arith.constant 640 : i32
    %mul3A_39 = arith.muli %arg1, %mul3A_38 : i32
    %mul3A_40 = arith.constant 640 : i32
    %mul3A_41 = arith.muli %arg1, %mul3A_40 : i32
    "tpu.region"() ({
      %run_scoped3A = tpu.sem_alloc : memref<!tpu.dma_semaphore, #tpu.memory_space<semaphore_mem>>
      %dma_start3A = arith.constant 48 : i32
      %dma_start3A_42 = tpu.memref_slice %arg5[%arg0, %mul3A_41, %dma_start3A] : memref<2x10240x64xf32, #tpu.memory_space<hbm>> -> memref<1x640x16xf32, #tpu.memory_space<hbm>>
      %dma_start3A_43 = tpu.memref_squeeze %dma_start3A_42 : memref<1x640x16xf32, #tpu.memory_space<hbm>> -> memref<640x16xf32, #tpu.memory_space<hbm>>
      %dma_start3A_44 = arith.constant 0 : i32
      %dma_start3A_45 = tpu.memref_slice %arg8[%mul3A_39, %dma_start3A_44] : memref<10240x16xf32, #tpu.memory_space<vmem_shared>> -> memref<640x16xf32, #tpu.memory_space<vmem_shared>>
      tpu.enqueue_dma source(%dma_start3A_45 : memref<640x16xf32, #tpu.memory_space<vmem_shared>>) target(%dma_start3A_43 : memref<640x16xf32, #tpu.memory_space<hbm>>) target_semaphore(%run_scoped3A : memref<!tpu.dma_semaphore, #tpu.memory_space<semaphore_mem>>)
      %dma_wait3A = arith.constant 48 : i32
      %dma_wait3A_46 = tpu.memref_slice %arg5[%arg0, %mul3A_41, %dma_wait3A] : memref<2x10240x64xf32, #tpu.memory_space<hbm>> -> memref<1x640x16xf32, #tpu.memory_space<hbm>>
      %dma_wait3A_47 = tpu.memref_squeeze %dma_wait3A_46 : memref<1x640x16xf32, #tpu.memory_space<hbm>> -> memref<640x16xf32, #tpu.memory_space<hbm>>
      %dma_wait3A_48 = arith.constant 0 : i32
      %dma_wait3A_49 = tpu.memref_slice %arg8[%mul3A_39, %dma_wait3A_48] : memref<10240x16xf32, #tpu.memory_space<vmem_shared>> -> memref<640x16xf32, #tpu.memory_space<vmem_shared>>
      tpu.wait_dma2 semaphore(%run_scoped3A : memref<!tpu.dma_semaphore, #tpu.memory_space<semaphore_mem>>) src(%dma_wait3A_49 : memref<640x16xf32, #tpu.memory_space<vmem_shared>>) dst(%dma_wait3A_47 : memref<640x16xf32, #tpu.memory_space<hbm>>)
      tpu.yield
    }) : () -> ()
    return
  }
}

#map = affine_map<(d0, d1) -> (0, 0)>
#map1 = affine_map<(d0, d1) -> (0, 0, 0)>
module attributes {stable_mosaic.version = 14 : i64} {
  func.func @_msg_body(%arg0: i32, %arg1: i32, %arg2: memref<10000x64xf32, #tpu.memory_space<hbm>>, %arg3: memref<2500x2x128xi32, #tpu.memory_space<hbm>>, %arg4: memref<640x64xf32, #tpu.memory_space<hbm>>, %arg5: memref<2x10240x64xf32, #tpu.memory_space<hbm>>, %arg6: memref<79x2x128xi32, #tpu.memory_space<vmem>>, %arg7: memref<8x128x64xf32, #tpu.memory_space<vmem>>, %arg8: memref<10240x64xf32, #tpu.memory_space<vmem_shared>>, %arg9: memref<!tpu.dma_semaphore, #tpu.memory_space<semaphore_mem>>, %arg10: memref<!tpu.dma_semaphore, #tpu.memory_space<semaphore_mem>>) attributes {dimension_semantics = [#tpu.dimension_semantics<core_parallel>, #tpu.dimension_semantics<subcore_parallel>], iteration_bounds = array<i64: 2, 16>, scalar_prefetch = 0 : i64, scratch_operands = 5 : i64, tpu.core_type = #tpu.core_type<sc_vector_subcore>, window_params = [{transform_indices = #map}, {transform_indices = #map1}, {transform_indices = #map}, {transform_indices = #map1}]} {
    %mul3A = arith.constant 16 : i32
    %mul3A_0 = arith.muli %arg0, %mul3A : i32
    %add3A = arith.addi %mul3A_0, %arg1 : i32
    %lt3A = arith.constant 4 : i32
    %lt3A_1 = arith.cmpi slt, %add3A, %lt3A : i32
    %jit3A = arith.constant 1 : i32
    %jit3A_2 = arith.constant 0 : i32
    %select_n3A = arith.select %lt3A_1, %jit3A, %jit3A_2 : i32
    %add3A_3 = arith.constant 78 : i32
    %add3A_4 = arith.addi %add3A_3, %select_n3A : i32
    %mul3A_5 = arith.constant 78 : i32
    %mul3A_6 = arith.muli %add3A, %mul3A_5 : i32
    %min3A = arith.constant 4 : i32
    %min3A_7 = arith.minsi %add3A, %min3A : i32
    %add3A_8 = arith.addi %mul3A_6, %min3A_7 : i32
    "tpu.region"() ({
      %run_scoped3A = tpu.sem_alloc : memref<!tpu.dma_semaphore, #tpu.memory_space<semaphore_mem>>
      %dma_start3A = arith.constant 0 : i32
      %dma_start3A_62 = arith.constant 0 : i32
      %dma_start3A_63 = arith.constant 0 : i32
      %dma_start3A_64 = tpu.memref_slice %arg6[%dma_start3A, %dma_start3A_62, %dma_start3A_63] : memref<79x2x128xi32, #tpu.memory_space<vmem>> -> memref<78x2x128xi32, #tpu.memory_space<vmem>>
      %dma_start3A_65 = arith.constant 0 : i32
      %dma_start3A_66 = arith.constant 0 : i32
      %dma_start3A_67 = tpu.memref_slice %arg3[%add3A_8, %dma_start3A_65, %dma_start3A_66] : memref<2500x2x128xi32, #tpu.memory_space<hbm>> -> memref<78x2x128xi32, #tpu.memory_space<hbm>>
      %dma_start3A_68 = arith.constant 0 : i32
      %dma_start3A_69 = arith.constant 0 : i32
      %dma_start3A_70 = arith.constant 0 : i32
      %dma_start3A_71 = tpu.memref_slice %arg6[%dma_start3A_68, %dma_start3A_69, %dma_start3A_70] : memref<79x2x128xi32, #tpu.memory_space<vmem>> -> memref<78x2x128xi32, #tpu.memory_space<vmem>>
      %dma_start3A_72 = arith.constant 0 : i32
      %dma_start3A_73 = arith.constant 0 : i32
      %dma_start3A_74 = tpu.memref_slice %arg3[%add3A_8, %dma_start3A_72, %dma_start3A_73] : memref<2500x2x128xi32, #tpu.memory_space<hbm>> -> memref<78x2x128xi32, #tpu.memory_space<hbm>>
      tpu.enqueue_dma source(%dma_start3A_74 : memref<78x2x128xi32, #tpu.memory_space<hbm>>) target(%dma_start3A_71 : memref<78x2x128xi32, #tpu.memory_space<vmem>>) target_semaphore(%run_scoped3A : memref<!tpu.dma_semaphore, #tpu.memory_space<semaphore_mem>>)
      %dma_wait3A = arith.constant 0 : i32
      %dma_wait3A_75 = arith.constant 0 : i32
      %dma_wait3A_76 = arith.constant 0 : i32
      %dma_wait3A_77 = tpu.memref_slice %arg6[%dma_wait3A, %dma_wait3A_75, %dma_wait3A_76] : memref<79x2x128xi32, #tpu.memory_space<vmem>> -> memref<78x2x128xi32, #tpu.memory_space<vmem>>
      %dma_wait3A_78 = arith.constant 0 : i32
      %dma_wait3A_79 = arith.constant 0 : i32
      %dma_wait3A_80 = tpu.memref_slice %arg3[%add3A_8, %dma_wait3A_78, %dma_wait3A_79] : memref<2500x2x128xi32, #tpu.memory_space<hbm>> -> memref<78x2x128xi32, #tpu.memory_space<hbm>>
      %dma_wait3A_81 = arith.constant 0 : i32
      %dma_wait3A_82 = arith.constant 0 : i32
      %dma_wait3A_83 = arith.constant 0 : i32
      %dma_wait3A_84 = tpu.memref_slice %arg6[%dma_wait3A_81, %dma_wait3A_82, %dma_wait3A_83] : memref<79x2x128xi32, #tpu.memory_space<vmem>> -> memref<78x2x128xi32, #tpu.memory_space<vmem>>
      %dma_wait3A_85 = arith.constant 0 : i32
      %dma_wait3A_86 = arith.constant 0 : i32
      %dma_wait3A_87 = tpu.memref_slice %arg3[%add3A_8, %dma_wait3A_85, %dma_wait3A_86] : memref<2500x2x128xi32, #tpu.memory_space<hbm>> -> memref<78x2x128xi32, #tpu.memory_space<hbm>>
      tpu.wait_dma2 semaphore(%run_scoped3A : memref<!tpu.dma_semaphore, #tpu.memory_space<semaphore_mem>>) src(%dma_wait3A_87 : memref<78x2x128xi32, #tpu.memory_space<hbm>>) dst(%dma_wait3A_84 : memref<78x2x128xi32, #tpu.memory_space<vmem>>)
      tpu.yield
    }) : () -> ()
    %lt3A_9 = arith.constant 4 : i32
    %lt3A_10 = arith.cmpi slt, %add3A, %lt3A_9 : i32
    %convert_element_type3A = arith.extui %lt3A_10 : i1 to i32
    %cond3A = arith.constant 0 : i32
    %cond3A_11 = arith.cmpi ne, %convert_element_type3A, %cond3A : i32
    scf.if %cond3A_11 {
      %add3A_62 = arith.constant 78 : i32
      %add3A_63 = arith.addi %add3A_8, %add3A_62 : i32
      "tpu.region"() ({
        %run_scoped3A = tpu.sem_alloc : memref<!tpu.dma_semaphore, #tpu.memory_space<semaphore_mem>>
        %dma_start3A = arith.constant 78 : i32
        %dma_start3A_64 = arith.constant 0 : i32
        %dma_start3A_65 = arith.constant 0 : i32
        %dma_start3A_66 = tpu.memref_slice %arg6[%dma_start3A, %dma_start3A_64, %dma_start3A_65] : memref<79x2x128xi32, #tpu.memory_space<vmem>> -> memref<1x2x128xi32, #tpu.memory_space<vmem>>
        %dma_start3A_67 = arith.constant 0 : i32
        %dma_start3A_68 = arith.constant 0 : i32
        %dma_start3A_69 = tpu.memref_slice %arg3[%add3A_63, %dma_start3A_67, %dma_start3A_68] : memref<2500x2x128xi32, #tpu.memory_space<hbm>> -> memref<1x2x128xi32, #tpu.memory_space<hbm>>
        %dma_start3A_70 = arith.constant 78 : i32
        %dma_start3A_71 = arith.constant 0 : i32
        %dma_start3A_72 = arith.constant 0 : i32
        %dma_start3A_73 = tpu.memref_slice %arg6[%dma_start3A_70, %dma_start3A_71, %dma_start3A_72] : memref<79x2x128xi32, #tpu.memory_space<vmem>> -> memref<1x2x128xi32, #tpu.memory_space<vmem>>
        %dma_start3A_74 = arith.constant 0 : i32
        %dma_start3A_75 = arith.constant 0 : i32
        %dma_start3A_76 = tpu.memref_slice %arg3[%add3A_63, %dma_start3A_74, %dma_start3A_75] : memref<2500x2x128xi32, #tpu.memory_space<hbm>> -> memref<1x2x128xi32, #tpu.memory_space<hbm>>
        tpu.enqueue_dma source(%dma_start3A_76 : memref<1x2x128xi32, #tpu.memory_space<hbm>>) target(%dma_start3A_73 : memref<1x2x128xi32, #tpu.memory_space<vmem>>) target_semaphore(%run_scoped3A : memref<!tpu.dma_semaphore, #tpu.memory_space<semaphore_mem>>)
        %dma_wait3A = arith.constant 78 : i32
        %dma_wait3A_77 = arith.constant 0 : i32
        %dma_wait3A_78 = arith.constant 0 : i32
        %dma_wait3A_79 = tpu.memref_slice %arg6[%dma_wait3A, %dma_wait3A_77, %dma_wait3A_78] : memref<79x2x128xi32, #tpu.memory_space<vmem>> -> memref<1x2x128xi32, #tpu.memory_space<vmem>>
        %dma_wait3A_80 = arith.constant 0 : i32
        %dma_wait3A_81 = arith.constant 0 : i32
        %dma_wait3A_82 = tpu.memref_slice %arg3[%add3A_63, %dma_wait3A_80, %dma_wait3A_81] : memref<2500x2x128xi32, #tpu.memory_space<hbm>> -> memref<1x2x128xi32, #tpu.memory_space<hbm>>
        %dma_wait3A_83 = arith.constant 78 : i32
        %dma_wait3A_84 = arith.constant 0 : i32
        %dma_wait3A_85 = arith.constant 0 : i32
        %dma_wait3A_86 = tpu.memref_slice %arg6[%dma_wait3A_83, %dma_wait3A_84, %dma_wait3A_85] : memref<79x2x128xi32, #tpu.memory_space<vmem>> -> memref<1x2x128xi32, #tpu.memory_space<vmem>>
        %dma_wait3A_87 = arith.constant 0 : i32
        %dma_wait3A_88 = arith.constant 0 : i32
        %dma_wait3A_89 = tpu.memref_slice %arg3[%add3A_63, %dma_wait3A_87, %dma_wait3A_88] : memref<2500x2x128xi32, #tpu.memory_space<hbm>> -> memref<1x2x128xi32, #tpu.memory_space<hbm>>
        tpu.wait_dma2 semaphore(%run_scoped3A : memref<!tpu.dma_semaphore, #tpu.memory_space<semaphore_mem>>) src(%dma_wait3A_89 : memref<1x2x128xi32, #tpu.memory_space<hbm>>) dst(%dma_wait3A_86 : memref<1x2x128xi32, #tpu.memory_space<vmem>>)
        tpu.yield
      }) : () -> ()
    } else {
    }
    %mul3A_12 = arith.constant 640 : i32
    %mul3A_13 = arith.muli %arg1, %mul3A_12 : i32
    "tpu.region"() ({
      %run_scoped3A = tpu.sem_alloc : memref<!tpu.dma_semaphore, #tpu.memory_space<semaphore_mem>>
      %dma_start3A = arith.constant 0 : i32
      %dma_start3A_62 = tpu.memref_slice %arg8[%mul3A_13, %dma_start3A] : memref<10240x64xf32, #tpu.memory_space<vmem_shared>> -> memref<640x64xf32, #tpu.memory_space<vmem_shared>>
      tpu.enqueue_dma source(%arg4 : memref<640x64xf32, #tpu.memory_space<hbm>>) target(%dma_start3A_62 : memref<640x64xf32, #tpu.memory_space<vmem_shared>>) target_semaphore(%run_scoped3A : memref<!tpu.dma_semaphore, #tpu.memory_space<semaphore_mem>>)
      %dma_wait3A = arith.constant 0 : i32
      %dma_wait3A_63 = tpu.memref_slice %arg8[%mul3A_13, %dma_wait3A] : memref<10240x64xf32, #tpu.memory_space<vmem_shared>> -> memref<640x64xf32, #tpu.memory_space<vmem_shared>>
      tpu.wait_dma2 semaphore(%run_scoped3A : memref<!tpu.dma_semaphore, #tpu.memory_space<semaphore_mem>>) src(%arg4 : memref<640x64xf32, #tpu.memory_space<hbm>>) dst(%dma_wait3A_63 : memref<640x64xf32, #tpu.memory_space<vmem_shared>>)
      tpu.yield
    }) : () -> ()
    %barrier3A = arith.constant 0 : index
    tpu.barrier barrier_id(%barrier3A)
    %gt3A = arith.constant 0 : i32
    %gt3A_14 = arith.cmpi sgt, %add3A_4, %gt3A : i32
    %convert_element_type3A_15 = arith.extui %gt3A_14 : i1 to i32
    %cond3A_16 = arith.constant 0 : i32
    %cond3A_17 = arith.cmpi ne, %convert_element_type3A_15, %cond3A_16 : i32
    scf.if %cond3A_17 {
      %dma_start3A = arith.constant 0 : i32
      %dma_start3A_62 = arith.constant 0 : i32
      %dma_start3A_63 = arith.constant 0 : i32
      %dma_start3A_64 = arith.constant 0 : i32
      %dma_start3A_65 = arith.constant 0 : i32
      %dma_start3A_66 = tpu.memref_slice %arg7[%dma_start3A_63, %dma_start3A_64, %dma_start3A_65] : memref<8x128x64xf32, #tpu.memory_space<vmem>> -> memref<1x128x64xf32, #tpu.memory_space<vmem>>
      %dma_start3A_67 = tpu.memref_squeeze %dma_start3A_66 : memref<1x128x64xf32, #tpu.memory_space<vmem>> -> memref<128x64xf32, #tpu.memory_space<vmem>>
      %dma_start3A_68 = arith.constant 0 : i32
      %dma_start3A_69 = tpu.memref_slice %arg6[%dma_start3A, %dma_start3A_62, %dma_start3A_68] : memref<79x2x128xi32, #tpu.memory_space<vmem>> -> memref<1x1x128xi32, #tpu.memory_space<vmem>>
      %dma_start3A_70 = tpu.memref_squeeze %dma_start3A_69 : memref<1x1x128xi32, #tpu.memory_space<vmem>> -> memref<128xi32, #tpu.memory_space<vmem>>
      %dma_start3A_71 = arith.constant 0 : i32
      %dma_start3A_72 = arith.constant 0 : i32
      %dma_start3A_73 = tpu.memref_slice %arg2[%dma_start3A_71, %dma_start3A_72] : memref<10000x64xf32, #tpu.memory_space<hbm>> -> memref<10000x64xf32, #tpu.memory_space<hbm>>
      tpu.enqueue_indirect_dma source(%dma_start3A_73 : memref<10000x64xf32, #tpu.memory_space<hbm>>) target(%dma_start3A_67 : memref<128x64xf32, #tpu.memory_space<vmem>>) offsets(%dma_start3A_70 : memref<128xi32, #tpu.memory_space<vmem>>) semaphore(%arg9 : memref<!tpu.dma_semaphore, #tpu.memory_space<semaphore_mem>>)
    } else {
    }
    %gt3A_18 = arith.constant 1 : i32
    %gt3A_19 = arith.cmpi sgt, %add3A_4, %gt3A_18 : i32
    %convert_element_type3A_20 = arith.extui %gt3A_19 : i1 to i32
    %cond3A_21 = arith.constant 0 : i32
    %cond3A_22 = arith.cmpi ne, %convert_element_type3A_20, %cond3A_21 : i32
    scf.if %cond3A_22 {
      %dma_start3A = arith.constant 1 : i32
      %dma_start3A_62 = arith.constant 0 : i32
      %dma_start3A_63 = arith.constant 1 : i32
      %dma_start3A_64 = arith.constant 0 : i32
      %dma_start3A_65 = arith.constant 0 : i32
      %dma_start3A_66 = tpu.memref_slice %arg7[%dma_start3A_63, %dma_start3A_64, %dma_start3A_65] : memref<8x128x64xf32, #tpu.memory_space<vmem>> -> memref<1x128x64xf32, #tpu.memory_space<vmem>>
      %dma_start3A_67 = tpu.memref_squeeze %dma_start3A_66 : memref<1x128x64xf32, #tpu.memory_space<vmem>> -> memref<128x64xf32, #tpu.memory_space<vmem>>
      %dma_start3A_68 = arith.constant 0 : i32
      %dma_start3A_69 = tpu.memref_slice %arg6[%dma_start3A, %dma_start3A_62, %dma_start3A_68] : memref<79x2x128xi32, #tpu.memory_space<vmem>> -> memref<1x1x128xi32, #tpu.memory_space<vmem>>
      %dma_start3A_70 = tpu.memref_squeeze %dma_start3A_69 : memref<1x1x128xi32, #tpu.memory_space<vmem>> -> memref<128xi32, #tpu.memory_space<vmem>>
      %dma_start3A_71 = arith.constant 0 : i32
      %dma_start3A_72 = arith.constant 0 : i32
      %dma_start3A_73 = tpu.memref_slice %arg2[%dma_start3A_71, %dma_start3A_72] : memref<10000x64xf32, #tpu.memory_space<hbm>> -> memref<10000x64xf32, #tpu.memory_space<hbm>>
      tpu.enqueue_indirect_dma source(%dma_start3A_73 : memref<10000x64xf32, #tpu.memory_space<hbm>>) target(%dma_start3A_67 : memref<128x64xf32, #tpu.memory_space<vmem>>) offsets(%dma_start3A_70 : memref<128xi32, #tpu.memory_space<vmem>>) semaphore(%arg9 : memref<!tpu.dma_semaphore, #tpu.memory_space<semaphore_mem>>)
    } else {
    }
    %gt3A_23 = arith.constant 2 : i32
    %gt3A_24 = arith.cmpi sgt, %add3A_4, %gt3A_23 : i32
    %convert_element_type3A_25 = arith.extui %gt3A_24 : i1 to i32
    %cond3A_26 = arith.constant 0 : i32
    %cond3A_27 = arith.cmpi ne, %convert_element_type3A_25, %cond3A_26 : i32
    scf.if %cond3A_27 {
      %dma_start3A = arith.constant 2 : i32
      %dma_start3A_62 = arith.constant 0 : i32
      %dma_start3A_63 = arith.constant 2 : i32
      %dma_start3A_64 = arith.constant 0 : i32
      %dma_start3A_65 = arith.constant 0 : i32
      %dma_start3A_66 = tpu.memref_slice %arg7[%dma_start3A_63, %dma_start3A_64, %dma_start3A_65] : memref<8x128x64xf32, #tpu.memory_space<vmem>> -> memref<1x128x64xf32, #tpu.memory_space<vmem>>
      %dma_start3A_67 = tpu.memref_squeeze %dma_start3A_66 : memref<1x128x64xf32, #tpu.memory_space<vmem>> -> memref<128x64xf32, #tpu.memory_space<vmem>>
      %dma_start3A_68 = arith.constant 0 : i32
      %dma_start3A_69 = tpu.memref_slice %arg6[%dma_start3A, %dma_start3A_62, %dma_start3A_68] : memref<79x2x128xi32, #tpu.memory_space<vmem>> -> memref<1x1x128xi32, #tpu.memory_space<vmem>>
      %dma_start3A_70 = tpu.memref_squeeze %dma_start3A_69 : memref<1x1x128xi32, #tpu.memory_space<vmem>> -> memref<128xi32, #tpu.memory_space<vmem>>
      %dma_start3A_71 = arith.constant 0 : i32
      %dma_start3A_72 = arith.constant 0 : i32
      %dma_start3A_73 = tpu.memref_slice %arg2[%dma_start3A_71, %dma_start3A_72] : memref<10000x64xf32, #tpu.memory_space<hbm>> -> memref<10000x64xf32, #tpu.memory_space<hbm>>
      tpu.enqueue_indirect_dma source(%dma_start3A_73 : memref<10000x64xf32, #tpu.memory_space<hbm>>) target(%dma_start3A_67 : memref<128x64xf32, #tpu.memory_space<vmem>>) offsets(%dma_start3A_70 : memref<128xi32, #tpu.memory_space<vmem>>) semaphore(%arg9 : memref<!tpu.dma_semaphore, #tpu.memory_space<semaphore_mem>>)
    } else {
    }
    %gt3A_28 = arith.constant 3 : i32
    %gt3A_29 = arith.cmpi sgt, %add3A_4, %gt3A_28 : i32
    %convert_element_type3A_30 = arith.extui %gt3A_29 : i1 to i32
    %cond3A_31 = arith.constant 0 : i32
    %cond3A_32 = arith.cmpi ne, %convert_element_type3A_30, %cond3A_31 : i32
    scf.if %cond3A_32 {
      %dma_start3A = arith.constant 3 : i32
      %dma_start3A_62 = arith.constant 0 : i32
      %dma_start3A_63 = arith.constant 3 : i32
      %dma_start3A_64 = arith.constant 0 : i32
      %dma_start3A_65 = arith.constant 0 : i32
      %dma_start3A_66 = tpu.memref_slice %arg7[%dma_start3A_63, %dma_start3A_64, %dma_start3A_65] : memref<8x128x64xf32, #tpu.memory_space<vmem>> -> memref<1x128x64xf32, #tpu.memory_space<vmem>>
      %dma_start3A_67 = tpu.memref_squeeze %dma_start3A_66 : memref<1x128x64xf32, #tpu.memory_space<vmem>> -> memref<128x64xf32, #tpu.memory_space<vmem>>
      %dma_start3A_68 = arith.constant 0 : i32
      %dma_start3A_69 = tpu.memref_slice %arg6[%dma_start3A, %dma_start3A_62, %dma_start3A_68] : memref<79x2x128xi32, #tpu.memory_space<vmem>> -> memref<1x1x128xi32, #tpu.memory_space<vmem>>
      %dma_start3A_70 = tpu.memref_squeeze %dma_start3A_69 : memref<1x1x128xi32, #tpu.memory_space<vmem>> -> memref<128xi32, #tpu.memory_space<vmem>>
      %dma_start3A_71 = arith.constant 0 : i32
      %dma_start3A_72 = arith.constant 0 : i32
      %dma_start3A_73 = tpu.memref_slice %arg2[%dma_start3A_71, %dma_start3A_72] : memref<10000x64xf32, #tpu.memory_space<hbm>> -> memref<10000x64xf32, #tpu.memory_space<hbm>>
      tpu.enqueue_indirect_dma source(%dma_start3A_73 : memref<10000x64xf32, #tpu.memory_space<hbm>>) target(%dma_start3A_67 : memref<128x64xf32, #tpu.memory_space<vmem>>) offsets(%dma_start3A_70 : memref<128xi32, #tpu.memory_space<vmem>>) semaphore(%arg9 : memref<!tpu.dma_semaphore, #tpu.memory_space<semaphore_mem>>)
    } else {
    }
    %gt3A_33 = arith.constant 4 : i32
    %gt3A_34 = arith.cmpi sgt, %add3A_4, %gt3A_33 : i32
    %convert_element_type3A_35 = arith.extui %gt3A_34 : i1 to i32
    %cond3A_36 = arith.constant 0 : i32
    %cond3A_37 = arith.cmpi ne, %convert_element_type3A_35, %cond3A_36 : i32
    scf.if %cond3A_37 {
      %dma_start3A = arith.constant 4 : i32
      %dma_start3A_62 = arith.constant 0 : i32
      %dma_start3A_63 = arith.constant 4 : i32
      %dma_start3A_64 = arith.constant 0 : i32
      %dma_start3A_65 = arith.constant 0 : i32
      %dma_start3A_66 = tpu.memref_slice %arg7[%dma_start3A_63, %dma_start3A_64, %dma_start3A_65] : memref<8x128x64xf32, #tpu.memory_space<vmem>> -> memref<1x128x64xf32, #tpu.memory_space<vmem>>
      %dma_start3A_67 = tpu.memref_squeeze %dma_start3A_66 : memref<1x128x64xf32, #tpu.memory_space<vmem>> -> memref<128x64xf32, #tpu.memory_space<vmem>>
      %dma_start3A_68 = arith.constant 0 : i32
      %dma_start3A_69 = tpu.memref_slice %arg6[%dma_start3A, %dma_start3A_62, %dma_start3A_68] : memref<79x2x128xi32, #tpu.memory_space<vmem>> -> memref<1x1x128xi32, #tpu.memory_space<vmem>>
      %dma_start3A_70 = tpu.memref_squeeze %dma_start3A_69 : memref<1x1x128xi32, #tpu.memory_space<vmem>> -> memref<128xi32, #tpu.memory_space<vmem>>
      %dma_start3A_71 = arith.constant 0 : i32
      %dma_start3A_72 = arith.constant 0 : i32
      %dma_start3A_73 = tpu.memref_slice %arg2[%dma_start3A_71, %dma_start3A_72] : memref<10000x64xf32, #tpu.memory_space<hbm>> -> memref<10000x64xf32, #tpu.memory_space<hbm>>
      tpu.enqueue_indirect_dma source(%dma_start3A_73 : memref<10000x64xf32, #tpu.memory_space<hbm>>) target(%dma_start3A_67 : memref<128x64xf32, #tpu.memory_space<vmem>>) offsets(%dma_start3A_70 : memref<128xi32, #tpu.memory_space<vmem>>) semaphore(%arg9 : memref<!tpu.dma_semaphore, #tpu.memory_space<semaphore_mem>>)
    } else {
    }
    %gt3A_38 = arith.constant 5 : i32
    %gt3A_39 = arith.cmpi sgt, %add3A_4, %gt3A_38 : i32
    %convert_element_type3A_40 = arith.extui %gt3A_39 : i1 to i32
    %cond3A_41 = arith.constant 0 : i32
    %cond3A_42 = arith.cmpi ne, %convert_element_type3A_40, %cond3A_41 : i32
    scf.if %cond3A_42 {
      %dma_start3A = arith.constant 5 : i32
      %dma_start3A_62 = arith.constant 0 : i32
      %dma_start3A_63 = arith.constant 5 : i32
      %dma_start3A_64 = arith.constant 0 : i32
      %dma_start3A_65 = arith.constant 0 : i32
      %dma_start3A_66 = tpu.memref_slice %arg7[%dma_start3A_63, %dma_start3A_64, %dma_start3A_65] : memref<8x128x64xf32, #tpu.memory_space<vmem>> -> memref<1x128x64xf32, #tpu.memory_space<vmem>>
      %dma_start3A_67 = tpu.memref_squeeze %dma_start3A_66 : memref<1x128x64xf32, #tpu.memory_space<vmem>> -> memref<128x64xf32, #tpu.memory_space<vmem>>
      %dma_start3A_68 = arith.constant 0 : i32
      %dma_start3A_69 = tpu.memref_slice %arg6[%dma_start3A, %dma_start3A_62, %dma_start3A_68] : memref<79x2x128xi32, #tpu.memory_space<vmem>> -> memref<1x1x128xi32, #tpu.memory_space<vmem>>
      %dma_start3A_70 = tpu.memref_squeeze %dma_start3A_69 : memref<1x1x128xi32, #tpu.memory_space<vmem>> -> memref<128xi32, #tpu.memory_space<vmem>>
      %dma_start3A_71 = arith.constant 0 : i32
      %dma_start3A_72 = arith.constant 0 : i32
      %dma_start3A_73 = tpu.memref_slice %arg2[%dma_start3A_71, %dma_start3A_72] : memref<10000x64xf32, #tpu.memory_space<hbm>> -> memref<10000x64xf32, #tpu.memory_space<hbm>>
      tpu.enqueue_indirect_dma source(%dma_start3A_73 : memref<10000x64xf32, #tpu.memory_space<hbm>>) target(%dma_start3A_67 : memref<128x64xf32, #tpu.memory_space<vmem>>) offsets(%dma_start3A_70 : memref<128xi32, #tpu.memory_space<vmem>>) semaphore(%arg9 : memref<!tpu.dma_semaphore, #tpu.memory_space<semaphore_mem>>)
    } else {
    }
    %gt3A_43 = arith.constant 6 : i32
    %gt3A_44 = arith.cmpi sgt, %add3A_4, %gt3A_43 : i32
    %convert_element_type3A_45 = arith.extui %gt3A_44 : i1 to i32
    %cond3A_46 = arith.constant 0 : i32
    %cond3A_47 = arith.cmpi ne, %convert_element_type3A_45, %cond3A_46 : i32
    scf.if %cond3A_47 {
      %dma_start3A = arith.constant 6 : i32
      %dma_start3A_62 = arith.constant 0 : i32
      %dma_start3A_63 = arith.constant 6 : i32
      %dma_start3A_64 = arith.constant 0 : i32
      %dma_start3A_65 = arith.constant 0 : i32
      %dma_start3A_66 = tpu.memref_slice %arg7[%dma_start3A_63, %dma_start3A_64, %dma_start3A_65] : memref<8x128x64xf32, #tpu.memory_space<vmem>> -> memref<1x128x64xf32, #tpu.memory_space<vmem>>
      %dma_start3A_67 = tpu.memref_squeeze %dma_start3A_66 : memref<1x128x64xf32, #tpu.memory_space<vmem>> -> memref<128x64xf32, #tpu.memory_space<vmem>>
      %dma_start3A_68 = arith.constant 0 : i32
      %dma_start3A_69 = tpu.memref_slice %arg6[%dma_start3A, %dma_start3A_62, %dma_start3A_68] : memref<79x2x128xi32, #tpu.memory_space<vmem>> -> memref<1x1x128xi32, #tpu.memory_space<vmem>>
      %dma_start3A_70 = tpu.memref_squeeze %dma_start3A_69 : memref<1x1x128xi32, #tpu.memory_space<vmem>> -> memref<128xi32, #tpu.memory_space<vmem>>
      %dma_start3A_71 = arith.constant 0 : i32
      %dma_start3A_72 = arith.constant 0 : i32
      %dma_start3A_73 = tpu.memref_slice %arg2[%dma_start3A_71, %dma_start3A_72] : memref<10000x64xf32, #tpu.memory_space<hbm>> -> memref<10000x64xf32, #tpu.memory_space<hbm>>
      tpu.enqueue_indirect_dma source(%dma_start3A_73 : memref<10000x64xf32, #tpu.memory_space<hbm>>) target(%dma_start3A_67 : memref<128x64xf32, #tpu.memory_space<vmem>>) offsets(%dma_start3A_70 : memref<128xi32, #tpu.memory_space<vmem>>) semaphore(%arg9 : memref<!tpu.dma_semaphore, #tpu.memory_space<semaphore_mem>>)
    } else {
    }
    %scan3A = arith.constant 0 : i32
    %scan3A_48 = arith.constant 0 : i32
    %scan3A_49 = arith.constant 10 : i32
    %scan3A_50 = arith.addi %scan3A_48, %scan3A_49 : i32
    %scan3A_51 = arith.constant 1 : i32
    scf.for %scan3A_62 = %scan3A_48 to %scan3A_50 step %scan3A_51  : i32 {
      %mul3A_63 = arith.constant 8 : i32
      %mul3A_64 = arith.muli %scan3A_62, %mul3A_63 : i32
      %add3A_65 = arith.constant 0 : i32
      %add3A_66 = arith.addi %mul3A_64, %add3A_65 : i32
      %lt3A_67 = arith.cmpi slt, %add3A_66, %add3A_4 : i32
      %convert_element_type3A_68 = arith.extui %lt3A_67 : i1 to i32
      %cond3A_69 = arith.constant 0 : i32
      %cond3A_70 = arith.cmpi ne, %convert_element_type3A_68, %cond3A_69 : i32
      scf.if %cond3A_70 {
        %dma_wait3A = arith.constant 0 : i32
        %dma_wait3A_127 = arith.constant 0 : i32
        %dma_wait3A_128 = arith.constant 0 : i32
        %dma_wait3A_129 = arith.constant 0 : i32
        %dma_wait3A_130 = tpu.memref_slice %arg7[%dma_wait3A_127, %dma_wait3A_128, %dma_wait3A_129] : memref<8x128x64xf32, #tpu.memory_space<vmem>> -> memref<1x128x64xf32, #tpu.memory_space<vmem>>
        %dma_wait3A_131 = tpu.memref_squeeze %dma_wait3A_130 : memref<1x128x64xf32, #tpu.memory_space<vmem>> -> memref<128x64xf32, #tpu.memory_space<vmem>>
        %dma_wait3A_132 = arith.constant 0 : i32
        %dma_wait3A_133 = tpu.memref_slice %arg6[%add3A_66, %dma_wait3A, %dma_wait3A_132] : memref<79x2x128xi32, #tpu.memory_space<vmem>> -> memref<1x1x128xi32, #tpu.memory_space<vmem>>
        %dma_wait3A_134 = tpu.memref_squeeze %dma_wait3A_133 : memref<1x1x128xi32, #tpu.memory_space<vmem>> -> memref<128xi32, #tpu.memory_space<vmem>>
        %dma_wait3A_135 = arith.constant 0 : i32
        %dma_wait3A_136 = arith.constant 0 : i32
        %dma_wait3A_137 = tpu.memref_slice %arg2[%dma_wait3A_135, %dma_wait3A_136] : memref<10000x64xf32, #tpu.memory_space<hbm>> -> memref<10000x64xf32, #tpu.memory_space<hbm>>
        tpu.wait_indirect_dma semaphore(%arg9 : memref<!tpu.dma_semaphore, #tpu.memory_space<semaphore_mem>>) src(%dma_wait3A_137 : memref<10000x64xf32, #tpu.memory_space<hbm>>) dst(%dma_wait3A_131 : memref<128x64xf32, #tpu.memory_space<vmem>>)
        %dma_start3A = arith.constant 0 : i32
        %dma_start3A_138 = arith.constant 1 : i32
        %dma_start3A_139 = arith.constant 0 : i32
        %dma_start3A_140 = arith.constant 0 : i32
        %dma_start3A_141 = tpu.memref_slice %arg7[%dma_start3A, %dma_start3A_139, %dma_start3A_140] : memref<8x128x64xf32, #tpu.memory_space<vmem>> -> memref<1x128x64xf32, #tpu.memory_space<vmem>>
        %dma_start3A_142 = tpu.memref_squeeze %dma_start3A_141 : memref<1x128x64xf32, #tpu.memory_space<vmem>> -> memref<128x64xf32, #tpu.memory_space<vmem>>
        %dma_start3A_143 = arith.constant 0 : i32
        %dma_start3A_144 = tpu.memref_slice %arg6[%add3A_66, %dma_start3A_138, %dma_start3A_143] : memref<79x2x128xi32, #tpu.memory_space<vmem>> -> memref<1x1x128xi32, #tpu.memory_space<vmem>>
        %dma_start3A_145 = tpu.memref_squeeze %dma_start3A_144 : memref<1x1x128xi32, #tpu.memory_space<vmem>> -> memref<128xi32, #tpu.memory_space<vmem>>
        %dma_start3A_146 = arith.constant 0 : i32
        %dma_start3A_147 = arith.constant 0 : i32
        %dma_start3A_148 = tpu.memref_slice %arg8[%dma_start3A_146, %dma_start3A_147] : memref<10240x64xf32, #tpu.memory_space<vmem_shared>> -> memref<10240x64xf32, #tpu.memory_space<vmem_shared>>
        tpu.enqueue_indirect_dma source(%dma_start3A_142 : memref<128x64xf32, #tpu.memory_space<vmem>>) target(%dma_start3A_148 : memref<10240x64xf32, #tpu.memory_space<vmem_shared>>) offsets(%dma_start3A_145 : memref<128xi32, #tpu.memory_space<vmem>>) semaphore(%arg10 : memref<!tpu.dma_semaphore, #tpu.memory_space<semaphore_mem>>) {add = true}
        %ge3A_149 = arith.constant 1 : i32
        %ge3A_150 = arith.cmpi sge, %add3A_66, %ge3A_149 : i32
        %convert_element_type3A_151 = arith.extui %ge3A_150 : i1 to i32
        %cond3A_152 = arith.constant 0 : i32
        %cond3A_153 = arith.cmpi ne, %convert_element_type3A_151, %cond3A_152 : i32
        scf.if %cond3A_153 {
          %dma_wait3A_161 = arith.constant 7 : i32
          %dma_wait3A_162 = arith.constant 1 : i32
          %dma_wait3A_163 = arith.constant 0 : i32
          %dma_wait3A_164 = arith.constant 0 : i32
          %dma_wait3A_165 = tpu.memref_slice %arg7[%dma_wait3A_161, %dma_wait3A_163, %dma_wait3A_164] : memref<8x128x64xf32, #tpu.memory_space<vmem>> -> memref<1x128x64xf32, #tpu.memory_space<vmem>>
          %dma_wait3A_166 = tpu.memref_squeeze %dma_wait3A_165 : memref<1x128x64xf32, #tpu.memory_space<vmem>> -> memref<128x64xf32, #tpu.memory_space<vmem>>
          %dma_wait3A_167 = arith.constant 0 : i32
          %dma_wait3A_168 = tpu.memref_slice %arg6[%add3A_66, %dma_wait3A_162, %dma_wait3A_167] : memref<79x2x128xi32, #tpu.memory_space<vmem>> -> memref<1x1x128xi32, #tpu.memory_space<vmem>>
          %dma_wait3A_169 = tpu.memref_squeeze %dma_wait3A_168 : memref<1x1x128xi32, #tpu.memory_space<vmem>> -> memref<128xi32, #tpu.memory_space<vmem>>
          %dma_wait3A_170 = arith.constant 0 : i32
          %dma_wait3A_171 = arith.constant 0 : i32
          %dma_wait3A_172 = tpu.memref_slice %arg8[%dma_wait3A_170, %dma_wait3A_171] : memref<10240x64xf32, #tpu.memory_space<vmem_shared>> -> memref<10240x64xf32, #tpu.memory_space<vmem_shared>>
          tpu.wait_indirect_dma semaphore(%arg10 : memref<!tpu.dma_semaphore, #tpu.memory_space<semaphore_mem>>) src(%dma_wait3A_166 : memref<128x64xf32, #tpu.memory_space<vmem>>) dst(%dma_wait3A_172 : memref<10240x64xf32, #tpu.memory_space<vmem_shared>>)
        } else {
        }
        %add3A_154 = arith.constant 8 : i32
        %add3A_155 = arith.addi %add3A_66, %add3A_154 : i32
        %sub3A = arith.constant 1 : i32
        %sub3A_156 = arith.subi %add3A_155, %sub3A : i32
        %lt3A_157 = arith.cmpi slt, %sub3A_156, %add3A_4 : i32
        %convert_element_type3A_158 = arith.extui %lt3A_157 : i1 to i32
        %cond3A_159 = arith.constant 0 : i32
        %cond3A_160 = arith.cmpi ne, %convert_element_type3A_158, %cond3A_159 : i32
        scf.if %cond3A_160 {
          %add3A_161 = arith.constant 8 : i32
          %add3A_162 = arith.addi %add3A_66, %add3A_161 : i32
          %sub3A_163 = arith.constant 1 : i32
          %sub3A_164 = arith.subi %add3A_162, %sub3A_163 : i32
          %dma_start3A_165 = arith.constant 0 : i32
          %dma_start3A_166 = arith.constant 7 : i32
          %dma_start3A_167 = arith.constant 0 : i32
          %dma_start3A_168 = arith.constant 0 : i32
          %dma_start3A_169 = tpu.memref_slice %arg7[%dma_start3A_166, %dma_start3A_167, %dma_start3A_168] : memref<8x128x64xf32, #tpu.memory_space<vmem>> -> memref<1x128x64xf32, #tpu.memory_space<vmem>>
          %dma_start3A_170 = tpu.memref_squeeze %dma_start3A_169 : memref<1x128x64xf32, #tpu.memory_space<vmem>> -> memref<128x64xf32, #tpu.memory_space<vmem>>
          %dma_start3A_171 = arith.constant 0 : i32
          %dma_start3A_172 = tpu.memref_slice %arg6[%sub3A_164, %dma_start3A_165, %dma_start3A_171] : memref<79x2x128xi32, #tpu.memory_space<vmem>> -> memref<1x1x128xi32, #tpu.memory_space<vmem>>
          %dma_start3A_173 = tpu.memref_squeeze %dma_start3A_172 : memref<1x1x128xi32, #tpu.memory_space<vmem>> -> memref<128xi32, #tpu.memory_space<vmem>>
          %dma_start3A_174 = arith.constant 0 : i32
          %dma_start3A_175 = arith.constant 0 : i32
          %dma_start3A_176 = tpu.memref_slice %arg2[%dma_start3A_174, %dma_start3A_175] : memref<10000x64xf32, #tpu.memory_space<hbm>> -> memref<10000x64xf32, #tpu.memory_space<hbm>>
          tpu.enqueue_indirect_dma source(%dma_start3A_176 : memref<10000x64xf32, #tpu.memory_space<hbm>>) target(%dma_start3A_170 : memref<128x64xf32, #tpu.memory_space<vmem>>) offsets(%dma_start3A_173 : memref<128xi32, #tpu.memory_space<vmem>>) semaphore(%arg9 : memref<!tpu.dma_semaphore, #tpu.memory_space<semaphore_mem>>)
        } else {
        }
      } else {
      }
      %mul3A_71 = arith.constant 8 : i32
      %mul3A_72 = arith.muli %scan3A_62, %mul3A_71 : i32
      %add3A_73 = arith.constant 1 : i32
      %add3A_74 = arith.addi %mul3A_72, %add3A_73 : i32
      %lt3A_75 = arith.cmpi slt, %add3A_74, %add3A_4 : i32
      %convert_element_type3A_76 = arith.extui %lt3A_75 : i1 to i32
      %cond3A_77 = arith.constant 0 : i32
      %cond3A_78 = arith.cmpi ne, %convert_element_type3A_76, %cond3A_77 : i32
      scf.if %cond3A_78 {
        %dma_wait3A = arith.constant 0 : i32
        %dma_wait3A_127 = arith.constant 1 : i32
        %dma_wait3A_128 = arith.constant 0 : i32
        %dma_wait3A_129 = arith.constant 0 : i32
        %dma_wait3A_130 = tpu.memref_slice %arg7[%dma_wait3A_127, %dma_wait3A_128, %dma_wait3A_129] : memref<8x128x64xf32, #tpu.memory_space<vmem>> -> memref<1x128x64xf32, #tpu.memory_space<vmem>>
        %dma_wait3A_131 = tpu.memref_squeeze %dma_wait3A_130 : memref<1x128x64xf32, #tpu.memory_space<vmem>> -> memref<128x64xf32, #tpu.memory_space<vmem>>
        %dma_wait3A_132 = arith.constant 0 : i32
        %dma_wait3A_133 = tpu.memref_slice %arg6[%add3A_74, %dma_wait3A, %dma_wait3A_132] : memref<79x2x128xi32, #tpu.memory_space<vmem>> -> memref<1x1x128xi32, #tpu.memory_space<vmem>>
        %dma_wait3A_134 = tpu.memref_squeeze %dma_wait3A_133 : memref<1x1x128xi32, #tpu.memory_space<vmem>> -> memref<128xi32, #tpu.memory_space<vmem>>
        %dma_wait3A_135 = arith.constant 0 : i32
        %dma_wait3A_136 = arith.constant 0 : i32
        %dma_wait3A_137 = tpu.memref_slice %arg2[%dma_wait3A_135, %dma_wait3A_136] : memref<10000x64xf32, #tpu.memory_space<hbm>> -> memref<10000x64xf32, #tpu.memory_space<hbm>>
        tpu.wait_indirect_dma semaphore(%arg9 : memref<!tpu.dma_semaphore, #tpu.memory_space<semaphore_mem>>) src(%dma_wait3A_137 : memref<10000x64xf32, #tpu.memory_space<hbm>>) dst(%dma_wait3A_131 : memref<128x64xf32, #tpu.memory_space<vmem>>)
        %dma_start3A = arith.constant 1 : i32
        %dma_start3A_138 = arith.constant 1 : i32
        %dma_start3A_139 = arith.constant 0 : i32
        %dma_start3A_140 = arith.constant 0 : i32
        %dma_start3A_141 = tpu.memref_slice %arg7[%dma_start3A, %dma_start3A_139, %dma_start3A_140] : memref<8x128x64xf32, #tpu.memory_space<vmem>> -> memref<1x128x64xf32, #tpu.memory_space<vmem>>
        %dma_start3A_142 = tpu.memref_squeeze %dma_start3A_141 : memref<1x128x64xf32, #tpu.memory_space<vmem>> -> memref<128x64xf32, #tpu.memory_space<vmem>>
        %dma_start3A_143 = arith.constant 0 : i32
        %dma_start3A_144 = tpu.memref_slice %arg6[%add3A_74, %dma_start3A_138, %dma_start3A_143] : memref<79x2x128xi32, #tpu.memory_space<vmem>> -> memref<1x1x128xi32, #tpu.memory_space<vmem>>
        %dma_start3A_145 = tpu.memref_squeeze %dma_start3A_144 : memref<1x1x128xi32, #tpu.memory_space<vmem>> -> memref<128xi32, #tpu.memory_space<vmem>>
        %dma_start3A_146 = arith.constant 0 : i32
        %dma_start3A_147 = arith.constant 0 : i32
        %dma_start3A_148 = tpu.memref_slice %arg8[%dma_start3A_146, %dma_start3A_147] : memref<10240x64xf32, #tpu.memory_space<vmem_shared>> -> memref<10240x64xf32, #tpu.memory_space<vmem_shared>>
        tpu.enqueue_indirect_dma source(%dma_start3A_142 : memref<128x64xf32, #tpu.memory_space<vmem>>) target(%dma_start3A_148 : memref<10240x64xf32, #tpu.memory_space<vmem_shared>>) offsets(%dma_start3A_145 : memref<128xi32, #tpu.memory_space<vmem>>) semaphore(%arg10 : memref<!tpu.dma_semaphore, #tpu.memory_space<semaphore_mem>>) {add = true}
        %ge3A_149 = arith.constant 1 : i32
        %ge3A_150 = arith.cmpi sge, %add3A_74, %ge3A_149 : i32
        %convert_element_type3A_151 = arith.extui %ge3A_150 : i1 to i32
        %cond3A_152 = arith.constant 0 : i32
        %cond3A_153 = arith.cmpi ne, %convert_element_type3A_151, %cond3A_152 : i32
        scf.if %cond3A_153 {
          %dma_wait3A_161 = arith.constant 0 : i32
          %dma_wait3A_162 = arith.constant 1 : i32
          %dma_wait3A_163 = arith.constant 0 : i32
          %dma_wait3A_164 = arith.constant 0 : i32
          %dma_wait3A_165 = tpu.memref_slice %arg7[%dma_wait3A_161, %dma_wait3A_163, %dma_wait3A_164] : memref<8x128x64xf32, #tpu.memory_space<vmem>> -> memref<1x128x64xf32, #tpu.memory_space<vmem>>
          %dma_wait3A_166 = tpu.memref_squeeze %dma_wait3A_165 : memref<1x128x64xf32, #tpu.memory_space<vmem>> -> memref<128x64xf32, #tpu.memory_space<vmem>>
          %dma_wait3A_167 = arith.constant 0 : i32
          %dma_wait3A_168 = tpu.memref_slice %arg6[%add3A_74, %dma_wait3A_162, %dma_wait3A_167] : memref<79x2x128xi32, #tpu.memory_space<vmem>> -> memref<1x1x128xi32, #tpu.memory_space<vmem>>
          %dma_wait3A_169 = tpu.memref_squeeze %dma_wait3A_168 : memref<1x1x128xi32, #tpu.memory_space<vmem>> -> memref<128xi32, #tpu.memory_space<vmem>>
          %dma_wait3A_170 = arith.constant 0 : i32
          %dma_wait3A_171 = arith.constant 0 : i32
          %dma_wait3A_172 = tpu.memref_slice %arg8[%dma_wait3A_170, %dma_wait3A_171] : memref<10240x64xf32, #tpu.memory_space<vmem_shared>> -> memref<10240x64xf32, #tpu.memory_space<vmem_shared>>
          tpu.wait_indirect_dma semaphore(%arg10 : memref<!tpu.dma_semaphore, #tpu.memory_space<semaphore_mem>>) src(%dma_wait3A_166 : memref<128x64xf32, #tpu.memory_space<vmem>>) dst(%dma_wait3A_172 : memref<10240x64xf32, #tpu.memory_space<vmem_shared>>)
        } else {
        }
        %add3A_154 = arith.constant 8 : i32
        %add3A_155 = arith.addi %add3A_74, %add3A_154 : i32
        %sub3A = arith.constant 1 : i32
        %sub3A_156 = arith.subi %add3A_155, %sub3A : i32
        %lt3A_157 = arith.cmpi slt, %sub3A_156, %add3A_4 : i32
        %convert_element_type3A_158 = arith.extui %lt3A_157 : i1 to i32
        %cond3A_159 = arith.constant 0 : i32
        %cond3A_160 = arith.cmpi ne, %convert_element_type3A_158, %cond3A_159 : i32
        scf.if %cond3A_160 {
          %add3A_161 = arith.constant 8 : i32
          %add3A_162 = arith.addi %add3A_74, %add3A_161 : i32
          %sub3A_163 = arith.constant 1 : i32
          %sub3A_164 = arith.subi %add3A_162, %sub3A_163 : i32
          %dma_start3A_165 = arith.constant 0 : i32
          %dma_start3A_166 = arith.constant 0 : i32
          %dma_start3A_167 = arith.constant 0 : i32
          %dma_start3A_168 = arith.constant 0 : i32
          %dma_start3A_169 = tpu.memref_slice %arg7[%dma_start3A_166, %dma_start3A_167, %dma_start3A_168] : memref<8x128x64xf32, #tpu.memory_space<vmem>> -> memref<1x128x64xf32, #tpu.memory_space<vmem>>
          %dma_start3A_170 = tpu.memref_squeeze %dma_start3A_169 : memref<1x128x64xf32, #tpu.memory_space<vmem>> -> memref<128x64xf32, #tpu.memory_space<vmem>>
          %dma_start3A_171 = arith.constant 0 : i32
          %dma_start3A_172 = tpu.memref_slice %arg6[%sub3A_164, %dma_start3A_165, %dma_start3A_171] : memref<79x2x128xi32, #tpu.memory_space<vmem>> -> memref<1x1x128xi32, #tpu.memory_space<vmem>>
          %dma_start3A_173 = tpu.memref_squeeze %dma_start3A_172 : memref<1x1x128xi32, #tpu.memory_space<vmem>> -> memref<128xi32, #tpu.memory_space<vmem>>
          %dma_start3A_174 = arith.constant 0 : i32
          %dma_start3A_175 = arith.constant 0 : i32
          %dma_start3A_176 = tpu.memref_slice %arg2[%dma_start3A_174, %dma_start3A_175] : memref<10000x64xf32, #tpu.memory_space<hbm>> -> memref<10000x64xf32, #tpu.memory_space<hbm>>
          tpu.enqueue_indirect_dma source(%dma_start3A_176 : memref<10000x64xf32, #tpu.memory_space<hbm>>) target(%dma_start3A_170 : memref<128x64xf32, #tpu.memory_space<vmem>>) offsets(%dma_start3A_173 : memref<128xi32, #tpu.memory_space<vmem>>) semaphore(%arg9 : memref<!tpu.dma_semaphore, #tpu.memory_space<semaphore_mem>>)
        } else {
        }
      } else {
      }
      %mul3A_79 = arith.constant 8 : i32
      %mul3A_80 = arith.muli %scan3A_62, %mul3A_79 : i32
      %add3A_81 = arith.constant 2 : i32
      %add3A_82 = arith.addi %mul3A_80, %add3A_81 : i32
      %lt3A_83 = arith.cmpi slt, %add3A_82, %add3A_4 : i32
      %convert_element_type3A_84 = arith.extui %lt3A_83 : i1 to i32
      %cond3A_85 = arith.constant 0 : i32
      %cond3A_86 = arith.cmpi ne, %convert_element_type3A_84, %cond3A_85 : i32
      scf.if %cond3A_86 {
        %dma_wait3A = arith.constant 0 : i32
        %dma_wait3A_127 = arith.constant 2 : i32
        %dma_wait3A_128 = arith.constant 0 : i32
        %dma_wait3A_129 = arith.constant 0 : i32
        %dma_wait3A_130 = tpu.memref_slice %arg7[%dma_wait3A_127, %dma_wait3A_128, %dma_wait3A_129] : memref<8x128x64xf32, #tpu.memory_space<vmem>> -> memref<1x128x64xf32, #tpu.memory_space<vmem>>
        %dma_wait3A_131 = tpu.memref_squeeze %dma_wait3A_130 : memref<1x128x64xf32, #tpu.memory_space<vmem>> -> memref<128x64xf32, #tpu.memory_space<vmem>>
        %dma_wait3A_132 = arith.constant 0 : i32
        %dma_wait3A_133 = tpu.memref_slice %arg6[%add3A_82, %dma_wait3A, %dma_wait3A_132] : memref<79x2x128xi32, #tpu.memory_space<vmem>> -> memref<1x1x128xi32, #tpu.memory_space<vmem>>
        %dma_wait3A_134 = tpu.memref_squeeze %dma_wait3A_133 : memref<1x1x128xi32, #tpu.memory_space<vmem>> -> memref<128xi32, #tpu.memory_space<vmem>>
        %dma_wait3A_135 = arith.constant 0 : i32
        %dma_wait3A_136 = arith.constant 0 : i32
        %dma_wait3A_137 = tpu.memref_slice %arg2[%dma_wait3A_135, %dma_wait3A_136] : memref<10000x64xf32, #tpu.memory_space<hbm>> -> memref<10000x64xf32, #tpu.memory_space<hbm>>
        tpu.wait_indirect_dma semaphore(%arg9 : memref<!tpu.dma_semaphore, #tpu.memory_space<semaphore_mem>>) src(%dma_wait3A_137 : memref<10000x64xf32, #tpu.memory_space<hbm>>) dst(%dma_wait3A_131 : memref<128x64xf32, #tpu.memory_space<vmem>>)
        %dma_start3A = arith.constant 2 : i32
        %dma_start3A_138 = arith.constant 1 : i32
        %dma_start3A_139 = arith.constant 0 : i32
        %dma_start3A_140 = arith.constant 0 : i32
        %dma_start3A_141 = tpu.memref_slice %arg7[%dma_start3A, %dma_start3A_139, %dma_start3A_140] : memref<8x128x64xf32, #tpu.memory_space<vmem>> -> memref<1x128x64xf32, #tpu.memory_space<vmem>>
        %dma_start3A_142 = tpu.memref_squeeze %dma_start3A_141 : memref<1x128x64xf32, #tpu.memory_space<vmem>> -> memref<128x64xf32, #tpu.memory_space<vmem>>
        %dma_start3A_143 = arith.constant 0 : i32
        %dma_start3A_144 = tpu.memref_slice %arg6[%add3A_82, %dma_start3A_138, %dma_start3A_143] : memref<79x2x128xi32, #tpu.memory_space<vmem>> -> memref<1x1x128xi32, #tpu.memory_space<vmem>>
        %dma_start3A_145 = tpu.memref_squeeze %dma_start3A_144 : memref<1x1x128xi32, #tpu.memory_space<vmem>> -> memref<128xi32, #tpu.memory_space<vmem>>
        %dma_start3A_146 = arith.constant 0 : i32
        %dma_start3A_147 = arith.constant 0 : i32
        %dma_start3A_148 = tpu.memref_slice %arg8[%dma_start3A_146, %dma_start3A_147] : memref<10240x64xf32, #tpu.memory_space<vmem_shared>> -> memref<10240x64xf32, #tpu.memory_space<vmem_shared>>
        tpu.enqueue_indirect_dma source(%dma_start3A_142 : memref<128x64xf32, #tpu.memory_space<vmem>>) target(%dma_start3A_148 : memref<10240x64xf32, #tpu.memory_space<vmem_shared>>) offsets(%dma_start3A_145 : memref<128xi32, #tpu.memory_space<vmem>>) semaphore(%arg10 : memref<!tpu.dma_semaphore, #tpu.memory_space<semaphore_mem>>) {add = true}
        %ge3A_149 = arith.constant 1 : i32
        %ge3A_150 = arith.cmpi sge, %add3A_82, %ge3A_149 : i32
        %convert_element_type3A_151 = arith.extui %ge3A_150 : i1 to i32
        %cond3A_152 = arith.constant 0 : i32
        %cond3A_153 = arith.cmpi ne, %convert_element_type3A_151, %cond3A_152 : i32
        scf.if %cond3A_153 {
          %dma_wait3A_161 = arith.constant 1 : i32
          %dma_wait3A_162 = arith.constant 1 : i32
          %dma_wait3A_163 = arith.constant 0 : i32
          %dma_wait3A_164 = arith.constant 0 : i32
          %dma_wait3A_165 = tpu.memref_slice %arg7[%dma_wait3A_161, %dma_wait3A_163, %dma_wait3A_164] : memref<8x128x64xf32, #tpu.memory_space<vmem>> -> memref<1x128x64xf32, #tpu.memory_space<vmem>>
          %dma_wait3A_166 = tpu.memref_squeeze %dma_wait3A_165 : memref<1x128x64xf32, #tpu.memory_space<vmem>> -> memref<128x64xf32, #tpu.memory_space<vmem>>
          %dma_wait3A_167 = arith.constant 0 : i32
          %dma_wait3A_168 = tpu.memref_slice %arg6[%add3A_82, %dma_wait3A_162, %dma_wait3A_167] : memref<79x2x128xi32, #tpu.memory_space<vmem>> -> memref<1x1x128xi32, #tpu.memory_space<vmem>>
          %dma_wait3A_169 = tpu.memref_squeeze %dma_wait3A_168 : memref<1x1x128xi32, #tpu.memory_space<vmem>> -> memref<128xi32, #tpu.memory_space<vmem>>
          %dma_wait3A_170 = arith.constant 0 : i32
          %dma_wait3A_171 = arith.constant 0 : i32
          %dma_wait3A_172 = tpu.memref_slice %arg8[%dma_wait3A_170, %dma_wait3A_171] : memref<10240x64xf32, #tpu.memory_space<vmem_shared>> -> memref<10240x64xf32, #tpu.memory_space<vmem_shared>>
          tpu.wait_indirect_dma semaphore(%arg10 : memref<!tpu.dma_semaphore, #tpu.memory_space<semaphore_mem>>) src(%dma_wait3A_166 : memref<128x64xf32, #tpu.memory_space<vmem>>) dst(%dma_wait3A_172 : memref<10240x64xf32, #tpu.memory_space<vmem_shared>>)
        } else {
        }
        %add3A_154 = arith.constant 8 : i32
        %add3A_155 = arith.addi %add3A_82, %add3A_154 : i32
        %sub3A = arith.constant 1 : i32
        %sub3A_156 = arith.subi %add3A_155, %sub3A : i32
        %lt3A_157 = arith.cmpi slt, %sub3A_156, %add3A_4 : i32
        %convert_element_type3A_158 = arith.extui %lt3A_157 : i1 to i32
        %cond3A_159 = arith.constant 0 : i32
        %cond3A_160 = arith.cmpi ne, %convert_element_type3A_158, %cond3A_159 : i32
        scf.if %cond3A_160 {
          %add3A_161 = arith.constant 8 : i32
          %add3A_162 = arith.addi %add3A_82, %add3A_161 : i32
          %sub3A_163 = arith.constant 1 : i32
          %sub3A_164 = arith.subi %add3A_162, %sub3A_163 : i32
          %dma_start3A_165 = arith.constant 0 : i32
          %dma_start3A_166 = arith.constant 1 : i32
          %dma_start3A_167 = arith.constant 0 : i32
          %dma_start3A_168 = arith.constant 0 : i32
          %dma_start3A_169 = tpu.memref_slice %arg7[%dma_start3A_166, %dma_start3A_167, %dma_start3A_168] : memref<8x128x64xf32, #tpu.memory_space<vmem>> -> memref<1x128x64xf32, #tpu.memory_space<vmem>>
          %dma_start3A_170 = tpu.memref_squeeze %dma_start3A_169 : memref<1x128x64xf32, #tpu.memory_space<vmem>> -> memref<128x64xf32, #tpu.memory_space<vmem>>
          %dma_start3A_171 = arith.constant 0 : i32
          %dma_start3A_172 = tpu.memref_slice %arg6[%sub3A_164, %dma_start3A_165, %dma_start3A_171] : memref<79x2x128xi32, #tpu.memory_space<vmem>> -> memref<1x1x128xi32, #tpu.memory_space<vmem>>
          %dma_start3A_173 = tpu.memref_squeeze %dma_start3A_172 : memref<1x1x128xi32, #tpu.memory_space<vmem>> -> memref<128xi32, #tpu.memory_space<vmem>>
          %dma_start3A_174 = arith.constant 0 : i32
          %dma_start3A_175 = arith.constant 0 : i32
          %dma_start3A_176 = tpu.memref_slice %arg2[%dma_start3A_174, %dma_start3A_175] : memref<10000x64xf32, #tpu.memory_space<hbm>> -> memref<10000x64xf32, #tpu.memory_space<hbm>>
          tpu.enqueue_indirect_dma source(%dma_start3A_176 : memref<10000x64xf32, #tpu.memory_space<hbm>>) target(%dma_start3A_170 : memref<128x64xf32, #tpu.memory_space<vmem>>) offsets(%dma_start3A_173 : memref<128xi32, #tpu.memory_space<vmem>>) semaphore(%arg9 : memref<!tpu.dma_semaphore, #tpu.memory_space<semaphore_mem>>)
        } else {
        }
      } else {
      }
      %mul3A_87 = arith.constant 8 : i32
      %mul3A_88 = arith.muli %scan3A_62, %mul3A_87 : i32
      %add3A_89 = arith.constant 3 : i32
      %add3A_90 = arith.addi %mul3A_88, %add3A_89 : i32
      %lt3A_91 = arith.cmpi slt, %add3A_90, %add3A_4 : i32
      %convert_element_type3A_92 = arith.extui %lt3A_91 : i1 to i32
      %cond3A_93 = arith.constant 0 : i32
      %cond3A_94 = arith.cmpi ne, %convert_element_type3A_92, %cond3A_93 : i32
      scf.if %cond3A_94 {
        %dma_wait3A = arith.constant 0 : i32
        %dma_wait3A_127 = arith.constant 3 : i32
        %dma_wait3A_128 = arith.constant 0 : i32
        %dma_wait3A_129 = arith.constant 0 : i32
        %dma_wait3A_130 = tpu.memref_slice %arg7[%dma_wait3A_127, %dma_wait3A_128, %dma_wait3A_129] : memref<8x128x64xf32, #tpu.memory_space<vmem>> -> memref<1x128x64xf32, #tpu.memory_space<vmem>>
        %dma_wait3A_131 = tpu.memref_squeeze %dma_wait3A_130 : memref<1x128x64xf32, #tpu.memory_space<vmem>> -> memref<128x64xf32, #tpu.memory_space<vmem>>
        %dma_wait3A_132 = arith.constant 0 : i32
        %dma_wait3A_133 = tpu.memref_slice %arg6[%add3A_90, %dma_wait3A, %dma_wait3A_132] : memref<79x2x128xi32, #tpu.memory_space<vmem>> -> memref<1x1x128xi32, #tpu.memory_space<vmem>>
        %dma_wait3A_134 = tpu.memref_squeeze %dma_wait3A_133 : memref<1x1x128xi32, #tpu.memory_space<vmem>> -> memref<128xi32, #tpu.memory_space<vmem>>
        %dma_wait3A_135 = arith.constant 0 : i32
        %dma_wait3A_136 = arith.constant 0 : i32
        %dma_wait3A_137 = tpu.memref_slice %arg2[%dma_wait3A_135, %dma_wait3A_136] : memref<10000x64xf32, #tpu.memory_space<hbm>> -> memref<10000x64xf32, #tpu.memory_space<hbm>>
        tpu.wait_indirect_dma semaphore(%arg9 : memref<!tpu.dma_semaphore, #tpu.memory_space<semaphore_mem>>) src(%dma_wait3A_137 : memref<10000x64xf32, #tpu.memory_space<hbm>>) dst(%dma_wait3A_131 : memref<128x64xf32, #tpu.memory_space<vmem>>)
        %dma_start3A = arith.constant 3 : i32
        %dma_start3A_138 = arith.constant 1 : i32
        %dma_start3A_139 = arith.constant 0 : i32
        %dma_start3A_140 = arith.constant 0 : i32
        %dma_start3A_141 = tpu.memref_slice %arg7[%dma_start3A, %dma_start3A_139, %dma_start3A_140] : memref<8x128x64xf32, #tpu.memory_space<vmem>> -> memref<1x128x64xf32, #tpu.memory_space<vmem>>
        %dma_start3A_142 = tpu.memref_squeeze %dma_start3A_141 : memref<1x128x64xf32, #tpu.memory_space<vmem>> -> memref<128x64xf32, #tpu.memory_space<vmem>>
        %dma_start3A_143 = arith.constant 0 : i32
        %dma_start3A_144 = tpu.memref_slice %arg6[%add3A_90, %dma_start3A_138, %dma_start3A_143] : memref<79x2x128xi32, #tpu.memory_space<vmem>> -> memref<1x1x128xi32, #tpu.memory_space<vmem>>
        %dma_start3A_145 = tpu.memref_squeeze %dma_start3A_144 : memref<1x1x128xi32, #tpu.memory_space<vmem>> -> memref<128xi32, #tpu.memory_space<vmem>>
        %dma_start3A_146 = arith.constant 0 : i32
        %dma_start3A_147 = arith.constant 0 : i32
        %dma_start3A_148 = tpu.memref_slice %arg8[%dma_start3A_146, %dma_start3A_147] : memref<10240x64xf32, #tpu.memory_space<vmem_shared>> -> memref<10240x64xf32, #tpu.memory_space<vmem_shared>>
        tpu.enqueue_indirect_dma source(%dma_start3A_142 : memref<128x64xf32, #tpu.memory_space<vmem>>) target(%dma_start3A_148 : memref<10240x64xf32, #tpu.memory_space<vmem_shared>>) offsets(%dma_start3A_145 : memref<128xi32, #tpu.memory_space<vmem>>) semaphore(%arg10 : memref<!tpu.dma_semaphore, #tpu.memory_space<semaphore_mem>>) {add = true}
        %ge3A_149 = arith.constant 1 : i32
        %ge3A_150 = arith.cmpi sge, %add3A_90, %ge3A_149 : i32
        %convert_element_type3A_151 = arith.extui %ge3A_150 : i1 to i32
        %cond3A_152 = arith.constant 0 : i32
        %cond3A_153 = arith.cmpi ne, %convert_element_type3A_151, %cond3A_152 : i32
        scf.if %cond3A_153 {
          %dma_wait3A_161 = arith.constant 2 : i32
          %dma_wait3A_162 = arith.constant 1 : i32
          %dma_wait3A_163 = arith.constant 0 : i32
          %dma_wait3A_164 = arith.constant 0 : i32
          %dma_wait3A_165 = tpu.memref_slice %arg7[%dma_wait3A_161, %dma_wait3A_163, %dma_wait3A_164] : memref<8x128x64xf32, #tpu.memory_space<vmem>> -> memref<1x128x64xf32, #tpu.memory_space<vmem>>
          %dma_wait3A_166 = tpu.memref_squeeze %dma_wait3A_165 : memref<1x128x64xf32, #tpu.memory_space<vmem>> -> memref<128x64xf32, #tpu.memory_space<vmem>>
          %dma_wait3A_167 = arith.constant 0 : i32
          %dma_wait3A_168 = tpu.memref_slice %arg6[%add3A_90, %dma_wait3A_162, %dma_wait3A_167] : memref<79x2x128xi32, #tpu.memory_space<vmem>> -> memref<1x1x128xi32, #tpu.memory_space<vmem>>
          %dma_wait3A_169 = tpu.memref_squeeze %dma_wait3A_168 : memref<1x1x128xi32, #tpu.memory_space<vmem>> -> memref<128xi32, #tpu.memory_space<vmem>>
          %dma_wait3A_170 = arith.constant 0 : i32
          %dma_wait3A_171 = arith.constant 0 : i32
          %dma_wait3A_172 = tpu.memref_slice %arg8[%dma_wait3A_170, %dma_wait3A_171] : memref<10240x64xf32, #tpu.memory_space<vmem_shared>> -> memref<10240x64xf32, #tpu.memory_space<vmem_shared>>
          tpu.wait_indirect_dma semaphore(%arg10 : memref<!tpu.dma_semaphore, #tpu.memory_space<semaphore_mem>>) src(%dma_wait3A_166 : memref<128x64xf32, #tpu.memory_space<vmem>>) dst(%dma_wait3A_172 : memref<10240x64xf32, #tpu.memory_space<vmem_shared>>)
        } else {
        }
        %add3A_154 = arith.constant 8 : i32
        %add3A_155 = arith.addi %add3A_90, %add3A_154 : i32
        %sub3A = arith.constant 1 : i32
        %sub3A_156 = arith.subi %add3A_155, %sub3A : i32
        %lt3A_157 = arith.cmpi slt, %sub3A_156, %add3A_4 : i32
        %convert_element_type3A_158 = arith.extui %lt3A_157 : i1 to i32
        %cond3A_159 = arith.constant 0 : i32
        %cond3A_160 = arith.cmpi ne, %convert_element_type3A_158, %cond3A_159 : i32
        scf.if %cond3A_160 {
          %add3A_161 = arith.constant 8 : i32
          %add3A_162 = arith.addi %add3A_90, %add3A_161 : i32
          %sub3A_163 = arith.constant 1 : i32
          %sub3A_164 = arith.subi %add3A_162, %sub3A_163 : i32
          %dma_start3A_165 = arith.constant 0 : i32
          %dma_start3A_166 = arith.constant 2 : i32
          %dma_start3A_167 = arith.constant 0 : i32
          %dma_start3A_168 = arith.constant 0 : i32
          %dma_start3A_169 = tpu.memref_slice %arg7[%dma_start3A_166, %dma_start3A_167, %dma_start3A_168] : memref<8x128x64xf32, #tpu.memory_space<vmem>> -> memref<1x128x64xf32, #tpu.memory_space<vmem>>
          %dma_start3A_170 = tpu.memref_squeeze %dma_start3A_169 : memref<1x128x64xf32, #tpu.memory_space<vmem>> -> memref<128x64xf32, #tpu.memory_space<vmem>>
          %dma_start3A_171 = arith.constant 0 : i32
          %dma_start3A_172 = tpu.memref_slice %arg6[%sub3A_164, %dma_start3A_165, %dma_start3A_171] : memref<79x2x128xi32, #tpu.memory_space<vmem>> -> memref<1x1x128xi32, #tpu.memory_space<vmem>>
          %dma_start3A_173 = tpu.memref_squeeze %dma_start3A_172 : memref<1x1x128xi32, #tpu.memory_space<vmem>> -> memref<128xi32, #tpu.memory_space<vmem>>
          %dma_start3A_174 = arith.constant 0 : i32
          %dma_start3A_175 = arith.constant 0 : i32
          %dma_start3A_176 = tpu.memref_slice %arg2[%dma_start3A_174, %dma_start3A_175] : memref<10000x64xf32, #tpu.memory_space<hbm>> -> memref<10000x64xf32, #tpu.memory_space<hbm>>
          tpu.enqueue_indirect_dma source(%dma_start3A_176 : memref<10000x64xf32, #tpu.memory_space<hbm>>) target(%dma_start3A_170 : memref<128x64xf32, #tpu.memory_space<vmem>>) offsets(%dma_start3A_173 : memref<128xi32, #tpu.memory_space<vmem>>) semaphore(%arg9 : memref<!tpu.dma_semaphore, #tpu.memory_space<semaphore_mem>>)
        } else {
        }
      } else {
      }
      %mul3A_95 = arith.constant 8 : i32
      %mul3A_96 = arith.muli %scan3A_62, %mul3A_95 : i32
      %add3A_97 = arith.constant 4 : i32
      %add3A_98 = arith.addi %mul3A_96, %add3A_97 : i32
      %lt3A_99 = arith.cmpi slt, %add3A_98, %add3A_4 : i32
      %convert_element_type3A_100 = arith.extui %lt3A_99 : i1 to i32
      %cond3A_101 = arith.constant 0 : i32
      %cond3A_102 = arith.cmpi ne, %convert_element_type3A_100, %cond3A_101 : i32
      scf.if %cond3A_102 {
        %dma_wait3A = arith.constant 0 : i32
        %dma_wait3A_127 = arith.constant 4 : i32
        %dma_wait3A_128 = arith.constant 0 : i32
        %dma_wait3A_129 = arith.constant 0 : i32
        %dma_wait3A_130 = tpu.memref_slice %arg7[%dma_wait3A_127, %dma_wait3A_128, %dma_wait3A_129] : memref<8x128x64xf32, #tpu.memory_space<vmem>> -> memref<1x128x64xf32, #tpu.memory_space<vmem>>
        %dma_wait3A_131 = tpu.memref_squeeze %dma_wait3A_130 : memref<1x128x64xf32, #tpu.memory_space<vmem>> -> memref<128x64xf32, #tpu.memory_space<vmem>>
        %dma_wait3A_132 = arith.constant 0 : i32
        %dma_wait3A_133 = tpu.memref_slice %arg6[%add3A_98, %dma_wait3A, %dma_wait3A_132] : memref<79x2x128xi32, #tpu.memory_space<vmem>> -> memref<1x1x128xi32, #tpu.memory_space<vmem>>
        %dma_wait3A_134 = tpu.memref_squeeze %dma_wait3A_133 : memref<1x1x128xi32, #tpu.memory_space<vmem>> -> memref<128xi32, #tpu.memory_space<vmem>>
        %dma_wait3A_135 = arith.constant 0 : i32
        %dma_wait3A_136 = arith.constant 0 : i32
        %dma_wait3A_137 = tpu.memref_slice %arg2[%dma_wait3A_135, %dma_wait3A_136] : memref<10000x64xf32, #tpu.memory_space<hbm>> -> memref<10000x64xf32, #tpu.memory_space<hbm>>
        tpu.wait_indirect_dma semaphore(%arg9 : memref<!tpu.dma_semaphore, #tpu.memory_space<semaphore_mem>>) src(%dma_wait3A_137 : memref<10000x64xf32, #tpu.memory_space<hbm>>) dst(%dma_wait3A_131 : memref<128x64xf32, #tpu.memory_space<vmem>>)
        %dma_start3A = arith.constant 4 : i32
        %dma_start3A_138 = arith.constant 1 : i32
        %dma_start3A_139 = arith.constant 0 : i32
        %dma_start3A_140 = arith.constant 0 : i32
        %dma_start3A_141 = tpu.memref_slice %arg7[%dma_start3A, %dma_start3A_139, %dma_start3A_140] : memref<8x128x64xf32, #tpu.memory_space<vmem>> -> memref<1x128x64xf32, #tpu.memory_space<vmem>>
        %dma_start3A_142 = tpu.memref_squeeze %dma_start3A_141 : memref<1x128x64xf32, #tpu.memory_space<vmem>> -> memref<128x64xf32, #tpu.memory_space<vmem>>
        %dma_start3A_143 = arith.constant 0 : i32
        %dma_start3A_144 = tpu.memref_slice %arg6[%add3A_98, %dma_start3A_138, %dma_start3A_143] : memref<79x2x128xi32, #tpu.memory_space<vmem>> -> memref<1x1x128xi32, #tpu.memory_space<vmem>>
        %dma_start3A_145 = tpu.memref_squeeze %dma_start3A_144 : memref<1x1x128xi32, #tpu.memory_space<vmem>> -> memref<128xi32, #tpu.memory_space<vmem>>
        %dma_start3A_146 = arith.constant 0 : i32
        %dma_start3A_147 = arith.constant 0 : i32
        %dma_start3A_148 = tpu.memref_slice %arg8[%dma_start3A_146, %dma_start3A_147] : memref<10240x64xf32, #tpu.memory_space<vmem_shared>> -> memref<10240x64xf32, #tpu.memory_space<vmem_shared>>
        tpu.enqueue_indirect_dma source(%dma_start3A_142 : memref<128x64xf32, #tpu.memory_space<vmem>>) target(%dma_start3A_148 : memref<10240x64xf32, #tpu.memory_space<vmem_shared>>) offsets(%dma_start3A_145 : memref<128xi32, #tpu.memory_space<vmem>>) semaphore(%arg10 : memref<!tpu.dma_semaphore, #tpu.memory_space<semaphore_mem>>) {add = true}
        %ge3A_149 = arith.constant 1 : i32
        %ge3A_150 = arith.cmpi sge, %add3A_98, %ge3A_149 : i32
        %convert_element_type3A_151 = arith.extui %ge3A_150 : i1 to i32
        %cond3A_152 = arith.constant 0 : i32
        %cond3A_153 = arith.cmpi ne, %convert_element_type3A_151, %cond3A_152 : i32
        scf.if %cond3A_153 {
          %dma_wait3A_161 = arith.constant 3 : i32
          %dma_wait3A_162 = arith.constant 1 : i32
          %dma_wait3A_163 = arith.constant 0 : i32
          %dma_wait3A_164 = arith.constant 0 : i32
          %dma_wait3A_165 = tpu.memref_slice %arg7[%dma_wait3A_161, %dma_wait3A_163, %dma_wait3A_164] : memref<8x128x64xf32, #tpu.memory_space<vmem>> -> memref<1x128x64xf32, #tpu.memory_space<vmem>>
          %dma_wait3A_166 = tpu.memref_squeeze %dma_wait3A_165 : memref<1x128x64xf32, #tpu.memory_space<vmem>> -> memref<128x64xf32, #tpu.memory_space<vmem>>
          %dma_wait3A_167 = arith.constant 0 : i32
          %dma_wait3A_168 = tpu.memref_slice %arg6[%add3A_98, %dma_wait3A_162, %dma_wait3A_167] : memref<79x2x128xi32, #tpu.memory_space<vmem>> -> memref<1x1x128xi32, #tpu.memory_space<vmem>>
          %dma_wait3A_169 = tpu.memref_squeeze %dma_wait3A_168 : memref<1x1x128xi32, #tpu.memory_space<vmem>> -> memref<128xi32, #tpu.memory_space<vmem>>
          %dma_wait3A_170 = arith.constant 0 : i32
          %dma_wait3A_171 = arith.constant 0 : i32
          %dma_wait3A_172 = tpu.memref_slice %arg8[%dma_wait3A_170, %dma_wait3A_171] : memref<10240x64xf32, #tpu.memory_space<vmem_shared>> -> memref<10240x64xf32, #tpu.memory_space<vmem_shared>>
          tpu.wait_indirect_dma semaphore(%arg10 : memref<!tpu.dma_semaphore, #tpu.memory_space<semaphore_mem>>) src(%dma_wait3A_166 : memref<128x64xf32, #tpu.memory_space<vmem>>) dst(%dma_wait3A_172 : memref<10240x64xf32, #tpu.memory_space<vmem_shared>>)
        } else {
        }
        %add3A_154 = arith.constant 8 : i32
        %add3A_155 = arith.addi %add3A_98, %add3A_154 : i32
        %sub3A = arith.constant 1 : i32
        %sub3A_156 = arith.subi %add3A_155, %sub3A : i32
        %lt3A_157 = arith.cmpi slt, %sub3A_156, %add3A_4 : i32
        %convert_element_type3A_158 = arith.extui %lt3A_157 : i1 to i32
        %cond3A_159 = arith.constant 0 : i32
        %cond3A_160 = arith.cmpi ne, %convert_element_type3A_158, %cond3A_159 : i32
        scf.if %cond3A_160 {
          %add3A_161 = arith.constant 8 : i32
          %add3A_162 = arith.addi %add3A_98, %add3A_161 : i32
          %sub3A_163 = arith.constant 1 : i32
          %sub3A_164 = arith.subi %add3A_162, %sub3A_163 : i32
          %dma_start3A_165 = arith.constant 0 : i32
          %dma_start3A_166 = arith.constant 3 : i32
          %dma_start3A_167 = arith.constant 0 : i32
          %dma_start3A_168 = arith.constant 0 : i32
          %dma_start3A_169 = tpu.memref_slice %arg7[%dma_start3A_166, %dma_start3A_167, %dma_start3A_168] : memref<8x128x64xf32, #tpu.memory_space<vmem>> -> memref<1x128x64xf32, #tpu.memory_space<vmem>>
          %dma_start3A_170 = tpu.memref_squeeze %dma_start3A_169 : memref<1x128x64xf32, #tpu.memory_space<vmem>> -> memref<128x64xf32, #tpu.memory_space<vmem>>
          %dma_start3A_171 = arith.constant 0 : i32
          %dma_start3A_172 = tpu.memref_slice %arg6[%sub3A_164, %dma_start3A_165, %dma_start3A_171] : memref<79x2x128xi32, #tpu.memory_space<vmem>> -> memref<1x1x128xi32, #tpu.memory_space<vmem>>
          %dma_start3A_173 = tpu.memref_squeeze %dma_start3A_172 : memref<1x1x128xi32, #tpu.memory_space<vmem>> -> memref<128xi32, #tpu.memory_space<vmem>>
          %dma_start3A_174 = arith.constant 0 : i32
          %dma_start3A_175 = arith.constant 0 : i32
          %dma_start3A_176 = tpu.memref_slice %arg2[%dma_start3A_174, %dma_start3A_175] : memref<10000x64xf32, #tpu.memory_space<hbm>> -> memref<10000x64xf32, #tpu.memory_space<hbm>>
          tpu.enqueue_indirect_dma source(%dma_start3A_176 : memref<10000x64xf32, #tpu.memory_space<hbm>>) target(%dma_start3A_170 : memref<128x64xf32, #tpu.memory_space<vmem>>) offsets(%dma_start3A_173 : memref<128xi32, #tpu.memory_space<vmem>>) semaphore(%arg9 : memref<!tpu.dma_semaphore, #tpu.memory_space<semaphore_mem>>)
        } else {
        }
      } else {
      }
      %mul3A_103 = arith.constant 8 : i32
      %mul3A_104 = arith.muli %scan3A_62, %mul3A_103 : i32
      %add3A_105 = arith.constant 5 : i32
      %add3A_106 = arith.addi %mul3A_104, %add3A_105 : i32
      %lt3A_107 = arith.cmpi slt, %add3A_106, %add3A_4 : i32
      %convert_element_type3A_108 = arith.extui %lt3A_107 : i1 to i32
      %cond3A_109 = arith.constant 0 : i32
      %cond3A_110 = arith.cmpi ne, %convert_element_type3A_108, %cond3A_109 : i32
      scf.if %cond3A_110 {
        %dma_wait3A = arith.constant 0 : i32
        %dma_wait3A_127 = arith.constant 5 : i32
        %dma_wait3A_128 = arith.constant 0 : i32
        %dma_wait3A_129 = arith.constant 0 : i32
        %dma_wait3A_130 = tpu.memref_slice %arg7[%dma_wait3A_127, %dma_wait3A_128, %dma_wait3A_129] : memref<8x128x64xf32, #tpu.memory_space<vmem>> -> memref<1x128x64xf32, #tpu.memory_space<vmem>>
        %dma_wait3A_131 = tpu.memref_squeeze %dma_wait3A_130 : memref<1x128x64xf32, #tpu.memory_space<vmem>> -> memref<128x64xf32, #tpu.memory_space<vmem>>
        %dma_wait3A_132 = arith.constant 0 : i32
        %dma_wait3A_133 = tpu.memref_slice %arg6[%add3A_106, %dma_wait3A, %dma_wait3A_132] : memref<79x2x128xi32, #tpu.memory_space<vmem>> -> memref<1x1x128xi32, #tpu.memory_space<vmem>>
        %dma_wait3A_134 = tpu.memref_squeeze %dma_wait3A_133 : memref<1x1x128xi32, #tpu.memory_space<vmem>> -> memref<128xi32, #tpu.memory_space<vmem>>
        %dma_wait3A_135 = arith.constant 0 : i32
        %dma_wait3A_136 = arith.constant 0 : i32
        %dma_wait3A_137 = tpu.memref_slice %arg2[%dma_wait3A_135, %dma_wait3A_136] : memref<10000x64xf32, #tpu.memory_space<hbm>> -> memref<10000x64xf32, #tpu.memory_space<hbm>>
        tpu.wait_indirect_dma semaphore(%arg9 : memref<!tpu.dma_semaphore, #tpu.memory_space<semaphore_mem>>) src(%dma_wait3A_137 : memref<10000x64xf32, #tpu.memory_space<hbm>>) dst(%dma_wait3A_131 : memref<128x64xf32, #tpu.memory_space<vmem>>)
        %dma_start3A = arith.constant 5 : i32
        %dma_start3A_138 = arith.constant 1 : i32
        %dma_start3A_139 = arith.constant 0 : i32
        %dma_start3A_140 = arith.constant 0 : i32
        %dma_start3A_141 = tpu.memref_slice %arg7[%dma_start3A, %dma_start3A_139, %dma_start3A_140] : memref<8x128x64xf32, #tpu.memory_space<vmem>> -> memref<1x128x64xf32, #tpu.memory_space<vmem>>
        %dma_start3A_142 = tpu.memref_squeeze %dma_start3A_141 : memref<1x128x64xf32, #tpu.memory_space<vmem>> -> memref<128x64xf32, #tpu.memory_space<vmem>>
        %dma_start3A_143 = arith.constant 0 : i32
        %dma_start3A_144 = tpu.memref_slice %arg6[%add3A_106, %dma_start3A_138, %dma_start3A_143] : memref<79x2x128xi32, #tpu.memory_space<vmem>> -> memref<1x1x128xi32, #tpu.memory_space<vmem>>
        %dma_start3A_145 = tpu.memref_squeeze %dma_start3A_144 : memref<1x1x128xi32, #tpu.memory_space<vmem>> -> memref<128xi32, #tpu.memory_space<vmem>>
        %dma_start3A_146 = arith.constant 0 : i32
        %dma_start3A_147 = arith.constant 0 : i32
        %dma_start3A_148 = tpu.memref_slice %arg8[%dma_start3A_146, %dma_start3A_147] : memref<10240x64xf32, #tpu.memory_space<vmem_shared>> -> memref<10240x64xf32, #tpu.memory_space<vmem_shared>>
        tpu.enqueue_indirect_dma source(%dma_start3A_142 : memref<128x64xf32, #tpu.memory_space<vmem>>) target(%dma_start3A_148 : memref<10240x64xf32, #tpu.memory_space<vmem_shared>>) offsets(%dma_start3A_145 : memref<128xi32, #tpu.memory_space<vmem>>) semaphore(%arg10 : memref<!tpu.dma_semaphore, #tpu.memory_space<semaphore_mem>>) {add = true}
        %ge3A_149 = arith.constant 1 : i32
        %ge3A_150 = arith.cmpi sge, %add3A_106, %ge3A_149 : i32
        %convert_element_type3A_151 = arith.extui %ge3A_150 : i1 to i32
        %cond3A_152 = arith.constant 0 : i32
        %cond3A_153 = arith.cmpi ne, %convert_element_type3A_151, %cond3A_152 : i32
        scf.if %cond3A_153 {
          %dma_wait3A_161 = arith.constant 4 : i32
          %dma_wait3A_162 = arith.constant 1 : i32
          %dma_wait3A_163 = arith.constant 0 : i32
          %dma_wait3A_164 = arith.constant 0 : i32
          %dma_wait3A_165 = tpu.memref_slice %arg7[%dma_wait3A_161, %dma_wait3A_163, %dma_wait3A_164] : memref<8x128x64xf32, #tpu.memory_space<vmem>> -> memref<1x128x64xf32, #tpu.memory_space<vmem>>
          %dma_wait3A_166 = tpu.memref_squeeze %dma_wait3A_165 : memref<1x128x64xf32, #tpu.memory_space<vmem>> -> memref<128x64xf32, #tpu.memory_space<vmem>>
          %dma_wait3A_167 = arith.constant 0 : i32
          %dma_wait3A_168 = tpu.memref_slice %arg6[%add3A_106, %dma_wait3A_162, %dma_wait3A_167] : memref<79x2x128xi32, #tpu.memory_space<vmem>> -> memref<1x1x128xi32, #tpu.memory_space<vmem>>
          %dma_wait3A_169 = tpu.memref_squeeze %dma_wait3A_168 : memref<1x1x128xi32, #tpu.memory_space<vmem>> -> memref<128xi32, #tpu.memory_space<vmem>>
          %dma_wait3A_170 = arith.constant 0 : i32
          %dma_wait3A_171 = arith.constant 0 : i32
          %dma_wait3A_172 = tpu.memref_slice %arg8[%dma_wait3A_170, %dma_wait3A_171] : memref<10240x64xf32, #tpu.memory_space<vmem_shared>> -> memref<10240x64xf32, #tpu.memory_space<vmem_shared>>
          tpu.wait_indirect_dma semaphore(%arg10 : memref<!tpu.dma_semaphore, #tpu.memory_space<semaphore_mem>>) src(%dma_wait3A_166 : memref<128x64xf32, #tpu.memory_space<vmem>>) dst(%dma_wait3A_172 : memref<10240x64xf32, #tpu.memory_space<vmem_shared>>)
        } else {
        }
        %add3A_154 = arith.constant 8 : i32
        %add3A_155 = arith.addi %add3A_106, %add3A_154 : i32
        %sub3A = arith.constant 1 : i32
        %sub3A_156 = arith.subi %add3A_155, %sub3A : i32
        %lt3A_157 = arith.cmpi slt, %sub3A_156, %add3A_4 : i32
        %convert_element_type3A_158 = arith.extui %lt3A_157 : i1 to i32
        %cond3A_159 = arith.constant 0 : i32
        %cond3A_160 = arith.cmpi ne, %convert_element_type3A_158, %cond3A_159 : i32
        scf.if %cond3A_160 {
          %add3A_161 = arith.constant 8 : i32
          %add3A_162 = arith.addi %add3A_106, %add3A_161 : i32
          %sub3A_163 = arith.constant 1 : i32
          %sub3A_164 = arith.subi %add3A_162, %sub3A_163 : i32
          %dma_start3A_165 = arith.constant 0 : i32
          %dma_start3A_166 = arith.constant 4 : i32
          %dma_start3A_167 = arith.constant 0 : i32
          %dma_start3A_168 = arith.constant 0 : i32
          %dma_start3A_169 = tpu.memref_slice %arg7[%dma_start3A_166, %dma_start3A_167, %dma_start3A_168] : memref<8x128x64xf32, #tpu.memory_space<vmem>> -> memref<1x128x64xf32, #tpu.memory_space<vmem>>
          %dma_start3A_170 = tpu.memref_squeeze %dma_start3A_169 : memref<1x128x64xf32, #tpu.memory_space<vmem>> -> memref<128x64xf32, #tpu.memory_space<vmem>>
          %dma_start3A_171 = arith.constant 0 : i32
          %dma_start3A_172 = tpu.memref_slice %arg6[%sub3A_164, %dma_start3A_165, %dma_start3A_171] : memref<79x2x128xi32, #tpu.memory_space<vmem>> -> memref<1x1x128xi32, #tpu.memory_space<vmem>>
          %dma_start3A_173 = tpu.memref_squeeze %dma_start3A_172 : memref<1x1x128xi32, #tpu.memory_space<vmem>> -> memref<128xi32, #tpu.memory_space<vmem>>
          %dma_start3A_174 = arith.constant 0 : i32
          %dma_start3A_175 = arith.constant 0 : i32
          %dma_start3A_176 = tpu.memref_slice %arg2[%dma_start3A_174, %dma_start3A_175] : memref<10000x64xf32, #tpu.memory_space<hbm>> -> memref<10000x64xf32, #tpu.memory_space<hbm>>
          tpu.enqueue_indirect_dma source(%dma_start3A_176 : memref<10000x64xf32, #tpu.memory_space<hbm>>) target(%dma_start3A_170 : memref<128x64xf32, #tpu.memory_space<vmem>>) offsets(%dma_start3A_173 : memref<128xi32, #tpu.memory_space<vmem>>) semaphore(%arg9 : memref<!tpu.dma_semaphore, #tpu.memory_space<semaphore_mem>>)
        } else {
        }
      } else {
      }
      %mul3A_111 = arith.constant 8 : i32
      %mul3A_112 = arith.muli %scan3A_62, %mul3A_111 : i32
      %add3A_113 = arith.constant 6 : i32
      %add3A_114 = arith.addi %mul3A_112, %add3A_113 : i32
      %lt3A_115 = arith.cmpi slt, %add3A_114, %add3A_4 : i32
      %convert_element_type3A_116 = arith.extui %lt3A_115 : i1 to i32
      %cond3A_117 = arith.constant 0 : i32
      %cond3A_118 = arith.cmpi ne, %convert_element_type3A_116, %cond3A_117 : i32
      scf.if %cond3A_118 {
        %dma_wait3A = arith.constant 0 : i32
        %dma_wait3A_127 = arith.constant 6 : i32
        %dma_wait3A_128 = arith.constant 0 : i32
        %dma_wait3A_129 = arith.constant 0 : i32
        %dma_wait3A_130 = tpu.memref_slice %arg7[%dma_wait3A_127, %dma_wait3A_128, %dma_wait3A_129] : memref<8x128x64xf32, #tpu.memory_space<vmem>> -> memref<1x128x64xf32, #tpu.memory_space<vmem>>
        %dma_wait3A_131 = tpu.memref_squeeze %dma_wait3A_130 : memref<1x128x64xf32, #tpu.memory_space<vmem>> -> memref<128x64xf32, #tpu.memory_space<vmem>>
        %dma_wait3A_132 = arith.constant 0 : i32
        %dma_wait3A_133 = tpu.memref_slice %arg6[%add3A_114, %dma_wait3A, %dma_wait3A_132] : memref<79x2x128xi32, #tpu.memory_space<vmem>> -> memref<1x1x128xi32, #tpu.memory_space<vmem>>
        %dma_wait3A_134 = tpu.memref_squeeze %dma_wait3A_133 : memref<1x1x128xi32, #tpu.memory_space<vmem>> -> memref<128xi32, #tpu.memory_space<vmem>>
        %dma_wait3A_135 = arith.constant 0 : i32
        %dma_wait3A_136 = arith.constant 0 : i32
        %dma_wait3A_137 = tpu.memref_slice %arg2[%dma_wait3A_135, %dma_wait3A_136] : memref<10000x64xf32, #tpu.memory_space<hbm>> -> memref<10000x64xf32, #tpu.memory_space<hbm>>
        tpu.wait_indirect_dma semaphore(%arg9 : memref<!tpu.dma_semaphore, #tpu.memory_space<semaphore_mem>>) src(%dma_wait3A_137 : memref<10000x64xf32, #tpu.memory_space<hbm>>) dst(%dma_wait3A_131 : memref<128x64xf32, #tpu.memory_space<vmem>>)
        %dma_start3A = arith.constant 6 : i32
        %dma_start3A_138 = arith.constant 1 : i32
        %dma_start3A_139 = arith.constant 0 : i32
        %dma_start3A_140 = arith.constant 0 : i32
        %dma_start3A_141 = tpu.memref_slice %arg7[%dma_start3A, %dma_start3A_139, %dma_start3A_140] : memref<8x128x64xf32, #tpu.memory_space<vmem>> -> memref<1x128x64xf32, #tpu.memory_space<vmem>>
        %dma_start3A_142 = tpu.memref_squeeze %dma_start3A_141 : memref<1x128x64xf32, #tpu.memory_space<vmem>> -> memref<128x64xf32, #tpu.memory_space<vmem>>
        %dma_start3A_143 = arith.constant 0 : i32
        %dma_start3A_144 = tpu.memref_slice %arg6[%add3A_114, %dma_start3A_138, %dma_start3A_143] : memref<79x2x128xi32, #tpu.memory_space<vmem>> -> memref<1x1x128xi32, #tpu.memory_space<vmem>>
        %dma_start3A_145 = tpu.memref_squeeze %dma_start3A_144 : memref<1x1x128xi32, #tpu.memory_space<vmem>> -> memref<128xi32, #tpu.memory_space<vmem>>
        %dma_start3A_146 = arith.constant 0 : i32
        %dma_start3A_147 = arith.constant 0 : i32
        %dma_start3A_148 = tpu.memref_slice %arg8[%dma_start3A_146, %dma_start3A_147] : memref<10240x64xf32, #tpu.memory_space<vmem_shared>> -> memref<10240x64xf32, #tpu.memory_space<vmem_shared>>
        tpu.enqueue_indirect_dma source(%dma_start3A_142 : memref<128x64xf32, #tpu.memory_space<vmem>>) target(%dma_start3A_148 : memref<10240x64xf32, #tpu.memory_space<vmem_shared>>) offsets(%dma_start3A_145 : memref<128xi32, #tpu.memory_space<vmem>>) semaphore(%arg10 : memref<!tpu.dma_semaphore, #tpu.memory_space<semaphore_mem>>) {add = true}
        %ge3A_149 = arith.constant 1 : i32
        %ge3A_150 = arith.cmpi sge, %add3A_114, %ge3A_149 : i32
        %convert_element_type3A_151 = arith.extui %ge3A_150 : i1 to i32
        %cond3A_152 = arith.constant 0 : i32
        %cond3A_153 = arith.cmpi ne, %convert_element_type3A_151, %cond3A_152 : i32
        scf.if %cond3A_153 {
          %dma_wait3A_161 = arith.constant 5 : i32
          %dma_wait3A_162 = arith.constant 1 : i32
          %dma_wait3A_163 = arith.constant 0 : i32
          %dma_wait3A_164 = arith.constant 0 : i32
          %dma_wait3A_165 = tpu.memref_slice %arg7[%dma_wait3A_161, %dma_wait3A_163, %dma_wait3A_164] : memref<8x128x64xf32, #tpu.memory_space<vmem>> -> memref<1x128x64xf32, #tpu.memory_space<vmem>>
          %dma_wait3A_166 = tpu.memref_squeeze %dma_wait3A_165 : memref<1x128x64xf32, #tpu.memory_space<vmem>> -> memref<128x64xf32, #tpu.memory_space<vmem>>
          %dma_wait3A_167 = arith.constant 0 : i32
          %dma_wait3A_168 = tpu.memref_slice %arg6[%add3A_114, %dma_wait3A_162, %dma_wait3A_167] : memref<79x2x128xi32, #tpu.memory_space<vmem>> -> memref<1x1x128xi32, #tpu.memory_space<vmem>>
          %dma_wait3A_169 = tpu.memref_squeeze %dma_wait3A_168 : memref<1x1x128xi32, #tpu.memory_space<vmem>> -> memref<128xi32, #tpu.memory_space<vmem>>
          %dma_wait3A_170 = arith.constant 0 : i32
          %dma_wait3A_171 = arith.constant 0 : i32
          %dma_wait3A_172 = tpu.memref_slice %arg8[%dma_wait3A_170, %dma_wait3A_171] : memref<10240x64xf32, #tpu.memory_space<vmem_shared>> -> memref<10240x64xf32, #tpu.memory_space<vmem_shared>>
          tpu.wait_indirect_dma semaphore(%arg10 : memref<!tpu.dma_semaphore, #tpu.memory_space<semaphore_mem>>) src(%dma_wait3A_166 : memref<128x64xf32, #tpu.memory_space<vmem>>) dst(%dma_wait3A_172 : memref<10240x64xf32, #tpu.memory_space<vmem_shared>>)
        } else {
        }
        %add3A_154 = arith.constant 8 : i32
        %add3A_155 = arith.addi %add3A_114, %add3A_154 : i32
        %sub3A = arith.constant 1 : i32
        %sub3A_156 = arith.subi %add3A_155, %sub3A : i32
        %lt3A_157 = arith.cmpi slt, %sub3A_156, %add3A_4 : i32
        %convert_element_type3A_158 = arith.extui %lt3A_157 : i1 to i32
        %cond3A_159 = arith.constant 0 : i32
        %cond3A_160 = arith.cmpi ne, %convert_element_type3A_158, %cond3A_159 : i32
        scf.if %cond3A_160 {
          %add3A_161 = arith.constant 8 : i32
          %add3A_162 = arith.addi %add3A_114, %add3A_161 : i32
          %sub3A_163 = arith.constant 1 : i32
          %sub3A_164 = arith.subi %add3A_162, %sub3A_163 : i32
          %dma_start3A_165 = arith.constant 0 : i32
          %dma_start3A_166 = arith.constant 5 : i32
          %dma_start3A_167 = arith.constant 0 : i32
          %dma_start3A_168 = arith.constant 0 : i32
          %dma_start3A_169 = tpu.memref_slice %arg7[%dma_start3A_166, %dma_start3A_167, %dma_start3A_168] : memref<8x128x64xf32, #tpu.memory_space<vmem>> -> memref<1x128x64xf32, #tpu.memory_space<vmem>>
          %dma_start3A_170 = tpu.memref_squeeze %dma_start3A_169 : memref<1x128x64xf32, #tpu.memory_space<vmem>> -> memref<128x64xf32, #tpu.memory_space<vmem>>
          %dma_start3A_171 = arith.constant 0 : i32
          %dma_start3A_172 = tpu.memref_slice %arg6[%sub3A_164, %dma_start3A_165, %dma_start3A_171] : memref<79x2x128xi32, #tpu.memory_space<vmem>> -> memref<1x1x128xi32, #tpu.memory_space<vmem>>
          %dma_start3A_173 = tpu.memref_squeeze %dma_start3A_172 : memref<1x1x128xi32, #tpu.memory_space<vmem>> -> memref<128xi32, #tpu.memory_space<vmem>>
          %dma_start3A_174 = arith.constant 0 : i32
          %dma_start3A_175 = arith.constant 0 : i32
          %dma_start3A_176 = tpu.memref_slice %arg2[%dma_start3A_174, %dma_start3A_175] : memref<10000x64xf32, #tpu.memory_space<hbm>> -> memref<10000x64xf32, #tpu.memory_space<hbm>>
          tpu.enqueue_indirect_dma source(%dma_start3A_176 : memref<10000x64xf32, #tpu.memory_space<hbm>>) target(%dma_start3A_170 : memref<128x64xf32, #tpu.memory_space<vmem>>) offsets(%dma_start3A_173 : memref<128xi32, #tpu.memory_space<vmem>>) semaphore(%arg9 : memref<!tpu.dma_semaphore, #tpu.memory_space<semaphore_mem>>)
        } else {
        }
      } else {
      }
      %mul3A_119 = arith.constant 8 : i32
      %mul3A_120 = arith.muli %scan3A_62, %mul3A_119 : i32
      %add3A_121 = arith.constant 7 : i32
      %add3A_122 = arith.addi %mul3A_120, %add3A_121 : i32
      %lt3A_123 = arith.cmpi slt, %add3A_122, %add3A_4 : i32
      %convert_element_type3A_124 = arith.extui %lt3A_123 : i1 to i32
      %cond3A_125 = arith.constant 0 : i32
      %cond3A_126 = arith.cmpi ne, %convert_element_type3A_124, %cond3A_125 : i32
      scf.if %cond3A_126 {
        %dma_wait3A = arith.constant 0 : i32
        %dma_wait3A_127 = arith.constant 7 : i32
        %dma_wait3A_128 = arith.constant 0 : i32
        %dma_wait3A_129 = arith.constant 0 : i32
        %dma_wait3A_130 = tpu.memref_slice %arg7[%dma_wait3A_127, %dma_wait3A_128, %dma_wait3A_129] : memref<8x128x64xf32, #tpu.memory_space<vmem>> -> memref<1x128x64xf32, #tpu.memory_space<vmem>>
        %dma_wait3A_131 = tpu.memref_squeeze %dma_wait3A_130 : memref<1x128x64xf32, #tpu.memory_space<vmem>> -> memref<128x64xf32, #tpu.memory_space<vmem>>
        %dma_wait3A_132 = arith.constant 0 : i32
        %dma_wait3A_133 = tpu.memref_slice %arg6[%add3A_122, %dma_wait3A, %dma_wait3A_132] : memref<79x2x128xi32, #tpu.memory_space<vmem>> -> memref<1x1x128xi32, #tpu.memory_space<vmem>>
        %dma_wait3A_134 = tpu.memref_squeeze %dma_wait3A_133 : memref<1x1x128xi32, #tpu.memory_space<vmem>> -> memref<128xi32, #tpu.memory_space<vmem>>
        %dma_wait3A_135 = arith.constant 0 : i32
        %dma_wait3A_136 = arith.constant 0 : i32
        %dma_wait3A_137 = tpu.memref_slice %arg2[%dma_wait3A_135, %dma_wait3A_136] : memref<10000x64xf32, #tpu.memory_space<hbm>> -> memref<10000x64xf32, #tpu.memory_space<hbm>>
        tpu.wait_indirect_dma semaphore(%arg9 : memref<!tpu.dma_semaphore, #tpu.memory_space<semaphore_mem>>) src(%dma_wait3A_137 : memref<10000x64xf32, #tpu.memory_space<hbm>>) dst(%dma_wait3A_131 : memref<128x64xf32, #tpu.memory_space<vmem>>)
        %dma_start3A = arith.constant 7 : i32
        %dma_start3A_138 = arith.constant 1 : i32
        %dma_start3A_139 = arith.constant 0 : i32
        %dma_start3A_140 = arith.constant 0 : i32
        %dma_start3A_141 = tpu.memref_slice %arg7[%dma_start3A, %dma_start3A_139, %dma_start3A_140] : memref<8x128x64xf32, #tpu.memory_space<vmem>> -> memref<1x128x64xf32, #tpu.memory_space<vmem>>
        %dma_start3A_142 = tpu.memref_squeeze %dma_start3A_141 : memref<1x128x64xf32, #tpu.memory_space<vmem>> -> memref<128x64xf32, #tpu.memory_space<vmem>>
        %dma_start3A_143 = arith.constant 0 : i32
        %dma_start3A_144 = tpu.memref_slice %arg6[%add3A_122, %dma_start3A_138, %dma_start3A_143] : memref<79x2x128xi32, #tpu.memory_space<vmem>> -> memref<1x1x128xi32, #tpu.memory_space<vmem>>
        %dma_start3A_145 = tpu.memref_squeeze %dma_start3A_144 : memref<1x1x128xi32, #tpu.memory_space<vmem>> -> memref<128xi32, #tpu.memory_space<vmem>>
        %dma_start3A_146 = arith.constant 0 : i32
        %dma_start3A_147 = arith.constant 0 : i32
        %dma_start3A_148 = tpu.memref_slice %arg8[%dma_start3A_146, %dma_start3A_147] : memref<10240x64xf32, #tpu.memory_space<vmem_shared>> -> memref<10240x64xf32, #tpu.memory_space<vmem_shared>>
        tpu.enqueue_indirect_dma source(%dma_start3A_142 : memref<128x64xf32, #tpu.memory_space<vmem>>) target(%dma_start3A_148 : memref<10240x64xf32, #tpu.memory_space<vmem_shared>>) offsets(%dma_start3A_145 : memref<128xi32, #tpu.memory_space<vmem>>) semaphore(%arg10 : memref<!tpu.dma_semaphore, #tpu.memory_space<semaphore_mem>>) {add = true}
        %ge3A_149 = arith.constant 1 : i32
        %ge3A_150 = arith.cmpi sge, %add3A_122, %ge3A_149 : i32
        %convert_element_type3A_151 = arith.extui %ge3A_150 : i1 to i32
        %cond3A_152 = arith.constant 0 : i32
        %cond3A_153 = arith.cmpi ne, %convert_element_type3A_151, %cond3A_152 : i32
        scf.if %cond3A_153 {
          %dma_wait3A_161 = arith.constant 6 : i32
          %dma_wait3A_162 = arith.constant 1 : i32
          %dma_wait3A_163 = arith.constant 0 : i32
          %dma_wait3A_164 = arith.constant 0 : i32
          %dma_wait3A_165 = tpu.memref_slice %arg7[%dma_wait3A_161, %dma_wait3A_163, %dma_wait3A_164] : memref<8x128x64xf32, #tpu.memory_space<vmem>> -> memref<1x128x64xf32, #tpu.memory_space<vmem>>
          %dma_wait3A_166 = tpu.memref_squeeze %dma_wait3A_165 : memref<1x128x64xf32, #tpu.memory_space<vmem>> -> memref<128x64xf32, #tpu.memory_space<vmem>>
          %dma_wait3A_167 = arith.constant 0 : i32
          %dma_wait3A_168 = tpu.memref_slice %arg6[%add3A_122, %dma_wait3A_162, %dma_wait3A_167] : memref<79x2x128xi32, #tpu.memory_space<vmem>> -> memref<1x1x128xi32, #tpu.memory_space<vmem>>
          %dma_wait3A_169 = tpu.memref_squeeze %dma_wait3A_168 : memref<1x1x128xi32, #tpu.memory_space<vmem>> -> memref<128xi32, #tpu.memory_space<vmem>>
          %dma_wait3A_170 = arith.constant 0 : i32
          %dma_wait3A_171 = arith.constant 0 : i32
          %dma_wait3A_172 = tpu.memref_slice %arg8[%dma_wait3A_170, %dma_wait3A_171] : memref<10240x64xf32, #tpu.memory_space<vmem_shared>> -> memref<10240x64xf32, #tpu.memory_space<vmem_shared>>
          tpu.wait_indirect_dma semaphore(%arg10 : memref<!tpu.dma_semaphore, #tpu.memory_space<semaphore_mem>>) src(%dma_wait3A_166 : memref<128x64xf32, #tpu.memory_space<vmem>>) dst(%dma_wait3A_172 : memref<10240x64xf32, #tpu.memory_space<vmem_shared>>)
        } else {
        }
        %add3A_154 = arith.constant 8 : i32
        %add3A_155 = arith.addi %add3A_122, %add3A_154 : i32
        %sub3A = arith.constant 1 : i32
        %sub3A_156 = arith.subi %add3A_155, %sub3A : i32
        %lt3A_157 = arith.cmpi slt, %sub3A_156, %add3A_4 : i32
        %convert_element_type3A_158 = arith.extui %lt3A_157 : i1 to i32
        %cond3A_159 = arith.constant 0 : i32
        %cond3A_160 = arith.cmpi ne, %convert_element_type3A_158, %cond3A_159 : i32
        scf.if %cond3A_160 {
          %add3A_161 = arith.constant 8 : i32
          %add3A_162 = arith.addi %add3A_122, %add3A_161 : i32
          %sub3A_163 = arith.constant 1 : i32
          %sub3A_164 = arith.subi %add3A_162, %sub3A_163 : i32
          %dma_start3A_165 = arith.constant 0 : i32
          %dma_start3A_166 = arith.constant 6 : i32
          %dma_start3A_167 = arith.constant 0 : i32
          %dma_start3A_168 = arith.constant 0 : i32
          %dma_start3A_169 = tpu.memref_slice %arg7[%dma_start3A_166, %dma_start3A_167, %dma_start3A_168] : memref<8x128x64xf32, #tpu.memory_space<vmem>> -> memref<1x128x64xf32, #tpu.memory_space<vmem>>
          %dma_start3A_170 = tpu.memref_squeeze %dma_start3A_169 : memref<1x128x64xf32, #tpu.memory_space<vmem>> -> memref<128x64xf32, #tpu.memory_space<vmem>>
          %dma_start3A_171 = arith.constant 0 : i32
          %dma_start3A_172 = tpu.memref_slice %arg6[%sub3A_164, %dma_start3A_165, %dma_start3A_171] : memref<79x2x128xi32, #tpu.memory_space<vmem>> -> memref<1x1x128xi32, #tpu.memory_space<vmem>>
          %dma_start3A_173 = tpu.memref_squeeze %dma_start3A_172 : memref<1x1x128xi32, #tpu.memory_space<vmem>> -> memref<128xi32, #tpu.memory_space<vmem>>
          %dma_start3A_174 = arith.constant 0 : i32
          %dma_start3A_175 = arith.constant 0 : i32
          %dma_start3A_176 = tpu.memref_slice %arg2[%dma_start3A_174, %dma_start3A_175] : memref<10000x64xf32, #tpu.memory_space<hbm>> -> memref<10000x64xf32, #tpu.memory_space<hbm>>
          tpu.enqueue_indirect_dma source(%dma_start3A_176 : memref<10000x64xf32, #tpu.memory_space<hbm>>) target(%dma_start3A_170 : memref<128x64xf32, #tpu.memory_space<vmem>>) offsets(%dma_start3A_173 : memref<128xi32, #tpu.memory_space<vmem>>) semaphore(%arg9 : memref<!tpu.dma_semaphore, #tpu.memory_space<semaphore_mem>>)
        } else {
        }
      } else {
      }
    }
    %scan3A_52 = arith.constant 10 : i32
    %ge3A = arith.constant 1 : i32
    %ge3A_53 = arith.cmpi sge, %add3A_4, %ge3A : i32
    %convert_element_type3A_54 = arith.extui %ge3A_53 : i1 to i32
    %cond3A_55 = arith.constant 0 : i32
    %cond3A_56 = arith.cmpi ne, %convert_element_type3A_54, %cond3A_55 : i32
    scf.if %cond3A_56 {
      %dma_wait3A = arith.constant 0 : i32
      %dma_wait3A_62 = arith.constant 0 : i32
      %dma_wait3A_63 = arith.constant 1 : i32
      %dma_wait3A_64 = arith.constant 0 : i32
      %dma_wait3A_65 = arith.constant 0 : i32
      %dma_wait3A_66 = tpu.memref_slice %arg7[%dma_wait3A, %dma_wait3A_64, %dma_wait3A_65] : memref<8x128x64xf32, #tpu.memory_space<vmem>> -> memref<1x128x64xf32, #tpu.memory_space<vmem>>
      %dma_wait3A_67 = tpu.memref_squeeze %dma_wait3A_66 : memref<1x128x64xf32, #tpu.memory_space<vmem>> -> memref<128x64xf32, #tpu.memory_space<vmem>>
      %dma_wait3A_68 = arith.constant 0 : i32
      %dma_wait3A_69 = tpu.memref_slice %arg6[%dma_wait3A_62, %dma_wait3A_63, %dma_wait3A_68] : memref<79x2x128xi32, #tpu.memory_space<vmem>> -> memref<1x1x128xi32, #tpu.memory_space<vmem>>
      %dma_wait3A_70 = tpu.memref_squeeze %dma_wait3A_69 : memref<1x1x128xi32, #tpu.memory_space<vmem>> -> memref<128xi32, #tpu.memory_space<vmem>>
      %dma_wait3A_71 = arith.constant 0 : i32
      %dma_wait3A_72 = arith.constant 0 : i32
      %dma_wait3A_73 = tpu.memref_slice %arg8[%dma_wait3A_71, %dma_wait3A_72] : memref<10240x64xf32, #tpu.memory_space<vmem_shared>> -> memref<10240x64xf32, #tpu.memory_space<vmem_shared>>
      tpu.wait_indirect_dma semaphore(%arg10 : memref<!tpu.dma_semaphore, #tpu.memory_space<semaphore_mem>>) src(%dma_wait3A_67 : memref<128x64xf32, #tpu.memory_space<vmem>>) dst(%dma_wait3A_73 : memref<10240x64xf32, #tpu.memory_space<vmem_shared>>)
    } else {
    }
    %barrier3A_57 = arith.constant 0 : index
    tpu.barrier barrier_id(%barrier3A_57)
    %mul3A_58 = arith.constant 640 : i32
    %mul3A_59 = arith.muli %arg1, %mul3A_58 : i32
    %mul3A_60 = arith.constant 640 : i32
    %mul3A_61 = arith.muli %arg1, %mul3A_60 : i32
    "tpu.region"() ({
      %run_scoped3A = tpu.sem_alloc : memref<!tpu.dma_semaphore, #tpu.memory_space<semaphore_mem>>
      %dma_start3A = arith.constant 0 : i32
      %dma_start3A_62 = tpu.memref_slice %arg5[%arg0, %mul3A_61, %dma_start3A] : memref<2x10240x64xf32, #tpu.memory_space<hbm>> -> memref<1x640x64xf32, #tpu.memory_space<hbm>>
      %dma_start3A_63 = tpu.memref_squeeze %dma_start3A_62 : memref<1x640x64xf32, #tpu.memory_space<hbm>> -> memref<640x64xf32, #tpu.memory_space<hbm>>
      %dma_start3A_64 = arith.constant 0 : i32
      %dma_start3A_65 = tpu.memref_slice %arg8[%mul3A_59, %dma_start3A_64] : memref<10240x64xf32, #tpu.memory_space<vmem_shared>> -> memref<640x64xf32, #tpu.memory_space<vmem_shared>>
      tpu.enqueue_dma source(%dma_start3A_65 : memref<640x64xf32, #tpu.memory_space<vmem_shared>>) target(%dma_start3A_63 : memref<640x64xf32, #tpu.memory_space<hbm>>) target_semaphore(%run_scoped3A : memref<!tpu.dma_semaphore, #tpu.memory_space<semaphore_mem>>)
      %dma_wait3A = arith.constant 0 : i32
      %dma_wait3A_66 = tpu.memref_slice %arg5[%arg0, %mul3A_61, %dma_wait3A] : memref<2x10240x64xf32, #tpu.memory_space<hbm>> -> memref<1x640x64xf32, #tpu.memory_space<hbm>>
      %dma_wait3A_67 = tpu.memref_squeeze %dma_wait3A_66 : memref<1x640x64xf32, #tpu.memory_space<hbm>> -> memref<640x64xf32, #tpu.memory_space<hbm>>
      %dma_wait3A_68 = arith.constant 0 : i32
      %dma_wait3A_69 = tpu.memref_slice %arg8[%mul3A_59, %dma_wait3A_68] : memref<10240x64xf32, #tpu.memory_space<vmem_shared>> -> memref<640x64xf32, #tpu.memory_space<vmem_shared>>
      tpu.wait_dma2 semaphore(%run_scoped3A : memref<!tpu.dma_semaphore, #tpu.memory_space<semaphore_mem>>) src(%dma_wait3A_69 : memref<640x64xf32, #tpu.memory_space<vmem_shared>>) dst(%dma_wait3A_67 : memref<640x64xf32, #tpu.memory_space<hbm>>)
      tpu.yield
    }) : () -> ()
    return
  }
}

#map = affine_map<(d0, d1) -> (0, 0)>
#map1 = affine_map<(d0, d1) -> (0, 0, 0)>
module attributes {stable_mosaic.version = 14 : i64} {
  func.func @_msg_body(%arg0: i32, %arg1: i32, %arg2: memref<10000x64xf32, #tpu.memory_space<hbm>>, %arg3: memref<2500x2x128xi32, #tpu.memory_space<hbm>>, %arg4: memref<640x64xf32, #tpu.memory_space<hbm>>, %arg5: memref<2x10240x64xf32, #tpu.memory_space<hbm>>, %arg6: memref<79x2x128xi32, #tpu.memory_space<vmem>>, %arg7: memref<8x128x64xf32, #tpu.memory_space<vmem>>, %arg8: memref<10240x64xf32, #tpu.memory_space<vmem_shared>>, %arg9: memref<!tpu.dma_semaphore, #tpu.memory_space<semaphore_mem>>, %arg10: memref<!tpu.dma_semaphore, #tpu.memory_space<semaphore_mem>>) attributes {dimension_semantics = [#tpu.dimension_semantics<core_parallel>, #tpu.dimension_semantics<subcore_parallel>], iteration_bounds = array<i64: 2, 16>, scalar_prefetch = 0 : i64, scratch_operands = 5 : i64, tpu.core_type = #tpu.core_type<sc_vector_subcore>, window_params = [{transform_indices = #map}, {transform_indices = #map1}, {transform_indices = #map}, {transform_indices = #map1}]} {
    %mul3A = arith.constant 16 : i32
    %mul3A_0 = arith.muli %arg0, %mul3A : i32
    %add3A = arith.addi %mul3A_0, %arg1 : i32
    %lt3A = arith.constant 4 : i32
    %lt3A_1 = arith.cmpi slt, %add3A, %lt3A : i32
    %jit3A = arith.constant 1 : i32
    %jit3A_2 = arith.constant 0 : i32
    %select_n3A = arith.select %lt3A_1, %jit3A, %jit3A_2 : i32
    %add3A_3 = arith.constant 78 : i32
    %add3A_4 = arith.addi %add3A_3, %select_n3A : i32
    %mul3A_5 = arith.constant 78 : i32
    %mul3A_6 = arith.muli %add3A, %mul3A_5 : i32
    %min3A = arith.constant 4 : i32
    %min3A_7 = arith.minsi %add3A, %min3A : i32
    %add3A_8 = arith.addi %mul3A_6, %min3A_7 : i32
    "tpu.region"() ({
      %run_scoped3A = tpu.sem_alloc : memref<!tpu.dma_semaphore, #tpu.memory_space<semaphore_mem>>
      %dma_start3A = arith.constant 0 : i32
      %dma_start3A_62 = arith.constant 0 : i32
      %dma_start3A_63 = arith.constant 0 : i32
      %dma_start3A_64 = tpu.memref_slice %arg6[%dma_start3A, %dma_start3A_62, %dma_start3A_63] : memref<79x2x128xi32, #tpu.memory_space<vmem>> -> memref<78x2x128xi32, #tpu.memory_space<vmem>>
      %dma_start3A_65 = arith.constant 0 : i32
      %dma_start3A_66 = arith.constant 0 : i32
      %dma_start3A_67 = tpu.memref_slice %arg3[%add3A_8, %dma_start3A_65, %dma_start3A_66] : memref<2500x2x128xi32, #tpu.memory_space<hbm>> -> memref<78x2x128xi32, #tpu.memory_space<hbm>>
      %dma_start3A_68 = arith.constant 0 : i32
      %dma_start3A_69 = arith.constant 0 : i32
      %dma_start3A_70 = arith.constant 0 : i32
      %dma_start3A_71 = tpu.memref_slice %arg6[%dma_start3A_68, %dma_start3A_69, %dma_start3A_70] : memref<79x2x128xi32, #tpu.memory_space<vmem>> -> memref<78x2x128xi32, #tpu.memory_space<vmem>>
      %dma_start3A_72 = arith.constant 0 : i32
      %dma_start3A_73 = arith.constant 0 : i32
      %dma_start3A_74 = tpu.memref_slice %arg3[%add3A_8, %dma_start3A_72, %dma_start3A_73] : memref<2500x2x128xi32, #tpu.memory_space<hbm>> -> memref<78x2x128xi32, #tpu.memory_space<hbm>>
      tpu.enqueue_dma source(%dma_start3A_74 : memref<78x2x128xi32, #tpu.memory_space<hbm>>) target(%dma_start3A_71 : memref<78x2x128xi32, #tpu.memory_space<vmem>>) target_semaphore(%run_scoped3A : memref<!tpu.dma_semaphore, #tpu.memory_space<semaphore_mem>>)
      %dma_wait3A = arith.constant 0 : i32
      %dma_wait3A_75 = arith.constant 0 : i32
      %dma_wait3A_76 = arith.constant 0 : i32
      %dma_wait3A_77 = tpu.memref_slice %arg6[%dma_wait3A, %dma_wait3A_75, %dma_wait3A_76] : memref<79x2x128xi32, #tpu.memory_space<vmem>> -> memref<78x2x128xi32, #tpu.memory_space<vmem>>
      %dma_wait3A_78 = arith.constant 0 : i32
      %dma_wait3A_79 = arith.constant 0 : i32
      %dma_wait3A_80 = tpu.memref_slice %arg3[%add3A_8, %dma_wait3A_78, %dma_wait3A_79] : memref<2500x2x128xi32, #tpu.memory_space<hbm>> -> memref<78x2x128xi32, #tpu.memory_space<hbm>>
      %dma_wait3A_81 = arith.constant 0 : i32
      %dma_wait3A_82 = arith.constant 0 : i32
      %dma_wait3A_83 = arith.constant 0 : i32
      %dma_wait3A_84 = tpu.memref_slice %arg6[%dma_wait3A_81, %dma_wait3A_82, %dma_wait3A_83] : memref<79x2x128xi32, #tpu.memory_space<vmem>> -> memref<78x2x128xi32, #tpu.memory_space<vmem>>
      %dma_wait3A_85 = arith.constant 0 : i32
      %dma_wait3A_86 = arith.constant 0 : i32
      %dma_wait3A_87 = tpu.memref_slice %arg3[%add3A_8, %dma_wait3A_85, %dma_wait3A_86] : memref<2500x2x128xi32, #tpu.memory_space<hbm>> -> memref<78x2x128xi32, #tpu.memory_space<hbm>>
      tpu.wait_dma2 semaphore(%run_scoped3A : memref<!tpu.dma_semaphore, #tpu.memory_space<semaphore_mem>>) src(%dma_wait3A_87 : memref<78x2x128xi32, #tpu.memory_space<hbm>>) dst(%dma_wait3A_84 : memref<78x2x128xi32, #tpu.memory_space<vmem>>)
      tpu.yield
    }) : () -> ()
    %lt3A_9 = arith.constant 4 : i32
    %lt3A_10 = arith.cmpi slt, %add3A, %lt3A_9 : i32
    %convert_element_type3A = arith.extui %lt3A_10 : i1 to i32
    %cond3A = arith.constant 0 : i32
    %cond3A_11 = arith.cmpi ne, %convert_element_type3A, %cond3A : i32
    scf.if %cond3A_11 {
      %add3A_62 = arith.constant 78 : i32
      %add3A_63 = arith.addi %add3A_8, %add3A_62 : i32
      "tpu.region"() ({
        %run_scoped3A = tpu.sem_alloc : memref<!tpu.dma_semaphore, #tpu.memory_space<semaphore_mem>>
        %dma_start3A = arith.constant 78 : i32
        %dma_start3A_64 = arith.constant 0 : i32
        %dma_start3A_65 = arith.constant 0 : i32
        %dma_start3A_66 = tpu.memref_slice %arg6[%dma_start3A, %dma_start3A_64, %dma_start3A_65] : memref<79x2x128xi32, #tpu.memory_space<vmem>> -> memref<1x2x128xi32, #tpu.memory_space<vmem>>
        %dma_start3A_67 = arith.constant 0 : i32
        %dma_start3A_68 = arith.constant 0 : i32
        %dma_start3A_69 = tpu.memref_slice %arg3[%add3A_63, %dma_start3A_67, %dma_start3A_68] : memref<2500x2x128xi32, #tpu.memory_space<hbm>> -> memref<1x2x128xi32, #tpu.memory_space<hbm>>
        %dma_start3A_70 = arith.constant 78 : i32
        %dma_start3A_71 = arith.constant 0 : i32
        %dma_start3A_72 = arith.constant 0 : i32
        %dma_start3A_73 = tpu.memref_slice %arg6[%dma_start3A_70, %dma_start3A_71, %dma_start3A_72] : memref<79x2x128xi32, #tpu.memory_space<vmem>> -> memref<1x2x128xi32, #tpu.memory_space<vmem>>
        %dma_start3A_74 = arith.constant 0 : i32
        %dma_start3A_75 = arith.constant 0 : i32
        %dma_start3A_76 = tpu.memref_slice %arg3[%add3A_63, %dma_start3A_74, %dma_start3A_75] : memref<2500x2x128xi32, #tpu.memory_space<hbm>> -> memref<1x2x128xi32, #tpu.memory_space<hbm>>
        tpu.enqueue_dma source(%dma_start3A_76 : memref<1x2x128xi32, #tpu.memory_space<hbm>>) target(%dma_start3A_73 : memref<1x2x128xi32, #tpu.memory_space<vmem>>) target_semaphore(%run_scoped3A : memref<!tpu.dma_semaphore, #tpu.memory_space<semaphore_mem>>)
        %dma_wait3A = arith.constant 78 : i32
        %dma_wait3A_77 = arith.constant 0 : i32
        %dma_wait3A_78 = arith.constant 0 : i32
        %dma_wait3A_79 = tpu.memref_slice %arg6[%dma_wait3A, %dma_wait3A_77, %dma_wait3A_78] : memref<79x2x128xi32, #tpu.memory_space<vmem>> -> memref<1x2x128xi32, #tpu.memory_space<vmem>>
        %dma_wait3A_80 = arith.constant 0 : i32
        %dma_wait3A_81 = arith.constant 0 : i32
        %dma_wait3A_82 = tpu.memref_slice %arg3[%add3A_63, %dma_wait3A_80, %dma_wait3A_81] : memref<2500x2x128xi32, #tpu.memory_space<hbm>> -> memref<1x2x128xi32, #tpu.memory_space<hbm>>
        %dma_wait3A_83 = arith.constant 78 : i32
        %dma_wait3A_84 = arith.constant 0 : i32
        %dma_wait3A_85 = arith.constant 0 : i32
        %dma_wait3A_86 = tpu.memref_slice %arg6[%dma_wait3A_83, %dma_wait3A_84, %dma_wait3A_85] : memref<79x2x128xi32, #tpu.memory_space<vmem>> -> memref<1x2x128xi32, #tpu.memory_space<vmem>>
        %dma_wait3A_87 = arith.constant 0 : i32
        %dma_wait3A_88 = arith.constant 0 : i32
        %dma_wait3A_89 = tpu.memref_slice %arg3[%add3A_63, %dma_wait3A_87, %dma_wait3A_88] : memref<2500x2x128xi32, #tpu.memory_space<hbm>> -> memref<1x2x128xi32, #tpu.memory_space<hbm>>
        tpu.wait_dma2 semaphore(%run_scoped3A : memref<!tpu.dma_semaphore, #tpu.memory_space<semaphore_mem>>) src(%dma_wait3A_89 : memref<1x2x128xi32, #tpu.memory_space<hbm>>) dst(%dma_wait3A_86 : memref<1x2x128xi32, #tpu.memory_space<vmem>>)
        tpu.yield
      }) : () -> ()
    } else {
    }
    %mul3A_12 = arith.constant 640 : i32
    %mul3A_13 = arith.muli %arg1, %mul3A_12 : i32
    "tpu.region"() ({
      %run_scoped3A = tpu.sem_alloc : memref<!tpu.dma_semaphore, #tpu.memory_space<semaphore_mem>>
      %dma_start3A = arith.constant 0 : i32
      %dma_start3A_62 = tpu.memref_slice %arg8[%mul3A_13, %dma_start3A] : memref<10240x64xf32, #tpu.memory_space<vmem_shared>> -> memref<640x64xf32, #tpu.memory_space<vmem_shared>>
      tpu.enqueue_dma source(%arg4 : memref<640x64xf32, #tpu.memory_space<hbm>>) target(%dma_start3A_62 : memref<640x64xf32, #tpu.memory_space<vmem_shared>>) target_semaphore(%run_scoped3A : memref<!tpu.dma_semaphore, #tpu.memory_space<semaphore_mem>>)
      %dma_wait3A = arith.constant 0 : i32
      %dma_wait3A_63 = tpu.memref_slice %arg8[%mul3A_13, %dma_wait3A] : memref<10240x64xf32, #tpu.memory_space<vmem_shared>> -> memref<640x64xf32, #tpu.memory_space<vmem_shared>>
      tpu.wait_dma2 semaphore(%run_scoped3A : memref<!tpu.dma_semaphore, #tpu.memory_space<semaphore_mem>>) src(%arg4 : memref<640x64xf32, #tpu.memory_space<hbm>>) dst(%dma_wait3A_63 : memref<640x64xf32, #tpu.memory_space<vmem_shared>>)
      tpu.yield
    }) : () -> ()
    %barrier3A = arith.constant 0 : index
    tpu.barrier barrier_id(%barrier3A)
    %gt3A = arith.constant 0 : i32
    %gt3A_14 = arith.cmpi sgt, %add3A_4, %gt3A : i32
    %convert_element_type3A_15 = arith.extui %gt3A_14 : i1 to i32
    %cond3A_16 = arith.constant 0 : i32
    %cond3A_17 = arith.cmpi ne, %convert_element_type3A_15, %cond3A_16 : i32
    scf.if %cond3A_17 {
      %dma_start3A = arith.constant 0 : i32
      %dma_start3A_62 = arith.constant 0 : i32
      %dma_start3A_63 = arith.constant 0 : i32
      %dma_start3A_64 = arith.constant 0 : i32
      %dma_start3A_65 = arith.constant 0 : i32
      %dma_start3A_66 = tpu.memref_slice %arg7[%dma_start3A_63, %dma_start3A_64, %dma_start3A_65] : memref<8x128x64xf32, #tpu.memory_space<vmem>> -> memref<1x128x64xf32, #tpu.memory_space<vmem>>
      %dma_start3A_67 = tpu.memref_squeeze %dma_start3A_66 : memref<1x128x64xf32, #tpu.memory_space<vmem>> -> memref<128x64xf32, #tpu.memory_space<vmem>>
      %dma_start3A_68 = arith.constant 0 : i32
      %dma_start3A_69 = tpu.memref_slice %arg6[%dma_start3A, %dma_start3A_62, %dma_start3A_68] : memref<79x2x128xi32, #tpu.memory_space<vmem>> -> memref<1x1x128xi32, #tpu.memory_space<vmem>>
      %dma_start3A_70 = tpu.memref_squeeze %dma_start3A_69 : memref<1x1x128xi32, #tpu.memory_space<vmem>> -> memref<128xi32, #tpu.memory_space<vmem>>
      %dma_start3A_71 = arith.constant 0 : i32
      %dma_start3A_72 = arith.constant 0 : i32
      %dma_start3A_73 = tpu.memref_slice %arg2[%dma_start3A_71, %dma_start3A_72] : memref<10000x64xf32, #tpu.memory_space<hbm>> -> memref<10000x64xf32, #tpu.memory_space<hbm>>
      tpu.enqueue_indirect_dma source(%dma_start3A_73 : memref<10000x64xf32, #tpu.memory_space<hbm>>) target(%dma_start3A_67 : memref<128x64xf32, #tpu.memory_space<vmem>>) offsets(%dma_start3A_70 : memref<128xi32, #tpu.memory_space<vmem>>) semaphore(%arg9 : memref<!tpu.dma_semaphore, #tpu.memory_space<semaphore_mem>>)
    } else {
    }
    %gt3A_18 = arith.constant 1 : i32
    %gt3A_19 = arith.cmpi sgt, %add3A_4, %gt3A_18 : i32
    %convert_element_type3A_20 = arith.extui %gt3A_19 : i1 to i32
    %cond3A_21 = arith.constant 0 : i32
    %cond3A_22 = arith.cmpi ne, %convert_element_type3A_20, %cond3A_21 : i32
    scf.if %cond3A_22 {
      %dma_start3A = arith.constant 1 : i32
      %dma_start3A_62 = arith.constant 0 : i32
      %dma_start3A_63 = arith.constant 1 : i32
      %dma_start3A_64 = arith.constant 0 : i32
      %dma_start3A_65 = arith.constant 0 : i32
      %dma_start3A_66 = tpu.memref_slice %arg7[%dma_start3A_63, %dma_start3A_64, %dma_start3A_65] : memref<8x128x64xf32, #tpu.memory_space<vmem>> -> memref<1x128x64xf32, #tpu.memory_space<vmem>>
      %dma_start3A_67 = tpu.memref_squeeze %dma_start3A_66 : memref<1x128x64xf32, #tpu.memory_space<vmem>> -> memref<128x64xf32, #tpu.memory_space<vmem>>
      %dma_start3A_68 = arith.constant 0 : i32
      %dma_start3A_69 = tpu.memref_slice %arg6[%dma_start3A, %dma_start3A_62, %dma_start3A_68] : memref<79x2x128xi32, #tpu.memory_space<vmem>> -> memref<1x1x128xi32, #tpu.memory_space<vmem>>
      %dma_start3A_70 = tpu.memref_squeeze %dma_start3A_69 : memref<1x1x128xi32, #tpu.memory_space<vmem>> -> memref<128xi32, #tpu.memory_space<vmem>>
      %dma_start3A_71 = arith.constant 0 : i32
      %dma_start3A_72 = arith.constant 0 : i32
      %dma_start3A_73 = tpu.memref_slice %arg2[%dma_start3A_71, %dma_start3A_72] : memref<10000x64xf32, #tpu.memory_space<hbm>> -> memref<10000x64xf32, #tpu.memory_space<hbm>>
      tpu.enqueue_indirect_dma source(%dma_start3A_73 : memref<10000x64xf32, #tpu.memory_space<hbm>>) target(%dma_start3A_67 : memref<128x64xf32, #tpu.memory_space<vmem>>) offsets(%dma_start3A_70 : memref<128xi32, #tpu.memory_space<vmem>>) semaphore(%arg9 : memref<!tpu.dma_semaphore, #tpu.memory_space<semaphore_mem>>)
    } else {
    }
    %gt3A_23 = arith.constant 2 : i32
    %gt3A_24 = arith.cmpi sgt, %add3A_4, %gt3A_23 : i32
    %convert_element_type3A_25 = arith.extui %gt3A_24 : i1 to i32
    %cond3A_26 = arith.constant 0 : i32
    %cond3A_27 = arith.cmpi ne, %convert_element_type3A_25, %cond3A_26 : i32
    scf.if %cond3A_27 {
      %dma_start3A = arith.constant 2 : i32
      %dma_start3A_62 = arith.constant 0 : i32
      %dma_start3A_63 = arith.constant 2 : i32
      %dma_start3A_64 = arith.constant 0 : i32
      %dma_start3A_65 = arith.constant 0 : i32
      %dma_start3A_66 = tpu.memref_slice %arg7[%dma_start3A_63, %dma_start3A_64, %dma_start3A_65] : memref<8x128x64xf32, #tpu.memory_space<vmem>> -> memref<1x128x64xf32, #tpu.memory_space<vmem>>
      %dma_start3A_67 = tpu.memref_squeeze %dma_start3A_66 : memref<1x128x64xf32, #tpu.memory_space<vmem>> -> memref<128x64xf32, #tpu.memory_space<vmem>>
      %dma_start3A_68 = arith.constant 0 : i32
      %dma_start3A_69 = tpu.memref_slice %arg6[%dma_start3A, %dma_start3A_62, %dma_start3A_68] : memref<79x2x128xi32, #tpu.memory_space<vmem>> -> memref<1x1x128xi32, #tpu.memory_space<vmem>>
      %dma_start3A_70 = tpu.memref_squeeze %dma_start3A_69 : memref<1x1x128xi32, #tpu.memory_space<vmem>> -> memref<128xi32, #tpu.memory_space<vmem>>
      %dma_start3A_71 = arith.constant 0 : i32
      %dma_start3A_72 = arith.constant 0 : i32
      %dma_start3A_73 = tpu.memref_slice %arg2[%dma_start3A_71, %dma_start3A_72] : memref<10000x64xf32, #tpu.memory_space<hbm>> -> memref<10000x64xf32, #tpu.memory_space<hbm>>
      tpu.enqueue_indirect_dma source(%dma_start3A_73 : memref<10000x64xf32, #tpu.memory_space<hbm>>) target(%dma_start3A_67 : memref<128x64xf32, #tpu.memory_space<vmem>>) offsets(%dma_start3A_70 : memref<128xi32, #tpu.memory_space<vmem>>) semaphore(%arg9 : memref<!tpu.dma_semaphore, #tpu.memory_space<semaphore_mem>>)
    } else {
    }
    %gt3A_28 = arith.constant 3 : i32
    %gt3A_29 = arith.cmpi sgt, %add3A_4, %gt3A_28 : i32
    %convert_element_type3A_30 = arith.extui %gt3A_29 : i1 to i32
    %cond3A_31 = arith.constant 0 : i32
    %cond3A_32 = arith.cmpi ne, %convert_element_type3A_30, %cond3A_31 : i32
    scf.if %cond3A_32 {
      %dma_start3A = arith.constant 3 : i32
      %dma_start3A_62 = arith.constant 0 : i32
      %dma_start3A_63 = arith.constant 3 : i32
      %dma_start3A_64 = arith.constant 0 : i32
      %dma_start3A_65 = arith.constant 0 : i32
      %dma_start3A_66 = tpu.memref_slice %arg7[%dma_start3A_63, %dma_start3A_64, %dma_start3A_65] : memref<8x128x64xf32, #tpu.memory_space<vmem>> -> memref<1x128x64xf32, #tpu.memory_space<vmem>>
      %dma_start3A_67 = tpu.memref_squeeze %dma_start3A_66 : memref<1x128x64xf32, #tpu.memory_space<vmem>> -> memref<128x64xf32, #tpu.memory_space<vmem>>
      %dma_start3A_68 = arith.constant 0 : i32
      %dma_start3A_69 = tpu.memref_slice %arg6[%dma_start3A, %dma_start3A_62, %dma_start3A_68] : memref<79x2x128xi32, #tpu.memory_space<vmem>> -> memref<1x1x128xi32, #tpu.memory_space<vmem>>
      %dma_start3A_70 = tpu.memref_squeeze %dma_start3A_69 : memref<1x1x128xi32, #tpu.memory_space<vmem>> -> memref<128xi32, #tpu.memory_space<vmem>>
      %dma_start3A_71 = arith.constant 0 : i32
      %dma_start3A_72 = arith.constant 0 : i32
      %dma_start3A_73 = tpu.memref_slice %arg2[%dma_start3A_71, %dma_start3A_72] : memref<10000x64xf32, #tpu.memory_space<hbm>> -> memref<10000x64xf32, #tpu.memory_space<hbm>>
      tpu.enqueue_indirect_dma source(%dma_start3A_73 : memref<10000x64xf32, #tpu.memory_space<hbm>>) target(%dma_start3A_67 : memref<128x64xf32, #tpu.memory_space<vmem>>) offsets(%dma_start3A_70 : memref<128xi32, #tpu.memory_space<vmem>>) semaphore(%arg9 : memref<!tpu.dma_semaphore, #tpu.memory_space<semaphore_mem>>)
    } else {
    }
    %gt3A_33 = arith.constant 4 : i32
    %gt3A_34 = arith.cmpi sgt, %add3A_4, %gt3A_33 : i32
    %convert_element_type3A_35 = arith.extui %gt3A_34 : i1 to i32
    %cond3A_36 = arith.constant 0 : i32
    %cond3A_37 = arith.cmpi ne, %convert_element_type3A_35, %cond3A_36 : i32
    scf.if %cond3A_37 {
      %dma_start3A = arith.constant 4 : i32
      %dma_start3A_62 = arith.constant 0 : i32
      %dma_start3A_63 = arith.constant 4 : i32
      %dma_start3A_64 = arith.constant 0 : i32
      %dma_start3A_65 = arith.constant 0 : i32
      %dma_start3A_66 = tpu.memref_slice %arg7[%dma_start3A_63, %dma_start3A_64, %dma_start3A_65] : memref<8x128x64xf32, #tpu.memory_space<vmem>> -> memref<1x128x64xf32, #tpu.memory_space<vmem>>
      %dma_start3A_67 = tpu.memref_squeeze %dma_start3A_66 : memref<1x128x64xf32, #tpu.memory_space<vmem>> -> memref<128x64xf32, #tpu.memory_space<vmem>>
      %dma_start3A_68 = arith.constant 0 : i32
      %dma_start3A_69 = tpu.memref_slice %arg6[%dma_start3A, %dma_start3A_62, %dma_start3A_68] : memref<79x2x128xi32, #tpu.memory_space<vmem>> -> memref<1x1x128xi32, #tpu.memory_space<vmem>>
      %dma_start3A_70 = tpu.memref_squeeze %dma_start3A_69 : memref<1x1x128xi32, #tpu.memory_space<vmem>> -> memref<128xi32, #tpu.memory_space<vmem>>
      %dma_start3A_71 = arith.constant 0 : i32
      %dma_start3A_72 = arith.constant 0 : i32
      %dma_start3A_73 = tpu.memref_slice %arg2[%dma_start3A_71, %dma_start3A_72] : memref<10000x64xf32, #tpu.memory_space<hbm>> -> memref<10000x64xf32, #tpu.memory_space<hbm>>
      tpu.enqueue_indirect_dma source(%dma_start3A_73 : memref<10000x64xf32, #tpu.memory_space<hbm>>) target(%dma_start3A_67 : memref<128x64xf32, #tpu.memory_space<vmem>>) offsets(%dma_start3A_70 : memref<128xi32, #tpu.memory_space<vmem>>) semaphore(%arg9 : memref<!tpu.dma_semaphore, #tpu.memory_space<semaphore_mem>>)
    } else {
    }
    %gt3A_38 = arith.constant 5 : i32
    %gt3A_39 = arith.cmpi sgt, %add3A_4, %gt3A_38 : i32
    %convert_element_type3A_40 = arith.extui %gt3A_39 : i1 to i32
    %cond3A_41 = arith.constant 0 : i32
    %cond3A_42 = arith.cmpi ne, %convert_element_type3A_40, %cond3A_41 : i32
    scf.if %cond3A_42 {
      %dma_start3A = arith.constant 5 : i32
      %dma_start3A_62 = arith.constant 0 : i32
      %dma_start3A_63 = arith.constant 5 : i32
      %dma_start3A_64 = arith.constant 0 : i32
      %dma_start3A_65 = arith.constant 0 : i32
      %dma_start3A_66 = tpu.memref_slice %arg7[%dma_start3A_63, %dma_start3A_64, %dma_start3A_65] : memref<8x128x64xf32, #tpu.memory_space<vmem>> -> memref<1x128x64xf32, #tpu.memory_space<vmem>>
      %dma_start3A_67 = tpu.memref_squeeze %dma_start3A_66 : memref<1x128x64xf32, #tpu.memory_space<vmem>> -> memref<128x64xf32, #tpu.memory_space<vmem>>
      %dma_start3A_68 = arith.constant 0 : i32
      %dma_start3A_69 = tpu.memref_slice %arg6[%dma_start3A, %dma_start3A_62, %dma_start3A_68] : memref<79x2x128xi32, #tpu.memory_space<vmem>> -> memref<1x1x128xi32, #tpu.memory_space<vmem>>
      %dma_start3A_70 = tpu.memref_squeeze %dma_start3A_69 : memref<1x1x128xi32, #tpu.memory_space<vmem>> -> memref<128xi32, #tpu.memory_space<vmem>>
      %dma_start3A_71 = arith.constant 0 : i32
      %dma_start3A_72 = arith.constant 0 : i32
      %dma_start3A_73 = tpu.memref_slice %arg2[%dma_start3A_71, %dma_start3A_72] : memref<10000x64xf32, #tpu.memory_space<hbm>> -> memref<10000x64xf32, #tpu.memory_space<hbm>>
      tpu.enqueue_indirect_dma source(%dma_start3A_73 : memref<10000x64xf32, #tpu.memory_space<hbm>>) target(%dma_start3A_67 : memref<128x64xf32, #tpu.memory_space<vmem>>) offsets(%dma_start3A_70 : memref<128xi32, #tpu.memory_space<vmem>>) semaphore(%arg9 : memref<!tpu.dma_semaphore, #tpu.memory_space<semaphore_mem>>)
    } else {
    }
    %gt3A_43 = arith.constant 6 : i32
    %gt3A_44 = arith.cmpi sgt, %add3A_4, %gt3A_43 : i32
    %convert_element_type3A_45 = arith.extui %gt3A_44 : i1 to i32
    %cond3A_46 = arith.constant 0 : i32
    %cond3A_47 = arith.cmpi ne, %convert_element_type3A_45, %cond3A_46 : i32
    scf.if %cond3A_47 {
      %dma_start3A = arith.constant 6 : i32
      %dma_start3A_62 = arith.constant 0 : i32
      %dma_start3A_63 = arith.constant 6 : i32
      %dma_start3A_64 = arith.constant 0 : i32
      %dma_start3A_65 = arith.constant 0 : i32
      %dma_start3A_66 = tpu.memref_slice %arg7[%dma_start3A_63, %dma_start3A_64, %dma_start3A_65] : memref<8x128x64xf32, #tpu.memory_space<vmem>> -> memref<1x128x64xf32, #tpu.memory_space<vmem>>
      %dma_start3A_67 = tpu.memref_squeeze %dma_start3A_66 : memref<1x128x64xf32, #tpu.memory_space<vmem>> -> memref<128x64xf32, #tpu.memory_space<vmem>>
      %dma_start3A_68 = arith.constant 0 : i32
      %dma_start3A_69 = tpu.memref_slice %arg6[%dma_start3A, %dma_start3A_62, %dma_start3A_68] : memref<79x2x128xi32, #tpu.memory_space<vmem>> -> memref<1x1x128xi32, #tpu.memory_space<vmem>>
      %dma_start3A_70 = tpu.memref_squeeze %dma_start3A_69 : memref<1x1x128xi32, #tpu.memory_space<vmem>> -> memref<128xi32, #tpu.memory_space<vmem>>
      %dma_start3A_71 = arith.constant 0 : i32
      %dma_start3A_72 = arith.constant 0 : i32
      %dma_start3A_73 = tpu.memref_slice %arg2[%dma_start3A_71, %dma_start3A_72] : memref<10000x64xf32, #tpu.memory_space<hbm>> -> memref<10000x64xf32, #tpu.memory_space<hbm>>
      tpu.enqueue_indirect_dma source(%dma_start3A_73 : memref<10000x64xf32, #tpu.memory_space<hbm>>) target(%dma_start3A_67 : memref<128x64xf32, #tpu.memory_space<vmem>>) offsets(%dma_start3A_70 : memref<128xi32, #tpu.memory_space<vmem>>) semaphore(%arg9 : memref<!tpu.dma_semaphore, #tpu.memory_space<semaphore_mem>>)
    } else {
    }
    %scan3A = arith.constant 0 : i32
    %scan3A_48 = arith.constant 0 : i32
    %scan3A_49 = arith.constant 10 : i32
    %scan3A_50 = arith.addi %scan3A_48, %scan3A_49 : i32
    %scan3A_51 = arith.constant 1 : i32
    scf.for %scan3A_62 = %scan3A_48 to %scan3A_50 step %scan3A_51  : i32 {
      %mul3A_63 = arith.constant 8 : i32
      %mul3A_64 = arith.muli %scan3A_62, %mul3A_63 : i32
      %add3A_65 = arith.constant 0 : i32
      %add3A_66 = arith.addi %mul3A_64, %add3A_65 : i32
      %lt3A_67 = arith.cmpi slt, %add3A_66, %add3A_4 : i32
      %convert_element_type3A_68 = arith.extui %lt3A_67 : i1 to i32
      %cond3A_69 = arith.constant 0 : i32
      %cond3A_70 = arith.cmpi ne, %convert_element_type3A_68, %cond3A_69 : i32
      scf.if %cond3A_70 {
        %dma_wait3A = arith.constant 0 : i32
        %dma_wait3A_127 = arith.constant 0 : i32
        %dma_wait3A_128 = arith.constant 0 : i32
        %dma_wait3A_129 = arith.constant 0 : i32
        %dma_wait3A_130 = tpu.memref_slice %arg7[%dma_wait3A_127, %dma_wait3A_128, %dma_wait3A_129] : memref<8x128x64xf32, #tpu.memory_space<vmem>> -> memref<1x128x64xf32, #tpu.memory_space<vmem>>
        %dma_wait3A_131 = tpu.memref_squeeze %dma_wait3A_130 : memref<1x128x64xf32, #tpu.memory_space<vmem>> -> memref<128x64xf32, #tpu.memory_space<vmem>>
        %dma_wait3A_132 = arith.constant 0 : i32
        %dma_wait3A_133 = tpu.memref_slice %arg6[%add3A_66, %dma_wait3A, %dma_wait3A_132] : memref<79x2x128xi32, #tpu.memory_space<vmem>> -> memref<1x1x128xi32, #tpu.memory_space<vmem>>
        %dma_wait3A_134 = tpu.memref_squeeze %dma_wait3A_133 : memref<1x1x128xi32, #tpu.memory_space<vmem>> -> memref<128xi32, #tpu.memory_space<vmem>>
        %dma_wait3A_135 = arith.constant 0 : i32
        %dma_wait3A_136 = arith.constant 0 : i32
        %dma_wait3A_137 = tpu.memref_slice %arg2[%dma_wait3A_135, %dma_wait3A_136] : memref<10000x64xf32, #tpu.memory_space<hbm>> -> memref<10000x64xf32, #tpu.memory_space<hbm>>
        tpu.wait_indirect_dma semaphore(%arg9 : memref<!tpu.dma_semaphore, #tpu.memory_space<semaphore_mem>>) src(%dma_wait3A_137 : memref<10000x64xf32, #tpu.memory_space<hbm>>) dst(%dma_wait3A_131 : memref<128x64xf32, #tpu.memory_space<vmem>>)
        %dma_start3A = arith.constant 0 : i32
        %dma_start3A_138 = arith.constant 1 : i32
        %dma_start3A_139 = arith.constant 0 : i32
        %dma_start3A_140 = arith.constant 0 : i32
        %dma_start3A_141 = tpu.memref_slice %arg7[%dma_start3A, %dma_start3A_139, %dma_start3A_140] : memref<8x128x64xf32, #tpu.memory_space<vmem>> -> memref<1x128x64xf32, #tpu.memory_space<vmem>>
        %dma_start3A_142 = tpu.memref_squeeze %dma_start3A_141 : memref<1x128x64xf32, #tpu.memory_space<vmem>> -> memref<128x64xf32, #tpu.memory_space<vmem>>
        %dma_start3A_143 = arith.constant 0 : i32
        %dma_start3A_144 = tpu.memref_slice %arg6[%add3A_66, %dma_start3A_138, %dma_start3A_143] : memref<79x2x128xi32, #tpu.memory_space<vmem>> -> memref<1x1x128xi32, #tpu.memory_space<vmem>>
        %dma_start3A_145 = tpu.memref_squeeze %dma_start3A_144 : memref<1x1x128xi32, #tpu.memory_space<vmem>> -> memref<128xi32, #tpu.memory_space<vmem>>
        %dma_start3A_146 = arith.constant 0 : i32
        %dma_start3A_147 = arith.constant 0 : i32
        %dma_start3A_148 = tpu.memref_slice %arg8[%dma_start3A_146, %dma_start3A_147] : memref<10240x64xf32, #tpu.memory_space<vmem_shared>> -> memref<10240x64xf32, #tpu.memory_space<vmem_shared>>
        tpu.enqueue_indirect_dma source(%dma_start3A_142 : memref<128x64xf32, #tpu.memory_space<vmem>>) target(%dma_start3A_148 : memref<10240x64xf32, #tpu.memory_space<vmem_shared>>) offsets(%dma_start3A_145 : memref<128xi32, #tpu.memory_space<vmem>>) semaphore(%arg10 : memref<!tpu.dma_semaphore, #tpu.memory_space<semaphore_mem>>) {add = true}
        %ge3A_149 = arith.constant 1 : i32
        %ge3A_150 = arith.cmpi sge, %add3A_66, %ge3A_149 : i32
        %convert_element_type3A_151 = arith.extui %ge3A_150 : i1 to i32
        %cond3A_152 = arith.constant 0 : i32
        %cond3A_153 = arith.cmpi ne, %convert_element_type3A_151, %cond3A_152 : i32
        scf.if %cond3A_153 {
          %dma_wait3A_161 = arith.constant 7 : i32
          %dma_wait3A_162 = arith.constant 1 : i32
          %dma_wait3A_163 = arith.constant 0 : i32
          %dma_wait3A_164 = arith.constant 0 : i32
          %dma_wait3A_165 = tpu.memref_slice %arg7[%dma_wait3A_161, %dma_wait3A_163, %dma_wait3A_164] : memref<8x128x64xf32, #tpu.memory_space<vmem>> -> memref<1x128x64xf32, #tpu.memory_space<vmem>>
          %dma_wait3A_166 = tpu.memref_squeeze %dma_wait3A_165 : memref<1x128x64xf32, #tpu.memory_space<vmem>> -> memref<128x64xf32, #tpu.memory_space<vmem>>
          %dma_wait3A_167 = arith.constant 0 : i32
          %dma_wait3A_168 = tpu.memref_slice %arg6[%add3A_66, %dma_wait3A_162, %dma_wait3A_167] : memref<79x2x128xi32, #tpu.memory_space<vmem>> -> memref<1x1x128xi32, #tpu.memory_space<vmem>>
          %dma_wait3A_169 = tpu.memref_squeeze %dma_wait3A_168 : memref<1x1x128xi32, #tpu.memory_space<vmem>> -> memref<128xi32, #tpu.memory_space<vmem>>
          %dma_wait3A_170 = arith.constant 0 : i32
          %dma_wait3A_171 = arith.constant 0 : i32
          %dma_wait3A_172 = tpu.memref_slice %arg8[%dma_wait3A_170, %dma_wait3A_171] : memref<10240x64xf32, #tpu.memory_space<vmem_shared>> -> memref<10240x64xf32, #tpu.memory_space<vmem_shared>>
          tpu.wait_indirect_dma semaphore(%arg10 : memref<!tpu.dma_semaphore, #tpu.memory_space<semaphore_mem>>) src(%dma_wait3A_166 : memref<128x64xf32, #tpu.memory_space<vmem>>) dst(%dma_wait3A_172 : memref<10240x64xf32, #tpu.memory_space<vmem_shared>>)
        } else {
        }
        %add3A_154 = arith.constant 8 : i32
        %add3A_155 = arith.addi %add3A_66, %add3A_154 : i32
        %sub3A = arith.constant 1 : i32
        %sub3A_156 = arith.subi %add3A_155, %sub3A : i32
        %lt3A_157 = arith.cmpi slt, %sub3A_156, %add3A_4 : i32
        %convert_element_type3A_158 = arith.extui %lt3A_157 : i1 to i32
        %cond3A_159 = arith.constant 0 : i32
        %cond3A_160 = arith.cmpi ne, %convert_element_type3A_158, %cond3A_159 : i32
        scf.if %cond3A_160 {
          %add3A_161 = arith.constant 8 : i32
          %add3A_162 = arith.addi %add3A_66, %add3A_161 : i32
          %sub3A_163 = arith.constant 1 : i32
          %sub3A_164 = arith.subi %add3A_162, %sub3A_163 : i32
          %dma_start3A_165 = arith.constant 0 : i32
          %dma_start3A_166 = arith.constant 7 : i32
          %dma_start3A_167 = arith.constant 0 : i32
          %dma_start3A_168 = arith.constant 0 : i32
          %dma_start3A_169 = tpu.memref_slice %arg7[%dma_start3A_166, %dma_start3A_167, %dma_start3A_168] : memref<8x128x64xf32, #tpu.memory_space<vmem>> -> memref<1x128x64xf32, #tpu.memory_space<vmem>>
          %dma_start3A_170 = tpu.memref_squeeze %dma_start3A_169 : memref<1x128x64xf32, #tpu.memory_space<vmem>> -> memref<128x64xf32, #tpu.memory_space<vmem>>
          %dma_start3A_171 = arith.constant 0 : i32
          %dma_start3A_172 = tpu.memref_slice %arg6[%sub3A_164, %dma_start3A_165, %dma_start3A_171] : memref<79x2x128xi32, #tpu.memory_space<vmem>> -> memref<1x1x128xi32, #tpu.memory_space<vmem>>
          %dma_start3A_173 = tpu.memref_squeeze %dma_start3A_172 : memref<1x1x128xi32, #tpu.memory_space<vmem>> -> memref<128xi32, #tpu.memory_space<vmem>>
          %dma_start3A_174 = arith.constant 0 : i32
          %dma_start3A_175 = arith.constant 0 : i32
          %dma_start3A_176 = tpu.memref_slice %arg2[%dma_start3A_174, %dma_start3A_175] : memref<10000x64xf32, #tpu.memory_space<hbm>> -> memref<10000x64xf32, #tpu.memory_space<hbm>>
          tpu.enqueue_indirect_dma source(%dma_start3A_176 : memref<10000x64xf32, #tpu.memory_space<hbm>>) target(%dma_start3A_170 : memref<128x64xf32, #tpu.memory_space<vmem>>) offsets(%dma_start3A_173 : memref<128xi32, #tpu.memory_space<vmem>>) semaphore(%arg9 : memref<!tpu.dma_semaphore, #tpu.memory_space<semaphore_mem>>)
        } else {
        }
      } else {
      }
      %mul3A_71 = arith.constant 8 : i32
      %mul3A_72 = arith.muli %scan3A_62, %mul3A_71 : i32
      %add3A_73 = arith.constant 1 : i32
      %add3A_74 = arith.addi %mul3A_72, %add3A_73 : i32
      %lt3A_75 = arith.cmpi slt, %add3A_74, %add3A_4 : i32
      %convert_element_type3A_76 = arith.extui %lt3A_75 : i1 to i32
      %cond3A_77 = arith.constant 0 : i32
      %cond3A_78 = arith.cmpi ne, %convert_element_type3A_76, %cond3A_77 : i32
      scf.if %cond3A_78 {
        %dma_wait3A = arith.constant 0 : i32
        %dma_wait3A_127 = arith.constant 1 : i32
        %dma_wait3A_128 = arith.constant 0 : i32
        %dma_wait3A_129 = arith.constant 0 : i32
        %dma_wait3A_130 = tpu.memref_slice %arg7[%dma_wait3A_127, %dma_wait3A_128, %dma_wait3A_129] : memref<8x128x64xf32, #tpu.memory_space<vmem>> -> memref<1x128x64xf32, #tpu.memory_space<vmem>>
        %dma_wait3A_131 = tpu.memref_squeeze %dma_wait3A_130 : memref<1x128x64xf32, #tpu.memory_space<vmem>> -> memref<128x64xf32, #tpu.memory_space<vmem>>
        %dma_wait3A_132 = arith.constant 0 : i32
        %dma_wait3A_133 = tpu.memref_slice %arg6[%add3A_74, %dma_wait3A, %dma_wait3A_132] : memref<79x2x128xi32, #tpu.memory_space<vmem>> -> memref<1x1x128xi32, #tpu.memory_space<vmem>>
        %dma_wait3A_134 = tpu.memref_squeeze %dma_wait3A_133 : memref<1x1x128xi32, #tpu.memory_space<vmem>> -> memref<128xi32, #tpu.memory_space<vmem>>
        %dma_wait3A_135 = arith.constant 0 : i32
        %dma_wait3A_136 = arith.constant 0 : i32
        %dma_wait3A_137 = tpu.memref_slice %arg2[%dma_wait3A_135, %dma_wait3A_136] : memref<10000x64xf32, #tpu.memory_space<hbm>> -> memref<10000x64xf32, #tpu.memory_space<hbm>>
        tpu.wait_indirect_dma semaphore(%arg9 : memref<!tpu.dma_semaphore, #tpu.memory_space<semaphore_mem>>) src(%dma_wait3A_137 : memref<10000x64xf32, #tpu.memory_space<hbm>>) dst(%dma_wait3A_131 : memref<128x64xf32, #tpu.memory_space<vmem>>)
        %dma_start3A = arith.constant 1 : i32
        %dma_start3A_138 = arith.constant 1 : i32
        %dma_start3A_139 = arith.constant 0 : i32
        %dma_start3A_140 = arith.constant 0 : i32
        %dma_start3A_141 = tpu.memref_slice %arg7[%dma_start3A, %dma_start3A_139, %dma_start3A_140] : memref<8x128x64xf32, #tpu.memory_space<vmem>> -> memref<1x128x64xf32, #tpu.memory_space<vmem>>
        %dma_start3A_142 = tpu.memref_squeeze %dma_start3A_141 : memref<1x128x64xf32, #tpu.memory_space<vmem>> -> memref<128x64xf32, #tpu.memory_space<vmem>>
        %dma_start3A_143 = arith.constant 0 : i32
        %dma_start3A_144 = tpu.memref_slice %arg6[%add3A_74, %dma_start3A_138, %dma_start3A_143] : memref<79x2x128xi32, #tpu.memory_space<vmem>> -> memref<1x1x128xi32, #tpu.memory_space<vmem>>
        %dma_start3A_145 = tpu.memref_squeeze %dma_start3A_144 : memref<1x1x128xi32, #tpu.memory_space<vmem>> -> memref<128xi32, #tpu.memory_space<vmem>>
        %dma_start3A_146 = arith.constant 0 : i32
        %dma_start3A_147 = arith.constant 0 : i32
        %dma_start3A_148 = tpu.memref_slice %arg8[%dma_start3A_146, %dma_start3A_147] : memref<10240x64xf32, #tpu.memory_space<vmem_shared>> -> memref<10240x64xf32, #tpu.memory_space<vmem_shared>>
        tpu.enqueue_indirect_dma source(%dma_start3A_142 : memref<128x64xf32, #tpu.memory_space<vmem>>) target(%dma_start3A_148 : memref<10240x64xf32, #tpu.memory_space<vmem_shared>>) offsets(%dma_start3A_145 : memref<128xi32, #tpu.memory_space<vmem>>) semaphore(%arg10 : memref<!tpu.dma_semaphore, #tpu.memory_space<semaphore_mem>>) {add = true}
        %ge3A_149 = arith.constant 1 : i32
        %ge3A_150 = arith.cmpi sge, %add3A_74, %ge3A_149 : i32
        %convert_element_type3A_151 = arith.extui %ge3A_150 : i1 to i32
        %cond3A_152 = arith.constant 0 : i32
        %cond3A_153 = arith.cmpi ne, %convert_element_type3A_151, %cond3A_152 : i32
        scf.if %cond3A_153 {
          %dma_wait3A_161 = arith.constant 0 : i32
          %dma_wait3A_162 = arith.constant 1 : i32
          %dma_wait3A_163 = arith.constant 0 : i32
          %dma_wait3A_164 = arith.constant 0 : i32
          %dma_wait3A_165 = tpu.memref_slice %arg7[%dma_wait3A_161, %dma_wait3A_163, %dma_wait3A_164] : memref<8x128x64xf32, #tpu.memory_space<vmem>> -> memref<1x128x64xf32, #tpu.memory_space<vmem>>
          %dma_wait3A_166 = tpu.memref_squeeze %dma_wait3A_165 : memref<1x128x64xf32, #tpu.memory_space<vmem>> -> memref<128x64xf32, #tpu.memory_space<vmem>>
          %dma_wait3A_167 = arith.constant 0 : i32
          %dma_wait3A_168 = tpu.memref_slice %arg6[%add3A_74, %dma_wait3A_162, %dma_wait3A_167] : memref<79x2x128xi32, #tpu.memory_space<vmem>> -> memref<1x1x128xi32, #tpu.memory_space<vmem>>
          %dma_wait3A_169 = tpu.memref_squeeze %dma_wait3A_168 : memref<1x1x128xi32, #tpu.memory_space<vmem>> -> memref<128xi32, #tpu.memory_space<vmem>>
          %dma_wait3A_170 = arith.constant 0 : i32
          %dma_wait3A_171 = arith.constant 0 : i32
          %dma_wait3A_172 = tpu.memref_slice %arg8[%dma_wait3A_170, %dma_wait3A_171] : memref<10240x64xf32, #tpu.memory_space<vmem_shared>> -> memref<10240x64xf32, #tpu.memory_space<vmem_shared>>
          tpu.wait_indirect_dma semaphore(%arg10 : memref<!tpu.dma_semaphore, #tpu.memory_space<semaphore_mem>>) src(%dma_wait3A_166 : memref<128x64xf32, #tpu.memory_space<vmem>>) dst(%dma_wait3A_172 : memref<10240x64xf32, #tpu.memory_space<vmem_shared>>)
        } else {
        }
        %add3A_154 = arith.constant 8 : i32
        %add3A_155 = arith.addi %add3A_74, %add3A_154 : i32
        %sub3A = arith.constant 1 : i32
        %sub3A_156 = arith.subi %add3A_155, %sub3A : i32
        %lt3A_157 = arith.cmpi slt, %sub3A_156, %add3A_4 : i32
        %convert_element_type3A_158 = arith.extui %lt3A_157 : i1 to i32
        %cond3A_159 = arith.constant 0 : i32
        %cond3A_160 = arith.cmpi ne, %convert_element_type3A_158, %cond3A_159 : i32
        scf.if %cond3A_160 {
          %add3A_161 = arith.constant 8 : i32
          %add3A_162 = arith.addi %add3A_74, %add3A_161 : i32
          %sub3A_163 = arith.constant 1 : i32
          %sub3A_164 = arith.subi %add3A_162, %sub3A_163 : i32
          %dma_start3A_165 = arith.constant 0 : i32
          %dma_start3A_166 = arith.constant 0 : i32
          %dma_start3A_167 = arith.constant 0 : i32
          %dma_start3A_168 = arith.constant 0 : i32
          %dma_start3A_169 = tpu.memref_slice %arg7[%dma_start3A_166, %dma_start3A_167, %dma_start3A_168] : memref<8x128x64xf32, #tpu.memory_space<vmem>> -> memref<1x128x64xf32, #tpu.memory_space<vmem>>
          %dma_start3A_170 = tpu.memref_squeeze %dma_start3A_169 : memref<1x128x64xf32, #tpu.memory_space<vmem>> -> memref<128x64xf32, #tpu.memory_space<vmem>>
          %dma_start3A_171 = arith.constant 0 : i32
          %dma_start3A_172 = tpu.memref_slice %arg6[%sub3A_164, %dma_start3A_165, %dma_start3A_171] : memref<79x2x128xi32, #tpu.memory_space<vmem>> -> memref<1x1x128xi32, #tpu.memory_space<vmem>>
          %dma_start3A_173 = tpu.memref_squeeze %dma_start3A_172 : memref<1x1x128xi32, #tpu.memory_space<vmem>> -> memref<128xi32, #tpu.memory_space<vmem>>
          %dma_start3A_174 = arith.constant 0 : i32
          %dma_start3A_175 = arith.constant 0 : i32
          %dma_start3A_176 = tpu.memref_slice %arg2[%dma_start3A_174, %dma_start3A_175] : memref<10000x64xf32, #tpu.memory_space<hbm>> -> memref<10000x64xf32, #tpu.memory_space<hbm>>
          tpu.enqueue_indirect_dma source(%dma_start3A_176 : memref<10000x64xf32, #tpu.memory_space<hbm>>) target(%dma_start3A_170 : memref<128x64xf32, #tpu.memory_space<vmem>>) offsets(%dma_start3A_173 : memref<128xi32, #tpu.memory_space<vmem>>) semaphore(%arg9 : memref<!tpu.dma_semaphore, #tpu.memory_space<semaphore_mem>>)
        } else {
        }
      } else {
      }
      %mul3A_79 = arith.constant 8 : i32
      %mul3A_80 = arith.muli %scan3A_62, %mul3A_79 : i32
      %add3A_81 = arith.constant 2 : i32
      %add3A_82 = arith.addi %mul3A_80, %add3A_81 : i32
      %lt3A_83 = arith.cmpi slt, %add3A_82, %add3A_4 : i32
      %convert_element_type3A_84 = arith.extui %lt3A_83 : i1 to i32
      %cond3A_85 = arith.constant 0 : i32
      %cond3A_86 = arith.cmpi ne, %convert_element_type3A_84, %cond3A_85 : i32
      scf.if %cond3A_86 {
        %dma_wait3A = arith.constant 0 : i32
        %dma_wait3A_127 = arith.constant 2 : i32
        %dma_wait3A_128 = arith.constant 0 : i32
        %dma_wait3A_129 = arith.constant 0 : i32
        %dma_wait3A_130 = tpu.memref_slice %arg7[%dma_wait3A_127, %dma_wait3A_128, %dma_wait3A_129] : memref<8x128x64xf32, #tpu.memory_space<vmem>> -> memref<1x128x64xf32, #tpu.memory_space<vmem>>
        %dma_wait3A_131 = tpu.memref_squeeze %dma_wait3A_130 : memref<1x128x64xf32, #tpu.memory_space<vmem>> -> memref<128x64xf32, #tpu.memory_space<vmem>>
        %dma_wait3A_132 = arith.constant 0 : i32
        %dma_wait3A_133 = tpu.memref_slice %arg6[%add3A_82, %dma_wait3A, %dma_wait3A_132] : memref<79x2x128xi32, #tpu.memory_space<vmem>> -> memref<1x1x128xi32, #tpu.memory_space<vmem>>
        %dma_wait3A_134 = tpu.memref_squeeze %dma_wait3A_133 : memref<1x1x128xi32, #tpu.memory_space<vmem>> -> memref<128xi32, #tpu.memory_space<vmem>>
        %dma_wait3A_135 = arith.constant 0 : i32
        %dma_wait3A_136 = arith.constant 0 : i32
        %dma_wait3A_137 = tpu.memref_slice %arg2[%dma_wait3A_135, %dma_wait3A_136] : memref<10000x64xf32, #tpu.memory_space<hbm>> -> memref<10000x64xf32, #tpu.memory_space<hbm>>
        tpu.wait_indirect_dma semaphore(%arg9 : memref<!tpu.dma_semaphore, #tpu.memory_space<semaphore_mem>>) src(%dma_wait3A_137 : memref<10000x64xf32, #tpu.memory_space<hbm>>) dst(%dma_wait3A_131 : memref<128x64xf32, #tpu.memory_space<vmem>>)
        %dma_start3A = arith.constant 2 : i32
        %dma_start3A_138 = arith.constant 1 : i32
        %dma_start3A_139 = arith.constant 0 : i32
        %dma_start3A_140 = arith.constant 0 : i32
        %dma_start3A_141 = tpu.memref_slice %arg7[%dma_start3A, %dma_start3A_139, %dma_start3A_140] : memref<8x128x64xf32, #tpu.memory_space<vmem>> -> memref<1x128x64xf32, #tpu.memory_space<vmem>>
        %dma_start3A_142 = tpu.memref_squeeze %dma_start3A_141 : memref<1x128x64xf32, #tpu.memory_space<vmem>> -> memref<128x64xf32, #tpu.memory_space<vmem>>
        %dma_start3A_143 = arith.constant 0 : i32
        %dma_start3A_144 = tpu.memref_slice %arg6[%add3A_82, %dma_start3A_138, %dma_start3A_143] : memref<79x2x128xi32, #tpu.memory_space<vmem>> -> memref<1x1x128xi32, #tpu.memory_space<vmem>>
        %dma_start3A_145 = tpu.memref_squeeze %dma_start3A_144 : memref<1x1x128xi32, #tpu.memory_space<vmem>> -> memref<128xi32, #tpu.memory_space<vmem>>
        %dma_start3A_146 = arith.constant 0 : i32
        %dma_start3A_147 = arith.constant 0 : i32
        %dma_start3A_148 = tpu.memref_slice %arg8[%dma_start3A_146, %dma_start3A_147] : memref<10240x64xf32, #tpu.memory_space<vmem_shared>> -> memref<10240x64xf32, #tpu.memory_space<vmem_shared>>
        tpu.enqueue_indirect_dma source(%dma_start3A_142 : memref<128x64xf32, #tpu.memory_space<vmem>>) target(%dma_start3A_148 : memref<10240x64xf32, #tpu.memory_space<vmem_shared>>) offsets(%dma_start3A_145 : memref<128xi32, #tpu.memory_space<vmem>>) semaphore(%arg10 : memref<!tpu.dma_semaphore, #tpu.memory_space<semaphore_mem>>) {add = true}
        %ge3A_149 = arith.constant 1 : i32
        %ge3A_150 = arith.cmpi sge, %add3A_82, %ge3A_149 : i32
        %convert_element_type3A_151 = arith.extui %ge3A_150 : i1 to i32
        %cond3A_152 = arith.constant 0 : i32
        %cond3A_153 = arith.cmpi ne, %convert_element_type3A_151, %cond3A_152 : i32
        scf.if %cond3A_153 {
          %dma_wait3A_161 = arith.constant 1 : i32
          %dma_wait3A_162 = arith.constant 1 : i32
          %dma_wait3A_163 = arith.constant 0 : i32
          %dma_wait3A_164 = arith.constant 0 : i32
          %dma_wait3A_165 = tpu.memref_slice %arg7[%dma_wait3A_161, %dma_wait3A_163, %dma_wait3A_164] : memref<8x128x64xf32, #tpu.memory_space<vmem>> -> memref<1x128x64xf32, #tpu.memory_space<vmem>>
          %dma_wait3A_166 = tpu.memref_squeeze %dma_wait3A_165 : memref<1x128x64xf32, #tpu.memory_space<vmem>> -> memref<128x64xf32, #tpu.memory_space<vmem>>
          %dma_wait3A_167 = arith.constant 0 : i32
          %dma_wait3A_168 = tpu.memref_slice %arg6[%add3A_82, %dma_wait3A_162, %dma_wait3A_167] : memref<79x2x128xi32, #tpu.memory_space<vmem>> -> memref<1x1x128xi32, #tpu.memory_space<vmem>>
          %dma_wait3A_169 = tpu.memref_squeeze %dma_wait3A_168 : memref<1x1x128xi32, #tpu.memory_space<vmem>> -> memref<128xi32, #tpu.memory_space<vmem>>
          %dma_wait3A_170 = arith.constant 0 : i32
          %dma_wait3A_171 = arith.constant 0 : i32
          %dma_wait3A_172 = tpu.memref_slice %arg8[%dma_wait3A_170, %dma_wait3A_171] : memref<10240x64xf32, #tpu.memory_space<vmem_shared>> -> memref<10240x64xf32, #tpu.memory_space<vmem_shared>>
          tpu.wait_indirect_dma semaphore(%arg10 : memref<!tpu.dma_semaphore, #tpu.memory_space<semaphore_mem>>) src(%dma_wait3A_166 : memref<128x64xf32, #tpu.memory_space<vmem>>) dst(%dma_wait3A_172 : memref<10240x64xf32, #tpu.memory_space<vmem_shared>>)
        } else {
        }
        %add3A_154 = arith.constant 8 : i32
        %add3A_155 = arith.addi %add3A_82, %add3A_154 : i32
        %sub3A = arith.constant 1 : i32
        %sub3A_156 = arith.subi %add3A_155, %sub3A : i32
        %lt3A_157 = arith.cmpi slt, %sub3A_156, %add3A_4 : i32
        %convert_element_type3A_158 = arith.extui %lt3A_157 : i1 to i32
        %cond3A_159 = arith.constant 0 : i32
        %cond3A_160 = arith.cmpi ne, %convert_element_type3A_158, %cond3A_159 : i32
        scf.if %cond3A_160 {
          %add3A_161 = arith.constant 8 : i32
          %add3A_162 = arith.addi %add3A_82, %add3A_161 : i32
          %sub3A_163 = arith.constant 1 : i32
          %sub3A_164 = arith.subi %add3A_162, %sub3A_163 : i32
          %dma_start3A_165 = arith.constant 0 : i32
          %dma_start3A_166 = arith.constant 1 : i32
          %dma_start3A_167 = arith.constant 0 : i32
          %dma_start3A_168 = arith.constant 0 : i32
          %dma_start3A_169 = tpu.memref_slice %arg7[%dma_start3A_166, %dma_start3A_167, %dma_start3A_168] : memref<8x128x64xf32, #tpu.memory_space<vmem>> -> memref<1x128x64xf32, #tpu.memory_space<vmem>>
          %dma_start3A_170 = tpu.memref_squeeze %dma_start3A_169 : memref<1x128x64xf32, #tpu.memory_space<vmem>> -> memref<128x64xf32, #tpu.memory_space<vmem>>
          %dma_start3A_171 = arith.constant 0 : i32
          %dma_start3A_172 = tpu.memref_slice %arg6[%sub3A_164, %dma_start3A_165, %dma_start3A_171] : memref<79x2x128xi32, #tpu.memory_space<vmem>> -> memref<1x1x128xi32, #tpu.memory_space<vmem>>
          %dma_start3A_173 = tpu.memref_squeeze %dma_start3A_172 : memref<1x1x128xi32, #tpu.memory_space<vmem>> -> memref<128xi32, #tpu.memory_space<vmem>>
          %dma_start3A_174 = arith.constant 0 : i32
          %dma_start3A_175 = arith.constant 0 : i32
          %dma_start3A_176 = tpu.memref_slice %arg2[%dma_start3A_174, %dma_start3A_175] : memref<10000x64xf32, #tpu.memory_space<hbm>> -> memref<10000x64xf32, #tpu.memory_space<hbm>>
          tpu.enqueue_indirect_dma source(%dma_start3A_176 : memref<10000x64xf32, #tpu.memory_space<hbm>>) target(%dma_start3A_170 : memref<128x64xf32, #tpu.memory_space<vmem>>) offsets(%dma_start3A_173 : memref<128xi32, #tpu.memory_space<vmem>>) semaphore(%arg9 : memref<!tpu.dma_semaphore, #tpu.memory_space<semaphore_mem>>)
        } else {
        }
      } else {
      }
      %mul3A_87 = arith.constant 8 : i32
      %mul3A_88 = arith.muli %scan3A_62, %mul3A_87 : i32
      %add3A_89 = arith.constant 3 : i32
      %add3A_90 = arith.addi %mul3A_88, %add3A_89 : i32
      %lt3A_91 = arith.cmpi slt, %add3A_90, %add3A_4 : i32
      %convert_element_type3A_92 = arith.extui %lt3A_91 : i1 to i32
      %cond3A_93 = arith.constant 0 : i32
      %cond3A_94 = arith.cmpi ne, %convert_element_type3A_92, %cond3A_93 : i32
      scf.if %cond3A_94 {
        %dma_wait3A = arith.constant 0 : i32
        %dma_wait3A_127 = arith.constant 3 : i32
        %dma_wait3A_128 = arith.constant 0 : i32
        %dma_wait3A_129 = arith.constant 0 : i32
        %dma_wait3A_130 = tpu.memref_slice %arg7[%dma_wait3A_127, %dma_wait3A_128, %dma_wait3A_129] : memref<8x128x64xf32, #tpu.memory_space<vmem>> -> memref<1x128x64xf32, #tpu.memory_space<vmem>>
        %dma_wait3A_131 = tpu.memref_squeeze %dma_wait3A_130 : memref<1x128x64xf32, #tpu.memory_space<vmem>> -> memref<128x64xf32, #tpu.memory_space<vmem>>
        %dma_wait3A_132 = arith.constant 0 : i32
        %dma_wait3A_133 = tpu.memref_slice %arg6[%add3A_90, %dma_wait3A, %dma_wait3A_132] : memref<79x2x128xi32, #tpu.memory_space<vmem>> -> memref<1x1x128xi32, #tpu.memory_space<vmem>>
        %dma_wait3A_134 = tpu.memref_squeeze %dma_wait3A_133 : memref<1x1x128xi32, #tpu.memory_space<vmem>> -> memref<128xi32, #tpu.memory_space<vmem>>
        %dma_wait3A_135 = arith.constant 0 : i32
        %dma_wait3A_136 = arith.constant 0 : i32
        %dma_wait3A_137 = tpu.memref_slice %arg2[%dma_wait3A_135, %dma_wait3A_136] : memref<10000x64xf32, #tpu.memory_space<hbm>> -> memref<10000x64xf32, #tpu.memory_space<hbm>>
        tpu.wait_indirect_dma semaphore(%arg9 : memref<!tpu.dma_semaphore, #tpu.memory_space<semaphore_mem>>) src(%dma_wait3A_137 : memref<10000x64xf32, #tpu.memory_space<hbm>>) dst(%dma_wait3A_131 : memref<128x64xf32, #tpu.memory_space<vmem>>)
        %dma_start3A = arith.constant 3 : i32
        %dma_start3A_138 = arith.constant 1 : i32
        %dma_start3A_139 = arith.constant 0 : i32
        %dma_start3A_140 = arith.constant 0 : i32
        %dma_start3A_141 = tpu.memref_slice %arg7[%dma_start3A, %dma_start3A_139, %dma_start3A_140] : memref<8x128x64xf32, #tpu.memory_space<vmem>> -> memref<1x128x64xf32, #tpu.memory_space<vmem>>
        %dma_start3A_142 = tpu.memref_squeeze %dma_start3A_141 : memref<1x128x64xf32, #tpu.memory_space<vmem>> -> memref<128x64xf32, #tpu.memory_space<vmem>>
        %dma_start3A_143 = arith.constant 0 : i32
        %dma_start3A_144 = tpu.memref_slice %arg6[%add3A_90, %dma_start3A_138, %dma_start3A_143] : memref<79x2x128xi32, #tpu.memory_space<vmem>> -> memref<1x1x128xi32, #tpu.memory_space<vmem>>
        %dma_start3A_145 = tpu.memref_squeeze %dma_start3A_144 : memref<1x1x128xi32, #tpu.memory_space<vmem>> -> memref<128xi32, #tpu.memory_space<vmem>>
        %dma_start3A_146 = arith.constant 0 : i32
        %dma_start3A_147 = arith.constant 0 : i32
        %dma_start3A_148 = tpu.memref_slice %arg8[%dma_start3A_146, %dma_start3A_147] : memref<10240x64xf32, #tpu.memory_space<vmem_shared>> -> memref<10240x64xf32, #tpu.memory_space<vmem_shared>>
        tpu.enqueue_indirect_dma source(%dma_start3A_142 : memref<128x64xf32, #tpu.memory_space<vmem>>) target(%dma_start3A_148 : memref<10240x64xf32, #tpu.memory_space<vmem_shared>>) offsets(%dma_start3A_145 : memref<128xi32, #tpu.memory_space<vmem>>) semaphore(%arg10 : memref<!tpu.dma_semaphore, #tpu.memory_space<semaphore_mem>>) {add = true}
        %ge3A_149 = arith.constant 1 : i32
        %ge3A_150 = arith.cmpi sge, %add3A_90, %ge3A_149 : i32
        %convert_element_type3A_151 = arith.extui %ge3A_150 : i1 to i32
        %cond3A_152 = arith.constant 0 : i32
        %cond3A_153 = arith.cmpi ne, %convert_element_type3A_151, %cond3A_152 : i32
        scf.if %cond3A_153 {
          %dma_wait3A_161 = arith.constant 2 : i32
          %dma_wait3A_162 = arith.constant 1 : i32
          %dma_wait3A_163 = arith.constant 0 : i32
          %dma_wait3A_164 = arith.constant 0 : i32
          %dma_wait3A_165 = tpu.memref_slice %arg7[%dma_wait3A_161, %dma_wait3A_163, %dma_wait3A_164] : memref<8x128x64xf32, #tpu.memory_space<vmem>> -> memref<1x128x64xf32, #tpu.memory_space<vmem>>
          %dma_wait3A_166 = tpu.memref_squeeze %dma_wait3A_165 : memref<1x128x64xf32, #tpu.memory_space<vmem>> -> memref<128x64xf32, #tpu.memory_space<vmem>>
          %dma_wait3A_167 = arith.constant 0 : i32
          %dma_wait3A_168 = tpu.memref_slice %arg6[%add3A_90, %dma_wait3A_162, %dma_wait3A_167] : memref<79x2x128xi32, #tpu.memory_space<vmem>> -> memref<1x1x128xi32, #tpu.memory_space<vmem>>
          %dma_wait3A_169 = tpu.memref_squeeze %dma_wait3A_168 : memref<1x1x128xi32, #tpu.memory_space<vmem>> -> memref<128xi32, #tpu.memory_space<vmem>>
          %dma_wait3A_170 = arith.constant 0 : i32
          %dma_wait3A_171 = arith.constant 0 : i32
          %dma_wait3A_172 = tpu.memref_slice %arg8[%dma_wait3A_170, %dma_wait3A_171] : memref<10240x64xf32, #tpu.memory_space<vmem_shared>> -> memref<10240x64xf32, #tpu.memory_space<vmem_shared>>
          tpu.wait_indirect_dma semaphore(%arg10 : memref<!tpu.dma_semaphore, #tpu.memory_space<semaphore_mem>>) src(%dma_wait3A_166 : memref<128x64xf32, #tpu.memory_space<vmem>>) dst(%dma_wait3A_172 : memref<10240x64xf32, #tpu.memory_space<vmem_shared>>)
        } else {
        }
        %add3A_154 = arith.constant 8 : i32
        %add3A_155 = arith.addi %add3A_90, %add3A_154 : i32
        %sub3A = arith.constant 1 : i32
        %sub3A_156 = arith.subi %add3A_155, %sub3A : i32
        %lt3A_157 = arith.cmpi slt, %sub3A_156, %add3A_4 : i32
        %convert_element_type3A_158 = arith.extui %lt3A_157 : i1 to i32
        %cond3A_159 = arith.constant 0 : i32
        %cond3A_160 = arith.cmpi ne, %convert_element_type3A_158, %cond3A_159 : i32
        scf.if %cond3A_160 {
          %add3A_161 = arith.constant 8 : i32
          %add3A_162 = arith.addi %add3A_90, %add3A_161 : i32
          %sub3A_163 = arith.constant 1 : i32
          %sub3A_164 = arith.subi %add3A_162, %sub3A_163 : i32
          %dma_start3A_165 = arith.constant 0 : i32
          %dma_start3A_166 = arith.constant 2 : i32
          %dma_start3A_167 = arith.constant 0 : i32
          %dma_start3A_168 = arith.constant 0 : i32
          %dma_start3A_169 = tpu.memref_slice %arg7[%dma_start3A_166, %dma_start3A_167, %dma_start3A_168] : memref<8x128x64xf32, #tpu.memory_space<vmem>> -> memref<1x128x64xf32, #tpu.memory_space<vmem>>
          %dma_start3A_170 = tpu.memref_squeeze %dma_start3A_169 : memref<1x128x64xf32, #tpu.memory_space<vmem>> -> memref<128x64xf32, #tpu.memory_space<vmem>>
          %dma_start3A_171 = arith.constant 0 : i32
          %dma_start3A_172 = tpu.memref_slice %arg6[%sub3A_164, %dma_start3A_165, %dma_start3A_171] : memref<79x2x128xi32, #tpu.memory_space<vmem>> -> memref<1x1x128xi32, #tpu.memory_space<vmem>>
          %dma_start3A_173 = tpu.memref_squeeze %dma_start3A_172 : memref<1x1x128xi32, #tpu.memory_space<vmem>> -> memref<128xi32, #tpu.memory_space<vmem>>
          %dma_start3A_174 = arith.constant 0 : i32
          %dma_start3A_175 = arith.constant 0 : i32
          %dma_start3A_176 = tpu.memref_slice %arg2[%dma_start3A_174, %dma_start3A_175] : memref<10000x64xf32, #tpu.memory_space<hbm>> -> memref<10000x64xf32, #tpu.memory_space<hbm>>
          tpu.enqueue_indirect_dma source(%dma_start3A_176 : memref<10000x64xf32, #tpu.memory_space<hbm>>) target(%dma_start3A_170 : memref<128x64xf32, #tpu.memory_space<vmem>>) offsets(%dma_start3A_173 : memref<128xi32, #tpu.memory_space<vmem>>) semaphore(%arg9 : memref<!tpu.dma_semaphore, #tpu.memory_space<semaphore_mem>>)
        } else {
        }
      } else {
      }
      %mul3A_95 = arith.constant 8 : i32
      %mul3A_96 = arith.muli %scan3A_62, %mul3A_95 : i32
      %add3A_97 = arith.constant 4 : i32
      %add3A_98 = arith.addi %mul3A_96, %add3A_97 : i32
      %lt3A_99 = arith.cmpi slt, %add3A_98, %add3A_4 : i32
      %convert_element_type3A_100 = arith.extui %lt3A_99 : i1 to i32
      %cond3A_101 = arith.constant 0 : i32
      %cond3A_102 = arith.cmpi ne, %convert_element_type3A_100, %cond3A_101 : i32
      scf.if %cond3A_102 {
        %dma_wait3A = arith.constant 0 : i32
        %dma_wait3A_127 = arith.constant 4 : i32
        %dma_wait3A_128 = arith.constant 0 : i32
        %dma_wait3A_129 = arith.constant 0 : i32
        %dma_wait3A_130 = tpu.memref_slice %arg7[%dma_wait3A_127, %dma_wait3A_128, %dma_wait3A_129] : memref<8x128x64xf32, #tpu.memory_space<vmem>> -> memref<1x128x64xf32, #tpu.memory_space<vmem>>
        %dma_wait3A_131 = tpu.memref_squeeze %dma_wait3A_130 : memref<1x128x64xf32, #tpu.memory_space<vmem>> -> memref<128x64xf32, #tpu.memory_space<vmem>>
        %dma_wait3A_132 = arith.constant 0 : i32
        %dma_wait3A_133 = tpu.memref_slice %arg6[%add3A_98, %dma_wait3A, %dma_wait3A_132] : memref<79x2x128xi32, #tpu.memory_space<vmem>> -> memref<1x1x128xi32, #tpu.memory_space<vmem>>
        %dma_wait3A_134 = tpu.memref_squeeze %dma_wait3A_133 : memref<1x1x128xi32, #tpu.memory_space<vmem>> -> memref<128xi32, #tpu.memory_space<vmem>>
        %dma_wait3A_135 = arith.constant 0 : i32
        %dma_wait3A_136 = arith.constant 0 : i32
        %dma_wait3A_137 = tpu.memref_slice %arg2[%dma_wait3A_135, %dma_wait3A_136] : memref<10000x64xf32, #tpu.memory_space<hbm>> -> memref<10000x64xf32, #tpu.memory_space<hbm>>
        tpu.wait_indirect_dma semaphore(%arg9 : memref<!tpu.dma_semaphore, #tpu.memory_space<semaphore_mem>>) src(%dma_wait3A_137 : memref<10000x64xf32, #tpu.memory_space<hbm>>) dst(%dma_wait3A_131 : memref<128x64xf32, #tpu.memory_space<vmem>>)
        %dma_start3A = arith.constant 4 : i32
        %dma_start3A_138 = arith.constant 1 : i32
        %dma_start3A_139 = arith.constant 0 : i32
        %dma_start3A_140 = arith.constant 0 : i32
        %dma_start3A_141 = tpu.memref_slice %arg7[%dma_start3A, %dma_start3A_139, %dma_start3A_140] : memref<8x128x64xf32, #tpu.memory_space<vmem>> -> memref<1x128x64xf32, #tpu.memory_space<vmem>>
        %dma_start3A_142 = tpu.memref_squeeze %dma_start3A_141 : memref<1x128x64xf32, #tpu.memory_space<vmem>> -> memref<128x64xf32, #tpu.memory_space<vmem>>
        %dma_start3A_143 = arith.constant 0 : i32
        %dma_start3A_144 = tpu.memref_slice %arg6[%add3A_98, %dma_start3A_138, %dma_start3A_143] : memref<79x2x128xi32, #tpu.memory_space<vmem>> -> memref<1x1x128xi32, #tpu.memory_space<vmem>>
        %dma_start3A_145 = tpu.memref_squeeze %dma_start3A_144 : memref<1x1x128xi32, #tpu.memory_space<vmem>> -> memref<128xi32, #tpu.memory_space<vmem>>
        %dma_start3A_146 = arith.constant 0 : i32
        %dma_start3A_147 = arith.constant 0 : i32
        %dma_start3A_148 = tpu.memref_slice %arg8[%dma_start3A_146, %dma_start3A_147] : memref<10240x64xf32, #tpu.memory_space<vmem_shared>> -> memref<10240x64xf32, #tpu.memory_space<vmem_shared>>
        tpu.enqueue_indirect_dma source(%dma_start3A_142 : memref<128x64xf32, #tpu.memory_space<vmem>>) target(%dma_start3A_148 : memref<10240x64xf32, #tpu.memory_space<vmem_shared>>) offsets(%dma_start3A_145 : memref<128xi32, #tpu.memory_space<vmem>>) semaphore(%arg10 : memref<!tpu.dma_semaphore, #tpu.memory_space<semaphore_mem>>) {add = true}
        %ge3A_149 = arith.constant 1 : i32
        %ge3A_150 = arith.cmpi sge, %add3A_98, %ge3A_149 : i32
        %convert_element_type3A_151 = arith.extui %ge3A_150 : i1 to i32
        %cond3A_152 = arith.constant 0 : i32
        %cond3A_153 = arith.cmpi ne, %convert_element_type3A_151, %cond3A_152 : i32
        scf.if %cond3A_153 {
          %dma_wait3A_161 = arith.constant 3 : i32
          %dma_wait3A_162 = arith.constant 1 : i32
          %dma_wait3A_163 = arith.constant 0 : i32
          %dma_wait3A_164 = arith.constant 0 : i32
          %dma_wait3A_165 = tpu.memref_slice %arg7[%dma_wait3A_161, %dma_wait3A_163, %dma_wait3A_164] : memref<8x128x64xf32, #tpu.memory_space<vmem>> -> memref<1x128x64xf32, #tpu.memory_space<vmem>>
          %dma_wait3A_166 = tpu.memref_squeeze %dma_wait3A_165 : memref<1x128x64xf32, #tpu.memory_space<vmem>> -> memref<128x64xf32, #tpu.memory_space<vmem>>
          %dma_wait3A_167 = arith.constant 0 : i32
          %dma_wait3A_168 = tpu.memref_slice %arg6[%add3A_98, %dma_wait3A_162, %dma_wait3A_167] : memref<79x2x128xi32, #tpu.memory_space<vmem>> -> memref<1x1x128xi32, #tpu.memory_space<vmem>>
          %dma_wait3A_169 = tpu.memref_squeeze %dma_wait3A_168 : memref<1x1x128xi32, #tpu.memory_space<vmem>> -> memref<128xi32, #tpu.memory_space<vmem>>
          %dma_wait3A_170 = arith.constant 0 : i32
          %dma_wait3A_171 = arith.constant 0 : i32
          %dma_wait3A_172 = tpu.memref_slice %arg8[%dma_wait3A_170, %dma_wait3A_171] : memref<10240x64xf32, #tpu.memory_space<vmem_shared>> -> memref<10240x64xf32, #tpu.memory_space<vmem_shared>>
          tpu.wait_indirect_dma semaphore(%arg10 : memref<!tpu.dma_semaphore, #tpu.memory_space<semaphore_mem>>) src(%dma_wait3A_166 : memref<128x64xf32, #tpu.memory_space<vmem>>) dst(%dma_wait3A_172 : memref<10240x64xf32, #tpu.memory_space<vmem_shared>>)
        } else {
        }
        %add3A_154 = arith.constant 8 : i32
        %add3A_155 = arith.addi %add3A_98, %add3A_154 : i32
        %sub3A = arith.constant 1 : i32
        %sub3A_156 = arith.subi %add3A_155, %sub3A : i32
        %lt3A_157 = arith.cmpi slt, %sub3A_156, %add3A_4 : i32
        %convert_element_type3A_158 = arith.extui %lt3A_157 : i1 to i32
        %cond3A_159 = arith.constant 0 : i32
        %cond3A_160 = arith.cmpi ne, %convert_element_type3A_158, %cond3A_159 : i32
        scf.if %cond3A_160 {
          %add3A_161 = arith.constant 8 : i32
          %add3A_162 = arith.addi %add3A_98, %add3A_161 : i32
          %sub3A_163 = arith.constant 1 : i32
          %sub3A_164 = arith.subi %add3A_162, %sub3A_163 : i32
          %dma_start3A_165 = arith.constant 0 : i32
          %dma_start3A_166 = arith.constant 3 : i32
          %dma_start3A_167 = arith.constant 0 : i32
          %dma_start3A_168 = arith.constant 0 : i32
          %dma_start3A_169 = tpu.memref_slice %arg7[%dma_start3A_166, %dma_start3A_167, %dma_start3A_168] : memref<8x128x64xf32, #tpu.memory_space<vmem>> -> memref<1x128x64xf32, #tpu.memory_space<vmem>>
          %dma_start3A_170 = tpu.memref_squeeze %dma_start3A_169 : memref<1x128x64xf32, #tpu.memory_space<vmem>> -> memref<128x64xf32, #tpu.memory_space<vmem>>
          %dma_start3A_171 = arith.constant 0 : i32
          %dma_start3A_172 = tpu.memref_slice %arg6[%sub3A_164, %dma_start3A_165, %dma_start3A_171] : memref<79x2x128xi32, #tpu.memory_space<vmem>> -> memref<1x1x128xi32, #tpu.memory_space<vmem>>
          %dma_start3A_173 = tpu.memref_squeeze %dma_start3A_172 : memref<1x1x128xi32, #tpu.memory_space<vmem>> -> memref<128xi32, #tpu.memory_space<vmem>>
          %dma_start3A_174 = arith.constant 0 : i32
          %dma_start3A_175 = arith.constant 0 : i32
          %dma_start3A_176 = tpu.memref_slice %arg2[%dma_start3A_174, %dma_start3A_175] : memref<10000x64xf32, #tpu.memory_space<hbm>> -> memref<10000x64xf32, #tpu.memory_space<hbm>>
          tpu.enqueue_indirect_dma source(%dma_start3A_176 : memref<10000x64xf32, #tpu.memory_space<hbm>>) target(%dma_start3A_170 : memref<128x64xf32, #tpu.memory_space<vmem>>) offsets(%dma_start3A_173 : memref<128xi32, #tpu.memory_space<vmem>>) semaphore(%arg9 : memref<!tpu.dma_semaphore, #tpu.memory_space<semaphore_mem>>)
        } else {
        }
      } else {
      }
      %mul3A_103 = arith.constant 8 : i32
      %mul3A_104 = arith.muli %scan3A_62, %mul3A_103 : i32
      %add3A_105 = arith.constant 5 : i32
      %add3A_106 = arith.addi %mul3A_104, %add3A_105 : i32
      %lt3A_107 = arith.cmpi slt, %add3A_106, %add3A_4 : i32
      %convert_element_type3A_108 = arith.extui %lt3A_107 : i1 to i32
      %cond3A_109 = arith.constant 0 : i32
      %cond3A_110 = arith.cmpi ne, %convert_element_type3A_108, %cond3A_109 : i32
      scf.if %cond3A_110 {
        %dma_wait3A = arith.constant 0 : i32
        %dma_wait3A_127 = arith.constant 5 : i32
        %dma_wait3A_128 = arith.constant 0 : i32
        %dma_wait3A_129 = arith.constant 0 : i32
        %dma_wait3A_130 = tpu.memref_slice %arg7[%dma_wait3A_127, %dma_wait3A_128, %dma_wait3A_129] : memref<8x128x64xf32, #tpu.memory_space<vmem>> -> memref<1x128x64xf32, #tpu.memory_space<vmem>>
        %dma_wait3A_131 = tpu.memref_squeeze %dma_wait3A_130 : memref<1x128x64xf32, #tpu.memory_space<vmem>> -> memref<128x64xf32, #tpu.memory_space<vmem>>
        %dma_wait3A_132 = arith.constant 0 : i32
        %dma_wait3A_133 = tpu.memref_slice %arg6[%add3A_106, %dma_wait3A, %dma_wait3A_132] : memref<79x2x128xi32, #tpu.memory_space<vmem>> -> memref<1x1x128xi32, #tpu.memory_space<vmem>>
        %dma_wait3A_134 = tpu.memref_squeeze %dma_wait3A_133 : memref<1x1x128xi32, #tpu.memory_space<vmem>> -> memref<128xi32, #tpu.memory_space<vmem>>
        %dma_wait3A_135 = arith.constant 0 : i32
        %dma_wait3A_136 = arith.constant 0 : i32
        %dma_wait3A_137 = tpu.memref_slice %arg2[%dma_wait3A_135, %dma_wait3A_136] : memref<10000x64xf32, #tpu.memory_space<hbm>> -> memref<10000x64xf32, #tpu.memory_space<hbm>>
        tpu.wait_indirect_dma semaphore(%arg9 : memref<!tpu.dma_semaphore, #tpu.memory_space<semaphore_mem>>) src(%dma_wait3A_137 : memref<10000x64xf32, #tpu.memory_space<hbm>>) dst(%dma_wait3A_131 : memref<128x64xf32, #tpu.memory_space<vmem>>)
        %dma_start3A = arith.constant 5 : i32
        %dma_start3A_138 = arith.constant 1 : i32
        %dma_start3A_139 = arith.constant 0 : i32
        %dma_start3A_140 = arith.constant 0 : i32
        %dma_start3A_141 = tpu.memref_slice %arg7[%dma_start3A, %dma_start3A_139, %dma_start3A_140] : memref<8x128x64xf32, #tpu.memory_space<vmem>> -> memref<1x128x64xf32, #tpu.memory_space<vmem>>
        %dma_start3A_142 = tpu.memref_squeeze %dma_start3A_141 : memref<1x128x64xf32, #tpu.memory_space<vmem>> -> memref<128x64xf32, #tpu.memory_space<vmem>>
        %dma_start3A_143 = arith.constant 0 : i32
        %dma_start3A_144 = tpu.memref_slice %arg6[%add3A_106, %dma_start3A_138, %dma_start3A_143] : memref<79x2x128xi32, #tpu.memory_space<vmem>> -> memref<1x1x128xi32, #tpu.memory_space<vmem>>
        %dma_start3A_145 = tpu.memref_squeeze %dma_start3A_144 : memref<1x1x128xi32, #tpu.memory_space<vmem>> -> memref<128xi32, #tpu.memory_space<vmem>>
        %dma_start3A_146 = arith.constant 0 : i32
        %dma_start3A_147 = arith.constant 0 : i32
        %dma_start3A_148 = tpu.memref_slice %arg8[%dma_start3A_146, %dma_start3A_147] : memref<10240x64xf32, #tpu.memory_space<vmem_shared>> -> memref<10240x64xf32, #tpu.memory_space<vmem_shared>>
        tpu.enqueue_indirect_dma source(%dma_start3A_142 : memref<128x64xf32, #tpu.memory_space<vmem>>) target(%dma_start3A_148 : memref<10240x64xf32, #tpu.memory_space<vmem_shared>>) offsets(%dma_start3A_145 : memref<128xi32, #tpu.memory_space<vmem>>) semaphore(%arg10 : memref<!tpu.dma_semaphore, #tpu.memory_space<semaphore_mem>>) {add = true}
        %ge3A_149 = arith.constant 1 : i32
        %ge3A_150 = arith.cmpi sge, %add3A_106, %ge3A_149 : i32
        %convert_element_type3A_151 = arith.extui %ge3A_150 : i1 to i32
        %cond3A_152 = arith.constant 0 : i32
        %cond3A_153 = arith.cmpi ne, %convert_element_type3A_151, %cond3A_152 : i32
        scf.if %cond3A_153 {
          %dma_wait3A_161 = arith.constant 4 : i32
          %dma_wait3A_162 = arith.constant 1 : i32
          %dma_wait3A_163 = arith.constant 0 : i32
          %dma_wait3A_164 = arith.constant 0 : i32
          %dma_wait3A_165 = tpu.memref_slice %arg7[%dma_wait3A_161, %dma_wait3A_163, %dma_wait3A_164] : memref<8x128x64xf32, #tpu.memory_space<vmem>> -> memref<1x128x64xf32, #tpu.memory_space<vmem>>
          %dma_wait3A_166 = tpu.memref_squeeze %dma_wait3A_165 : memref<1x128x64xf32, #tpu.memory_space<vmem>> -> memref<128x64xf32, #tpu.memory_space<vmem>>
          %dma_wait3A_167 = arith.constant 0 : i32
          %dma_wait3A_168 = tpu.memref_slice %arg6[%add3A_106, %dma_wait3A_162, %dma_wait3A_167] : memref<79x2x128xi32, #tpu.memory_space<vmem>> -> memref<1x1x128xi32, #tpu.memory_space<vmem>>
          %dma_wait3A_169 = tpu.memref_squeeze %dma_wait3A_168 : memref<1x1x128xi32, #tpu.memory_space<vmem>> -> memref<128xi32, #tpu.memory_space<vmem>>
          %dma_wait3A_170 = arith.constant 0 : i32
          %dma_wait3A_171 = arith.constant 0 : i32
          %dma_wait3A_172 = tpu.memref_slice %arg8[%dma_wait3A_170, %dma_wait3A_171] : memref<10240x64xf32, #tpu.memory_space<vmem_shared>> -> memref<10240x64xf32, #tpu.memory_space<vmem_shared>>
          tpu.wait_indirect_dma semaphore(%arg10 : memref<!tpu.dma_semaphore, #tpu.memory_space<semaphore_mem>>) src(%dma_wait3A_166 : memref<128x64xf32, #tpu.memory_space<vmem>>) dst(%dma_wait3A_172 : memref<10240x64xf32, #tpu.memory_space<vmem_shared>>)
        } else {
        }
        %add3A_154 = arith.constant 8 : i32
        %add3A_155 = arith.addi %add3A_106, %add3A_154 : i32
        %sub3A = arith.constant 1 : i32
        %sub3A_156 = arith.subi %add3A_155, %sub3A : i32
        %lt3A_157 = arith.cmpi slt, %sub3A_156, %add3A_4 : i32
        %convert_element_type3A_158 = arith.extui %lt3A_157 : i1 to i32
        %cond3A_159 = arith.constant 0 : i32
        %cond3A_160 = arith.cmpi ne, %convert_element_type3A_158, %cond3A_159 : i32
        scf.if %cond3A_160 {
          %add3A_161 = arith.constant 8 : i32
          %add3A_162 = arith.addi %add3A_106, %add3A_161 : i32
          %sub3A_163 = arith.constant 1 : i32
          %sub3A_164 = arith.subi %add3A_162, %sub3A_163 : i32
          %dma_start3A_165 = arith.constant 0 : i32
          %dma_start3A_166 = arith.constant 4 : i32
          %dma_start3A_167 = arith.constant 0 : i32
          %dma_start3A_168 = arith.constant 0 : i32
          %dma_start3A_169 = tpu.memref_slice %arg7[%dma_start3A_166, %dma_start3A_167, %dma_start3A_168] : memref<8x128x64xf32, #tpu.memory_space<vmem>> -> memref<1x128x64xf32, #tpu.memory_space<vmem>>
          %dma_start3A_170 = tpu.memref_squeeze %dma_start3A_169 : memref<1x128x64xf32, #tpu.memory_space<vmem>> -> memref<128x64xf32, #tpu.memory_space<vmem>>
          %dma_start3A_171 = arith.constant 0 : i32
          %dma_start3A_172 = tpu.memref_slice %arg6[%sub3A_164, %dma_start3A_165, %dma_start3A_171] : memref<79x2x128xi32, #tpu.memory_space<vmem>> -> memref<1x1x128xi32, #tpu.memory_space<vmem>>
          %dma_start3A_173 = tpu.memref_squeeze %dma_start3A_172 : memref<1x1x128xi32, #tpu.memory_space<vmem>> -> memref<128xi32, #tpu.memory_space<vmem>>
          %dma_start3A_174 = arith.constant 0 : i32
          %dma_start3A_175 = arith.constant 0 : i32
          %dma_start3A_176 = tpu.memref_slice %arg2[%dma_start3A_174, %dma_start3A_175] : memref<10000x64xf32, #tpu.memory_space<hbm>> -> memref<10000x64xf32, #tpu.memory_space<hbm>>
          tpu.enqueue_indirect_dma source(%dma_start3A_176 : memref<10000x64xf32, #tpu.memory_space<hbm>>) target(%dma_start3A_170 : memref<128x64xf32, #tpu.memory_space<vmem>>) offsets(%dma_start3A_173 : memref<128xi32, #tpu.memory_space<vmem>>) semaphore(%arg9 : memref<!tpu.dma_semaphore, #tpu.memory_space<semaphore_mem>>)
        } else {
        }
      } else {
      }
      %mul3A_111 = arith.constant 8 : i32
      %mul3A_112 = arith.muli %scan3A_62, %mul3A_111 : i32
      %add3A_113 = arith.constant 6 : i32
      %add3A_114 = arith.addi %mul3A_112, %add3A_113 : i32
      %lt3A_115 = arith.cmpi slt, %add3A_114, %add3A_4 : i32
      %convert_element_type3A_116 = arith.extui %lt3A_115 : i1 to i32
      %cond3A_117 = arith.constant 0 : i32
      %cond3A_118 = arith.cmpi ne, %convert_element_type3A_116, %cond3A_117 : i32
      scf.if %cond3A_118 {
        %dma_wait3A = arith.constant 0 : i32
        %dma_wait3A_127 = arith.constant 6 : i32
        %dma_wait3A_128 = arith.constant 0 : i32
        %dma_wait3A_129 = arith.constant 0 : i32
        %dma_wait3A_130 = tpu.memref_slice %arg7[%dma_wait3A_127, %dma_wait3A_128, %dma_wait3A_129] : memref<8x128x64xf32, #tpu.memory_space<vmem>> -> memref<1x128x64xf32, #tpu.memory_space<vmem>>
        %dma_wait3A_131 = tpu.memref_squeeze %dma_wait3A_130 : memref<1x128x64xf32, #tpu.memory_space<vmem>> -> memref<128x64xf32, #tpu.memory_space<vmem>>
        %dma_wait3A_132 = arith.constant 0 : i32
        %dma_wait3A_133 = tpu.memref_slice %arg6[%add3A_114, %dma_wait3A, %dma_wait3A_132] : memref<79x2x128xi32, #tpu.memory_space<vmem>> -> memref<1x1x128xi32, #tpu.memory_space<vmem>>
        %dma_wait3A_134 = tpu.memref_squeeze %dma_wait3A_133 : memref<1x1x128xi32, #tpu.memory_space<vmem>> -> memref<128xi32, #tpu.memory_space<vmem>>
        %dma_wait3A_135 = arith.constant 0 : i32
        %dma_wait3A_136 = arith.constant 0 : i32
        %dma_wait3A_137 = tpu.memref_slice %arg2[%dma_wait3A_135, %dma_wait3A_136] : memref<10000x64xf32, #tpu.memory_space<hbm>> -> memref<10000x64xf32, #tpu.memory_space<hbm>>
        tpu.wait_indirect_dma semaphore(%arg9 : memref<!tpu.dma_semaphore, #tpu.memory_space<semaphore_mem>>) src(%dma_wait3A_137 : memref<10000x64xf32, #tpu.memory_space<hbm>>) dst(%dma_wait3A_131 : memref<128x64xf32, #tpu.memory_space<vmem>>)
        %dma_start3A = arith.constant 6 : i32
        %dma_start3A_138 = arith.constant 1 : i32
        %dma_start3A_139 = arith.constant 0 : i32
        %dma_start3A_140 = arith.constant 0 : i32
        %dma_start3A_141 = tpu.memref_slice %arg7[%dma_start3A, %dma_start3A_139, %dma_start3A_140] : memref<8x128x64xf32, #tpu.memory_space<vmem>> -> memref<1x128x64xf32, #tpu.memory_space<vmem>>
        %dma_start3A_142 = tpu.memref_squeeze %dma_start3A_141 : memref<1x128x64xf32, #tpu.memory_space<vmem>> -> memref<128x64xf32, #tpu.memory_space<vmem>>
        %dma_start3A_143 = arith.constant 0 : i32
        %dma_start3A_144 = tpu.memref_slice %arg6[%add3A_114, %dma_start3A_138, %dma_start3A_143] : memref<79x2x128xi32, #tpu.memory_space<vmem>> -> memref<1x1x128xi32, #tpu.memory_space<vmem>>
        %dma_start3A_145 = tpu.memref_squeeze %dma_start3A_144 : memref<1x1x128xi32, #tpu.memory_space<vmem>> -> memref<128xi32, #tpu.memory_space<vmem>>
        %dma_start3A_146 = arith.constant 0 : i32
        %dma_start3A_147 = arith.constant 0 : i32
        %dma_start3A_148 = tpu.memref_slice %arg8[%dma_start3A_146, %dma_start3A_147] : memref<10240x64xf32, #tpu.memory_space<vmem_shared>> -> memref<10240x64xf32, #tpu.memory_space<vmem_shared>>
        tpu.enqueue_indirect_dma source(%dma_start3A_142 : memref<128x64xf32, #tpu.memory_space<vmem>>) target(%dma_start3A_148 : memref<10240x64xf32, #tpu.memory_space<vmem_shared>>) offsets(%dma_start3A_145 : memref<128xi32, #tpu.memory_space<vmem>>) semaphore(%arg10 : memref<!tpu.dma_semaphore, #tpu.memory_space<semaphore_mem>>) {add = true}
        %ge3A_149 = arith.constant 1 : i32
        %ge3A_150 = arith.cmpi sge, %add3A_114, %ge3A_149 : i32
        %convert_element_type3A_151 = arith.extui %ge3A_150 : i1 to i32
        %cond3A_152 = arith.constant 0 : i32
        %cond3A_153 = arith.cmpi ne, %convert_element_type3A_151, %cond3A_152 : i32
        scf.if %cond3A_153 {
          %dma_wait3A_161 = arith.constant 5 : i32
          %dma_wait3A_162 = arith.constant 1 : i32
          %dma_wait3A_163 = arith.constant 0 : i32
          %dma_wait3A_164 = arith.constant 0 : i32
          %dma_wait3A_165 = tpu.memref_slice %arg7[%dma_wait3A_161, %dma_wait3A_163, %dma_wait3A_164] : memref<8x128x64xf32, #tpu.memory_space<vmem>> -> memref<1x128x64xf32, #tpu.memory_space<vmem>>
          %dma_wait3A_166 = tpu.memref_squeeze %dma_wait3A_165 : memref<1x128x64xf32, #tpu.memory_space<vmem>> -> memref<128x64xf32, #tpu.memory_space<vmem>>
          %dma_wait3A_167 = arith.constant 0 : i32
          %dma_wait3A_168 = tpu.memref_slice %arg6[%add3A_114, %dma_wait3A_162, %dma_wait3A_167] : memref<79x2x128xi32, #tpu.memory_space<vmem>> -> memref<1x1x128xi32, #tpu.memory_space<vmem>>
          %dma_wait3A_169 = tpu.memref_squeeze %dma_wait3A_168 : memref<1x1x128xi32, #tpu.memory_space<vmem>> -> memref<128xi32, #tpu.memory_space<vmem>>
          %dma_wait3A_170 = arith.constant 0 : i32
          %dma_wait3A_171 = arith.constant 0 : i32
          %dma_wait3A_172 = tpu.memref_slice %arg8[%dma_wait3A_170, %dma_wait3A_171] : memref<10240x64xf32, #tpu.memory_space<vmem_shared>> -> memref<10240x64xf32, #tpu.memory_space<vmem_shared>>
          tpu.wait_indirect_dma semaphore(%arg10 : memref<!tpu.dma_semaphore, #tpu.memory_space<semaphore_mem>>) src(%dma_wait3A_166 : memref<128x64xf32, #tpu.memory_space<vmem>>) dst(%dma_wait3A_172 : memref<10240x64xf32, #tpu.memory_space<vmem_shared>>)
        } else {
        }
        %add3A_154 = arith.constant 8 : i32
        %add3A_155 = arith.addi %add3A_114, %add3A_154 : i32
        %sub3A = arith.constant 1 : i32
        %sub3A_156 = arith.subi %add3A_155, %sub3A : i32
        %lt3A_157 = arith.cmpi slt, %sub3A_156, %add3A_4 : i32
        %convert_element_type3A_158 = arith.extui %lt3A_157 : i1 to i32
        %cond3A_159 = arith.constant 0 : i32
        %cond3A_160 = arith.cmpi ne, %convert_element_type3A_158, %cond3A_159 : i32
        scf.if %cond3A_160 {
          %add3A_161 = arith.constant 8 : i32
          %add3A_162 = arith.addi %add3A_114, %add3A_161 : i32
          %sub3A_163 = arith.constant 1 : i32
          %sub3A_164 = arith.subi %add3A_162, %sub3A_163 : i32
          %dma_start3A_165 = arith.constant 0 : i32
          %dma_start3A_166 = arith.constant 5 : i32
          %dma_start3A_167 = arith.constant 0 : i32
          %dma_start3A_168 = arith.constant 0 : i32
          %dma_start3A_169 = tpu.memref_slice %arg7[%dma_start3A_166, %dma_start3A_167, %dma_start3A_168] : memref<8x128x64xf32, #tpu.memory_space<vmem>> -> memref<1x128x64xf32, #tpu.memory_space<vmem>>
          %dma_start3A_170 = tpu.memref_squeeze %dma_start3A_169 : memref<1x128x64xf32, #tpu.memory_space<vmem>> -> memref<128x64xf32, #tpu.memory_space<vmem>>
          %dma_start3A_171 = arith.constant 0 : i32
          %dma_start3A_172 = tpu.memref_slice %arg6[%sub3A_164, %dma_start3A_165, %dma_start3A_171] : memref<79x2x128xi32, #tpu.memory_space<vmem>> -> memref<1x1x128xi32, #tpu.memory_space<vmem>>
          %dma_start3A_173 = tpu.memref_squeeze %dma_start3A_172 : memref<1x1x128xi32, #tpu.memory_space<vmem>> -> memref<128xi32, #tpu.memory_space<vmem>>
          %dma_start3A_174 = arith.constant 0 : i32
          %dma_start3A_175 = arith.constant 0 : i32
          %dma_start3A_176 = tpu.memref_slice %arg2[%dma_start3A_174, %dma_start3A_175] : memref<10000x64xf32, #tpu.memory_space<hbm>> -> memref<10000x64xf32, #tpu.memory_space<hbm>>
          tpu.enqueue_indirect_dma source(%dma_start3A_176 : memref<10000x64xf32, #tpu.memory_space<hbm>>) target(%dma_start3A_170 : memref<128x64xf32, #tpu.memory_space<vmem>>) offsets(%dma_start3A_173 : memref<128xi32, #tpu.memory_space<vmem>>) semaphore(%arg9 : memref<!tpu.dma_semaphore, #tpu.memory_space<semaphore_mem>>)
        } else {
        }
      } else {
      }
      %mul3A_119 = arith.constant 8 : i32
      %mul3A_120 = arith.muli %scan3A_62, %mul3A_119 : i32
      %add3A_121 = arith.constant 7 : i32
      %add3A_122 = arith.addi %mul3A_120, %add3A_121 : i32
      %lt3A_123 = arith.cmpi slt, %add3A_122, %add3A_4 : i32
      %convert_element_type3A_124 = arith.extui %lt3A_123 : i1 to i32
      %cond3A_125 = arith.constant 0 : i32
      %cond3A_126 = arith.cmpi ne, %convert_element_type3A_124, %cond3A_125 : i32
      scf.if %cond3A_126 {
        %dma_wait3A = arith.constant 0 : i32
        %dma_wait3A_127 = arith.constant 7 : i32
        %dma_wait3A_128 = arith.constant 0 : i32
        %dma_wait3A_129 = arith.constant 0 : i32
        %dma_wait3A_130 = tpu.memref_slice %arg7[%dma_wait3A_127, %dma_wait3A_128, %dma_wait3A_129] : memref<8x128x64xf32, #tpu.memory_space<vmem>> -> memref<1x128x64xf32, #tpu.memory_space<vmem>>
        %dma_wait3A_131 = tpu.memref_squeeze %dma_wait3A_130 : memref<1x128x64xf32, #tpu.memory_space<vmem>> -> memref<128x64xf32, #tpu.memory_space<vmem>>
        %dma_wait3A_132 = arith.constant 0 : i32
        %dma_wait3A_133 = tpu.memref_slice %arg6[%add3A_122, %dma_wait3A, %dma_wait3A_132] : memref<79x2x128xi32, #tpu.memory_space<vmem>> -> memref<1x1x128xi32, #tpu.memory_space<vmem>>
        %dma_wait3A_134 = tpu.memref_squeeze %dma_wait3A_133 : memref<1x1x128xi32, #tpu.memory_space<vmem>> -> memref<128xi32, #tpu.memory_space<vmem>>
        %dma_wait3A_135 = arith.constant 0 : i32
        %dma_wait3A_136 = arith.constant 0 : i32
        %dma_wait3A_137 = tpu.memref_slice %arg2[%dma_wait3A_135, %dma_wait3A_136] : memref<10000x64xf32, #tpu.memory_space<hbm>> -> memref<10000x64xf32, #tpu.memory_space<hbm>>
        tpu.wait_indirect_dma semaphore(%arg9 : memref<!tpu.dma_semaphore, #tpu.memory_space<semaphore_mem>>) src(%dma_wait3A_137 : memref<10000x64xf32, #tpu.memory_space<hbm>>) dst(%dma_wait3A_131 : memref<128x64xf32, #tpu.memory_space<vmem>>)
        %dma_start3A = arith.constant 7 : i32
        %dma_start3A_138 = arith.constant 1 : i32
        %dma_start3A_139 = arith.constant 0 : i32
        %dma_start3A_140 = arith.constant 0 : i32
        %dma_start3A_141 = tpu.memref_slice %arg7[%dma_start3A, %dma_start3A_139, %dma_start3A_140] : memref<8x128x64xf32, #tpu.memory_space<vmem>> -> memref<1x128x64xf32, #tpu.memory_space<vmem>>
        %dma_start3A_142 = tpu.memref_squeeze %dma_start3A_141 : memref<1x128x64xf32, #tpu.memory_space<vmem>> -> memref<128x64xf32, #tpu.memory_space<vmem>>
        %dma_start3A_143 = arith.constant 0 : i32
        %dma_start3A_144 = tpu.memref_slice %arg6[%add3A_122, %dma_start3A_138, %dma_start3A_143] : memref<79x2x128xi32, #tpu.memory_space<vmem>> -> memref<1x1x128xi32, #tpu.memory_space<vmem>>
        %dma_start3A_145 = tpu.memref_squeeze %dma_start3A_144 : memref<1x1x128xi32, #tpu.memory_space<vmem>> -> memref<128xi32, #tpu.memory_space<vmem>>
        %dma_start3A_146 = arith.constant 0 : i32
        %dma_start3A_147 = arith.constant 0 : i32
        %dma_start3A_148 = tpu.memref_slice %arg8[%dma_start3A_146, %dma_start3A_147] : memref<10240x64xf32, #tpu.memory_space<vmem_shared>> -> memref<10240x64xf32, #tpu.memory_space<vmem_shared>>
        tpu.enqueue_indirect_dma source(%dma_start3A_142 : memref<128x64xf32, #tpu.memory_space<vmem>>) target(%dma_start3A_148 : memref<10240x64xf32, #tpu.memory_space<vmem_shared>>) offsets(%dma_start3A_145 : memref<128xi32, #tpu.memory_space<vmem>>) semaphore(%arg10 : memref<!tpu.dma_semaphore, #tpu.memory_space<semaphore_mem>>) {add = true}
        %ge3A_149 = arith.constant 1 : i32
        %ge3A_150 = arith.cmpi sge, %add3A_122, %ge3A_149 : i32
        %convert_element_type3A_151 = arith.extui %ge3A_150 : i1 to i32
        %cond3A_152 = arith.constant 0 : i32
        %cond3A_153 = arith.cmpi ne, %convert_element_type3A_151, %cond3A_152 : i32
        scf.if %cond3A_153 {
          %dma_wait3A_161 = arith.constant 6 : i32
          %dma_wait3A_162 = arith.constant 1 : i32
          %dma_wait3A_163 = arith.constant 0 : i32
          %dma_wait3A_164 = arith.constant 0 : i32
          %dma_wait3A_165 = tpu.memref_slice %arg7[%dma_wait3A_161, %dma_wait3A_163, %dma_wait3A_164] : memref<8x128x64xf32, #tpu.memory_space<vmem>> -> memref<1x128x64xf32, #tpu.memory_space<vmem>>
          %dma_wait3A_166 = tpu.memref_squeeze %dma_wait3A_165 : memref<1x128x64xf32, #tpu.memory_space<vmem>> -> memref<128x64xf32, #tpu.memory_space<vmem>>
          %dma_wait3A_167 = arith.constant 0 : i32
          %dma_wait3A_168 = tpu.memref_slice %arg6[%add3A_122, %dma_wait3A_162, %dma_wait3A_167] : memref<79x2x128xi32, #tpu.memory_space<vmem>> -> memref<1x1x128xi32, #tpu.memory_space<vmem>>
          %dma_wait3A_169 = tpu.memref_squeeze %dma_wait3A_168 : memref<1x1x128xi32, #tpu.memory_space<vmem>> -> memref<128xi32, #tpu.memory_space<vmem>>
          %dma_wait3A_170 = arith.constant 0 : i32
          %dma_wait3A_171 = arith.constant 0 : i32
          %dma_wait3A_172 = tpu.memref_slice %arg8[%dma_wait3A_170, %dma_wait3A_171] : memref<10240x64xf32, #tpu.memory_space<vmem_shared>> -> memref<10240x64xf32, #tpu.memory_space<vmem_shared>>
          tpu.wait_indirect_dma semaphore(%arg10 : memref<!tpu.dma_semaphore, #tpu.memory_space<semaphore_mem>>) src(%dma_wait3A_166 : memref<128x64xf32, #tpu.memory_space<vmem>>) dst(%dma_wait3A_172 : memref<10240x64xf32, #tpu.memory_space<vmem_shared>>)
        } else {
        }
        %add3A_154 = arith.constant 8 : i32
        %add3A_155 = arith.addi %add3A_122, %add3A_154 : i32
        %sub3A = arith.constant 1 : i32
        %sub3A_156 = arith.subi %add3A_155, %sub3A : i32
        %lt3A_157 = arith.cmpi slt, %sub3A_156, %add3A_4 : i32
        %convert_element_type3A_158 = arith.extui %lt3A_157 : i1 to i32
        %cond3A_159 = arith.constant 0 : i32
        %cond3A_160 = arith.cmpi ne, %convert_element_type3A_158, %cond3A_159 : i32
        scf.if %cond3A_160 {
          %add3A_161 = arith.constant 8 : i32
          %add3A_162 = arith.addi %add3A_122, %add3A_161 : i32
          %sub3A_163 = arith.constant 1 : i32
          %sub3A_164 = arith.subi %add3A_162, %sub3A_163 : i32
          %dma_start3A_165 = arith.constant 0 : i32
          %dma_start3A_166 = arith.constant 6 : i32
          %dma_start3A_167 = arith.constant 0 : i32
          %dma_start3A_168 = arith.constant 0 : i32
          %dma_start3A_169 = tpu.memref_slice %arg7[%dma_start3A_166, %dma_start3A_167, %dma_start3A_168] : memref<8x128x64xf32, #tpu.memory_space<vmem>> -> memref<1x128x64xf32, #tpu.memory_space<vmem>>
          %dma_start3A_170 = tpu.memref_squeeze %dma_start3A_169 : memref<1x128x64xf32, #tpu.memory_space<vmem>> -> memref<128x64xf32, #tpu.memory_space<vmem>>
          %dma_start3A_171 = arith.constant 0 : i32
          %dma_start3A_172 = tpu.memref_slice %arg6[%sub3A_164, %dma_start3A_165, %dma_start3A_171] : memref<79x2x128xi32, #tpu.memory_space<vmem>> -> memref<1x1x128xi32, #tpu.memory_space<vmem>>
          %dma_start3A_173 = tpu.memref_squeeze %dma_start3A_172 : memref<1x1x128xi32, #tpu.memory_space<vmem>> -> memref<128xi32, #tpu.memory_space<vmem>>
          %dma_start3A_174 = arith.constant 0 : i32
          %dma_start3A_175 = arith.constant 0 : i32
          %dma_start3A_176 = tpu.memref_slice %arg2[%dma_start3A_174, %dma_start3A_175] : memref<10000x64xf32, #tpu.memory_space<hbm>> -> memref<10000x64xf32, #tpu.memory_space<hbm>>
          tpu.enqueue_indirect_dma source(%dma_start3A_176 : memref<10000x64xf32, #tpu.memory_space<hbm>>) target(%dma_start3A_170 : memref<128x64xf32, #tpu.memory_space<vmem>>) offsets(%dma_start3A_173 : memref<128xi32, #tpu.memory_space<vmem>>) semaphore(%arg9 : memref<!tpu.dma_semaphore, #tpu.memory_space<semaphore_mem>>)
        } else {
        }
      } else {
      }
    }
    %scan3A_52 = arith.constant 10 : i32
    %ge3A = arith.constant 1 : i32
    %ge3A_53 = arith.cmpi sge, %add3A_4, %ge3A : i32
    %convert_element_type3A_54 = arith.extui %ge3A_53 : i1 to i32
    %cond3A_55 = arith.constant 0 : i32
    %cond3A_56 = arith.cmpi ne, %convert_element_type3A_54, %cond3A_55 : i32
    scf.if %cond3A_56 {
      %dma_wait3A = arith.constant 0 : i32
      %dma_wait3A_62 = arith.constant 0 : i32
      %dma_wait3A_63 = arith.constant 1 : i32
      %dma_wait3A_64 = arith.constant 0 : i32
      %dma_wait3A_65 = arith.constant 0 : i32
      %dma_wait3A_66 = tpu.memref_slice %arg7[%dma_wait3A, %dma_wait3A_64, %dma_wait3A_65] : memref<8x128x64xf32, #tpu.memory_space<vmem>> -> memref<1x128x64xf32, #tpu.memory_space<vmem>>
      %dma_wait3A_67 = tpu.memref_squeeze %dma_wait3A_66 : memref<1x128x64xf32, #tpu.memory_space<vmem>> -> memref<128x64xf32, #tpu.memory_space<vmem>>
      %dma_wait3A_68 = arith.constant 0 : i32
      %dma_wait3A_69 = tpu.memref_slice %arg6[%dma_wait3A_62, %dma_wait3A_63, %dma_wait3A_68] : memref<79x2x128xi32, #tpu.memory_space<vmem>> -> memref<1x1x128xi32, #tpu.memory_space<vmem>>
      %dma_wait3A_70 = tpu.memref_squeeze %dma_wait3A_69 : memref<1x1x128xi32, #tpu.memory_space<vmem>> -> memref<128xi32, #tpu.memory_space<vmem>>
      %dma_wait3A_71 = arith.constant 0 : i32
      %dma_wait3A_72 = arith.constant 0 : i32
      %dma_wait3A_73 = tpu.memref_slice %arg8[%dma_wait3A_71, %dma_wait3A_72] : memref<10240x64xf32, #tpu.memory_space<vmem_shared>> -> memref<10240x64xf32, #tpu.memory_space<vmem_shared>>
      tpu.wait_indirect_dma semaphore(%arg10 : memref<!tpu.dma_semaphore, #tpu.memory_space<semaphore_mem>>) src(%dma_wait3A_67 : memref<128x64xf32, #tpu.memory_space<vmem>>) dst(%dma_wait3A_73 : memref<10240x64xf32, #tpu.memory_space<vmem_shared>>)
    } else {
    }
    %barrier3A_57 = arith.constant 0 : index
    tpu.barrier barrier_id(%barrier3A_57)
    %mul3A_58 = arith.constant 640 : i32
    %mul3A_59 = arith.muli %arg1, %mul3A_58 : i32
    %mul3A_60 = arith.constant 640 : i32
    %mul3A_61 = arith.muli %arg1, %mul3A_60 : i32
    "tpu.region"() ({
      %run_scoped3A = tpu.sem_alloc : memref<!tpu.dma_semaphore, #tpu.memory_space<semaphore_mem>>
      %dma_start3A = arith.constant 0 : i32
      %dma_start3A_62 = tpu.memref_slice %arg5[%arg0, %mul3A_61, %dma_start3A] : memref<2x10240x64xf32, #tpu.memory_space<hbm>> -> memref<1x640x64xf32, #tpu.memory_space<hbm>>
      %dma_start3A_63 = tpu.memref_squeeze %dma_start3A_62 : memref<1x640x64xf32, #tpu.memory_space<hbm>> -> memref<640x64xf32, #tpu.memory_space<hbm>>
      %dma_start3A_64 = arith.constant 0 : i32
      %dma_start3A_65 = tpu.memref_slice %arg8[%mul3A_59, %dma_start3A_64] : memref<10240x64xf32, #tpu.memory_space<vmem_shared>> -> memref<640x64xf32, #tpu.memory_space<vmem_shared>>
      tpu.enqueue_dma source(%dma_start3A_65 : memref<640x64xf32, #tpu.memory_space<vmem_shared>>) target(%dma_start3A_63 : memref<640x64xf32, #tpu.memory_space<hbm>>) target_semaphore(%run_scoped3A : memref<!tpu.dma_semaphore, #tpu.memory_space<semaphore_mem>>)
      %dma_wait3A = arith.constant 0 : i32
      %dma_wait3A_66 = tpu.memref_slice %arg5[%arg0, %mul3A_61, %dma_wait3A] : memref<2x10240x64xf32, #tpu.memory_space<hbm>> -> memref<1x640x64xf32, #tpu.memory_space<hbm>>
      %dma_wait3A_67 = tpu.memref_squeeze %dma_wait3A_66 : memref<1x640x64xf32, #tpu.memory_space<hbm>> -> memref<640x64xf32, #tpu.memory_space<hbm>>
      %dma_wait3A_68 = arith.constant 0 : i32
      %dma_wait3A_69 = tpu.memref_slice %arg8[%mul3A_59, %dma_wait3A_68] : memref<10240x64xf32, #tpu.memory_space<vmem_shared>> -> memref<640x64xf32, #tpu.memory_space<vmem_shared>>
      tpu.wait_dma2 semaphore(%run_scoped3A : memref<!tpu.dma_semaphore, #tpu.memory_space<semaphore_mem>>) src(%dma_wait3A_69 : memref<640x64xf32, #tpu.memory_space<vmem_shared>>) dst(%dma_wait3A_67 : memref<640x64xf32, #tpu.memory_space<hbm>>)
      tpu.yield
    }) : () -> ()
    return
  }
}

#map = affine_map<(d0, d1) -> (0, 0)>
#map1 = affine_map<(d0, d1) -> (0, 0, 0)>
module attributes {stable_mosaic.version = 14 : i64} {
  func.func @_msg_body(%arg0: i32, %arg1: i32, %arg2: memref<10000x64xf32, #tpu.memory_space<hbm>>, %arg3: memref<2500x2x128xi32, #tpu.memory_space<hbm>>, %arg4: memref<640x64xf32, #tpu.memory_space<hbm>>, %arg5: memref<2x10240x64xf32, #tpu.memory_space<hbm>>, %arg6: memref<79x2x128xi32, #tpu.memory_space<vmem>>, %arg7: memref<8x128x64xf32, #tpu.memory_space<vmem>>, %arg8: memref<10240x64xf32, #tpu.memory_space<vmem_shared>>, %arg9: memref<!tpu.dma_semaphore, #tpu.memory_space<semaphore_mem>>, %arg10: memref<!tpu.dma_semaphore, #tpu.memory_space<semaphore_mem>>) attributes {dimension_semantics = [#tpu.dimension_semantics<core_parallel>, #tpu.dimension_semantics<subcore_parallel>], iteration_bounds = array<i64: 2, 16>, scalar_prefetch = 0 : i64, scratch_operands = 5 : i64, tpu.core_type = #tpu.core_type<sc_vector_subcore>, window_params = [{transform_indices = #map}, {transform_indices = #map1}, {transform_indices = #map}, {transform_indices = #map1}]} {
    %mul3A = arith.constant 16 : i32
    %mul3A_0 = arith.muli %arg0, %mul3A : i32
    %add3A = arith.addi %mul3A_0, %arg1 : i32
    %lt3A = arith.constant 4 : i32
    %lt3A_1 = arith.cmpi slt, %add3A, %lt3A : i32
    %jit3A = arith.constant 1 : i32
    %jit3A_2 = arith.constant 0 : i32
    %select_n3A = arith.select %lt3A_1, %jit3A, %jit3A_2 : i32
    %add3A_3 = arith.constant 78 : i32
    %add3A_4 = arith.addi %add3A_3, %select_n3A : i32
    %mul3A_5 = arith.constant 78 : i32
    %mul3A_6 = arith.muli %add3A, %mul3A_5 : i32
    %min3A = arith.constant 4 : i32
    %min3A_7 = arith.minsi %add3A, %min3A : i32
    %add3A_8 = arith.addi %mul3A_6, %min3A_7 : i32
    "tpu.region"() ({
      %run_scoped3A = tpu.sem_alloc : memref<!tpu.dma_semaphore, #tpu.memory_space<semaphore_mem>>
      %dma_start3A = arith.constant 0 : i32
      %dma_start3A_62 = arith.constant 0 : i32
      %dma_start3A_63 = arith.constant 0 : i32
      %dma_start3A_64 = tpu.memref_slice %arg6[%dma_start3A, %dma_start3A_62, %dma_start3A_63] : memref<79x2x128xi32, #tpu.memory_space<vmem>> -> memref<78x2x128xi32, #tpu.memory_space<vmem>>
      %dma_start3A_65 = arith.constant 0 : i32
      %dma_start3A_66 = arith.constant 0 : i32
      %dma_start3A_67 = tpu.memref_slice %arg3[%add3A_8, %dma_start3A_65, %dma_start3A_66] : memref<2500x2x128xi32, #tpu.memory_space<hbm>> -> memref<78x2x128xi32, #tpu.memory_space<hbm>>
      %dma_start3A_68 = arith.constant 0 : i32
      %dma_start3A_69 = arith.constant 0 : i32
      %dma_start3A_70 = arith.constant 0 : i32
      %dma_start3A_71 = tpu.memref_slice %arg6[%dma_start3A_68, %dma_start3A_69, %dma_start3A_70] : memref<79x2x128xi32, #tpu.memory_space<vmem>> -> memref<78x2x128xi32, #tpu.memory_space<vmem>>
      %dma_start3A_72 = arith.constant 0 : i32
      %dma_start3A_73 = arith.constant 0 : i32
      %dma_start3A_74 = tpu.memref_slice %arg3[%add3A_8, %dma_start3A_72, %dma_start3A_73] : memref<2500x2x128xi32, #tpu.memory_space<hbm>> -> memref<78x2x128xi32, #tpu.memory_space<hbm>>
      tpu.enqueue_dma source(%dma_start3A_74 : memref<78x2x128xi32, #tpu.memory_space<hbm>>) target(%dma_start3A_71 : memref<78x2x128xi32, #tpu.memory_space<vmem>>) target_semaphore(%run_scoped3A : memref<!tpu.dma_semaphore, #tpu.memory_space<semaphore_mem>>)
      %dma_wait3A = arith.constant 0 : i32
      %dma_wait3A_75 = arith.constant 0 : i32
      %dma_wait3A_76 = arith.constant 0 : i32
      %dma_wait3A_77 = tpu.memref_slice %arg6[%dma_wait3A, %dma_wait3A_75, %dma_wait3A_76] : memref<79x2x128xi32, #tpu.memory_space<vmem>> -> memref<78x2x128xi32, #tpu.memory_space<vmem>>
      %dma_wait3A_78 = arith.constant 0 : i32
      %dma_wait3A_79 = arith.constant 0 : i32
      %dma_wait3A_80 = tpu.memref_slice %arg3[%add3A_8, %dma_wait3A_78, %dma_wait3A_79] : memref<2500x2x128xi32, #tpu.memory_space<hbm>> -> memref<78x2x128xi32, #tpu.memory_space<hbm>>
      %dma_wait3A_81 = arith.constant 0 : i32
      %dma_wait3A_82 = arith.constant 0 : i32
      %dma_wait3A_83 = arith.constant 0 : i32
      %dma_wait3A_84 = tpu.memref_slice %arg6[%dma_wait3A_81, %dma_wait3A_82, %dma_wait3A_83] : memref<79x2x128xi32, #tpu.memory_space<vmem>> -> memref<78x2x128xi32, #tpu.memory_space<vmem>>
      %dma_wait3A_85 = arith.constant 0 : i32
      %dma_wait3A_86 = arith.constant 0 : i32
      %dma_wait3A_87 = tpu.memref_slice %arg3[%add3A_8, %dma_wait3A_85, %dma_wait3A_86] : memref<2500x2x128xi32, #tpu.memory_space<hbm>> -> memref<78x2x128xi32, #tpu.memory_space<hbm>>
      tpu.wait_dma2 semaphore(%run_scoped3A : memref<!tpu.dma_semaphore, #tpu.memory_space<semaphore_mem>>) src(%dma_wait3A_87 : memref<78x2x128xi32, #tpu.memory_space<hbm>>) dst(%dma_wait3A_84 : memref<78x2x128xi32, #tpu.memory_space<vmem>>)
      tpu.yield
    }) : () -> ()
    %lt3A_9 = arith.constant 4 : i32
    %lt3A_10 = arith.cmpi slt, %add3A, %lt3A_9 : i32
    %convert_element_type3A = arith.extui %lt3A_10 : i1 to i32
    %cond3A = arith.constant 0 : i32
    %cond3A_11 = arith.cmpi ne, %convert_element_type3A, %cond3A : i32
    scf.if %cond3A_11 {
      %add3A_62 = arith.constant 78 : i32
      %add3A_63 = arith.addi %add3A_8, %add3A_62 : i32
      "tpu.region"() ({
        %run_scoped3A = tpu.sem_alloc : memref<!tpu.dma_semaphore, #tpu.memory_space<semaphore_mem>>
        %dma_start3A = arith.constant 78 : i32
        %dma_start3A_64 = arith.constant 0 : i32
        %dma_start3A_65 = arith.constant 0 : i32
        %dma_start3A_66 = tpu.memref_slice %arg6[%dma_start3A, %dma_start3A_64, %dma_start3A_65] : memref<79x2x128xi32, #tpu.memory_space<vmem>> -> memref<1x2x128xi32, #tpu.memory_space<vmem>>
        %dma_start3A_67 = arith.constant 0 : i32
        %dma_start3A_68 = arith.constant 0 : i32
        %dma_start3A_69 = tpu.memref_slice %arg3[%add3A_63, %dma_start3A_67, %dma_start3A_68] : memref<2500x2x128xi32, #tpu.memory_space<hbm>> -> memref<1x2x128xi32, #tpu.memory_space<hbm>>
        %dma_start3A_70 = arith.constant 78 : i32
        %dma_start3A_71 = arith.constant 0 : i32
        %dma_start3A_72 = arith.constant 0 : i32
        %dma_start3A_73 = tpu.memref_slice %arg6[%dma_start3A_70, %dma_start3A_71, %dma_start3A_72] : memref<79x2x128xi32, #tpu.memory_space<vmem>> -> memref<1x2x128xi32, #tpu.memory_space<vmem>>
        %dma_start3A_74 = arith.constant 0 : i32
        %dma_start3A_75 = arith.constant 0 : i32
        %dma_start3A_76 = tpu.memref_slice %arg3[%add3A_63, %dma_start3A_74, %dma_start3A_75] : memref<2500x2x128xi32, #tpu.memory_space<hbm>> -> memref<1x2x128xi32, #tpu.memory_space<hbm>>
        tpu.enqueue_dma source(%dma_start3A_76 : memref<1x2x128xi32, #tpu.memory_space<hbm>>) target(%dma_start3A_73 : memref<1x2x128xi32, #tpu.memory_space<vmem>>) target_semaphore(%run_scoped3A : memref<!tpu.dma_semaphore, #tpu.memory_space<semaphore_mem>>)
        %dma_wait3A = arith.constant 78 : i32
        %dma_wait3A_77 = arith.constant 0 : i32
        %dma_wait3A_78 = arith.constant 0 : i32
        %dma_wait3A_79 = tpu.memref_slice %arg6[%dma_wait3A, %dma_wait3A_77, %dma_wait3A_78] : memref<79x2x128xi32, #tpu.memory_space<vmem>> -> memref<1x2x128xi32, #tpu.memory_space<vmem>>
        %dma_wait3A_80 = arith.constant 0 : i32
        %dma_wait3A_81 = arith.constant 0 : i32
        %dma_wait3A_82 = tpu.memref_slice %arg3[%add3A_63, %dma_wait3A_80, %dma_wait3A_81] : memref<2500x2x128xi32, #tpu.memory_space<hbm>> -> memref<1x2x128xi32, #tpu.memory_space<hbm>>
        %dma_wait3A_83 = arith.constant 78 : i32
        %dma_wait3A_84 = arith.constant 0 : i32
        %dma_wait3A_85 = arith.constant 0 : i32
        %dma_wait3A_86 = tpu.memref_slice %arg6[%dma_wait3A_83, %dma_wait3A_84, %dma_wait3A_85] : memref<79x2x128xi32, #tpu.memory_space<vmem>> -> memref<1x2x128xi32, #tpu.memory_space<vmem>>
        %dma_wait3A_87 = arith.constant 0 : i32
        %dma_wait3A_88 = arith.constant 0 : i32
        %dma_wait3A_89 = tpu.memref_slice %arg3[%add3A_63, %dma_wait3A_87, %dma_wait3A_88] : memref<2500x2x128xi32, #tpu.memory_space<hbm>> -> memref<1x2x128xi32, #tpu.memory_space<hbm>>
        tpu.wait_dma2 semaphore(%run_scoped3A : memref<!tpu.dma_semaphore, #tpu.memory_space<semaphore_mem>>) src(%dma_wait3A_89 : memref<1x2x128xi32, #tpu.memory_space<hbm>>) dst(%dma_wait3A_86 : memref<1x2x128xi32, #tpu.memory_space<vmem>>)
        tpu.yield
      }) : () -> ()
    } else {
    }
    %mul3A_12 = arith.constant 640 : i32
    %mul3A_13 = arith.muli %arg1, %mul3A_12 : i32
    "tpu.region"() ({
      %run_scoped3A = tpu.sem_alloc : memref<!tpu.dma_semaphore, #tpu.memory_space<semaphore_mem>>
      %dma_start3A = arith.constant 0 : i32
      %dma_start3A_62 = tpu.memref_slice %arg8[%mul3A_13, %dma_start3A] : memref<10240x64xf32, #tpu.memory_space<vmem_shared>> -> memref<640x64xf32, #tpu.memory_space<vmem_shared>>
      tpu.enqueue_dma source(%arg4 : memref<640x64xf32, #tpu.memory_space<hbm>>) target(%dma_start3A_62 : memref<640x64xf32, #tpu.memory_space<vmem_shared>>) target_semaphore(%run_scoped3A : memref<!tpu.dma_semaphore, #tpu.memory_space<semaphore_mem>>)
      %dma_wait3A = arith.constant 0 : i32
      %dma_wait3A_63 = tpu.memref_slice %arg8[%mul3A_13, %dma_wait3A] : memref<10240x64xf32, #tpu.memory_space<vmem_shared>> -> memref<640x64xf32, #tpu.memory_space<vmem_shared>>
      tpu.wait_dma2 semaphore(%run_scoped3A : memref<!tpu.dma_semaphore, #tpu.memory_space<semaphore_mem>>) src(%arg4 : memref<640x64xf32, #tpu.memory_space<hbm>>) dst(%dma_wait3A_63 : memref<640x64xf32, #tpu.memory_space<vmem_shared>>)
      tpu.yield
    }) : () -> ()
    %barrier3A = arith.constant 0 : index
    tpu.barrier barrier_id(%barrier3A)
    %gt3A = arith.constant 0 : i32
    %gt3A_14 = arith.cmpi sgt, %add3A_4, %gt3A : i32
    %convert_element_type3A_15 = arith.extui %gt3A_14 : i1 to i32
    %cond3A_16 = arith.constant 0 : i32
    %cond3A_17 = arith.cmpi ne, %convert_element_type3A_15, %cond3A_16 : i32
    scf.if %cond3A_17 {
      %dma_start3A = arith.constant 0 : i32
      %dma_start3A_62 = arith.constant 0 : i32
      %dma_start3A_63 = arith.constant 0 : i32
      %dma_start3A_64 = arith.constant 0 : i32
      %dma_start3A_65 = arith.constant 0 : i32
      %dma_start3A_66 = tpu.memref_slice %arg7[%dma_start3A_63, %dma_start3A_64, %dma_start3A_65] : memref<8x128x64xf32, #tpu.memory_space<vmem>> -> memref<1x128x64xf32, #tpu.memory_space<vmem>>
      %dma_start3A_67 = tpu.memref_squeeze %dma_start3A_66 : memref<1x128x64xf32, #tpu.memory_space<vmem>> -> memref<128x64xf32, #tpu.memory_space<vmem>>
      %dma_start3A_68 = arith.constant 0 : i32
      %dma_start3A_69 = tpu.memref_slice %arg6[%dma_start3A, %dma_start3A_62, %dma_start3A_68] : memref<79x2x128xi32, #tpu.memory_space<vmem>> -> memref<1x1x128xi32, #tpu.memory_space<vmem>>
      %dma_start3A_70 = tpu.memref_squeeze %dma_start3A_69 : memref<1x1x128xi32, #tpu.memory_space<vmem>> -> memref<128xi32, #tpu.memory_space<vmem>>
      %dma_start3A_71 = arith.constant 0 : i32
      %dma_start3A_72 = arith.constant 0 : i32
      %dma_start3A_73 = tpu.memref_slice %arg2[%dma_start3A_71, %dma_start3A_72] : memref<10000x64xf32, #tpu.memory_space<hbm>> -> memref<10000x64xf32, #tpu.memory_space<hbm>>
      tpu.enqueue_indirect_dma source(%dma_start3A_73 : memref<10000x64xf32, #tpu.memory_space<hbm>>) target(%dma_start3A_67 : memref<128x64xf32, #tpu.memory_space<vmem>>) offsets(%dma_start3A_70 : memref<128xi32, #tpu.memory_space<vmem>>) semaphore(%arg9 : memref<!tpu.dma_semaphore, #tpu.memory_space<semaphore_mem>>)
    } else {
    }
    %gt3A_18 = arith.constant 1 : i32
    %gt3A_19 = arith.cmpi sgt, %add3A_4, %gt3A_18 : i32
    %convert_element_type3A_20 = arith.extui %gt3A_19 : i1 to i32
    %cond3A_21 = arith.constant 0 : i32
    %cond3A_22 = arith.cmpi ne, %convert_element_type3A_20, %cond3A_21 : i32
    scf.if %cond3A_22 {
      %dma_start3A = arith.constant 1 : i32
      %dma_start3A_62 = arith.constant 0 : i32
      %dma_start3A_63 = arith.constant 1 : i32
      %dma_start3A_64 = arith.constant 0 : i32
      %dma_start3A_65 = arith.constant 0 : i32
      %dma_start3A_66 = tpu.memref_slice %arg7[%dma_start3A_63, %dma_start3A_64, %dma_start3A_65] : memref<8x128x64xf32, #tpu.memory_space<vmem>> -> memref<1x128x64xf32, #tpu.memory_space<vmem>>
      %dma_start3A_67 = tpu.memref_squeeze %dma_start3A_66 : memref<1x128x64xf32, #tpu.memory_space<vmem>> -> memref<128x64xf32, #tpu.memory_space<vmem>>
      %dma_start3A_68 = arith.constant 0 : i32
      %dma_start3A_69 = tpu.memref_slice %arg6[%dma_start3A, %dma_start3A_62, %dma_start3A_68] : memref<79x2x128xi32, #tpu.memory_space<vmem>> -> memref<1x1x128xi32, #tpu.memory_space<vmem>>
      %dma_start3A_70 = tpu.memref_squeeze %dma_start3A_69 : memref<1x1x128xi32, #tpu.memory_space<vmem>> -> memref<128xi32, #tpu.memory_space<vmem>>
      %dma_start3A_71 = arith.constant 0 : i32
      %dma_start3A_72 = arith.constant 0 : i32
      %dma_start3A_73 = tpu.memref_slice %arg2[%dma_start3A_71, %dma_start3A_72] : memref<10000x64xf32, #tpu.memory_space<hbm>> -> memref<10000x64xf32, #tpu.memory_space<hbm>>
      tpu.enqueue_indirect_dma source(%dma_start3A_73 : memref<10000x64xf32, #tpu.memory_space<hbm>>) target(%dma_start3A_67 : memref<128x64xf32, #tpu.memory_space<vmem>>) offsets(%dma_start3A_70 : memref<128xi32, #tpu.memory_space<vmem>>) semaphore(%arg9 : memref<!tpu.dma_semaphore, #tpu.memory_space<semaphore_mem>>)
    } else {
    }
    %gt3A_23 = arith.constant 2 : i32
    %gt3A_24 = arith.cmpi sgt, %add3A_4, %gt3A_23 : i32
    %convert_element_type3A_25 = arith.extui %gt3A_24 : i1 to i32
    %cond3A_26 = arith.constant 0 : i32
    %cond3A_27 = arith.cmpi ne, %convert_element_type3A_25, %cond3A_26 : i32
    scf.if %cond3A_27 {
      %dma_start3A = arith.constant 2 : i32
      %dma_start3A_62 = arith.constant 0 : i32
      %dma_start3A_63 = arith.constant 2 : i32
      %dma_start3A_64 = arith.constant 0 : i32
      %dma_start3A_65 = arith.constant 0 : i32
      %dma_start3A_66 = tpu.memref_slice %arg7[%dma_start3A_63, %dma_start3A_64, %dma_start3A_65] : memref<8x128x64xf32, #tpu.memory_space<vmem>> -> memref<1x128x64xf32, #tpu.memory_space<vmem>>
      %dma_start3A_67 = tpu.memref_squeeze %dma_start3A_66 : memref<1x128x64xf32, #tpu.memory_space<vmem>> -> memref<128x64xf32, #tpu.memory_space<vmem>>
      %dma_start3A_68 = arith.constant 0 : i32
      %dma_start3A_69 = tpu.memref_slice %arg6[%dma_start3A, %dma_start3A_62, %dma_start3A_68] : memref<79x2x128xi32, #tpu.memory_space<vmem>> -> memref<1x1x128xi32, #tpu.memory_space<vmem>>
      %dma_start3A_70 = tpu.memref_squeeze %dma_start3A_69 : memref<1x1x128xi32, #tpu.memory_space<vmem>> -> memref<128xi32, #tpu.memory_space<vmem>>
      %dma_start3A_71 = arith.constant 0 : i32
      %dma_start3A_72 = arith.constant 0 : i32
      %dma_start3A_73 = tpu.memref_slice %arg2[%dma_start3A_71, %dma_start3A_72] : memref<10000x64xf32, #tpu.memory_space<hbm>> -> memref<10000x64xf32, #tpu.memory_space<hbm>>
      tpu.enqueue_indirect_dma source(%dma_start3A_73 : memref<10000x64xf32, #tpu.memory_space<hbm>>) target(%dma_start3A_67 : memref<128x64xf32, #tpu.memory_space<vmem>>) offsets(%dma_start3A_70 : memref<128xi32, #tpu.memory_space<vmem>>) semaphore(%arg9 : memref<!tpu.dma_semaphore, #tpu.memory_space<semaphore_mem>>)
    } else {
    }
    %gt3A_28 = arith.constant 3 : i32
    %gt3A_29 = arith.cmpi sgt, %add3A_4, %gt3A_28 : i32
    %convert_element_type3A_30 = arith.extui %gt3A_29 : i1 to i32
    %cond3A_31 = arith.constant 0 : i32
    %cond3A_32 = arith.cmpi ne, %convert_element_type3A_30, %cond3A_31 : i32
    scf.if %cond3A_32 {
      %dma_start3A = arith.constant 3 : i32
      %dma_start3A_62 = arith.constant 0 : i32
      %dma_start3A_63 = arith.constant 3 : i32
      %dma_start3A_64 = arith.constant 0 : i32
      %dma_start3A_65 = arith.constant 0 : i32
      %dma_start3A_66 = tpu.memref_slice %arg7[%dma_start3A_63, %dma_start3A_64, %dma_start3A_65] : memref<8x128x64xf32, #tpu.memory_space<vmem>> -> memref<1x128x64xf32, #tpu.memory_space<vmem>>
      %dma_start3A_67 = tpu.memref_squeeze %dma_start3A_66 : memref<1x128x64xf32, #tpu.memory_space<vmem>> -> memref<128x64xf32, #tpu.memory_space<vmem>>
      %dma_start3A_68 = arith.constant 0 : i32
      %dma_start3A_69 = tpu.memref_slice %arg6[%dma_start3A, %dma_start3A_62, %dma_start3A_68] : memref<79x2x128xi32, #tpu.memory_space<vmem>> -> memref<1x1x128xi32, #tpu.memory_space<vmem>>
      %dma_start3A_70 = tpu.memref_squeeze %dma_start3A_69 : memref<1x1x128xi32, #tpu.memory_space<vmem>> -> memref<128xi32, #tpu.memory_space<vmem>>
      %dma_start3A_71 = arith.constant 0 : i32
      %dma_start3A_72 = arith.constant 0 : i32
      %dma_start3A_73 = tpu.memref_slice %arg2[%dma_start3A_71, %dma_start3A_72] : memref<10000x64xf32, #tpu.memory_space<hbm>> -> memref<10000x64xf32, #tpu.memory_space<hbm>>
      tpu.enqueue_indirect_dma source(%dma_start3A_73 : memref<10000x64xf32, #tpu.memory_space<hbm>>) target(%dma_start3A_67 : memref<128x64xf32, #tpu.memory_space<vmem>>) offsets(%dma_start3A_70 : memref<128xi32, #tpu.memory_space<vmem>>) semaphore(%arg9 : memref<!tpu.dma_semaphore, #tpu.memory_space<semaphore_mem>>)
    } else {
    }
    %gt3A_33 = arith.constant 4 : i32
    %gt3A_34 = arith.cmpi sgt, %add3A_4, %gt3A_33 : i32
    %convert_element_type3A_35 = arith.extui %gt3A_34 : i1 to i32
    %cond3A_36 = arith.constant 0 : i32
    %cond3A_37 = arith.cmpi ne, %convert_element_type3A_35, %cond3A_36 : i32
    scf.if %cond3A_37 {
      %dma_start3A = arith.constant 4 : i32
      %dma_start3A_62 = arith.constant 0 : i32
      %dma_start3A_63 = arith.constant 4 : i32
      %dma_start3A_64 = arith.constant 0 : i32
      %dma_start3A_65 = arith.constant 0 : i32
      %dma_start3A_66 = tpu.memref_slice %arg7[%dma_start3A_63, %dma_start3A_64, %dma_start3A_65] : memref<8x128x64xf32, #tpu.memory_space<vmem>> -> memref<1x128x64xf32, #tpu.memory_space<vmem>>
      %dma_start3A_67 = tpu.memref_squeeze %dma_start3A_66 : memref<1x128x64xf32, #tpu.memory_space<vmem>> -> memref<128x64xf32, #tpu.memory_space<vmem>>
      %dma_start3A_68 = arith.constant 0 : i32
      %dma_start3A_69 = tpu.memref_slice %arg6[%dma_start3A, %dma_start3A_62, %dma_start3A_68] : memref<79x2x128xi32, #tpu.memory_space<vmem>> -> memref<1x1x128xi32, #tpu.memory_space<vmem>>
      %dma_start3A_70 = tpu.memref_squeeze %dma_start3A_69 : memref<1x1x128xi32, #tpu.memory_space<vmem>> -> memref<128xi32, #tpu.memory_space<vmem>>
      %dma_start3A_71 = arith.constant 0 : i32
      %dma_start3A_72 = arith.constant 0 : i32
      %dma_start3A_73 = tpu.memref_slice %arg2[%dma_start3A_71, %dma_start3A_72] : memref<10000x64xf32, #tpu.memory_space<hbm>> -> memref<10000x64xf32, #tpu.memory_space<hbm>>
      tpu.enqueue_indirect_dma source(%dma_start3A_73 : memref<10000x64xf32, #tpu.memory_space<hbm>>) target(%dma_start3A_67 : memref<128x64xf32, #tpu.memory_space<vmem>>) offsets(%dma_start3A_70 : memref<128xi32, #tpu.memory_space<vmem>>) semaphore(%arg9 : memref<!tpu.dma_semaphore, #tpu.memory_space<semaphore_mem>>)
    } else {
    }
    %gt3A_38 = arith.constant 5 : i32
    %gt3A_39 = arith.cmpi sgt, %add3A_4, %gt3A_38 : i32
    %convert_element_type3A_40 = arith.extui %gt3A_39 : i1 to i32
    %cond3A_41 = arith.constant 0 : i32
    %cond3A_42 = arith.cmpi ne, %convert_element_type3A_40, %cond3A_41 : i32
    scf.if %cond3A_42 {
      %dma_start3A = arith.constant 5 : i32
      %dma_start3A_62 = arith.constant 0 : i32
      %dma_start3A_63 = arith.constant 5 : i32
      %dma_start3A_64 = arith.constant 0 : i32
      %dma_start3A_65 = arith.constant 0 : i32
      %dma_start3A_66 = tpu.memref_slice %arg7[%dma_start3A_63, %dma_start3A_64, %dma_start3A_65] : memref<8x128x64xf32, #tpu.memory_space<vmem>> -> memref<1x128x64xf32, #tpu.memory_space<vmem>>
      %dma_start3A_67 = tpu.memref_squeeze %dma_start3A_66 : memref<1x128x64xf32, #tpu.memory_space<vmem>> -> memref<128x64xf32, #tpu.memory_space<vmem>>
      %dma_start3A_68 = arith.constant 0 : i32
      %dma_start3A_69 = tpu.memref_slice %arg6[%dma_start3A, %dma_start3A_62, %dma_start3A_68] : memref<79x2x128xi32, #tpu.memory_space<vmem>> -> memref<1x1x128xi32, #tpu.memory_space<vmem>>
      %dma_start3A_70 = tpu.memref_squeeze %dma_start3A_69 : memref<1x1x128xi32, #tpu.memory_space<vmem>> -> memref<128xi32, #tpu.memory_space<vmem>>
      %dma_start3A_71 = arith.constant 0 : i32
      %dma_start3A_72 = arith.constant 0 : i32
      %dma_start3A_73 = tpu.memref_slice %arg2[%dma_start3A_71, %dma_start3A_72] : memref<10000x64xf32, #tpu.memory_space<hbm>> -> memref<10000x64xf32, #tpu.memory_space<hbm>>
      tpu.enqueue_indirect_dma source(%dma_start3A_73 : memref<10000x64xf32, #tpu.memory_space<hbm>>) target(%dma_start3A_67 : memref<128x64xf32, #tpu.memory_space<vmem>>) offsets(%dma_start3A_70 : memref<128xi32, #tpu.memory_space<vmem>>) semaphore(%arg9 : memref<!tpu.dma_semaphore, #tpu.memory_space<semaphore_mem>>)
    } else {
    }
    %gt3A_43 = arith.constant 6 : i32
    %gt3A_44 = arith.cmpi sgt, %add3A_4, %gt3A_43 : i32
    %convert_element_type3A_45 = arith.extui %gt3A_44 : i1 to i32
    %cond3A_46 = arith.constant 0 : i32
    %cond3A_47 = arith.cmpi ne, %convert_element_type3A_45, %cond3A_46 : i32
    scf.if %cond3A_47 {
      %dma_start3A = arith.constant 6 : i32
      %dma_start3A_62 = arith.constant 0 : i32
      %dma_start3A_63 = arith.constant 6 : i32
      %dma_start3A_64 = arith.constant 0 : i32
      %dma_start3A_65 = arith.constant 0 : i32
      %dma_start3A_66 = tpu.memref_slice %arg7[%dma_start3A_63, %dma_start3A_64, %dma_start3A_65] : memref<8x128x64xf32, #tpu.memory_space<vmem>> -> memref<1x128x64xf32, #tpu.memory_space<vmem>>
      %dma_start3A_67 = tpu.memref_squeeze %dma_start3A_66 : memref<1x128x64xf32, #tpu.memory_space<vmem>> -> memref<128x64xf32, #tpu.memory_space<vmem>>
      %dma_start3A_68 = arith.constant 0 : i32
      %dma_start3A_69 = tpu.memref_slice %arg6[%dma_start3A, %dma_start3A_62, %dma_start3A_68] : memref<79x2x128xi32, #tpu.memory_space<vmem>> -> memref<1x1x128xi32, #tpu.memory_space<vmem>>
      %dma_start3A_70 = tpu.memref_squeeze %dma_start3A_69 : memref<1x1x128xi32, #tpu.memory_space<vmem>> -> memref<128xi32, #tpu.memory_space<vmem>>
      %dma_start3A_71 = arith.constant 0 : i32
      %dma_start3A_72 = arith.constant 0 : i32
      %dma_start3A_73 = tpu.memref_slice %arg2[%dma_start3A_71, %dma_start3A_72] : memref<10000x64xf32, #tpu.memory_space<hbm>> -> memref<10000x64xf32, #tpu.memory_space<hbm>>
      tpu.enqueue_indirect_dma source(%dma_start3A_73 : memref<10000x64xf32, #tpu.memory_space<hbm>>) target(%dma_start3A_67 : memref<128x64xf32, #tpu.memory_space<vmem>>) offsets(%dma_start3A_70 : memref<128xi32, #tpu.memory_space<vmem>>) semaphore(%arg9 : memref<!tpu.dma_semaphore, #tpu.memory_space<semaphore_mem>>)
    } else {
    }
    %scan3A = arith.constant 0 : i32
    %scan3A_48 = arith.constant 0 : i32
    %scan3A_49 = arith.constant 10 : i32
    %scan3A_50 = arith.addi %scan3A_48, %scan3A_49 : i32
    %scan3A_51 = arith.constant 1 : i32
    scf.for %scan3A_62 = %scan3A_48 to %scan3A_50 step %scan3A_51  : i32 {
      %mul3A_63 = arith.constant 8 : i32
      %mul3A_64 = arith.muli %scan3A_62, %mul3A_63 : i32
      %add3A_65 = arith.constant 0 : i32
      %add3A_66 = arith.addi %mul3A_64, %add3A_65 : i32
      %lt3A_67 = arith.cmpi slt, %add3A_66, %add3A_4 : i32
      %convert_element_type3A_68 = arith.extui %lt3A_67 : i1 to i32
      %cond3A_69 = arith.constant 0 : i32
      %cond3A_70 = arith.cmpi ne, %convert_element_type3A_68, %cond3A_69 : i32
      scf.if %cond3A_70 {
        %dma_wait3A = arith.constant 0 : i32
        %dma_wait3A_127 = arith.constant 0 : i32
        %dma_wait3A_128 = arith.constant 0 : i32
        %dma_wait3A_129 = arith.constant 0 : i32
        %dma_wait3A_130 = tpu.memref_slice %arg7[%dma_wait3A_127, %dma_wait3A_128, %dma_wait3A_129] : memref<8x128x64xf32, #tpu.memory_space<vmem>> -> memref<1x128x64xf32, #tpu.memory_space<vmem>>
        %dma_wait3A_131 = tpu.memref_squeeze %dma_wait3A_130 : memref<1x128x64xf32, #tpu.memory_space<vmem>> -> memref<128x64xf32, #tpu.memory_space<vmem>>
        %dma_wait3A_132 = arith.constant 0 : i32
        %dma_wait3A_133 = tpu.memref_slice %arg6[%add3A_66, %dma_wait3A, %dma_wait3A_132] : memref<79x2x128xi32, #tpu.memory_space<vmem>> -> memref<1x1x128xi32, #tpu.memory_space<vmem>>
        %dma_wait3A_134 = tpu.memref_squeeze %dma_wait3A_133 : memref<1x1x128xi32, #tpu.memory_space<vmem>> -> memref<128xi32, #tpu.memory_space<vmem>>
        %dma_wait3A_135 = arith.constant 0 : i32
        %dma_wait3A_136 = arith.constant 0 : i32
        %dma_wait3A_137 = tpu.memref_slice %arg2[%dma_wait3A_135, %dma_wait3A_136] : memref<10000x64xf32, #tpu.memory_space<hbm>> -> memref<10000x64xf32, #tpu.memory_space<hbm>>
        tpu.wait_indirect_dma semaphore(%arg9 : memref<!tpu.dma_semaphore, #tpu.memory_space<semaphore_mem>>) src(%dma_wait3A_137 : memref<10000x64xf32, #tpu.memory_space<hbm>>) dst(%dma_wait3A_131 : memref<128x64xf32, #tpu.memory_space<vmem>>)
        %dma_start3A = arith.constant 0 : i32
        %dma_start3A_138 = arith.constant 1 : i32
        %dma_start3A_139 = arith.constant 0 : i32
        %dma_start3A_140 = arith.constant 0 : i32
        %dma_start3A_141 = tpu.memref_slice %arg7[%dma_start3A, %dma_start3A_139, %dma_start3A_140] : memref<8x128x64xf32, #tpu.memory_space<vmem>> -> memref<1x128x64xf32, #tpu.memory_space<vmem>>
        %dma_start3A_142 = tpu.memref_squeeze %dma_start3A_141 : memref<1x128x64xf32, #tpu.memory_space<vmem>> -> memref<128x64xf32, #tpu.memory_space<vmem>>
        %dma_start3A_143 = arith.constant 0 : i32
        %dma_start3A_144 = tpu.memref_slice %arg6[%add3A_66, %dma_start3A_138, %dma_start3A_143] : memref<79x2x128xi32, #tpu.memory_space<vmem>> -> memref<1x1x128xi32, #tpu.memory_space<vmem>>
        %dma_start3A_145 = tpu.memref_squeeze %dma_start3A_144 : memref<1x1x128xi32, #tpu.memory_space<vmem>> -> memref<128xi32, #tpu.memory_space<vmem>>
        %dma_start3A_146 = arith.constant 0 : i32
        %dma_start3A_147 = arith.constant 0 : i32
        %dma_start3A_148 = tpu.memref_slice %arg8[%dma_start3A_146, %dma_start3A_147] : memref<10240x64xf32, #tpu.memory_space<vmem_shared>> -> memref<10240x64xf32, #tpu.memory_space<vmem_shared>>
        tpu.enqueue_indirect_dma source(%dma_start3A_142 : memref<128x64xf32, #tpu.memory_space<vmem>>) target(%dma_start3A_148 : memref<10240x64xf32, #tpu.memory_space<vmem_shared>>) offsets(%dma_start3A_145 : memref<128xi32, #tpu.memory_space<vmem>>) semaphore(%arg10 : memref<!tpu.dma_semaphore, #tpu.memory_space<semaphore_mem>>) {add = true}
        %ge3A_149 = arith.constant 1 : i32
        %ge3A_150 = arith.cmpi sge, %add3A_66, %ge3A_149 : i32
        %convert_element_type3A_151 = arith.extui %ge3A_150 : i1 to i32
        %cond3A_152 = arith.constant 0 : i32
        %cond3A_153 = arith.cmpi ne, %convert_element_type3A_151, %cond3A_152 : i32
        scf.if %cond3A_153 {
          %dma_wait3A_161 = arith.constant 7 : i32
          %dma_wait3A_162 = arith.constant 1 : i32
          %dma_wait3A_163 = arith.constant 0 : i32
          %dma_wait3A_164 = arith.constant 0 : i32
          %dma_wait3A_165 = tpu.memref_slice %arg7[%dma_wait3A_161, %dma_wait3A_163, %dma_wait3A_164] : memref<8x128x64xf32, #tpu.memory_space<vmem>> -> memref<1x128x64xf32, #tpu.memory_space<vmem>>
          %dma_wait3A_166 = tpu.memref_squeeze %dma_wait3A_165 : memref<1x128x64xf32, #tpu.memory_space<vmem>> -> memref<128x64xf32, #tpu.memory_space<vmem>>
          %dma_wait3A_167 = arith.constant 0 : i32
          %dma_wait3A_168 = tpu.memref_slice %arg6[%add3A_66, %dma_wait3A_162, %dma_wait3A_167] : memref<79x2x128xi32, #tpu.memory_space<vmem>> -> memref<1x1x128xi32, #tpu.memory_space<vmem>>
          %dma_wait3A_169 = tpu.memref_squeeze %dma_wait3A_168 : memref<1x1x128xi32, #tpu.memory_space<vmem>> -> memref<128xi32, #tpu.memory_space<vmem>>
          %dma_wait3A_170 = arith.constant 0 : i32
          %dma_wait3A_171 = arith.constant 0 : i32
          %dma_wait3A_172 = tpu.memref_slice %arg8[%dma_wait3A_170, %dma_wait3A_171] : memref<10240x64xf32, #tpu.memory_space<vmem_shared>> -> memref<10240x64xf32, #tpu.memory_space<vmem_shared>>
          tpu.wait_indirect_dma semaphore(%arg10 : memref<!tpu.dma_semaphore, #tpu.memory_space<semaphore_mem>>) src(%dma_wait3A_166 : memref<128x64xf32, #tpu.memory_space<vmem>>) dst(%dma_wait3A_172 : memref<10240x64xf32, #tpu.memory_space<vmem_shared>>)
        } else {
        }
        %add3A_154 = arith.constant 8 : i32
        %add3A_155 = arith.addi %add3A_66, %add3A_154 : i32
        %sub3A = arith.constant 1 : i32
        %sub3A_156 = arith.subi %add3A_155, %sub3A : i32
        %lt3A_157 = arith.cmpi slt, %sub3A_156, %add3A_4 : i32
        %convert_element_type3A_158 = arith.extui %lt3A_157 : i1 to i32
        %cond3A_159 = arith.constant 0 : i32
        %cond3A_160 = arith.cmpi ne, %convert_element_type3A_158, %cond3A_159 : i32
        scf.if %cond3A_160 {
          %add3A_161 = arith.constant 8 : i32
          %add3A_162 = arith.addi %add3A_66, %add3A_161 : i32
          %sub3A_163 = arith.constant 1 : i32
          %sub3A_164 = arith.subi %add3A_162, %sub3A_163 : i32
          %dma_start3A_165 = arith.constant 0 : i32
          %dma_start3A_166 = arith.constant 7 : i32
          %dma_start3A_167 = arith.constant 0 : i32
          %dma_start3A_168 = arith.constant 0 : i32
          %dma_start3A_169 = tpu.memref_slice %arg7[%dma_start3A_166, %dma_start3A_167, %dma_start3A_168] : memref<8x128x64xf32, #tpu.memory_space<vmem>> -> memref<1x128x64xf32, #tpu.memory_space<vmem>>
          %dma_start3A_170 = tpu.memref_squeeze %dma_start3A_169 : memref<1x128x64xf32, #tpu.memory_space<vmem>> -> memref<128x64xf32, #tpu.memory_space<vmem>>
          %dma_start3A_171 = arith.constant 0 : i32
          %dma_start3A_172 = tpu.memref_slice %arg6[%sub3A_164, %dma_start3A_165, %dma_start3A_171] : memref<79x2x128xi32, #tpu.memory_space<vmem>> -> memref<1x1x128xi32, #tpu.memory_space<vmem>>
          %dma_start3A_173 = tpu.memref_squeeze %dma_start3A_172 : memref<1x1x128xi32, #tpu.memory_space<vmem>> -> memref<128xi32, #tpu.memory_space<vmem>>
          %dma_start3A_174 = arith.constant 0 : i32
          %dma_start3A_175 = arith.constant 0 : i32
          %dma_start3A_176 = tpu.memref_slice %arg2[%dma_start3A_174, %dma_start3A_175] : memref<10000x64xf32, #tpu.memory_space<hbm>> -> memref<10000x64xf32, #tpu.memory_space<hbm>>
          tpu.enqueue_indirect_dma source(%dma_start3A_176 : memref<10000x64xf32, #tpu.memory_space<hbm>>) target(%dma_start3A_170 : memref<128x64xf32, #tpu.memory_space<vmem>>) offsets(%dma_start3A_173 : memref<128xi32, #tpu.memory_space<vmem>>) semaphore(%arg9 : memref<!tpu.dma_semaphore, #tpu.memory_space<semaphore_mem>>)
        } else {
        }
      } else {
      }
      %mul3A_71 = arith.constant 8 : i32
      %mul3A_72 = arith.muli %scan3A_62, %mul3A_71 : i32
      %add3A_73 = arith.constant 1 : i32
      %add3A_74 = arith.addi %mul3A_72, %add3A_73 : i32
      %lt3A_75 = arith.cmpi slt, %add3A_74, %add3A_4 : i32
      %convert_element_type3A_76 = arith.extui %lt3A_75 : i1 to i32
      %cond3A_77 = arith.constant 0 : i32
      %cond3A_78 = arith.cmpi ne, %convert_element_type3A_76, %cond3A_77 : i32
      scf.if %cond3A_78 {
        %dma_wait3A = arith.constant 0 : i32
        %dma_wait3A_127 = arith.constant 1 : i32
        %dma_wait3A_128 = arith.constant 0 : i32
        %dma_wait3A_129 = arith.constant 0 : i32
        %dma_wait3A_130 = tpu.memref_slice %arg7[%dma_wait3A_127, %dma_wait3A_128, %dma_wait3A_129] : memref<8x128x64xf32, #tpu.memory_space<vmem>> -> memref<1x128x64xf32, #tpu.memory_space<vmem>>
        %dma_wait3A_131 = tpu.memref_squeeze %dma_wait3A_130 : memref<1x128x64xf32, #tpu.memory_space<vmem>> -> memref<128x64xf32, #tpu.memory_space<vmem>>
        %dma_wait3A_132 = arith.constant 0 : i32
        %dma_wait3A_133 = tpu.memref_slice %arg6[%add3A_74, %dma_wait3A, %dma_wait3A_132] : memref<79x2x128xi32, #tpu.memory_space<vmem>> -> memref<1x1x128xi32, #tpu.memory_space<vmem>>
        %dma_wait3A_134 = tpu.memref_squeeze %dma_wait3A_133 : memref<1x1x128xi32, #tpu.memory_space<vmem>> -> memref<128xi32, #tpu.memory_space<vmem>>
        %dma_wait3A_135 = arith.constant 0 : i32
        %dma_wait3A_136 = arith.constant 0 : i32
        %dma_wait3A_137 = tpu.memref_slice %arg2[%dma_wait3A_135, %dma_wait3A_136] : memref<10000x64xf32, #tpu.memory_space<hbm>> -> memref<10000x64xf32, #tpu.memory_space<hbm>>
        tpu.wait_indirect_dma semaphore(%arg9 : memref<!tpu.dma_semaphore, #tpu.memory_space<semaphore_mem>>) src(%dma_wait3A_137 : memref<10000x64xf32, #tpu.memory_space<hbm>>) dst(%dma_wait3A_131 : memref<128x64xf32, #tpu.memory_space<vmem>>)
        %dma_start3A = arith.constant 1 : i32
        %dma_start3A_138 = arith.constant 1 : i32
        %dma_start3A_139 = arith.constant 0 : i32
        %dma_start3A_140 = arith.constant 0 : i32
        %dma_start3A_141 = tpu.memref_slice %arg7[%dma_start3A, %dma_start3A_139, %dma_start3A_140] : memref<8x128x64xf32, #tpu.memory_space<vmem>> -> memref<1x128x64xf32, #tpu.memory_space<vmem>>
        %dma_start3A_142 = tpu.memref_squeeze %dma_start3A_141 : memref<1x128x64xf32, #tpu.memory_space<vmem>> -> memref<128x64xf32, #tpu.memory_space<vmem>>
        %dma_start3A_143 = arith.constant 0 : i32
        %dma_start3A_144 = tpu.memref_slice %arg6[%add3A_74, %dma_start3A_138, %dma_start3A_143] : memref<79x2x128xi32, #tpu.memory_space<vmem>> -> memref<1x1x128xi32, #tpu.memory_space<vmem>>
        %dma_start3A_145 = tpu.memref_squeeze %dma_start3A_144 : memref<1x1x128xi32, #tpu.memory_space<vmem>> -> memref<128xi32, #tpu.memory_space<vmem>>
        %dma_start3A_146 = arith.constant 0 : i32
        %dma_start3A_147 = arith.constant 0 : i32
        %dma_start3A_148 = tpu.memref_slice %arg8[%dma_start3A_146, %dma_start3A_147] : memref<10240x64xf32, #tpu.memory_space<vmem_shared>> -> memref<10240x64xf32, #tpu.memory_space<vmem_shared>>
        tpu.enqueue_indirect_dma source(%dma_start3A_142 : memref<128x64xf32, #tpu.memory_space<vmem>>) target(%dma_start3A_148 : memref<10240x64xf32, #tpu.memory_space<vmem_shared>>) offsets(%dma_start3A_145 : memref<128xi32, #tpu.memory_space<vmem>>) semaphore(%arg10 : memref<!tpu.dma_semaphore, #tpu.memory_space<semaphore_mem>>) {add = true}
        %ge3A_149 = arith.constant 1 : i32
        %ge3A_150 = arith.cmpi sge, %add3A_74, %ge3A_149 : i32
        %convert_element_type3A_151 = arith.extui %ge3A_150 : i1 to i32
        %cond3A_152 = arith.constant 0 : i32
        %cond3A_153 = arith.cmpi ne, %convert_element_type3A_151, %cond3A_152 : i32
        scf.if %cond3A_153 {
          %dma_wait3A_161 = arith.constant 0 : i32
          %dma_wait3A_162 = arith.constant 1 : i32
          %dma_wait3A_163 = arith.constant 0 : i32
          %dma_wait3A_164 = arith.constant 0 : i32
          %dma_wait3A_165 = tpu.memref_slice %arg7[%dma_wait3A_161, %dma_wait3A_163, %dma_wait3A_164] : memref<8x128x64xf32, #tpu.memory_space<vmem>> -> memref<1x128x64xf32, #tpu.memory_space<vmem>>
          %dma_wait3A_166 = tpu.memref_squeeze %dma_wait3A_165 : memref<1x128x64xf32, #tpu.memory_space<vmem>> -> memref<128x64xf32, #tpu.memory_space<vmem>>
          %dma_wait3A_167 = arith.constant 0 : i32
          %dma_wait3A_168 = tpu.memref_slice %arg6[%add3A_74, %dma_wait3A_162, %dma_wait3A_167] : memref<79x2x128xi32, #tpu.memory_space<vmem>> -> memref<1x1x128xi32, #tpu.memory_space<vmem>>
          %dma_wait3A_169 = tpu.memref_squeeze %dma_wait3A_168 : memref<1x1x128xi32, #tpu.memory_space<vmem>> -> memref<128xi32, #tpu.memory_space<vmem>>
          %dma_wait3A_170 = arith.constant 0 : i32
          %dma_wait3A_171 = arith.constant 0 : i32
          %dma_wait3A_172 = tpu.memref_slice %arg8[%dma_wait3A_170, %dma_wait3A_171] : memref<10240x64xf32, #tpu.memory_space<vmem_shared>> -> memref<10240x64xf32, #tpu.memory_space<vmem_shared>>
          tpu.wait_indirect_dma semaphore(%arg10 : memref<!tpu.dma_semaphore, #tpu.memory_space<semaphore_mem>>) src(%dma_wait3A_166 : memref<128x64xf32, #tpu.memory_space<vmem>>) dst(%dma_wait3A_172 : memref<10240x64xf32, #tpu.memory_space<vmem_shared>>)
        } else {
        }
        %add3A_154 = arith.constant 8 : i32
        %add3A_155 = arith.addi %add3A_74, %add3A_154 : i32
        %sub3A = arith.constant 1 : i32
        %sub3A_156 = arith.subi %add3A_155, %sub3A : i32
        %lt3A_157 = arith.cmpi slt, %sub3A_156, %add3A_4 : i32
        %convert_element_type3A_158 = arith.extui %lt3A_157 : i1 to i32
        %cond3A_159 = arith.constant 0 : i32
        %cond3A_160 = arith.cmpi ne, %convert_element_type3A_158, %cond3A_159 : i32
        scf.if %cond3A_160 {
          %add3A_161 = arith.constant 8 : i32
          %add3A_162 = arith.addi %add3A_74, %add3A_161 : i32
          %sub3A_163 = arith.constant 1 : i32
          %sub3A_164 = arith.subi %add3A_162, %sub3A_163 : i32
          %dma_start3A_165 = arith.constant 0 : i32
          %dma_start3A_166 = arith.constant 0 : i32
          %dma_start3A_167 = arith.constant 0 : i32
          %dma_start3A_168 = arith.constant 0 : i32
          %dma_start3A_169 = tpu.memref_slice %arg7[%dma_start3A_166, %dma_start3A_167, %dma_start3A_168] : memref<8x128x64xf32, #tpu.memory_space<vmem>> -> memref<1x128x64xf32, #tpu.memory_space<vmem>>
          %dma_start3A_170 = tpu.memref_squeeze %dma_start3A_169 : memref<1x128x64xf32, #tpu.memory_space<vmem>> -> memref<128x64xf32, #tpu.memory_space<vmem>>
          %dma_start3A_171 = arith.constant 0 : i32
          %dma_start3A_172 = tpu.memref_slice %arg6[%sub3A_164, %dma_start3A_165, %dma_start3A_171] : memref<79x2x128xi32, #tpu.memory_space<vmem>> -> memref<1x1x128xi32, #tpu.memory_space<vmem>>
          %dma_start3A_173 = tpu.memref_squeeze %dma_start3A_172 : memref<1x1x128xi32, #tpu.memory_space<vmem>> -> memref<128xi32, #tpu.memory_space<vmem>>
          %dma_start3A_174 = arith.constant 0 : i32
          %dma_start3A_175 = arith.constant 0 : i32
          %dma_start3A_176 = tpu.memref_slice %arg2[%dma_start3A_174, %dma_start3A_175] : memref<10000x64xf32, #tpu.memory_space<hbm>> -> memref<10000x64xf32, #tpu.memory_space<hbm>>
          tpu.enqueue_indirect_dma source(%dma_start3A_176 : memref<10000x64xf32, #tpu.memory_space<hbm>>) target(%dma_start3A_170 : memref<128x64xf32, #tpu.memory_space<vmem>>) offsets(%dma_start3A_173 : memref<128xi32, #tpu.memory_space<vmem>>) semaphore(%arg9 : memref<!tpu.dma_semaphore, #tpu.memory_space<semaphore_mem>>)
        } else {
        }
      } else {
      }
      %mul3A_79 = arith.constant 8 : i32
      %mul3A_80 = arith.muli %scan3A_62, %mul3A_79 : i32
      %add3A_81 = arith.constant 2 : i32
      %add3A_82 = arith.addi %mul3A_80, %add3A_81 : i32
      %lt3A_83 = arith.cmpi slt, %add3A_82, %add3A_4 : i32
      %convert_element_type3A_84 = arith.extui %lt3A_83 : i1 to i32
      %cond3A_85 = arith.constant 0 : i32
      %cond3A_86 = arith.cmpi ne, %convert_element_type3A_84, %cond3A_85 : i32
      scf.if %cond3A_86 {
        %dma_wait3A = arith.constant 0 : i32
        %dma_wait3A_127 = arith.constant 2 : i32
        %dma_wait3A_128 = arith.constant 0 : i32
        %dma_wait3A_129 = arith.constant 0 : i32
        %dma_wait3A_130 = tpu.memref_slice %arg7[%dma_wait3A_127, %dma_wait3A_128, %dma_wait3A_129] : memref<8x128x64xf32, #tpu.memory_space<vmem>> -> memref<1x128x64xf32, #tpu.memory_space<vmem>>
        %dma_wait3A_131 = tpu.memref_squeeze %dma_wait3A_130 : memref<1x128x64xf32, #tpu.memory_space<vmem>> -> memref<128x64xf32, #tpu.memory_space<vmem>>
        %dma_wait3A_132 = arith.constant 0 : i32
        %dma_wait3A_133 = tpu.memref_slice %arg6[%add3A_82, %dma_wait3A, %dma_wait3A_132] : memref<79x2x128xi32, #tpu.memory_space<vmem>> -> memref<1x1x128xi32, #tpu.memory_space<vmem>>
        %dma_wait3A_134 = tpu.memref_squeeze %dma_wait3A_133 : memref<1x1x128xi32, #tpu.memory_space<vmem>> -> memref<128xi32, #tpu.memory_space<vmem>>
        %dma_wait3A_135 = arith.constant 0 : i32
        %dma_wait3A_136 = arith.constant 0 : i32
        %dma_wait3A_137 = tpu.memref_slice %arg2[%dma_wait3A_135, %dma_wait3A_136] : memref<10000x64xf32, #tpu.memory_space<hbm>> -> memref<10000x64xf32, #tpu.memory_space<hbm>>
        tpu.wait_indirect_dma semaphore(%arg9 : memref<!tpu.dma_semaphore, #tpu.memory_space<semaphore_mem>>) src(%dma_wait3A_137 : memref<10000x64xf32, #tpu.memory_space<hbm>>) dst(%dma_wait3A_131 : memref<128x64xf32, #tpu.memory_space<vmem>>)
        %dma_start3A = arith.constant 2 : i32
        %dma_start3A_138 = arith.constant 1 : i32
        %dma_start3A_139 = arith.constant 0 : i32
        %dma_start3A_140 = arith.constant 0 : i32
        %dma_start3A_141 = tpu.memref_slice %arg7[%dma_start3A, %dma_start3A_139, %dma_start3A_140] : memref<8x128x64xf32, #tpu.memory_space<vmem>> -> memref<1x128x64xf32, #tpu.memory_space<vmem>>
        %dma_start3A_142 = tpu.memref_squeeze %dma_start3A_141 : memref<1x128x64xf32, #tpu.memory_space<vmem>> -> memref<128x64xf32, #tpu.memory_space<vmem>>
        %dma_start3A_143 = arith.constant 0 : i32
        %dma_start3A_144 = tpu.memref_slice %arg6[%add3A_82, %dma_start3A_138, %dma_start3A_143] : memref<79x2x128xi32, #tpu.memory_space<vmem>> -> memref<1x1x128xi32, #tpu.memory_space<vmem>>
        %dma_start3A_145 = tpu.memref_squeeze %dma_start3A_144 : memref<1x1x128xi32, #tpu.memory_space<vmem>> -> memref<128xi32, #tpu.memory_space<vmem>>
        %dma_start3A_146 = arith.constant 0 : i32
        %dma_start3A_147 = arith.constant 0 : i32
        %dma_start3A_148 = tpu.memref_slice %arg8[%dma_start3A_146, %dma_start3A_147] : memref<10240x64xf32, #tpu.memory_space<vmem_shared>> -> memref<10240x64xf32, #tpu.memory_space<vmem_shared>>
        tpu.enqueue_indirect_dma source(%dma_start3A_142 : memref<128x64xf32, #tpu.memory_space<vmem>>) target(%dma_start3A_148 : memref<10240x64xf32, #tpu.memory_space<vmem_shared>>) offsets(%dma_start3A_145 : memref<128xi32, #tpu.memory_space<vmem>>) semaphore(%arg10 : memref<!tpu.dma_semaphore, #tpu.memory_space<semaphore_mem>>) {add = true}
        %ge3A_149 = arith.constant 1 : i32
        %ge3A_150 = arith.cmpi sge, %add3A_82, %ge3A_149 : i32
        %convert_element_type3A_151 = arith.extui %ge3A_150 : i1 to i32
        %cond3A_152 = arith.constant 0 : i32
        %cond3A_153 = arith.cmpi ne, %convert_element_type3A_151, %cond3A_152 : i32
        scf.if %cond3A_153 {
          %dma_wait3A_161 = arith.constant 1 : i32
          %dma_wait3A_162 = arith.constant 1 : i32
          %dma_wait3A_163 = arith.constant 0 : i32
          %dma_wait3A_164 = arith.constant 0 : i32
          %dma_wait3A_165 = tpu.memref_slice %arg7[%dma_wait3A_161, %dma_wait3A_163, %dma_wait3A_164] : memref<8x128x64xf32, #tpu.memory_space<vmem>> -> memref<1x128x64xf32, #tpu.memory_space<vmem>>
          %dma_wait3A_166 = tpu.memref_squeeze %dma_wait3A_165 : memref<1x128x64xf32, #tpu.memory_space<vmem>> -> memref<128x64xf32, #tpu.memory_space<vmem>>
          %dma_wait3A_167 = arith.constant 0 : i32
          %dma_wait3A_168 = tpu.memref_slice %arg6[%add3A_82, %dma_wait3A_162, %dma_wait3A_167] : memref<79x2x128xi32, #tpu.memory_space<vmem>> -> memref<1x1x128xi32, #tpu.memory_space<vmem>>
          %dma_wait3A_169 = tpu.memref_squeeze %dma_wait3A_168 : memref<1x1x128xi32, #tpu.memory_space<vmem>> -> memref<128xi32, #tpu.memory_space<vmem>>
          %dma_wait3A_170 = arith.constant 0 : i32
          %dma_wait3A_171 = arith.constant 0 : i32
          %dma_wait3A_172 = tpu.memref_slice %arg8[%dma_wait3A_170, %dma_wait3A_171] : memref<10240x64xf32, #tpu.memory_space<vmem_shared>> -> memref<10240x64xf32, #tpu.memory_space<vmem_shared>>
          tpu.wait_indirect_dma semaphore(%arg10 : memref<!tpu.dma_semaphore, #tpu.memory_space<semaphore_mem>>) src(%dma_wait3A_166 : memref<128x64xf32, #tpu.memory_space<vmem>>) dst(%dma_wait3A_172 : memref<10240x64xf32, #tpu.memory_space<vmem_shared>>)
        } else {
        }
        %add3A_154 = arith.constant 8 : i32
        %add3A_155 = arith.addi %add3A_82, %add3A_154 : i32
        %sub3A = arith.constant 1 : i32
        %sub3A_156 = arith.subi %add3A_155, %sub3A : i32
        %lt3A_157 = arith.cmpi slt, %sub3A_156, %add3A_4 : i32
        %convert_element_type3A_158 = arith.extui %lt3A_157 : i1 to i32
        %cond3A_159 = arith.constant 0 : i32
        %cond3A_160 = arith.cmpi ne, %convert_element_type3A_158, %cond3A_159 : i32
        scf.if %cond3A_160 {
          %add3A_161 = arith.constant 8 : i32
          %add3A_162 = arith.addi %add3A_82, %add3A_161 : i32
          %sub3A_163 = arith.constant 1 : i32
          %sub3A_164 = arith.subi %add3A_162, %sub3A_163 : i32
          %dma_start3A_165 = arith.constant 0 : i32
          %dma_start3A_166 = arith.constant 1 : i32
          %dma_start3A_167 = arith.constant 0 : i32
          %dma_start3A_168 = arith.constant 0 : i32
          %dma_start3A_169 = tpu.memref_slice %arg7[%dma_start3A_166, %dma_start3A_167, %dma_start3A_168] : memref<8x128x64xf32, #tpu.memory_space<vmem>> -> memref<1x128x64xf32, #tpu.memory_space<vmem>>
          %dma_start3A_170 = tpu.memref_squeeze %dma_start3A_169 : memref<1x128x64xf32, #tpu.memory_space<vmem>> -> memref<128x64xf32, #tpu.memory_space<vmem>>
          %dma_start3A_171 = arith.constant 0 : i32
          %dma_start3A_172 = tpu.memref_slice %arg6[%sub3A_164, %dma_start3A_165, %dma_start3A_171] : memref<79x2x128xi32, #tpu.memory_space<vmem>> -> memref<1x1x128xi32, #tpu.memory_space<vmem>>
          %dma_start3A_173 = tpu.memref_squeeze %dma_start3A_172 : memref<1x1x128xi32, #tpu.memory_space<vmem>> -> memref<128xi32, #tpu.memory_space<vmem>>
          %dma_start3A_174 = arith.constant 0 : i32
          %dma_start3A_175 = arith.constant 0 : i32
          %dma_start3A_176 = tpu.memref_slice %arg2[%dma_start3A_174, %dma_start3A_175] : memref<10000x64xf32, #tpu.memory_space<hbm>> -> memref<10000x64xf32, #tpu.memory_space<hbm>>
          tpu.enqueue_indirect_dma source(%dma_start3A_176 : memref<10000x64xf32, #tpu.memory_space<hbm>>) target(%dma_start3A_170 : memref<128x64xf32, #tpu.memory_space<vmem>>) offsets(%dma_start3A_173 : memref<128xi32, #tpu.memory_space<vmem>>) semaphore(%arg9 : memref<!tpu.dma_semaphore, #tpu.memory_space<semaphore_mem>>)
        } else {
        }
      } else {
      }
      %mul3A_87 = arith.constant 8 : i32
      %mul3A_88 = arith.muli %scan3A_62, %mul3A_87 : i32
      %add3A_89 = arith.constant 3 : i32
      %add3A_90 = arith.addi %mul3A_88, %add3A_89 : i32
      %lt3A_91 = arith.cmpi slt, %add3A_90, %add3A_4 : i32
      %convert_element_type3A_92 = arith.extui %lt3A_91 : i1 to i32
      %cond3A_93 = arith.constant 0 : i32
      %cond3A_94 = arith.cmpi ne, %convert_element_type3A_92, %cond3A_93 : i32
      scf.if %cond3A_94 {
        %dma_wait3A = arith.constant 0 : i32
        %dma_wait3A_127 = arith.constant 3 : i32
        %dma_wait3A_128 = arith.constant 0 : i32
        %dma_wait3A_129 = arith.constant 0 : i32
        %dma_wait3A_130 = tpu.memref_slice %arg7[%dma_wait3A_127, %dma_wait3A_128, %dma_wait3A_129] : memref<8x128x64xf32, #tpu.memory_space<vmem>> -> memref<1x128x64xf32, #tpu.memory_space<vmem>>
        %dma_wait3A_131 = tpu.memref_squeeze %dma_wait3A_130 : memref<1x128x64xf32, #tpu.memory_space<vmem>> -> memref<128x64xf32, #tpu.memory_space<vmem>>
        %dma_wait3A_132 = arith.constant 0 : i32
        %dma_wait3A_133 = tpu.memref_slice %arg6[%add3A_90, %dma_wait3A, %dma_wait3A_132] : memref<79x2x128xi32, #tpu.memory_space<vmem>> -> memref<1x1x128xi32, #tpu.memory_space<vmem>>
        %dma_wait3A_134 = tpu.memref_squeeze %dma_wait3A_133 : memref<1x1x128xi32, #tpu.memory_space<vmem>> -> memref<128xi32, #tpu.memory_space<vmem>>
        %dma_wait3A_135 = arith.constant 0 : i32
        %dma_wait3A_136 = arith.constant 0 : i32
        %dma_wait3A_137 = tpu.memref_slice %arg2[%dma_wait3A_135, %dma_wait3A_136] : memref<10000x64xf32, #tpu.memory_space<hbm>> -> memref<10000x64xf32, #tpu.memory_space<hbm>>
        tpu.wait_indirect_dma semaphore(%arg9 : memref<!tpu.dma_semaphore, #tpu.memory_space<semaphore_mem>>) src(%dma_wait3A_137 : memref<10000x64xf32, #tpu.memory_space<hbm>>) dst(%dma_wait3A_131 : memref<128x64xf32, #tpu.memory_space<vmem>>)
        %dma_start3A = arith.constant 3 : i32
        %dma_start3A_138 = arith.constant 1 : i32
        %dma_start3A_139 = arith.constant 0 : i32
        %dma_start3A_140 = arith.constant 0 : i32
        %dma_start3A_141 = tpu.memref_slice %arg7[%dma_start3A, %dma_start3A_139, %dma_start3A_140] : memref<8x128x64xf32, #tpu.memory_space<vmem>> -> memref<1x128x64xf32, #tpu.memory_space<vmem>>
        %dma_start3A_142 = tpu.memref_squeeze %dma_start3A_141 : memref<1x128x64xf32, #tpu.memory_space<vmem>> -> memref<128x64xf32, #tpu.memory_space<vmem>>
        %dma_start3A_143 = arith.constant 0 : i32
        %dma_start3A_144 = tpu.memref_slice %arg6[%add3A_90, %dma_start3A_138, %dma_start3A_143] : memref<79x2x128xi32, #tpu.memory_space<vmem>> -> memref<1x1x128xi32, #tpu.memory_space<vmem>>
        %dma_start3A_145 = tpu.memref_squeeze %dma_start3A_144 : memref<1x1x128xi32, #tpu.memory_space<vmem>> -> memref<128xi32, #tpu.memory_space<vmem>>
        %dma_start3A_146 = arith.constant 0 : i32
        %dma_start3A_147 = arith.constant 0 : i32
        %dma_start3A_148 = tpu.memref_slice %arg8[%dma_start3A_146, %dma_start3A_147] : memref<10240x64xf32, #tpu.memory_space<vmem_shared>> -> memref<10240x64xf32, #tpu.memory_space<vmem_shared>>
        tpu.enqueue_indirect_dma source(%dma_start3A_142 : memref<128x64xf32, #tpu.memory_space<vmem>>) target(%dma_start3A_148 : memref<10240x64xf32, #tpu.memory_space<vmem_shared>>) offsets(%dma_start3A_145 : memref<128xi32, #tpu.memory_space<vmem>>) semaphore(%arg10 : memref<!tpu.dma_semaphore, #tpu.memory_space<semaphore_mem>>) {add = true}
        %ge3A_149 = arith.constant 1 : i32
        %ge3A_150 = arith.cmpi sge, %add3A_90, %ge3A_149 : i32
        %convert_element_type3A_151 = arith.extui %ge3A_150 : i1 to i32
        %cond3A_152 = arith.constant 0 : i32
        %cond3A_153 = arith.cmpi ne, %convert_element_type3A_151, %cond3A_152 : i32
        scf.if %cond3A_153 {
          %dma_wait3A_161 = arith.constant 2 : i32
          %dma_wait3A_162 = arith.constant 1 : i32
          %dma_wait3A_163 = arith.constant 0 : i32
          %dma_wait3A_164 = arith.constant 0 : i32
          %dma_wait3A_165 = tpu.memref_slice %arg7[%dma_wait3A_161, %dma_wait3A_163, %dma_wait3A_164] : memref<8x128x64xf32, #tpu.memory_space<vmem>> -> memref<1x128x64xf32, #tpu.memory_space<vmem>>
          %dma_wait3A_166 = tpu.memref_squeeze %dma_wait3A_165 : memref<1x128x64xf32, #tpu.memory_space<vmem>> -> memref<128x64xf32, #tpu.memory_space<vmem>>
          %dma_wait3A_167 = arith.constant 0 : i32
          %dma_wait3A_168 = tpu.memref_slice %arg6[%add3A_90, %dma_wait3A_162, %dma_wait3A_167] : memref<79x2x128xi32, #tpu.memory_space<vmem>> -> memref<1x1x128xi32, #tpu.memory_space<vmem>>
          %dma_wait3A_169 = tpu.memref_squeeze %dma_wait3A_168 : memref<1x1x128xi32, #tpu.memory_space<vmem>> -> memref<128xi32, #tpu.memory_space<vmem>>
          %dma_wait3A_170 = arith.constant 0 : i32
          %dma_wait3A_171 = arith.constant 0 : i32
          %dma_wait3A_172 = tpu.memref_slice %arg8[%dma_wait3A_170, %dma_wait3A_171] : memref<10240x64xf32, #tpu.memory_space<vmem_shared>> -> memref<10240x64xf32, #tpu.memory_space<vmem_shared>>
          tpu.wait_indirect_dma semaphore(%arg10 : memref<!tpu.dma_semaphore, #tpu.memory_space<semaphore_mem>>) src(%dma_wait3A_166 : memref<128x64xf32, #tpu.memory_space<vmem>>) dst(%dma_wait3A_172 : memref<10240x64xf32, #tpu.memory_space<vmem_shared>>)
        } else {
        }
        %add3A_154 = arith.constant 8 : i32
        %add3A_155 = arith.addi %add3A_90, %add3A_154 : i32
        %sub3A = arith.constant 1 : i32
        %sub3A_156 = arith.subi %add3A_155, %sub3A : i32
        %lt3A_157 = arith.cmpi slt, %sub3A_156, %add3A_4 : i32
        %convert_element_type3A_158 = arith.extui %lt3A_157 : i1 to i32
        %cond3A_159 = arith.constant 0 : i32
        %cond3A_160 = arith.cmpi ne, %convert_element_type3A_158, %cond3A_159 : i32
        scf.if %cond3A_160 {
          %add3A_161 = arith.constant 8 : i32
          %add3A_162 = arith.addi %add3A_90, %add3A_161 : i32
          %sub3A_163 = arith.constant 1 : i32
          %sub3A_164 = arith.subi %add3A_162, %sub3A_163 : i32
          %dma_start3A_165 = arith.constant 0 : i32
          %dma_start3A_166 = arith.constant 2 : i32
          %dma_start3A_167 = arith.constant 0 : i32
          %dma_start3A_168 = arith.constant 0 : i32
          %dma_start3A_169 = tpu.memref_slice %arg7[%dma_start3A_166, %dma_start3A_167, %dma_start3A_168] : memref<8x128x64xf32, #tpu.memory_space<vmem>> -> memref<1x128x64xf32, #tpu.memory_space<vmem>>
          %dma_start3A_170 = tpu.memref_squeeze %dma_start3A_169 : memref<1x128x64xf32, #tpu.memory_space<vmem>> -> memref<128x64xf32, #tpu.memory_space<vmem>>
          %dma_start3A_171 = arith.constant 0 : i32
          %dma_start3A_172 = tpu.memref_slice %arg6[%sub3A_164, %dma_start3A_165, %dma_start3A_171] : memref<79x2x128xi32, #tpu.memory_space<vmem>> -> memref<1x1x128xi32, #tpu.memory_space<vmem>>
          %dma_start3A_173 = tpu.memref_squeeze %dma_start3A_172 : memref<1x1x128xi32, #tpu.memory_space<vmem>> -> memref<128xi32, #tpu.memory_space<vmem>>
          %dma_start3A_174 = arith.constant 0 : i32
          %dma_start3A_175 = arith.constant 0 : i32
          %dma_start3A_176 = tpu.memref_slice %arg2[%dma_start3A_174, %dma_start3A_175] : memref<10000x64xf32, #tpu.memory_space<hbm>> -> memref<10000x64xf32, #tpu.memory_space<hbm>>
          tpu.enqueue_indirect_dma source(%dma_start3A_176 : memref<10000x64xf32, #tpu.memory_space<hbm>>) target(%dma_start3A_170 : memref<128x64xf32, #tpu.memory_space<vmem>>) offsets(%dma_start3A_173 : memref<128xi32, #tpu.memory_space<vmem>>) semaphore(%arg9 : memref<!tpu.dma_semaphore, #tpu.memory_space<semaphore_mem>>)
        } else {
        }
      } else {
      }
      %mul3A_95 = arith.constant 8 : i32
      %mul3A_96 = arith.muli %scan3A_62, %mul3A_95 : i32
      %add3A_97 = arith.constant 4 : i32
      %add3A_98 = arith.addi %mul3A_96, %add3A_97 : i32
      %lt3A_99 = arith.cmpi slt, %add3A_98, %add3A_4 : i32
      %convert_element_type3A_100 = arith.extui %lt3A_99 : i1 to i32
      %cond3A_101 = arith.constant 0 : i32
      %cond3A_102 = arith.cmpi ne, %convert_element_type3A_100, %cond3A_101 : i32
      scf.if %cond3A_102 {
        %dma_wait3A = arith.constant 0 : i32
        %dma_wait3A_127 = arith.constant 4 : i32
        %dma_wait3A_128 = arith.constant 0 : i32
        %dma_wait3A_129 = arith.constant 0 : i32
        %dma_wait3A_130 = tpu.memref_slice %arg7[%dma_wait3A_127, %dma_wait3A_128, %dma_wait3A_129] : memref<8x128x64xf32, #tpu.memory_space<vmem>> -> memref<1x128x64xf32, #tpu.memory_space<vmem>>
        %dma_wait3A_131 = tpu.memref_squeeze %dma_wait3A_130 : memref<1x128x64xf32, #tpu.memory_space<vmem>> -> memref<128x64xf32, #tpu.memory_space<vmem>>
        %dma_wait3A_132 = arith.constant 0 : i32
        %dma_wait3A_133 = tpu.memref_slice %arg6[%add3A_98, %dma_wait3A, %dma_wait3A_132] : memref<79x2x128xi32, #tpu.memory_space<vmem>> -> memref<1x1x128xi32, #tpu.memory_space<vmem>>
        %dma_wait3A_134 = tpu.memref_squeeze %dma_wait3A_133 : memref<1x1x128xi32, #tpu.memory_space<vmem>> -> memref<128xi32, #tpu.memory_space<vmem>>
        %dma_wait3A_135 = arith.constant 0 : i32
        %dma_wait3A_136 = arith.constant 0 : i32
        %dma_wait3A_137 = tpu.memref_slice %arg2[%dma_wait3A_135, %dma_wait3A_136] : memref<10000x64xf32, #tpu.memory_space<hbm>> -> memref<10000x64xf32, #tpu.memory_space<hbm>>
        tpu.wait_indirect_dma semaphore(%arg9 : memref<!tpu.dma_semaphore, #tpu.memory_space<semaphore_mem>>) src(%dma_wait3A_137 : memref<10000x64xf32, #tpu.memory_space<hbm>>) dst(%dma_wait3A_131 : memref<128x64xf32, #tpu.memory_space<vmem>>)
        %dma_start3A = arith.constant 4 : i32
        %dma_start3A_138 = arith.constant 1 : i32
        %dma_start3A_139 = arith.constant 0 : i32
        %dma_start3A_140 = arith.constant 0 : i32
        %dma_start3A_141 = tpu.memref_slice %arg7[%dma_start3A, %dma_start3A_139, %dma_start3A_140] : memref<8x128x64xf32, #tpu.memory_space<vmem>> -> memref<1x128x64xf32, #tpu.memory_space<vmem>>
        %dma_start3A_142 = tpu.memref_squeeze %dma_start3A_141 : memref<1x128x64xf32, #tpu.memory_space<vmem>> -> memref<128x64xf32, #tpu.memory_space<vmem>>
        %dma_start3A_143 = arith.constant 0 : i32
        %dma_start3A_144 = tpu.memref_slice %arg6[%add3A_98, %dma_start3A_138, %dma_start3A_143] : memref<79x2x128xi32, #tpu.memory_space<vmem>> -> memref<1x1x128xi32, #tpu.memory_space<vmem>>
        %dma_start3A_145 = tpu.memref_squeeze %dma_start3A_144 : memref<1x1x128xi32, #tpu.memory_space<vmem>> -> memref<128xi32, #tpu.memory_space<vmem>>
        %dma_start3A_146 = arith.constant 0 : i32
        %dma_start3A_147 = arith.constant 0 : i32
        %dma_start3A_148 = tpu.memref_slice %arg8[%dma_start3A_146, %dma_start3A_147] : memref<10240x64xf32, #tpu.memory_space<vmem_shared>> -> memref<10240x64xf32, #tpu.memory_space<vmem_shared>>
        tpu.enqueue_indirect_dma source(%dma_start3A_142 : memref<128x64xf32, #tpu.memory_space<vmem>>) target(%dma_start3A_148 : memref<10240x64xf32, #tpu.memory_space<vmem_shared>>) offsets(%dma_start3A_145 : memref<128xi32, #tpu.memory_space<vmem>>) semaphore(%arg10 : memref<!tpu.dma_semaphore, #tpu.memory_space<semaphore_mem>>) {add = true}
        %ge3A_149 = arith.constant 1 : i32
        %ge3A_150 = arith.cmpi sge, %add3A_98, %ge3A_149 : i32
        %convert_element_type3A_151 = arith.extui %ge3A_150 : i1 to i32
        %cond3A_152 = arith.constant 0 : i32
        %cond3A_153 = arith.cmpi ne, %convert_element_type3A_151, %cond3A_152 : i32
        scf.if %cond3A_153 {
          %dma_wait3A_161 = arith.constant 3 : i32
          %dma_wait3A_162 = arith.constant 1 : i32
          %dma_wait3A_163 = arith.constant 0 : i32
          %dma_wait3A_164 = arith.constant 0 : i32
          %dma_wait3A_165 = tpu.memref_slice %arg7[%dma_wait3A_161, %dma_wait3A_163, %dma_wait3A_164] : memref<8x128x64xf32, #tpu.memory_space<vmem>> -> memref<1x128x64xf32, #tpu.memory_space<vmem>>
          %dma_wait3A_166 = tpu.memref_squeeze %dma_wait3A_165 : memref<1x128x64xf32, #tpu.memory_space<vmem>> -> memref<128x64xf32, #tpu.memory_space<vmem>>
          %dma_wait3A_167 = arith.constant 0 : i32
          %dma_wait3A_168 = tpu.memref_slice %arg6[%add3A_98, %dma_wait3A_162, %dma_wait3A_167] : memref<79x2x128xi32, #tpu.memory_space<vmem>> -> memref<1x1x128xi32, #tpu.memory_space<vmem>>
          %dma_wait3A_169 = tpu.memref_squeeze %dma_wait3A_168 : memref<1x1x128xi32, #tpu.memory_space<vmem>> -> memref<128xi32, #tpu.memory_space<vmem>>
          %dma_wait3A_170 = arith.constant 0 : i32
          %dma_wait3A_171 = arith.constant 0 : i32
          %dma_wait3A_172 = tpu.memref_slice %arg8[%dma_wait3A_170, %dma_wait3A_171] : memref<10240x64xf32, #tpu.memory_space<vmem_shared>> -> memref<10240x64xf32, #tpu.memory_space<vmem_shared>>
          tpu.wait_indirect_dma semaphore(%arg10 : memref<!tpu.dma_semaphore, #tpu.memory_space<semaphore_mem>>) src(%dma_wait3A_166 : memref<128x64xf32, #tpu.memory_space<vmem>>) dst(%dma_wait3A_172 : memref<10240x64xf32, #tpu.memory_space<vmem_shared>>)
        } else {
        }
        %add3A_154 = arith.constant 8 : i32
        %add3A_155 = arith.addi %add3A_98, %add3A_154 : i32
        %sub3A = arith.constant 1 : i32
        %sub3A_156 = arith.subi %add3A_155, %sub3A : i32
        %lt3A_157 = arith.cmpi slt, %sub3A_156, %add3A_4 : i32
        %convert_element_type3A_158 = arith.extui %lt3A_157 : i1 to i32
        %cond3A_159 = arith.constant 0 : i32
        %cond3A_160 = arith.cmpi ne, %convert_element_type3A_158, %cond3A_159 : i32
        scf.if %cond3A_160 {
          %add3A_161 = arith.constant 8 : i32
          %add3A_162 = arith.addi %add3A_98, %add3A_161 : i32
          %sub3A_163 = arith.constant 1 : i32
          %sub3A_164 = arith.subi %add3A_162, %sub3A_163 : i32
          %dma_start3A_165 = arith.constant 0 : i32
          %dma_start3A_166 = arith.constant 3 : i32
          %dma_start3A_167 = arith.constant 0 : i32
          %dma_start3A_168 = arith.constant 0 : i32
          %dma_start3A_169 = tpu.memref_slice %arg7[%dma_start3A_166, %dma_start3A_167, %dma_start3A_168] : memref<8x128x64xf32, #tpu.memory_space<vmem>> -> memref<1x128x64xf32, #tpu.memory_space<vmem>>
          %dma_start3A_170 = tpu.memref_squeeze %dma_start3A_169 : memref<1x128x64xf32, #tpu.memory_space<vmem>> -> memref<128x64xf32, #tpu.memory_space<vmem>>
          %dma_start3A_171 = arith.constant 0 : i32
          %dma_start3A_172 = tpu.memref_slice %arg6[%sub3A_164, %dma_start3A_165, %dma_start3A_171] : memref<79x2x128xi32, #tpu.memory_space<vmem>> -> memref<1x1x128xi32, #tpu.memory_space<vmem>>
          %dma_start3A_173 = tpu.memref_squeeze %dma_start3A_172 : memref<1x1x128xi32, #tpu.memory_space<vmem>> -> memref<128xi32, #tpu.memory_space<vmem>>
          %dma_start3A_174 = arith.constant 0 : i32
          %dma_start3A_175 = arith.constant 0 : i32
          %dma_start3A_176 = tpu.memref_slice %arg2[%dma_start3A_174, %dma_start3A_175] : memref<10000x64xf32, #tpu.memory_space<hbm>> -> memref<10000x64xf32, #tpu.memory_space<hbm>>
          tpu.enqueue_indirect_dma source(%dma_start3A_176 : memref<10000x64xf32, #tpu.memory_space<hbm>>) target(%dma_start3A_170 : memref<128x64xf32, #tpu.memory_space<vmem>>) offsets(%dma_start3A_173 : memref<128xi32, #tpu.memory_space<vmem>>) semaphore(%arg9 : memref<!tpu.dma_semaphore, #tpu.memory_space<semaphore_mem>>)
        } else {
        }
      } else {
      }
      %mul3A_103 = arith.constant 8 : i32
      %mul3A_104 = arith.muli %scan3A_62, %mul3A_103 : i32
      %add3A_105 = arith.constant 5 : i32
      %add3A_106 = arith.addi %mul3A_104, %add3A_105 : i32
      %lt3A_107 = arith.cmpi slt, %add3A_106, %add3A_4 : i32
      %convert_element_type3A_108 = arith.extui %lt3A_107 : i1 to i32
      %cond3A_109 = arith.constant 0 : i32
      %cond3A_110 = arith.cmpi ne, %convert_element_type3A_108, %cond3A_109 : i32
      scf.if %cond3A_110 {
        %dma_wait3A = arith.constant 0 : i32
        %dma_wait3A_127 = arith.constant 5 : i32
        %dma_wait3A_128 = arith.constant 0 : i32
        %dma_wait3A_129 = arith.constant 0 : i32
        %dma_wait3A_130 = tpu.memref_slice %arg7[%dma_wait3A_127, %dma_wait3A_128, %dma_wait3A_129] : memref<8x128x64xf32, #tpu.memory_space<vmem>> -> memref<1x128x64xf32, #tpu.memory_space<vmem>>
        %dma_wait3A_131 = tpu.memref_squeeze %dma_wait3A_130 : memref<1x128x64xf32, #tpu.memory_space<vmem>> -> memref<128x64xf32, #tpu.memory_space<vmem>>
        %dma_wait3A_132 = arith.constant 0 : i32
        %dma_wait3A_133 = tpu.memref_slice %arg6[%add3A_106, %dma_wait3A, %dma_wait3A_132] : memref<79x2x128xi32, #tpu.memory_space<vmem>> -> memref<1x1x128xi32, #tpu.memory_space<vmem>>
        %dma_wait3A_134 = tpu.memref_squeeze %dma_wait3A_133 : memref<1x1x128xi32, #tpu.memory_space<vmem>> -> memref<128xi32, #tpu.memory_space<vmem>>
        %dma_wait3A_135 = arith.constant 0 : i32
        %dma_wait3A_136 = arith.constant 0 : i32
        %dma_wait3A_137 = tpu.memref_slice %arg2[%dma_wait3A_135, %dma_wait3A_136] : memref<10000x64xf32, #tpu.memory_space<hbm>> -> memref<10000x64xf32, #tpu.memory_space<hbm>>
        tpu.wait_indirect_dma semaphore(%arg9 : memref<!tpu.dma_semaphore, #tpu.memory_space<semaphore_mem>>) src(%dma_wait3A_137 : memref<10000x64xf32, #tpu.memory_space<hbm>>) dst(%dma_wait3A_131 : memref<128x64xf32, #tpu.memory_space<vmem>>)
        %dma_start3A = arith.constant 5 : i32
        %dma_start3A_138 = arith.constant 1 : i32
        %dma_start3A_139 = arith.constant 0 : i32
        %dma_start3A_140 = arith.constant 0 : i32
        %dma_start3A_141 = tpu.memref_slice %arg7[%dma_start3A, %dma_start3A_139, %dma_start3A_140] : memref<8x128x64xf32, #tpu.memory_space<vmem>> -> memref<1x128x64xf32, #tpu.memory_space<vmem>>
        %dma_start3A_142 = tpu.memref_squeeze %dma_start3A_141 : memref<1x128x64xf32, #tpu.memory_space<vmem>> -> memref<128x64xf32, #tpu.memory_space<vmem>>
        %dma_start3A_143 = arith.constant 0 : i32
        %dma_start3A_144 = tpu.memref_slice %arg6[%add3A_106, %dma_start3A_138, %dma_start3A_143] : memref<79x2x128xi32, #tpu.memory_space<vmem>> -> memref<1x1x128xi32, #tpu.memory_space<vmem>>
        %dma_start3A_145 = tpu.memref_squeeze %dma_start3A_144 : memref<1x1x128xi32, #tpu.memory_space<vmem>> -> memref<128xi32, #tpu.memory_space<vmem>>
        %dma_start3A_146 = arith.constant 0 : i32
        %dma_start3A_147 = arith.constant 0 : i32
        %dma_start3A_148 = tpu.memref_slice %arg8[%dma_start3A_146, %dma_start3A_147] : memref<10240x64xf32, #tpu.memory_space<vmem_shared>> -> memref<10240x64xf32, #tpu.memory_space<vmem_shared>>
        tpu.enqueue_indirect_dma source(%dma_start3A_142 : memref<128x64xf32, #tpu.memory_space<vmem>>) target(%dma_start3A_148 : memref<10240x64xf32, #tpu.memory_space<vmem_shared>>) offsets(%dma_start3A_145 : memref<128xi32, #tpu.memory_space<vmem>>) semaphore(%arg10 : memref<!tpu.dma_semaphore, #tpu.memory_space<semaphore_mem>>) {add = true}
        %ge3A_149 = arith.constant 1 : i32
        %ge3A_150 = arith.cmpi sge, %add3A_106, %ge3A_149 : i32
        %convert_element_type3A_151 = arith.extui %ge3A_150 : i1 to i32
        %cond3A_152 = arith.constant 0 : i32
        %cond3A_153 = arith.cmpi ne, %convert_element_type3A_151, %cond3A_152 : i32
        scf.if %cond3A_153 {
          %dma_wait3A_161 = arith.constant 4 : i32
          %dma_wait3A_162 = arith.constant 1 : i32
          %dma_wait3A_163 = arith.constant 0 : i32
          %dma_wait3A_164 = arith.constant 0 : i32
          %dma_wait3A_165 = tpu.memref_slice %arg7[%dma_wait3A_161, %dma_wait3A_163, %dma_wait3A_164] : memref<8x128x64xf32, #tpu.memory_space<vmem>> -> memref<1x128x64xf32, #tpu.memory_space<vmem>>
          %dma_wait3A_166 = tpu.memref_squeeze %dma_wait3A_165 : memref<1x128x64xf32, #tpu.memory_space<vmem>> -> memref<128x64xf32, #tpu.memory_space<vmem>>
          %dma_wait3A_167 = arith.constant 0 : i32
          %dma_wait3A_168 = tpu.memref_slice %arg6[%add3A_106, %dma_wait3A_162, %dma_wait3A_167] : memref<79x2x128xi32, #tpu.memory_space<vmem>> -> memref<1x1x128xi32, #tpu.memory_space<vmem>>
          %dma_wait3A_169 = tpu.memref_squeeze %dma_wait3A_168 : memref<1x1x128xi32, #tpu.memory_space<vmem>> -> memref<128xi32, #tpu.memory_space<vmem>>
          %dma_wait3A_170 = arith.constant 0 : i32
          %dma_wait3A_171 = arith.constant 0 : i32
          %dma_wait3A_172 = tpu.memref_slice %arg8[%dma_wait3A_170, %dma_wait3A_171] : memref<10240x64xf32, #tpu.memory_space<vmem_shared>> -> memref<10240x64xf32, #tpu.memory_space<vmem_shared>>
          tpu.wait_indirect_dma semaphore(%arg10 : memref<!tpu.dma_semaphore, #tpu.memory_space<semaphore_mem>>) src(%dma_wait3A_166 : memref<128x64xf32, #tpu.memory_space<vmem>>) dst(%dma_wait3A_172 : memref<10240x64xf32, #tpu.memory_space<vmem_shared>>)
        } else {
        }
        %add3A_154 = arith.constant 8 : i32
        %add3A_155 = arith.addi %add3A_106, %add3A_154 : i32
        %sub3A = arith.constant 1 : i32
        %sub3A_156 = arith.subi %add3A_155, %sub3A : i32
        %lt3A_157 = arith.cmpi slt, %sub3A_156, %add3A_4 : i32
        %convert_element_type3A_158 = arith.extui %lt3A_157 : i1 to i32
        %cond3A_159 = arith.constant 0 : i32
        %cond3A_160 = arith.cmpi ne, %convert_element_type3A_158, %cond3A_159 : i32
        scf.if %cond3A_160 {
          %add3A_161 = arith.constant 8 : i32
          %add3A_162 = arith.addi %add3A_106, %add3A_161 : i32
          %sub3A_163 = arith.constant 1 : i32
          %sub3A_164 = arith.subi %add3A_162, %sub3A_163 : i32
          %dma_start3A_165 = arith.constant 0 : i32
          %dma_start3A_166 = arith.constant 4 : i32
          %dma_start3A_167 = arith.constant 0 : i32
          %dma_start3A_168 = arith.constant 0 : i32
          %dma_start3A_169 = tpu.memref_slice %arg7[%dma_start3A_166, %dma_start3A_167, %dma_start3A_168] : memref<8x128x64xf32, #tpu.memory_space<vmem>> -> memref<1x128x64xf32, #tpu.memory_space<vmem>>
          %dma_start3A_170 = tpu.memref_squeeze %dma_start3A_169 : memref<1x128x64xf32, #tpu.memory_space<vmem>> -> memref<128x64xf32, #tpu.memory_space<vmem>>
          %dma_start3A_171 = arith.constant 0 : i32
          %dma_start3A_172 = tpu.memref_slice %arg6[%sub3A_164, %dma_start3A_165, %dma_start3A_171] : memref<79x2x128xi32, #tpu.memory_space<vmem>> -> memref<1x1x128xi32, #tpu.memory_space<vmem>>
          %dma_start3A_173 = tpu.memref_squeeze %dma_start3A_172 : memref<1x1x128xi32, #tpu.memory_space<vmem>> -> memref<128xi32, #tpu.memory_space<vmem>>
          %dma_start3A_174 = arith.constant 0 : i32
          %dma_start3A_175 = arith.constant 0 : i32
          %dma_start3A_176 = tpu.memref_slice %arg2[%dma_start3A_174, %dma_start3A_175] : memref<10000x64xf32, #tpu.memory_space<hbm>> -> memref<10000x64xf32, #tpu.memory_space<hbm>>
          tpu.enqueue_indirect_dma source(%dma_start3A_176 : memref<10000x64xf32, #tpu.memory_space<hbm>>) target(%dma_start3A_170 : memref<128x64xf32, #tpu.memory_space<vmem>>) offsets(%dma_start3A_173 : memref<128xi32, #tpu.memory_space<vmem>>) semaphore(%arg9 : memref<!tpu.dma_semaphore, #tpu.memory_space<semaphore_mem>>)
        } else {
        }
      } else {
      }
      %mul3A_111 = arith.constant 8 : i32
      %mul3A_112 = arith.muli %scan3A_62, %mul3A_111 : i32
      %add3A_113 = arith.constant 6 : i32
      %add3A_114 = arith.addi %mul3A_112, %add3A_113 : i32
      %lt3A_115 = arith.cmpi slt, %add3A_114, %add3A_4 : i32
      %convert_element_type3A_116 = arith.extui %lt3A_115 : i1 to i32
      %cond3A_117 = arith.constant 0 : i32
      %cond3A_118 = arith.cmpi ne, %convert_element_type3A_116, %cond3A_117 : i32
      scf.if %cond3A_118 {
        %dma_wait3A = arith.constant 0 : i32
        %dma_wait3A_127 = arith.constant 6 : i32
        %dma_wait3A_128 = arith.constant 0 : i32
        %dma_wait3A_129 = arith.constant 0 : i32
        %dma_wait3A_130 = tpu.memref_slice %arg7[%dma_wait3A_127, %dma_wait3A_128, %dma_wait3A_129] : memref<8x128x64xf32, #tpu.memory_space<vmem>> -> memref<1x128x64xf32, #tpu.memory_space<vmem>>
        %dma_wait3A_131 = tpu.memref_squeeze %dma_wait3A_130 : memref<1x128x64xf32, #tpu.memory_space<vmem>> -> memref<128x64xf32, #tpu.memory_space<vmem>>
        %dma_wait3A_132 = arith.constant 0 : i32
        %dma_wait3A_133 = tpu.memref_slice %arg6[%add3A_114, %dma_wait3A, %dma_wait3A_132] : memref<79x2x128xi32, #tpu.memory_space<vmem>> -> memref<1x1x128xi32, #tpu.memory_space<vmem>>
        %dma_wait3A_134 = tpu.memref_squeeze %dma_wait3A_133 : memref<1x1x128xi32, #tpu.memory_space<vmem>> -> memref<128xi32, #tpu.memory_space<vmem>>
        %dma_wait3A_135 = arith.constant 0 : i32
        %dma_wait3A_136 = arith.constant 0 : i32
        %dma_wait3A_137 = tpu.memref_slice %arg2[%dma_wait3A_135, %dma_wait3A_136] : memref<10000x64xf32, #tpu.memory_space<hbm>> -> memref<10000x64xf32, #tpu.memory_space<hbm>>
        tpu.wait_indirect_dma semaphore(%arg9 : memref<!tpu.dma_semaphore, #tpu.memory_space<semaphore_mem>>) src(%dma_wait3A_137 : memref<10000x64xf32, #tpu.memory_space<hbm>>) dst(%dma_wait3A_131 : memref<128x64xf32, #tpu.memory_space<vmem>>)
        %dma_start3A = arith.constant 6 : i32
        %dma_start3A_138 = arith.constant 1 : i32
        %dma_start3A_139 = arith.constant 0 : i32
        %dma_start3A_140 = arith.constant 0 : i32
        %dma_start3A_141 = tpu.memref_slice %arg7[%dma_start3A, %dma_start3A_139, %dma_start3A_140] : memref<8x128x64xf32, #tpu.memory_space<vmem>> -> memref<1x128x64xf32, #tpu.memory_space<vmem>>
        %dma_start3A_142 = tpu.memref_squeeze %dma_start3A_141 : memref<1x128x64xf32, #tpu.memory_space<vmem>> -> memref<128x64xf32, #tpu.memory_space<vmem>>
        %dma_start3A_143 = arith.constant 0 : i32
        %dma_start3A_144 = tpu.memref_slice %arg6[%add3A_114, %dma_start3A_138, %dma_start3A_143] : memref<79x2x128xi32, #tpu.memory_space<vmem>> -> memref<1x1x128xi32, #tpu.memory_space<vmem>>
        %dma_start3A_145 = tpu.memref_squeeze %dma_start3A_144 : memref<1x1x128xi32, #tpu.memory_space<vmem>> -> memref<128xi32, #tpu.memory_space<vmem>>
        %dma_start3A_146 = arith.constant 0 : i32
        %dma_start3A_147 = arith.constant 0 : i32
        %dma_start3A_148 = tpu.memref_slice %arg8[%dma_start3A_146, %dma_start3A_147] : memref<10240x64xf32, #tpu.memory_space<vmem_shared>> -> memref<10240x64xf32, #tpu.memory_space<vmem_shared>>
        tpu.enqueue_indirect_dma source(%dma_start3A_142 : memref<128x64xf32, #tpu.memory_space<vmem>>) target(%dma_start3A_148 : memref<10240x64xf32, #tpu.memory_space<vmem_shared>>) offsets(%dma_start3A_145 : memref<128xi32, #tpu.memory_space<vmem>>) semaphore(%arg10 : memref<!tpu.dma_semaphore, #tpu.memory_space<semaphore_mem>>) {add = true}
        %ge3A_149 = arith.constant 1 : i32
        %ge3A_150 = arith.cmpi sge, %add3A_114, %ge3A_149 : i32
        %convert_element_type3A_151 = arith.extui %ge3A_150 : i1 to i32
        %cond3A_152 = arith.constant 0 : i32
        %cond3A_153 = arith.cmpi ne, %convert_element_type3A_151, %cond3A_152 : i32
        scf.if %cond3A_153 {
          %dma_wait3A_161 = arith.constant 5 : i32
          %dma_wait3A_162 = arith.constant 1 : i32
          %dma_wait3A_163 = arith.constant 0 : i32
          %dma_wait3A_164 = arith.constant 0 : i32
          %dma_wait3A_165 = tpu.memref_slice %arg7[%dma_wait3A_161, %dma_wait3A_163, %dma_wait3A_164] : memref<8x128x64xf32, #tpu.memory_space<vmem>> -> memref<1x128x64xf32, #tpu.memory_space<vmem>>
          %dma_wait3A_166 = tpu.memref_squeeze %dma_wait3A_165 : memref<1x128x64xf32, #tpu.memory_space<vmem>> -> memref<128x64xf32, #tpu.memory_space<vmem>>
          %dma_wait3A_167 = arith.constant 0 : i32
          %dma_wait3A_168 = tpu.memref_slice %arg6[%add3A_114, %dma_wait3A_162, %dma_wait3A_167] : memref<79x2x128xi32, #tpu.memory_space<vmem>> -> memref<1x1x128xi32, #tpu.memory_space<vmem>>
          %dma_wait3A_169 = tpu.memref_squeeze %dma_wait3A_168 : memref<1x1x128xi32, #tpu.memory_space<vmem>> -> memref<128xi32, #tpu.memory_space<vmem>>
          %dma_wait3A_170 = arith.constant 0 : i32
          %dma_wait3A_171 = arith.constant 0 : i32
          %dma_wait3A_172 = tpu.memref_slice %arg8[%dma_wait3A_170, %dma_wait3A_171] : memref<10240x64xf32, #tpu.memory_space<vmem_shared>> -> memref<10240x64xf32, #tpu.memory_space<vmem_shared>>
          tpu.wait_indirect_dma semaphore(%arg10 : memref<!tpu.dma_semaphore, #tpu.memory_space<semaphore_mem>>) src(%dma_wait3A_166 : memref<128x64xf32, #tpu.memory_space<vmem>>) dst(%dma_wait3A_172 : memref<10240x64xf32, #tpu.memory_space<vmem_shared>>)
        } else {
        }
        %add3A_154 = arith.constant 8 : i32
        %add3A_155 = arith.addi %add3A_114, %add3A_154 : i32
        %sub3A = arith.constant 1 : i32
        %sub3A_156 = arith.subi %add3A_155, %sub3A : i32
        %lt3A_157 = arith.cmpi slt, %sub3A_156, %add3A_4 : i32
        %convert_element_type3A_158 = arith.extui %lt3A_157 : i1 to i32
        %cond3A_159 = arith.constant 0 : i32
        %cond3A_160 = arith.cmpi ne, %convert_element_type3A_158, %cond3A_159 : i32
        scf.if %cond3A_160 {
          %add3A_161 = arith.constant 8 : i32
          %add3A_162 = arith.addi %add3A_114, %add3A_161 : i32
          %sub3A_163 = arith.constant 1 : i32
          %sub3A_164 = arith.subi %add3A_162, %sub3A_163 : i32
          %dma_start3A_165 = arith.constant 0 : i32
          %dma_start3A_166 = arith.constant 5 : i32
          %dma_start3A_167 = arith.constant 0 : i32
          %dma_start3A_168 = arith.constant 0 : i32
          %dma_start3A_169 = tpu.memref_slice %arg7[%dma_start3A_166, %dma_start3A_167, %dma_start3A_168] : memref<8x128x64xf32, #tpu.memory_space<vmem>> -> memref<1x128x64xf32, #tpu.memory_space<vmem>>
          %dma_start3A_170 = tpu.memref_squeeze %dma_start3A_169 : memref<1x128x64xf32, #tpu.memory_space<vmem>> -> memref<128x64xf32, #tpu.memory_space<vmem>>
          %dma_start3A_171 = arith.constant 0 : i32
          %dma_start3A_172 = tpu.memref_slice %arg6[%sub3A_164, %dma_start3A_165, %dma_start3A_171] : memref<79x2x128xi32, #tpu.memory_space<vmem>> -> memref<1x1x128xi32, #tpu.memory_space<vmem>>
          %dma_start3A_173 = tpu.memref_squeeze %dma_start3A_172 : memref<1x1x128xi32, #tpu.memory_space<vmem>> -> memref<128xi32, #tpu.memory_space<vmem>>
          %dma_start3A_174 = arith.constant 0 : i32
          %dma_start3A_175 = arith.constant 0 : i32
          %dma_start3A_176 = tpu.memref_slice %arg2[%dma_start3A_174, %dma_start3A_175] : memref<10000x64xf32, #tpu.memory_space<hbm>> -> memref<10000x64xf32, #tpu.memory_space<hbm>>
          tpu.enqueue_indirect_dma source(%dma_start3A_176 : memref<10000x64xf32, #tpu.memory_space<hbm>>) target(%dma_start3A_170 : memref<128x64xf32, #tpu.memory_space<vmem>>) offsets(%dma_start3A_173 : memref<128xi32, #tpu.memory_space<vmem>>) semaphore(%arg9 : memref<!tpu.dma_semaphore, #tpu.memory_space<semaphore_mem>>)
        } else {
        }
      } else {
      }
      %mul3A_119 = arith.constant 8 : i32
      %mul3A_120 = arith.muli %scan3A_62, %mul3A_119 : i32
      %add3A_121 = arith.constant 7 : i32
      %add3A_122 = arith.addi %mul3A_120, %add3A_121 : i32
      %lt3A_123 = arith.cmpi slt, %add3A_122, %add3A_4 : i32
      %convert_element_type3A_124 = arith.extui %lt3A_123 : i1 to i32
      %cond3A_125 = arith.constant 0 : i32
      %cond3A_126 = arith.cmpi ne, %convert_element_type3A_124, %cond3A_125 : i32
      scf.if %cond3A_126 {
        %dma_wait3A = arith.constant 0 : i32
        %dma_wait3A_127 = arith.constant 7 : i32
        %dma_wait3A_128 = arith.constant 0 : i32
        %dma_wait3A_129 = arith.constant 0 : i32
        %dma_wait3A_130 = tpu.memref_slice %arg7[%dma_wait3A_127, %dma_wait3A_128, %dma_wait3A_129] : memref<8x128x64xf32, #tpu.memory_space<vmem>> -> memref<1x128x64xf32, #tpu.memory_space<vmem>>
        %dma_wait3A_131 = tpu.memref_squeeze %dma_wait3A_130 : memref<1x128x64xf32, #tpu.memory_space<vmem>> -> memref<128x64xf32, #tpu.memory_space<vmem>>
        %dma_wait3A_132 = arith.constant 0 : i32
        %dma_wait3A_133 = tpu.memref_slice %arg6[%add3A_122, %dma_wait3A, %dma_wait3A_132] : memref<79x2x128xi32, #tpu.memory_space<vmem>> -> memref<1x1x128xi32, #tpu.memory_space<vmem>>
        %dma_wait3A_134 = tpu.memref_squeeze %dma_wait3A_133 : memref<1x1x128xi32, #tpu.memory_space<vmem>> -> memref<128xi32, #tpu.memory_space<vmem>>
        %dma_wait3A_135 = arith.constant 0 : i32
        %dma_wait3A_136 = arith.constant 0 : i32
        %dma_wait3A_137 = tpu.memref_slice %arg2[%dma_wait3A_135, %dma_wait3A_136] : memref<10000x64xf32, #tpu.memory_space<hbm>> -> memref<10000x64xf32, #tpu.memory_space<hbm>>
        tpu.wait_indirect_dma semaphore(%arg9 : memref<!tpu.dma_semaphore, #tpu.memory_space<semaphore_mem>>) src(%dma_wait3A_137 : memref<10000x64xf32, #tpu.memory_space<hbm>>) dst(%dma_wait3A_131 : memref<128x64xf32, #tpu.memory_space<vmem>>)
        %dma_start3A = arith.constant 7 : i32
        %dma_start3A_138 = arith.constant 1 : i32
        %dma_start3A_139 = arith.constant 0 : i32
        %dma_start3A_140 = arith.constant 0 : i32
        %dma_start3A_141 = tpu.memref_slice %arg7[%dma_start3A, %dma_start3A_139, %dma_start3A_140] : memref<8x128x64xf32, #tpu.memory_space<vmem>> -> memref<1x128x64xf32, #tpu.memory_space<vmem>>
        %dma_start3A_142 = tpu.memref_squeeze %dma_start3A_141 : memref<1x128x64xf32, #tpu.memory_space<vmem>> -> memref<128x64xf32, #tpu.memory_space<vmem>>
        %dma_start3A_143 = arith.constant 0 : i32
        %dma_start3A_144 = tpu.memref_slice %arg6[%add3A_122, %dma_start3A_138, %dma_start3A_143] : memref<79x2x128xi32, #tpu.memory_space<vmem>> -> memref<1x1x128xi32, #tpu.memory_space<vmem>>
        %dma_start3A_145 = tpu.memref_squeeze %dma_start3A_144 : memref<1x1x128xi32, #tpu.memory_space<vmem>> -> memref<128xi32, #tpu.memory_space<vmem>>
        %dma_start3A_146 = arith.constant 0 : i32
        %dma_start3A_147 = arith.constant 0 : i32
        %dma_start3A_148 = tpu.memref_slice %arg8[%dma_start3A_146, %dma_start3A_147] : memref<10240x64xf32, #tpu.memory_space<vmem_shared>> -> memref<10240x64xf32, #tpu.memory_space<vmem_shared>>
        tpu.enqueue_indirect_dma source(%dma_start3A_142 : memref<128x64xf32, #tpu.memory_space<vmem>>) target(%dma_start3A_148 : memref<10240x64xf32, #tpu.memory_space<vmem_shared>>) offsets(%dma_start3A_145 : memref<128xi32, #tpu.memory_space<vmem>>) semaphore(%arg10 : memref<!tpu.dma_semaphore, #tpu.memory_space<semaphore_mem>>) {add = true}
        %ge3A_149 = arith.constant 1 : i32
        %ge3A_150 = arith.cmpi sge, %add3A_122, %ge3A_149 : i32
        %convert_element_type3A_151 = arith.extui %ge3A_150 : i1 to i32
        %cond3A_152 = arith.constant 0 : i32
        %cond3A_153 = arith.cmpi ne, %convert_element_type3A_151, %cond3A_152 : i32
        scf.if %cond3A_153 {
          %dma_wait3A_161 = arith.constant 6 : i32
          %dma_wait3A_162 = arith.constant 1 : i32
          %dma_wait3A_163 = arith.constant 0 : i32
          %dma_wait3A_164 = arith.constant 0 : i32
          %dma_wait3A_165 = tpu.memref_slice %arg7[%dma_wait3A_161, %dma_wait3A_163, %dma_wait3A_164] : memref<8x128x64xf32, #tpu.memory_space<vmem>> -> memref<1x128x64xf32, #tpu.memory_space<vmem>>
          %dma_wait3A_166 = tpu.memref_squeeze %dma_wait3A_165 : memref<1x128x64xf32, #tpu.memory_space<vmem>> -> memref<128x64xf32, #tpu.memory_space<vmem>>
          %dma_wait3A_167 = arith.constant 0 : i32
          %dma_wait3A_168 = tpu.memref_slice %arg6[%add3A_122, %dma_wait3A_162, %dma_wait3A_167] : memref<79x2x128xi32, #tpu.memory_space<vmem>> -> memref<1x1x128xi32, #tpu.memory_space<vmem>>
          %dma_wait3A_169 = tpu.memref_squeeze %dma_wait3A_168 : memref<1x1x128xi32, #tpu.memory_space<vmem>> -> memref<128xi32, #tpu.memory_space<vmem>>
          %dma_wait3A_170 = arith.constant 0 : i32
          %dma_wait3A_171 = arith.constant 0 : i32
          %dma_wait3A_172 = tpu.memref_slice %arg8[%dma_wait3A_170, %dma_wait3A_171] : memref<10240x64xf32, #tpu.memory_space<vmem_shared>> -> memref<10240x64xf32, #tpu.memory_space<vmem_shared>>
          tpu.wait_indirect_dma semaphore(%arg10 : memref<!tpu.dma_semaphore, #tpu.memory_space<semaphore_mem>>) src(%dma_wait3A_166 : memref<128x64xf32, #tpu.memory_space<vmem>>) dst(%dma_wait3A_172 : memref<10240x64xf32, #tpu.memory_space<vmem_shared>>)
        } else {
        }
        %add3A_154 = arith.constant 8 : i32
        %add3A_155 = arith.addi %add3A_122, %add3A_154 : i32
        %sub3A = arith.constant 1 : i32
        %sub3A_156 = arith.subi %add3A_155, %sub3A : i32
        %lt3A_157 = arith.cmpi slt, %sub3A_156, %add3A_4 : i32
        %convert_element_type3A_158 = arith.extui %lt3A_157 : i1 to i32
        %cond3A_159 = arith.constant 0 : i32
        %cond3A_160 = arith.cmpi ne, %convert_element_type3A_158, %cond3A_159 : i32
        scf.if %cond3A_160 {
          %add3A_161 = arith.constant 8 : i32
          %add3A_162 = arith.addi %add3A_122, %add3A_161 : i32
          %sub3A_163 = arith.constant 1 : i32
          %sub3A_164 = arith.subi %add3A_162, %sub3A_163 : i32
          %dma_start3A_165 = arith.constant 0 : i32
          %dma_start3A_166 = arith.constant 6 : i32
          %dma_start3A_167 = arith.constant 0 : i32
          %dma_start3A_168 = arith.constant 0 : i32
          %dma_start3A_169 = tpu.memref_slice %arg7[%dma_start3A_166, %dma_start3A_167, %dma_start3A_168] : memref<8x128x64xf32, #tpu.memory_space<vmem>> -> memref<1x128x64xf32, #tpu.memory_space<vmem>>
          %dma_start3A_170 = tpu.memref_squeeze %dma_start3A_169 : memref<1x128x64xf32, #tpu.memory_space<vmem>> -> memref<128x64xf32, #tpu.memory_space<vmem>>
          %dma_start3A_171 = arith.constant 0 : i32
          %dma_start3A_172 = tpu.memref_slice %arg6[%sub3A_164, %dma_start3A_165, %dma_start3A_171] : memref<79x2x128xi32, #tpu.memory_space<vmem>> -> memref<1x1x128xi32, #tpu.memory_space<vmem>>
          %dma_start3A_173 = tpu.memref_squeeze %dma_start3A_172 : memref<1x1x128xi32, #tpu.memory_space<vmem>> -> memref<128xi32, #tpu.memory_space<vmem>>
          %dma_start3A_174 = arith.constant 0 : i32
          %dma_start3A_175 = arith.constant 0 : i32
          %dma_start3A_176 = tpu.memref_slice %arg2[%dma_start3A_174, %dma_start3A_175] : memref<10000x64xf32, #tpu.memory_space<hbm>> -> memref<10000x64xf32, #tpu.memory_space<hbm>>
          tpu.enqueue_indirect_dma source(%dma_start3A_176 : memref<10000x64xf32, #tpu.memory_space<hbm>>) target(%dma_start3A_170 : memref<128x64xf32, #tpu.memory_space<vmem>>) offsets(%dma_start3A_173 : memref<128xi32, #tpu.memory_space<vmem>>) semaphore(%arg9 : memref<!tpu.dma_semaphore, #tpu.memory_space<semaphore_mem>>)
        } else {
        }
      } else {
      }
    }
    %scan3A_52 = arith.constant 10 : i32
    %ge3A = arith.constant 1 : i32
    %ge3A_53 = arith.cmpi sge, %add3A_4, %ge3A : i32
    %convert_element_type3A_54 = arith.extui %ge3A_53 : i1 to i32
    %cond3A_55 = arith.constant 0 : i32
    %cond3A_56 = arith.cmpi ne, %convert_element_type3A_54, %cond3A_55 : i32
    scf.if %cond3A_56 {
      %dma_wait3A = arith.constant 0 : i32
      %dma_wait3A_62 = arith.constant 0 : i32
      %dma_wait3A_63 = arith.constant 1 : i32
      %dma_wait3A_64 = arith.constant 0 : i32
      %dma_wait3A_65 = arith.constant 0 : i32
      %dma_wait3A_66 = tpu.memref_slice %arg7[%dma_wait3A, %dma_wait3A_64, %dma_wait3A_65] : memref<8x128x64xf32, #tpu.memory_space<vmem>> -> memref<1x128x64xf32, #tpu.memory_space<vmem>>
      %dma_wait3A_67 = tpu.memref_squeeze %dma_wait3A_66 : memref<1x128x64xf32, #tpu.memory_space<vmem>> -> memref<128x64xf32, #tpu.memory_space<vmem>>
      %dma_wait3A_68 = arith.constant 0 : i32
      %dma_wait3A_69 = tpu.memref_slice %arg6[%dma_wait3A_62, %dma_wait3A_63, %dma_wait3A_68] : memref<79x2x128xi32, #tpu.memory_space<vmem>> -> memref<1x1x128xi32, #tpu.memory_space<vmem>>
      %dma_wait3A_70 = tpu.memref_squeeze %dma_wait3A_69 : memref<1x1x128xi32, #tpu.memory_space<vmem>> -> memref<128xi32, #tpu.memory_space<vmem>>
      %dma_wait3A_71 = arith.constant 0 : i32
      %dma_wait3A_72 = arith.constant 0 : i32
      %dma_wait3A_73 = tpu.memref_slice %arg8[%dma_wait3A_71, %dma_wait3A_72] : memref<10240x64xf32, #tpu.memory_space<vmem_shared>> -> memref<10240x64xf32, #tpu.memory_space<vmem_shared>>
      tpu.wait_indirect_dma semaphore(%arg10 : memref<!tpu.dma_semaphore, #tpu.memory_space<semaphore_mem>>) src(%dma_wait3A_67 : memref<128x64xf32, #tpu.memory_space<vmem>>) dst(%dma_wait3A_73 : memref<10240x64xf32, #tpu.memory_space<vmem_shared>>)
    } else {
    }
    %barrier3A_57 = arith.constant 0 : index
    tpu.barrier barrier_id(%barrier3A_57)
    %mul3A_58 = arith.constant 640 : i32
    %mul3A_59 = arith.muli %arg1, %mul3A_58 : i32
    %mul3A_60 = arith.constant 640 : i32
    %mul3A_61 = arith.muli %arg1, %mul3A_60 : i32
    "tpu.region"() ({
      %run_scoped3A = tpu.sem_alloc : memref<!tpu.dma_semaphore, #tpu.memory_space<semaphore_mem>>
      %dma_start3A = arith.constant 0 : i32
      %dma_start3A_62 = tpu.memref_slice %arg5[%arg0, %mul3A_61, %dma_start3A] : memref<2x10240x64xf32, #tpu.memory_space<hbm>> -> memref<1x640x64xf32, #tpu.memory_space<hbm>>
      %dma_start3A_63 = tpu.memref_squeeze %dma_start3A_62 : memref<1x640x64xf32, #tpu.memory_space<hbm>> -> memref<640x64xf32, #tpu.memory_space<hbm>>
      %dma_start3A_64 = arith.constant 0 : i32
      %dma_start3A_65 = tpu.memref_slice %arg8[%mul3A_59, %dma_start3A_64] : memref<10240x64xf32, #tpu.memory_space<vmem_shared>> -> memref<640x64xf32, #tpu.memory_space<vmem_shared>>
      tpu.enqueue_dma source(%dma_start3A_65 : memref<640x64xf32, #tpu.memory_space<vmem_shared>>) target(%dma_start3A_63 : memref<640x64xf32, #tpu.memory_space<hbm>>) target_semaphore(%run_scoped3A : memref<!tpu.dma_semaphore, #tpu.memory_space<semaphore_mem>>)
      %dma_wait3A = arith.constant 0 : i32
      %dma_wait3A_66 = tpu.memref_slice %arg5[%arg0, %mul3A_61, %dma_wait3A] : memref<2x10240x64xf32, #tpu.memory_space<hbm>> -> memref<1x640x64xf32, #tpu.memory_space<hbm>>
      %dma_wait3A_67 = tpu.memref_squeeze %dma_wait3A_66 : memref<1x640x64xf32, #tpu.memory_space<hbm>> -> memref<640x64xf32, #tpu.memory_space<hbm>>
      %dma_wait3A_68 = arith.constant 0 : i32
      %dma_wait3A_69 = tpu.memref_slice %arg8[%mul3A_59, %dma_wait3A_68] : memref<10240x64xf32, #tpu.memory_space<vmem_shared>> -> memref<640x64xf32, #tpu.memory_space<vmem_shared>>
      tpu.wait_dma2 semaphore(%run_scoped3A : memref<!tpu.dma_semaphore, #tpu.memory_space<semaphore_mem>>) src(%dma_wait3A_69 : memref<640x64xf32, #tpu.memory_space<vmem_shared>>) dst(%dma_wait3A_67 : memref<640x64xf32, #tpu.memory_space<hbm>>)
      tpu.yield
    }) : () -> ()
    return
  }
}

module attributes {stable_mosaic.version = 14 : i64} {
  func.func @_b0b_body(%arg0: memref<10240x128xf32, #tpu.memory_space<vmem>>, %arg1: memref<5000x128xf32, #tpu.memory_space<vmem>>, %arg2: memref<64x64xf32, #tpu.memory_space<vmem>>, %arg3: memref<5000x128xf32, #tpu.memory_space<vmem>>, %arg4: memref<5000x128xf32, #tpu.memory_space<vmem>>) attributes {dimension_semantics = [], scalar_prefetch = 0 : i64, scratch_operands = 0 : i64, tpu.core_type = #tpu.core_type<tc>} {
    %get3A = arith.constant 0 : index
    %get3A_0 = arith.constant 0 : index
    %get3A_1 = vector.load %arg0[%get3A, %get3A_0] : memref<10240x128xf32, #tpu.memory_space<vmem>>, vector<10240x128xf32>
    %slice3A = vector.extract_strided_slice %get3A_1 {offsets = [0, 0], sizes = [5000, 128], strides = [1, 1]} : vector<10240x128xf32> to vector<5000x128xf32>
    %slice3A_2 = vector.extract_strided_slice %get3A_1 {offsets = [5120, 0], sizes = [5000, 128], strides = [1, 1]} : vector<10240x128xf32> to vector<5000x128xf32>
    %add3A = arith.addf %slice3A, %slice3A_2 : vector<5000x128xf32>
    %add3A_3 = arith.constant 1.000000e+00 : f32
    %add3A_4 = vector.broadcast %add3A_3 : f32 to vector<5000x128xf32>
    %add3A_5 = arith.addf %add3A, %add3A_4 : vector<5000x128xf32>
    %sqrt3A = math.sqrt %add3A_5 : vector<5000x128xf32>
    %div3A = arith.constant 1.000000e+00 : f32
    %div3A_6 = vector.broadcast %div3A : f32 to vector<5000x128xf32>
    %div3A_7 = arith.divf %div3A_6, %sqrt3A : vector<5000x128xf32>
    %get3A_8 = arith.constant 0 : index
    %get3A_9 = arith.constant 0 : index
    %get3A_10 = vector.load %arg1[%get3A_8, %get3A_9] : memref<5000x128xf32, #tpu.memory_space<vmem>>, vector<5000x128xf32>
    %get3A_11 = arith.constant 0 : index
    %get3A_12 = arith.constant 0 : index
    %get3A_13 = vector.load %arg2[%get3A_11, %get3A_12] : memref<64x64xf32, #tpu.memory_space<vmem>>, vector<64x64xf32>
    %broadcast_in_dim3A = arith.constant 0.000000e+00 : f32
    %broadcast_in_dim3A_14 = vector.broadcast %broadcast_in_dim3A : f32 to vector<64x64xf32>
    %concatenate3A = tpu.concatenate %get3A_13, %broadcast_in_dim3A_14 in 1 : vector<64x64xf32>, vector<64x64xf32> -> vector<64x128xf32>
    %concatenate3A_15 = tpu.concatenate %broadcast_in_dim3A_14, %get3A_13 in 1 : vector<64x64xf32>, vector<64x64xf32> -> vector<64x128xf32>
    %concatenate3A_16 = tpu.concatenate %concatenate3A, %concatenate3A_15 in 0 : vector<64x128xf32>, vector<64x128xf32> -> vector<128x128xf32>
    %dot_general3A = arith.constant dense<0.000000e+00> : vector<5000x128xf32>
    %dot_general3A_17 = tpu.matmul %get3A_10, %concatenate3A_16, %dot_general3A {dimension_numbers = #tpu.dot_dimension_numbers<[1], [0], [0], [1], [0, 0, 1, 1], [], []>, transpose_lhs_hint = false} : vector<5000x128xf32>, vector<128x128xf32>, vector<5000x128xf32> -> vector<5000x128xf32>
    %swap3A = arith.constant 0 : index
    %swap3A_18 = arith.constant 0 : index
    %swap3A_19 = vector.load %arg3[%swap3A, %swap3A_18] : memref<5000x128xf32, #tpu.memory_space<vmem>>, vector<5000x128xf32>
    tpu.vector_store %arg3[%swap3A, %swap3A_18], %div3A_7 {strides = array<i32>} : memref<5000x128xf32, #tpu.memory_space<vmem>>, vector<5000x128xf32>,
    %mul3A = arith.mulf %div3A_7, %dot_general3A_17 : vector<5000x128xf32>
    %swap3A_20 = arith.constant 0 : index
    %swap3A_21 = arith.constant 0 : index
    %swap3A_22 = vector.load %arg4[%swap3A_20, %swap3A_21] : memref<5000x128xf32, #tpu.memory_space<vmem>>, vector<5000x128xf32>
    tpu.vector_store %arg4[%swap3A_20, %swap3A_21], %mul3A {strides = array<i32>} : memref<5000x128xf32, #tpu.memory_space<vmem>>, vector<5000x128xf32>,
    return
  }
}

module attributes {stable_mosaic.version = 14 : i64} {
  func.func @_b0a_body(%arg0: memref<5000x256xf32, #tpu.memory_space<vmem>>, %arg1: memref<128x64xf32, #tpu.memory_space<vmem>>, %arg2: memref<64xf32, #tpu.memory_space<vmem>>, %arg3: memref<5000x128xf32, #tpu.memory_space<vmem>>) attributes {dimension_semantics = [], scalar_prefetch = 0 : i64, scratch_operands = 0 : i64, tpu.core_type = #tpu.core_type<tc>} {
    %get3A = arith.constant 0 : index
    %get3A_0 = arith.constant 0 : index
    %get3A_1 = vector.load %arg0[%get3A, %get3A_0] : memref<5000x256xf32, #tpu.memory_space<vmem>>, vector<5000x256xf32>
    %get3A_2 = arith.constant 0 : index
    %get3A_3 = arith.constant 0 : index
    %get3A_4 = vector.load %arg1[%get3A_2, %get3A_3] : memref<128x64xf32, #tpu.memory_space<vmem>>, vector<128x64xf32>
    %broadcast_in_dim3A = arith.constant 0.000000e+00 : f32
    %broadcast_in_dim3A_5 = vector.broadcast %broadcast_in_dim3A : f32 to vector<128x64xf32>
    %concatenate3A = tpu.concatenate %get3A_4, %broadcast_in_dim3A_5 in 1 : vector<128x64xf32>, vector<128x64xf32> -> vector<128x128xf32>
    %concatenate3A_6 = tpu.concatenate %broadcast_in_dim3A_5, %get3A_4 in 1 : vector<128x64xf32>, vector<128x64xf32> -> vector<128x128xf32>
    %concatenate3A_7 = tpu.concatenate %concatenate3A, %concatenate3A_6 in 0 : vector<128x128xf32>, vector<128x128xf32> -> vector<256x128xf32>
    %dot_general3A = arith.constant dense<0.000000e+00> : vector<5000x128xf32>
    %dot_general3A_8 = tpu.matmul %get3A_1, %concatenate3A_7, %dot_general3A {dimension_numbers = #tpu.dot_dimension_numbers<[1], [0], [0], [1], [0, 0, 1, 1], [], []>, transpose_lhs_hint = false} : vector<5000x256xf32>, vector<256x128xf32>, vector<5000x128xf32> -> vector<5000x128xf32>
    %get3A_9 = arith.constant 0 : index
    %get3A_10 = vector.load %arg2[%get3A_9] : memref<64xf32, #tpu.memory_space<vmem>>, vector<64xf32>
    %concatenate3A_11 = tpu.concatenate %get3A_10, %get3A_10 in 0 : vector<64xf32>, vector<64xf32> -> vector<128xf32>
    %broadcast_in_dim3A_12 = vector.shape_cast %concatenate3A_11 : vector<128xf32> to vector<1x128xf32>
    %add3A = vector.broadcast %broadcast_in_dim3A_12 : vector<1x128xf32> to vector<5000x128xf32>
    %add3A_13 = arith.addf %dot_general3A_8, %add3A : vector<5000x128xf32>
    %swap3A = arith.constant 0 : index
    %swap3A_14 = arith.constant 0 : index
    %swap3A_15 = vector.load %arg3[%swap3A, %swap3A_14] : memref<5000x128xf32, #tpu.memory_space<vmem>>, vector<5000x128xf32>
    tpu.vector_store %arg3[%swap3A, %swap3A_14], %add3A_13 {strides = array<i32>} : memref<5000x128xf32, #tpu.memory_space<vmem>>, vector<5000x128xf32>,
    return
  }
}

module attributes {stable_mosaic.version = 14 : i64} {
  func.func @_bmid_body(%arg0: memref<10240x128xf32, #tpu.memory_space<vmem>>, %arg1: memref<5000x128xf32, #tpu.memory_space<vmem>>, %arg2: memref<5000x128xf32, #tpu.memory_space<vmem>>, %arg3: memref<5000x128xf32, #tpu.memory_space<vmem>>, %arg4: memref<64xf32, #tpu.memory_space<vmem>>, %arg5: memref<64xf32, #tpu.memory_space<vmem>>, %arg6: memref<64xf32, #tpu.memory_space<vmem>>, %arg7: memref<64x64xf32, #tpu.memory_space<vmem>>, %arg8: memref<5000x128xf32, #tpu.memory_space<vmem>>, %arg9: memref<5000x128xf32, #tpu.memory_space<vmem>>) attributes {dimension_semantics = [], scalar_prefetch = 0 : i64, scratch_operands = 0 : i64, tpu.core_type = #tpu.core_type<tc>} {
    %get3A = arith.constant 0 : index
    %get3A_0 = arith.constant 0 : index
    %get3A_1 = vector.load %arg0[%get3A, %get3A_0] : memref<10240x128xf32, #tpu.memory_space<vmem>>, vector<10240x128xf32>
    %get3A_2 = arith.constant 0 : index
    %get3A_3 = arith.constant 0 : index
    %get3A_4 = vector.load %arg3[%get3A_2, %get3A_3] : memref<5000x128xf32, #tpu.memory_space<vmem>>, vector<5000x128xf32>
    %slice3A = vector.extract_strided_slice %get3A_1 {offsets = [0, 0], sizes = [5000, 128], strides = [1, 1]} : vector<10240x128xf32> to vector<5000x128xf32>
    %slice3A_5 = vector.extract_strided_slice %get3A_1 {offsets = [5120, 0], sizes = [5000, 128], strides = [1, 1]} : vector<10240x128xf32> to vector<5000x128xf32>
    %add3A = arith.addf %slice3A, %slice3A_5 : vector<5000x128xf32>
    %get3A_6 = arith.constant 0 : index
    %get3A_7 = arith.constant 0 : index
    %get3A_8 = vector.load %arg1[%get3A_6, %get3A_7] : memref<5000x128xf32, #tpu.memory_space<vmem>>, vector<5000x128xf32>
    %add3A_9 = arith.addf %add3A, %get3A_8 : vector<5000x128xf32>
    %mul3A = arith.mulf %get3A_4, %add3A_9 : vector<5000x128xf32>
    %get3A_10 = arith.constant 0 : index
    %get3A_11 = vector.load %arg4[%get3A_10] : memref<64xf32, #tpu.memory_space<vmem>>, vector<64xf32>
    %concatenate3A = tpu.concatenate %get3A_11, %get3A_11 in 0 : vector<64xf32>, vector<64xf32> -> vector<128xf32>
    %broadcast_in_dim3A = vector.shape_cast %concatenate3A : vector<128xf32> to vector<1x128xf32>
    %add3A_12 = vector.broadcast %broadcast_in_dim3A : vector<1x128xf32> to vector<5000x128xf32>
    %add3A_13 = arith.addf %mul3A, %add3A_12 : vector<5000x128xf32>
    %reduce_sum3A = arith.constant dense<0.000000e+00> : vector<128xf32>
    %reduce_sum3A_14 = vector.multi_reduction <add>, %add3A_13, %reduce_sum3A [0] : vector<5000x128xf32> to vector<128xf32>
    %broadcast_in_dim3A_15 = vector.shape_cast %reduce_sum3A_14 : vector<128xf32> to vector<1x128xf32>
    %div3A = arith.constant 5.000000e+03 : f32
    %div3A_16 = vector.broadcast %div3A : f32 to vector<1x128xf32>
    %div3A_17 = arith.divf %broadcast_in_dim3A_15, %div3A_16 : vector<1x128xf32>
    %slice3A_18 = vector.extract_strided_slice %div3A_17 {offsets = [0, 0], sizes = [1, 64], strides = [1, 1]} : vector<1x128xf32> to vector<1x64xf32>
    %slice3A_19 = vector.extract_strided_slice %div3A_17 {offsets = [0, 64], sizes = [1, 64], strides = [1, 1]} : vector<1x128xf32> to vector<1x64xf32>
    %add3A_20 = arith.addf %slice3A_18, %slice3A_19 : vector<1x64xf32>
    %mul3A_21 = arith.constant 5.000000e-01 : f32
    %mul3A_22 = vector.broadcast %mul3A_21 : f32 to vector<1x64xf32>
    %mul3A_23 = arith.mulf %mul3A_22, %add3A_20 : vector<1x64xf32>
    %mul3A_24 = arith.mulf %add3A_13, %add3A_13 : vector<5000x128xf32>
    %reduce_sum3A_25 = arith.constant dense<0.000000e+00> : vector<128xf32>
    %reduce_sum3A_26 = vector.multi_reduction <add>, %mul3A_24, %reduce_sum3A_25 [0] : vector<5000x128xf32> to vector<128xf32>
    %broadcast_in_dim3A_27 = vector.shape_cast %reduce_sum3A_26 : vector<128xf32> to vector<1x128xf32>
    %div3A_28 = arith.constant 5.000000e+03 : f32
    %div3A_29 = vector.broadcast %div3A_28 : f32 to vector<1x128xf32>
    %div3A_30 = arith.divf %broadcast_in_dim3A_27, %div3A_29 : vector<1x128xf32>
    %slice3A_31 = vector.extract_strided_slice %div3A_30 {offsets = [0, 0], sizes = [1, 64], strides = [1, 1]} : vector<1x128xf32> to vector<1x64xf32>
    %slice3A_32 = vector.extract_strided_slice %div3A_30 {offsets = [0, 64], sizes = [1, 64], strides = [1, 1]} : vector<1x128xf32> to vector<1x64xf32>
    %add3A_33 = arith.addf %slice3A_31, %slice3A_32 : vector<1x64xf32>
    %mul3A_34 = arith.constant 5.000000e-01 : f32
    %mul3A_35 = vector.broadcast %mul3A_34 : f32 to vector<1x64xf32>
    %mul3A_36 = arith.mulf %mul3A_35, %add3A_33 : vector<1x64xf32>
    %mul3A_37 = arith.mulf %mul3A_23, %mul3A_23 : vector<1x64xf32>
    %sub3A = arith.subf %mul3A_36, %mul3A_37 : vector<1x64xf32>
    %concatenate3A_38 = tpu.concatenate %mul3A_23, %mul3A_23 in 1 : vector<1x64xf32>, vector<1x64xf32> -> vector<1x128xf32>
    %concatenate3A_39 = tpu.concatenate %sub3A, %sub3A in 1 : vector<1x64xf32>, vector<1x64xf32> -> vector<1x128xf32>
    %get3A_40 = arith.constant 0 : index
    %get3A_41 = vector.load %arg5[%get3A_40] : memref<64xf32, #tpu.memory_space<vmem>>, vector<64xf32>
    %concatenate3A_42 = tpu.concatenate %get3A_41, %get3A_41 in 0 : vector<64xf32>, vector<64xf32> -> vector<128xf32>
    %sub3A_43 = vector.broadcast %concatenate3A_38 : vector<1x128xf32> to vector<5000x128xf32>
    %sub3A_44 = arith.subf %add3A_13, %sub3A_43 : vector<5000x128xf32>
    %broadcast_in_dim3A_45 = vector.shape_cast %concatenate3A_42 : vector<128xf32> to vector<1x128xf32>
    %mul3A_46 = vector.broadcast %broadcast_in_dim3A_45 : vector<1x128xf32> to vector<5000x128xf32>
    %mul3A_47 = arith.mulf %mul3A_46, %sub3A_44 : vector<5000x128xf32>
    %add3A_48 = arith.constant 9.99999974E-6 : f32
    %add3A_49 = vector.broadcast %add3A_48 : f32 to vector<1x128xf32>
    %add3A_50 = arith.addf %concatenate3A_39, %add3A_49 : vector<1x128xf32>
    %sqrt3A = math.sqrt %add3A_50 : vector<1x128xf32>
    %div3A_51 = vector.broadcast %sqrt3A : vector<1x128xf32> to vector<5000x128xf32>
    %div3A_52 = arith.divf %mul3A_47, %div3A_51 : vector<5000x128xf32>
    %get3A_53 = arith.constant 0 : index
    %get3A_54 = vector.load %arg6[%get3A_53] : memref<64xf32, #tpu.memory_space<vmem>>, vector<64xf32>
    %concatenate3A_55 = tpu.concatenate %get3A_54, %get3A_54 in 0 : vector<64xf32>, vector<64xf32> -> vector<128xf32>
    %broadcast_in_dim3A_56 = vector.shape_cast %concatenate3A_55 : vector<128xf32> to vector<1x128xf32>
    %add3A_57 = vector.broadcast %broadcast_in_dim3A_56 : vector<1x128xf32> to vector<5000x128xf32>
    %add3A_58 = arith.addf %div3A_52, %add3A_57 : vector<5000x128xf32>
    %max3A = arith.constant 0.000000e+00 : f32
    %max3A_59 = vector.broadcast %max3A : f32 to vector<5000x128xf32>
    %max3A_60 = arith.maximumf %add3A_58, %max3A_59 : vector<5000x128xf32>
    %get3A_61 = arith.constant 0 : index
    %get3A_62 = arith.constant 0 : index
    %get3A_63 = vector.load %arg2[%get3A_61, %get3A_62] : memref<5000x128xf32, #tpu.memory_space<vmem>>, vector<5000x128xf32>
    %add3A_64 = arith.addf %max3A_60, %get3A_63 : vector<5000x128xf32>
    %swap3A = arith.constant 0 : index
    %swap3A_65 = arith.constant 0 : index
    %swap3A_66 = vector.load %arg8[%swap3A, %swap3A_65] : memref<5000x128xf32, #tpu.memory_space<vmem>>, vector<5000x128xf32>
    tpu.vector_store %arg8[%swap3A, %swap3A_65], %add3A_64 {strides = array<i32>} : memref<5000x128xf32, #tpu.memory_space<vmem>>, vector<5000x128xf32>,
    %get3A_67 = arith.constant 0 : index
    %get3A_68 = arith.constant 0 : index
    %get3A_69 = vector.load %arg7[%get3A_67, %get3A_68] : memref<64x64xf32, #tpu.memory_space<vmem>>, vector<64x64xf32>
    %broadcast_in_dim3A_70 = arith.constant 0.000000e+00 : f32
    %broadcast_in_dim3A_71 = vector.broadcast %broadcast_in_dim3A_70 : f32 to vector<64x64xf32>
    %concatenate3A_72 = tpu.concatenate %get3A_69, %broadcast_in_dim3A_71 in 1 : vector<64x64xf32>, vector<64x64xf32> -> vector<64x128xf32>
    %concatenate3A_73 = tpu.concatenate %broadcast_in_dim3A_71, %get3A_69 in 1 : vector<64x64xf32>, vector<64x64xf32> -> vector<64x128xf32>
    %concatenate3A_74 = tpu.concatenate %concatenate3A_72, %concatenate3A_73 in 0 : vector<64x128xf32>, vector<64x128xf32> -> vector<128x128xf32>
    %dot_general3A = arith.constant dense<0.000000e+00> : vector<5000x128xf32>
    %dot_general3A_75 = tpu.matmul %add3A_64, %concatenate3A_74, %dot_general3A {dimension_numbers = #tpu.dot_dimension_numbers<[1], [0], [0], [1], [0, 0, 1, 1], [], []>, transpose_lhs_hint = false} : vector<5000x128xf32>, vector<128x128xf32>, vector<5000x128xf32> -> vector<5000x128xf32>
    %mul3A_76 = arith.mulf %get3A_4, %dot_general3A_75 : vector<5000x128xf32>
    %swap3A_77 = arith.constant 0 : index
    %swap3A_78 = arith.constant 0 : index
    %swap3A_79 = vector.load %arg9[%swap3A_77, %swap3A_78] : memref<5000x128xf32, #tpu.memory_space<vmem>>, vector<5000x128xf32>
    tpu.vector_store %arg9[%swap3A_77, %swap3A_78], %mul3A_76 {strides = array<i32>} : memref<5000x128xf32, #tpu.memory_space<vmem>>, vector<5000x128xf32>,
    return
  }
}

module attributes {stable_mosaic.version = 14 : i64} {
  func.func @_bmid_body(%arg0: memref<10240x128xf32, #tpu.memory_space<vmem>>, %arg1: memref<5000x128xf32, #tpu.memory_space<vmem>>, %arg2: memref<5000x128xf32, #tpu.memory_space<vmem>>, %arg3: memref<5000x128xf32, #tpu.memory_space<vmem>>, %arg4: memref<64xf32, #tpu.memory_space<vmem>>, %arg5: memref<64xf32, #tpu.memory_space<vmem>>, %arg6: memref<64xf32, #tpu.memory_space<vmem>>, %arg7: memref<64x64xf32, #tpu.memory_space<vmem>>, %arg8: memref<5000x128xf32, #tpu.memory_space<vmem>>, %arg9: memref<5000x128xf32, #tpu.memory_space<vmem>>) attributes {dimension_semantics = [], scalar_prefetch = 0 : i64, scratch_operands = 0 : i64, tpu.core_type = #tpu.core_type<tc>} {
    %get3A = arith.constant 0 : index
    %get3A_0 = arith.constant 0 : index
    %get3A_1 = vector.load %arg0[%get3A, %get3A_0] : memref<10240x128xf32, #tpu.memory_space<vmem>>, vector<10240x128xf32>
    %get3A_2 = arith.constant 0 : index
    %get3A_3 = arith.constant 0 : index
    %get3A_4 = vector.load %arg3[%get3A_2, %get3A_3] : memref<5000x128xf32, #tpu.memory_space<vmem>>, vector<5000x128xf32>
    %slice3A = vector.extract_strided_slice %get3A_1 {offsets = [0, 0], sizes = [5000, 128], strides = [1, 1]} : vector<10240x128xf32> to vector<5000x128xf32>
    %slice3A_5 = vector.extract_strided_slice %get3A_1 {offsets = [5120, 0], sizes = [5000, 128], strides = [1, 1]} : vector<10240x128xf32> to vector<5000x128xf32>
    %add3A = arith.addf %slice3A, %slice3A_5 : vector<5000x128xf32>
    %get3A_6 = arith.constant 0 : index
    %get3A_7 = arith.constant 0 : index
    %get3A_8 = vector.load %arg1[%get3A_6, %get3A_7] : memref<5000x128xf32, #tpu.memory_space<vmem>>, vector<5000x128xf32>
    %add3A_9 = arith.addf %add3A, %get3A_8 : vector<5000x128xf32>
    %mul3A = arith.mulf %get3A_4, %add3A_9 : vector<5000x128xf32>
    %get3A_10 = arith.constant 0 : index
    %get3A_11 = vector.load %arg4[%get3A_10] : memref<64xf32, #tpu.memory_space<vmem>>, vector<64xf32>
    %concatenate3A = tpu.concatenate %get3A_11, %get3A_11 in 0 : vector<64xf32>, vector<64xf32> -> vector<128xf32>
    %broadcast_in_dim3A = vector.shape_cast %concatenate3A : vector<128xf32> to vector<1x128xf32>
    %add3A_12 = vector.broadcast %broadcast_in_dim3A : vector<1x128xf32> to vector<5000x128xf32>
    %add3A_13 = arith.addf %mul3A, %add3A_12 : vector<5000x128xf32>
    %reduce_sum3A = arith.constant dense<0.000000e+00> : vector<128xf32>
    %reduce_sum3A_14 = vector.multi_reduction <add>, %add3A_13, %reduce_sum3A [0] : vector<5000x128xf32> to vector<128xf32>
    %broadcast_in_dim3A_15 = vector.shape_cast %reduce_sum3A_14 : vector<128xf32> to vector<1x128xf32>
    %div3A = arith.constant 5.000000e+03 : f32
    %div3A_16 = vector.broadcast %div3A : f32 to vector<1x128xf32>
    %div3A_17 = arith.divf %broadcast_in_dim3A_15, %div3A_16 : vector<1x128xf32>
    %slice3A_18 = vector.extract_strided_slice %div3A_17 {offsets = [0, 0], sizes = [1, 64], strides = [1, 1]} : vector<1x128xf32> to vector<1x64xf32>
    %slice3A_19 = vector.extract_strided_slice %div3A_17 {offsets = [0, 64], sizes = [1, 64], strides = [1, 1]} : vector<1x128xf32> to vector<1x64xf32>
    %add3A_20 = arith.addf %slice3A_18, %slice3A_19 : vector<1x64xf32>
    %mul3A_21 = arith.constant 5.000000e-01 : f32
    %mul3A_22 = vector.broadcast %mul3A_21 : f32 to vector<1x64xf32>
    %mul3A_23 = arith.mulf %mul3A_22, %add3A_20 : vector<1x64xf32>
    %mul3A_24 = arith.mulf %add3A_13, %add3A_13 : vector<5000x128xf32>
    %reduce_sum3A_25 = arith.constant dense<0.000000e+00> : vector<128xf32>
    %reduce_sum3A_26 = vector.multi_reduction <add>, %mul3A_24, %reduce_sum3A_25 [0] : vector<5000x128xf32> to vector<128xf32>
    %broadcast_in_dim3A_27 = vector.shape_cast %reduce_sum3A_26 : vector<128xf32> to vector<1x128xf32>
    %div3A_28 = arith.constant 5.000000e+03 : f32
    %div3A_29 = vector.broadcast %div3A_28 : f32 to vector<1x128xf32>
    %div3A_30 = arith.divf %broadcast_in_dim3A_27, %div3A_29 : vector<1x128xf32>
    %slice3A_31 = vector.extract_strided_slice %div3A_30 {offsets = [0, 0], sizes = [1, 64], strides = [1, 1]} : vector<1x128xf32> to vector<1x64xf32>
    %slice3A_32 = vector.extract_strided_slice %div3A_30 {offsets = [0, 64], sizes = [1, 64], strides = [1, 1]} : vector<1x128xf32> to vector<1x64xf32>
    %add3A_33 = arith.addf %slice3A_31, %slice3A_32 : vector<1x64xf32>
    %mul3A_34 = arith.constant 5.000000e-01 : f32
    %mul3A_35 = vector.broadcast %mul3A_34 : f32 to vector<1x64xf32>
    %mul3A_36 = arith.mulf %mul3A_35, %add3A_33 : vector<1x64xf32>
    %mul3A_37 = arith.mulf %mul3A_23, %mul3A_23 : vector<1x64xf32>
    %sub3A = arith.subf %mul3A_36, %mul3A_37 : vector<1x64xf32>
    %concatenate3A_38 = tpu.concatenate %mul3A_23, %mul3A_23 in 1 : vector<1x64xf32>, vector<1x64xf32> -> vector<1x128xf32>
    %concatenate3A_39 = tpu.concatenate %sub3A, %sub3A in 1 : vector<1x64xf32>, vector<1x64xf32> -> vector<1x128xf32>
    %get3A_40 = arith.constant 0 : index
    %get3A_41 = vector.load %arg5[%get3A_40] : memref<64xf32, #tpu.memory_space<vmem>>, vector<64xf32>
    %concatenate3A_42 = tpu.concatenate %get3A_41, %get3A_41 in 0 : vector<64xf32>, vector<64xf32> -> vector<128xf32>
    %sub3A_43 = vector.broadcast %concatenate3A_38 : vector<1x128xf32> to vector<5000x128xf32>
    %sub3A_44 = arith.subf %add3A_13, %sub3A_43 : vector<5000x128xf32>
    %broadcast_in_dim3A_45 = vector.shape_cast %concatenate3A_42 : vector<128xf32> to vector<1x128xf32>
    %mul3A_46 = vector.broadcast %broadcast_in_dim3A_45 : vector<1x128xf32> to vector<5000x128xf32>
    %mul3A_47 = arith.mulf %mul3A_46, %sub3A_44 : vector<5000x128xf32>
    %add3A_48 = arith.constant 9.99999974E-6 : f32
    %add3A_49 = vector.broadcast %add3A_48 : f32 to vector<1x128xf32>
    %add3A_50 = arith.addf %concatenate3A_39, %add3A_49 : vector<1x128xf32>
    %sqrt3A = math.sqrt %add3A_50 : vector<1x128xf32>
    %div3A_51 = vector.broadcast %sqrt3A : vector<1x128xf32> to vector<5000x128xf32>
    %div3A_52 = arith.divf %mul3A_47, %div3A_51 : vector<5000x128xf32>
    %get3A_53 = arith.constant 0 : index
    %get3A_54 = vector.load %arg6[%get3A_53] : memref<64xf32, #tpu.memory_space<vmem>>, vector<64xf32>
    %concatenate3A_55 = tpu.concatenate %get3A_54, %get3A_54 in 0 : vector<64xf32>, vector<64xf32> -> vector<128xf32>
    %broadcast_in_dim3A_56 = vector.shape_cast %concatenate3A_55 : vector<128xf32> to vector<1x128xf32>
    %add3A_57 = vector.broadcast %broadcast_in_dim3A_56 : vector<1x128xf32> to vector<5000x128xf32>
    %add3A_58 = arith.addf %div3A_52, %add3A_57 : vector<5000x128xf32>
    %max3A = arith.constant 0.000000e+00 : f32
    %max3A_59 = vector.broadcast %max3A : f32 to vector<5000x128xf32>
    %max3A_60 = arith.maximumf %add3A_58, %max3A_59 : vector<5000x128xf32>
    %get3A_61 = arith.constant 0 : index
    %get3A_62 = arith.constant 0 : index
    %get3A_63 = vector.load %arg2[%get3A_61, %get3A_62] : memref<5000x128xf32, #tpu.memory_space<vmem>>, vector<5000x128xf32>
    %add3A_64 = arith.addf %max3A_60, %get3A_63 : vector<5000x128xf32>
    %swap3A = arith.constant 0 : index
    %swap3A_65 = arith.constant 0 : index
    %swap3A_66 = vector.load %arg8[%swap3A, %swap3A_65] : memref<5000x128xf32, #tpu.memory_space<vmem>>, vector<5000x128xf32>
    tpu.vector_store %arg8[%swap3A, %swap3A_65], %add3A_64 {strides = array<i32>} : memref<5000x128xf32, #tpu.memory_space<vmem>>, vector<5000x128xf32>,
    %get3A_67 = arith.constant 0 : index
    %get3A_68 = arith.constant 0 : index
    %get3A_69 = vector.load %arg7[%get3A_67, %get3A_68] : memref<64x64xf32, #tpu.memory_space<vmem>>, vector<64x64xf32>
    %broadcast_in_dim3A_70 = arith.constant 0.000000e+00 : f32
    %broadcast_in_dim3A_71 = vector.broadcast %broadcast_in_dim3A_70 : f32 to vector<64x64xf32>
    %concatenate3A_72 = tpu.concatenate %get3A_69, %broadcast_in_dim3A_71 in 1 : vector<64x64xf32>, vector<64x64xf32> -> vector<64x128xf32>
    %concatenate3A_73 = tpu.concatenate %broadcast_in_dim3A_71, %get3A_69 in 1 : vector<64x64xf32>, vector<64x64xf32> -> vector<64x128xf32>
    %concatenate3A_74 = tpu.concatenate %concatenate3A_72, %concatenate3A_73 in 0 : vector<64x128xf32>, vector<64x128xf32> -> vector<128x128xf32>
    %dot_general3A = arith.constant dense<0.000000e+00> : vector<5000x128xf32>
    %dot_general3A_75 = tpu.matmul %add3A_64, %concatenate3A_74, %dot_general3A {dimension_numbers = #tpu.dot_dimension_numbers<[1], [0], [0], [1], [0, 0, 1, 1], [], []>, transpose_lhs_hint = false} : vector<5000x128xf32>, vector<128x128xf32>, vector<5000x128xf32> -> vector<5000x128xf32>
    %mul3A_76 = arith.mulf %get3A_4, %dot_general3A_75 : vector<5000x128xf32>
    %swap3A_77 = arith.constant 0 : index
    %swap3A_78 = arith.constant 0 : index
    %swap3A_79 = vector.load %arg9[%swap3A_77, %swap3A_78] : memref<5000x128xf32, #tpu.memory_space<vmem>>, vector<5000x128xf32>
    tpu.vector_store %arg9[%swap3A_77, %swap3A_78], %mul3A_76 {strides = array<i32>} : memref<5000x128xf32, #tpu.memory_space<vmem>>, vector<5000x128xf32>,
    return
  }
}

module attributes {stable_mosaic.version = 14 : i64} {
  func.func @_b3a_body(%arg0: memref<5000x256xf32, #tpu.memory_space<vmem>>, %arg1: memref<128x3xf32, #tpu.memory_space<vmem>>, %arg2: memref<3xf32, #tpu.memory_space<vmem>>, %arg3: memref<67x3xf32, #tpu.memory_space<vmem>>, %arg4: memref<3xf32, #tpu.memory_space<vmem>>, %arg5: memref<5000x6xf32, #tpu.memory_space<vmem>>) attributes {dimension_semantics = [], scalar_prefetch = 0 : i64, scratch_operands = 0 : i64, tpu.core_type = #tpu.core_type<tc>} {
    %get3A = arith.constant 0 : index
    %get3A_0 = arith.constant 0 : index
    %get3A_1 = vector.load %arg0[%get3A, %get3A_0] : memref<5000x256xf32, #tpu.memory_space<vmem>>, vector<5000x256xf32>
    %get3A_2 = arith.constant 0 : index
    %get3A_3 = arith.constant 0 : index
    %get3A_4 = vector.load %arg1[%get3A_2, %get3A_3] : memref<128x3xf32, #tpu.memory_space<vmem>>, vector<128x3xf32>
    %broadcast_in_dim3A = arith.constant 0.000000e+00 : f32
    %broadcast_in_dim3A_5 = vector.broadcast %broadcast_in_dim3A : f32 to vector<128x3xf32>
    %concatenate3A = tpu.concatenate %get3A_4, %broadcast_in_dim3A_5 in 1 : vector<128x3xf32>, vector<128x3xf32> -> vector<128x6xf32>
    %concatenate3A_6 = tpu.concatenate %broadcast_in_dim3A_5, %get3A_4 in 1 : vector<128x3xf32>, vector<128x3xf32> -> vector<128x6xf32>
    %concatenate3A_7 = tpu.concatenate %concatenate3A, %concatenate3A_6 in 0 : vector<128x6xf32>, vector<128x6xf32> -> vector<256x6xf32>
    %dot_general3A = arith.constant dense<0.000000e+00> : vector<5000x6xf32>
    %dot_general3A_8 = tpu.matmul %get3A_1, %concatenate3A_7, %dot_general3A {dimension_numbers = #tpu.dot_dimension_numbers<[1], [0], [0], [1], [0, 0, 1, 1], [], []>, transpose_lhs_hint = false} : vector<5000x256xf32>, vector<256x6xf32>, vector<5000x6xf32> -> vector<5000x6xf32>
    %get3A_9 = arith.constant 0 : index
    %get3A_10 = vector.load %arg2[%get3A_9] : memref<3xf32, #tpu.memory_space<vmem>>, vector<3xf32>
    %concatenate3A_11 = tpu.concatenate %get3A_10, %get3A_10 in 0 : vector<3xf32>, vector<3xf32> -> vector<6xf32>
    %broadcast_in_dim3A_12 = vector.shape_cast %concatenate3A_11 : vector<6xf32> to vector<1x6xf32>
    %add3A = vector.broadcast %broadcast_in_dim3A_12 : vector<1x6xf32> to vector<5000x6xf32>
    %add3A_13 = arith.addf %dot_general3A_8, %add3A : vector<5000x6xf32>
    %get3A_14 = arith.constant 0 : index
    %get3A_15 = arith.constant 0 : index
    %get3A_16 = vector.load %arg3[%get3A_14, %get3A_15] : memref<67x3xf32, #tpu.memory_space<vmem>>, vector<67x3xf32>
    %slice3A = vector.extract_strided_slice %get3A_16 {offsets = [64, 0], sizes = [3, 3], strides = [1, 1]} : vector<67x3xf32> to vector<3x3xf32>
    %broadcast_in_dim3A_17 = arith.constant 0.000000e+00 : f32
    %broadcast_in_dim3A_18 = vector.broadcast %broadcast_in_dim3A_17 : f32 to vector<3x3xf32>
    %concatenate3A_19 = tpu.concatenate %slice3A, %broadcast_in_dim3A_18 in 1 : vector<3x3xf32>, vector<3x3xf32> -> vector<3x6xf32>
    %concatenate3A_20 = tpu.concatenate %broadcast_in_dim3A_18, %slice3A in 1 : vector<3x3xf32>, vector<3x3xf32> -> vector<3x6xf32>
    %concatenate3A_21 = tpu.concatenate %concatenate3A_19, %concatenate3A_20 in 0 : vector<3x6xf32>, vector<3x6xf32> -> vector<6x6xf32>
    %dot_general3A_22 = arith.constant dense<0.000000e+00> : vector<5000x6xf32>
    %dot_general3A_23 = tpu.matmul %add3A_13, %concatenate3A_21, %dot_general3A_22 {dimension_numbers = #tpu.dot_dimension_numbers<[1], [0], [0], [1], [0, 0, 1, 1], [], []>, transpose_lhs_hint = false} : vector<5000x6xf32>, vector<6x6xf32>, vector<5000x6xf32> -> vector<5000x6xf32>
    %get3A_24 = arith.constant 0 : index
    %get3A_25 = vector.load %arg4[%get3A_24] : memref<3xf32, #tpu.memory_space<vmem>>, vector<3xf32>
    %concatenate3A_26 = tpu.concatenate %get3A_25, %get3A_25 in 0 : vector<3xf32>, vector<3xf32> -> vector<6xf32>
    %broadcast_in_dim3A_27 = vector.shape_cast %concatenate3A_26 : vector<6xf32> to vector<1x6xf32>
    %add3A_28 = vector.broadcast %broadcast_in_dim3A_27 : vector<1x6xf32> to vector<5000x6xf32>
    %add3A_29 = arith.addf %dot_general3A_23, %add3A_28 : vector<5000x6xf32>
    %swap3A = arith.constant 0 : index
    %swap3A_30 = arith.constant 0 : index
    %swap3A_31 = vector.load %arg5[%swap3A, %swap3A_30] : memref<5000x6xf32, #tpu.memory_space<vmem>>, vector<5000x6xf32>
    tpu.vector_store %arg5[%swap3A, %swap3A_30], %add3A_29 {strides = array<i32>} : memref<5000x6xf32, #tpu.memory_space<vmem>>, vector<5000x6xf32>,
    return
  }
}

module attributes {stable_mosaic.version = 14 : i64} {
  func.func @_b3_body(%arg0: memref<10240x128xf32, #tpu.memory_space<vmem>>, %arg1: memref<5000x128xf32, #tpu.memory_space<vmem>>, %arg2: memref<5000x128xf32, #tpu.memory_space<vmem>>, %arg3: memref<64xf32, #tpu.memory_space<vmem>>, %arg4: memref<64xf32, #tpu.memory_space<vmem>>, %arg5: memref<64xf32, #tpu.memory_space<vmem>>, %arg6: memref<5000x6xf32, #tpu.memory_space<vmem>>, %arg7: memref<67x3xf32, #tpu.memory_space<vmem>>, %arg8: memref<5000x6xf32, #tpu.memory_space<vmem>>) attributes {dimension_semantics = [], scalar_prefetch = 0 : i64, scratch_operands = 0 : i64, tpu.core_type = #tpu.core_type<tc>} {
    %get3A = arith.constant 0 : index
    %get3A_0 = arith.constant 0 : index
    %get3A_1 = vector.load %arg0[%get3A, %get3A_0] : memref<10240x128xf32, #tpu.memory_space<vmem>>, vector<10240x128xf32>
    %get3A_2 = arith.constant 0 : index
    %get3A_3 = arith.constant 0 : index
    %get3A_4 = vector.load %arg2[%get3A_2, %get3A_3] : memref<5000x128xf32, #tpu.memory_space<vmem>>, vector<5000x128xf32>
    %slice3A = vector.extract_strided_slice %get3A_1 {offsets = [0, 0], sizes = [5000, 128], strides = [1, 1]} : vector<10240x128xf32> to vector<5000x128xf32>
    %slice3A_5 = vector.extract_strided_slice %get3A_1 {offsets = [5120, 0], sizes = [5000, 128], strides = [1, 1]} : vector<10240x128xf32> to vector<5000x128xf32>
    %add3A = arith.addf %slice3A, %slice3A_5 : vector<5000x128xf32>
    %get3A_6 = arith.constant 0 : index
    %get3A_7 = arith.constant 0 : index
    %get3A_8 = vector.load %arg1[%get3A_6, %get3A_7] : memref<5000x128xf32, #tpu.memory_space<vmem>>, vector<5000x128xf32>
    %add3A_9 = arith.addf %add3A, %get3A_8 : vector<5000x128xf32>
    %mul3A = arith.mulf %get3A_4, %add3A_9 : vector<5000x128xf32>
    %get3A_10 = arith.constant 0 : index
    %get3A_11 = vector.load %arg3[%get3A_10] : memref<64xf32, #tpu.memory_space<vmem>>, vector<64xf32>
    %concatenate3A = tpu.concatenate %get3A_11, %get3A_11 in 0 : vector<64xf32>, vector<64xf32> -> vector<128xf32>
    %broadcast_in_dim3A = vector.shape_cast %concatenate3A : vector<128xf32> to vector<1x128xf32>
    %add3A_12 = vector.broadcast %broadcast_in_dim3A : vector<1x128xf32> to vector<5000x128xf32>
    %add3A_13 = arith.addf %mul3A, %add3A_12 : vector<5000x128xf32>
    %reduce_sum3A = arith.constant dense<0.000000e+00> : vector<128xf32>
    %reduce_sum3A_14 = vector.multi_reduction <add>, %add3A_13, %reduce_sum3A [0] : vector<5000x128xf32> to vector<128xf32>
    %broadcast_in_dim3A_15 = vector.shape_cast %reduce_sum3A_14 : vector<128xf32> to vector<1x128xf32>
    %div3A = arith.constant 5.000000e+03 : f32
    %div3A_16 = vector.broadcast %div3A : f32 to vector<1x128xf32>
    %div3A_17 = arith.divf %broadcast_in_dim3A_15, %div3A_16 : vector<1x128xf32>
    %slice3A_18 = vector.extract_strided_slice %div3A_17 {offsets = [0, 0], sizes = [1, 64], strides = [1, 1]} : vector<1x128xf32> to vector<1x64xf32>
    %slice3A_19 = vector.extract_strided_slice %div3A_17 {offsets = [0, 64], sizes = [1, 64], strides = [1, 1]} : vector<1x128xf32> to vector<1x64xf32>
    %add3A_20 = arith.addf %slice3A_18, %slice3A_19 : vector<1x64xf32>
    %mul3A_21 = arith.constant 5.000000e-01 : f32
    %mul3A_22 = vector.broadcast %mul3A_21 : f32 to vector<1x64xf32>
    %mul3A_23 = arith.mulf %mul3A_22, %add3A_20 : vector<1x64xf32>
    %mul3A_24 = arith.mulf %add3A_13, %add3A_13 : vector<5000x128xf32>
    %reduce_sum3A_25 = arith.constant dense<0.000000e+00> : vector<128xf32>
    %reduce_sum3A_26 = vector.multi_reduction <add>, %mul3A_24, %reduce_sum3A_25 [0] : vector<5000x128xf32> to vector<128xf32>
    %broadcast_in_dim3A_27 = vector.shape_cast %reduce_sum3A_26 : vector<128xf32> to vector<1x128xf32>
    %div3A_28 = arith.constant 5.000000e+03 : f32
    %div3A_29 = vector.broadcast %div3A_28 : f32 to vector<1x128xf32>
    %div3A_30 = arith.divf %broadcast_in_dim3A_27, %div3A_29 : vector<1x128xf32>
    %slice3A_31 = vector.extract_strided_slice %div3A_30 {offsets = [0, 0], sizes = [1, 64], strides = [1, 1]} : vector<1x128xf32> to vector<1x64xf32>
    %slice3A_32 = vector.extract_strided_slice %div3A_30 {offsets = [0, 64], sizes = [1, 64], strides = [1, 1]} : vector<1x128xf32> to vector<1x64xf32>
    %add3A_33 = arith.addf %slice3A_31, %slice3A_32 : vector<1x64xf32>
    %mul3A_34 = arith.constant 5.000000e-01 : f32
    %mul3A_35 = vector.broadcast %mul3A_34 : f32 to vector<1x64xf32>
    %mul3A_36 = arith.mulf %mul3A_35, %add3A_33 : vector<1x64xf32>
    %mul3A_37 = arith.mulf %mul3A_23, %mul3A_23 : vector<1x64xf32>
    %sub3A = arith.subf %mul3A_36, %mul3A_37 : vector<1x64xf32>
    %concatenate3A_38 = tpu.concatenate %mul3A_23, %mul3A_23 in 1 : vector<1x64xf32>, vector<1x64xf32> -> vector<1x128xf32>
    %concatenate3A_39 = tpu.concatenate %sub3A, %sub3A in 1 : vector<1x64xf32>, vector<1x64xf32> -> vector<1x128xf32>
    %get3A_40 = arith.constant 0 : index
    %get3A_41 = vector.load %arg4[%get3A_40] : memref<64xf32, #tpu.memory_space<vmem>>, vector<64xf32>
    %concatenate3A_42 = tpu.concatenate %get3A_41, %get3A_41 in 0 : vector<64xf32>, vector<64xf32> -> vector<128xf32>
    %sub3A_43 = vector.broadcast %concatenate3A_38 : vector<1x128xf32> to vector<5000x128xf32>
    %sub3A_44 = arith.subf %add3A_13, %sub3A_43 : vector<5000x128xf32>
    %broadcast_in_dim3A_45 = vector.shape_cast %concatenate3A_42 : vector<128xf32> to vector<1x128xf32>
    %mul3A_46 = vector.broadcast %broadcast_in_dim3A_45 : vector<1x128xf32> to vector<5000x128xf32>
    %mul3A_47 = arith.mulf %mul3A_46, %sub3A_44 : vector<5000x128xf32>
    %add3A_48 = arith.constant 9.99999974E-6 : f32
    %add3A_49 = vector.broadcast %add3A_48 : f32 to vector<1x128xf32>
    %add3A_50 = arith.addf %concatenate3A_39, %add3A_49 : vector<1x128xf32>
    %sqrt3A = math.sqrt %add3A_50 : vector<1x128xf32>
    %div3A_51 = vector.broadcast %sqrt3A : vector<1x128xf32> to vector<5000x128xf32>
    %div3A_52 = arith.divf %mul3A_47, %div3A_51 : vector<5000x128xf32>
    %get3A_53 = arith.constant 0 : index
    %get3A_54 = vector.load %arg5[%get3A_53] : memref<64xf32, #tpu.memory_space<vmem>>, vector<64xf32>
    %concatenate3A_55 = tpu.concatenate %get3A_54, %get3A_54 in 0 : vector<64xf32>, vector<64xf32> -> vector<128xf32>
    %broadcast_in_dim3A_56 = vector.shape_cast %concatenate3A_55 : vector<128xf32> to vector<1x128xf32>
    %add3A_57 = vector.broadcast %broadcast_in_dim3A_56 : vector<1x128xf32> to vector<5000x128xf32>
    %add3A_58 = arith.addf %div3A_52, %add3A_57 : vector<5000x128xf32>
    %max3A = arith.constant 0.000000e+00 : f32
    %max3A_59 = vector.broadcast %max3A : f32 to vector<5000x128xf32>
    %max3A_60 = arith.maximumf %add3A_58, %max3A_59 : vector<5000x128xf32>
    %get3A_61 = arith.constant 0 : index
    %get3A_62 = arith.constant 0 : index
    %get3A_63 = vector.load %arg7[%get3A_61, %get3A_62] : memref<67x3xf32, #tpu.memory_space<vmem>>, vector<67x3xf32>
    %slice3A_64 = vector.extract_strided_slice %get3A_63 {offsets = [0, 0], sizes = [64, 3], strides = [1, 1]} : vector<67x3xf32> to vector<64x3xf32>
    %broadcast_in_dim3A_65 = arith.constant 0.000000e+00 : f32
    %broadcast_in_dim3A_66 = vector.broadcast %broadcast_in_dim3A_65 : f32 to vector<64x3xf32>
    %concatenate3A_67 = tpu.concatenate %slice3A_64, %broadcast_in_dim3A_66 in 1 : vector<64x3xf32>, vector<64x3xf32> -> vector<64x6xf32>
    %concatenate3A_68 = tpu.concatenate %broadcast_in_dim3A_66, %slice3A_64 in 1 : vector<64x3xf32>, vector<64x3xf32> -> vector<64x6xf32>
    %concatenate3A_69 = tpu.concatenate %concatenate3A_67, %concatenate3A_68 in 0 : vector<64x6xf32>, vector<64x6xf32> -> vector<128x6xf32>
    %dot_general3A = arith.constant dense<0.000000e+00> : vector<5000x6xf32>
    %dot_general3A_70 = tpu.matmul %max3A_60, %concatenate3A_69, %dot_general3A {dimension_numbers = #tpu.dot_dimension_numbers<[1], [0], [0], [1], [0, 0, 1, 1], [], []>, transpose_lhs_hint = false} : vector<5000x128xf32>, vector<128x6xf32>, vector<5000x6xf32> -> vector<5000x6xf32>
    %get3A_71 = arith.constant 0 : index
    %get3A_72 = arith.constant 0 : index
    %get3A_73 = vector.load %arg6[%get3A_71, %get3A_72] : memref<5000x6xf32, #tpu.memory_space<vmem>>, vector<5000x6xf32>
    %add3A_74 = arith.addf %dot_general3A_70, %get3A_73 : vector<5000x6xf32>
    %slice3A_75 = vector.extract_strided_slice %add3A_74 {offsets = [0, 0], sizes = [5000, 1], strides = [1, 1]} : vector<5000x6xf32> to vector<5000x1xf32>
    %mul3A_76 = arith.constant 5.000000e+00 : f32
    %mul3A_77 = vector.broadcast %mul3A_76 : f32 to vector<5000x1xf32>
    %mul3A_78 = arith.mulf %slice3A_75, %mul3A_77 : vector<5000x1xf32>
    %add3A_79 = arith.constant 2.500000e+00 : f32
    %add3A_80 = vector.broadcast %add3A_79 : f32 to vector<5000x1xf32>
    %add3A_81 = arith.addf %mul3A_78, %add3A_80 : vector<5000x1xf32>
    %jit3A = arith.constant 2.000000e-01 : f32
    %jit3A_82 = arith.constant 1.000000e+01 : f32
    %max3A_83 = vector.broadcast %jit3A : f32 to vector<5000x1xf32>
    %max3A_84 = arith.maximumf %max3A_83, %add3A_81 : vector<5000x1xf32>
    %min3A = vector.broadcast %jit3A_82 : f32 to vector<5000x1xf32>
    %min3A_85 = arith.minimumf %min3A, %max3A_84 : vector<5000x1xf32>
    %slice3A_86 = vector.extract_strided_slice %add3A_74 {offsets = [0, 1], sizes = [5000, 1], strides = [1, 1]} : vector<5000x6xf32> to vector<5000x1xf32>
    %slice3A_87 = vector.extract_strided_slice %add3A_74 {offsets = [0, 2], sizes = [5000, 1], strides = [1, 1]} : vector<5000x6xf32> to vector<5000x1xf32>
    %add3A_88 = arith.constant 5.000000e-01 : f32
    %add3A_89 = vector.broadcast %add3A_88 : f32 to vector<5000x1xf32>
    %add3A_90 = arith.addf %slice3A_87, %add3A_89 : vector<5000x1xf32>
    %jit3A_91 = arith.constant 5.000000e-02 : f32
    %jit3A_92 = arith.constant 2.000000e+00 : f32
    %max3A_93 = vector.broadcast %jit3A_91 : f32 to vector<5000x1xf32>
    %max3A_94 = arith.maximumf %max3A_93, %add3A_90 : vector<5000x1xf32>
    %min3A_95 = vector.broadcast %jit3A_92 : f32 to vector<5000x1xf32>
    %min3A_96 = arith.minimumf %min3A_95, %max3A_94 : vector<5000x1xf32>
    %slice3A_97 = vector.extract_strided_slice %add3A_74 {offsets = [0, 3], sizes = [5000, 1], strides = [1, 1]} : vector<5000x6xf32> to vector<5000x1xf32>
    %mul3A_98 = arith.constant 5.000000e+00 : f32
    %mul3A_99 = vector.broadcast %mul3A_98 : f32 to vector<5000x1xf32>
    %mul3A_100 = arith.mulf %slice3A_97, %mul3A_99 : vector<5000x1xf32>
    %add3A_101 = arith.constant 2.500000e+00 : f32
    %add3A_102 = vector.broadcast %add3A_101 : f32 to vector<5000x1xf32>
    %add3A_103 = arith.addf %mul3A_100, %add3A_102 : vector<5000x1xf32>
    %jit3A_104 = arith.constant 2.000000e-01 : f32
    %jit3A_105 = arith.constant 1.000000e+01 : f32
    %max3A_106 = vector.broadcast %jit3A_104 : f32 to vector<5000x1xf32>
    %max3A_107 = arith.maximumf %max3A_106, %add3A_103 : vector<5000x1xf32>
    %min3A_108 = vector.broadcast %jit3A_105 : f32 to vector<5000x1xf32>
    %min3A_109 = arith.minimumf %min3A_108, %max3A_107 : vector<5000x1xf32>
    %slice3A_110 = vector.extract_strided_slice %add3A_74 {offsets = [0, 4], sizes = [5000, 1], strides = [1, 1]} : vector<5000x6xf32> to vector<5000x1xf32>
    %slice3A_111 = vector.extract_strided_slice %add3A_74 {offsets = [0, 5], sizes = [5000, 1], strides = [1, 1]} : vector<5000x6xf32> to vector<5000x1xf32>
    %add3A_112 = arith.constant 5.000000e-01 : f32
    %add3A_113 = vector.broadcast %add3A_112 : f32 to vector<5000x1xf32>
    %add3A_114 = arith.addf %slice3A_111, %add3A_113 : vector<5000x1xf32>
    %jit3A_115 = arith.constant 5.000000e-02 : f32
    %jit3A_116 = arith.constant 2.000000e+00 : f32
    %max3A_117 = vector.broadcast %jit3A_115 : f32 to vector<5000x1xf32>
    %max3A_118 = arith.maximumf %max3A_117, %add3A_114 : vector<5000x1xf32>
    %min3A_119 = vector.broadcast %jit3A_116 : f32 to vector<5000x1xf32>
    %min3A_120 = arith.minimumf %min3A_119, %max3A_118 : vector<5000x1xf32>
    %concatenate3A_121 = tpu.concatenate %min3A_85, %slice3A_86, %min3A_96, %min3A_109, %slice3A_110, %min3A_120 in 1 : vector<5000x1xf32>, vector<5000x1xf32>, vector<5000x1xf32>, vector<5000x1xf32>, vector<5000x1xf32>, vector<5000x1xf32> -> vector<5000x6xf32>
    %swap3A = arith.constant 0 : index
    %swap3A_122 = arith.constant 0 : index
    %swap3A_123 = vector.load %arg8[%swap3A, %swap3A_122] : memref<5000x6xf32, #tpu.memory_space<vmem>>, vector<5000x6xf32>
    tpu.vector_store %arg8[%swap3A, %swap3A_122], %concatenate3A_121 {strides = array<i32>} : memref<5000x6xf32, #tpu.memory_space<vmem>>, vector<5000x6xf32>,
    return
  }
}

</mosaic_0001>

<sc_bundles>
// kernel: kernel.12.cloned.1.call-start
scs
__scs_entry_jumppad:
0x0: {  	(pc) =	sbr.rel $0x88, $3  }
0x1: {  	(tag) =	ssettag $0x0;
	lr =	simm.s32 $0x1  }
0x2: {  	[smem:$0x3F8D] =	sst lr;
	_ =	strace $0xD0000000  }
0x3: {  	_ = 	snop  }
0x4: {  	_ = 	snop  }
0x5: {  	_ = 	snop  }
0x6: {  	_ = 	snop  }
0x7: {  	_ = 	snop  }
__scs_overlays_trampoline_lowered:
0x8: {  	[smem:$0x3F9C] =	sst s0  }
0x9: {  	[smem:$0x3F9D] =	sst s1  }
0xa: {  	[smem:$0x3F9E] =	sst s2  }
0xb: {  	[smem:$0x3F9F] =	sst s3  }
0xc: {  	[smem:$0x3FA0] =	sst s4  }
0xd: {  	[smem:$0x3FA1] =	sst s5  }
0xe: {  	[smem:$0x3FA2] =	sst s6  }
0xf: {  	[smem:$0x3FA3] =	sst s7  }
0x10: {  	[smem:$0x3FA4] =	sst s8  }
0x11: {  	[smem:$0x3FA5] =	sst s9;
	s0 =	simm.s32 @!p0 $0x0  }
0x12: {  	s1 =	sld [smem:$0x3F8B];
	s0 =	simm.s32 @p0 $0x1  }
0x13: {  	[smem:$0x3FA6] =	sst s0;
	s0 =	simm.s32 @!p1 $0x0  }
0x14: {  	s2 =	sld [smem:$0x3F8A];
	s0 =	simm.s32 @p1 $0x1  }
0x15: {  	[smem:$0x3FA7] =	sst s0;
	s0 =	simm.s32 @!p2 $0x0  }
0x16: {  	s3 =	sld [smem:$0x3FDB];
	s0 =	simm.s32 @p2 $0x1  }
0x17: {  	s4 =	simm.s32 $0x1BF5;
	[smem:$0x3FA9] =	sst s0  }
0x18: {  	s0 =	sld [smem:$0x3F8C];
	_ =	swait.ge [sflag:s4], $0x0  }
0x19: {  	s7 =	sld [smem:$0x3F8D]  }
0x1a: {  	s8 =	sadd.s32 $0xFFFFE003, lr  }
0x1b: {  	s9 =	sadd.s32 $0xFFFFFEF7, lr;
	s5 =	simm.s32 $0xFFFFFFFF;
	p2 =	slt.u32 s8, $0xFFFFF086  }
0x1c: {  	p1 =	slt.u32 s9, $0xF7A;
	s5 =	simm.s32 @!p2 $0x0  }
0x1d: {  	s5 =	simm.s32 @p1 $0x1;
	p0 =	seq.s32 s7, s2  }
0x1e: {  	s7 =	smul.u32 @!p0 $0xF7A, s2;
	p2 =	seq.s32 @!p0 s5, $0x0  }
0x1f: {  	s9 =	smul.u32 $0xF7A, s1;
	s8 =	simm.s32 @!p0 $0x1BF5;
	p2 =	por !p2, p0  }
0x20: {  	[sflag:s8] =	ssyncset.s32 @!p0 $0xFFFFF086;
	s6 =	sadd.s32 @!p0 s3, s7;
	s7 =	simm.s32 @!p0 $0x108  }
0x21: {  	s3 =	sadd.s32 s3, s9;
	s6 =	sadd.s32 @!p0 $0x88, s6;
	s7 =	simm.s32 @p2 $0x1082  }
0x22: {  	[simem:s7], [sflag:s8] =	dma.local @!p0 [hbm:s6], $0xF7A  }
0x23: {  	s9 =	sor.u32 $0xD0000000, s2;
	s6 =	simm.s32 $0x108;
	_ =	swait.ge @!p0 [sflag:s8], $0x0  }
0x24: {  	s3 =	sadd.s32 $0x88, s3;
	s6 =	simm.s32 @!p1 $0x1082;
	[sflag:s4] =	ssyncset.s32 $0xFFFFF086  }
0x25: {  	[simem:s6], [sflag:s4] =	dma.local [hbm:s3], $0xF7A  }
0x26: {  	[smem:$0x3F8D] =	sst s1;
	(tag) =	ssettag s2;
	_ =	strace s9  }
0x27: {  	s1 =	sld [smem:$0x3F9D]  }
0x28: {  	s2 =	sld [smem:$0x3F9E]  }
0x29: {  	s4 =	sld [smem:$0x3FA0]  }
0x2a: {  	p0 =	seq.s32 s5, $0x0;
	s5 =	sld [smem:$0x3FA1]  }
0x2b: {  	s6 =	sld [smem:$0x3FA2]  }
0x2c: {  	s7 =	sld [smem:$0x3FA3]  }
0x2d: {  	s3 =	simm.s32 $0x108;
	s8 =	sld [smem:$0x3FA4]  }
0x2e: {  	s3 =	simm.s32 @!p0 $0x1082;
	s9 =	sld [smem:$0x3FA5]  }
0x2f: {  	lr =	sadd.s32 s0, s3;
	s0 =	sld [smem:$0x3F9C]  }
0x30: {  	s3 =	sld [smem:$0x3F9F]  }
0x31: {  	[smem:$0x3FA8] =	sst s10  }
0x32: {  	s10 =	sld [smem:$0x3FA6];
	_ =	sdelay $0x3  }
0x33: {  	p0 =	seq.s32 s10, $0x1;
	s10 =	sld [smem:$0x3FA8];
	_ =	sdelay $0x3  }
0x34: {  	[smem:$0x3FA8] =	sst s10  }
0x35: {  	s10 =	sld [smem:$0x3FA7];
	_ =	sdelay $0x3  }
0x36: {  	p1 =	seq.s32 s10, $0x1;
	s10 =	sld [smem:$0x3FA8];
	_ =	sdelay $0x3  }
0x37: {  	[smem:$0x3FA8] =	sst s10  }
0x38: {  	s10 =	sld [smem:$0x3FA9]  }
0x39: {  	_ = 	snop;
	(pc) =	sbr.ind lr, $3  }
0x3a: {  	_ = 	snop  }
0x3b: {  	_ = 	snop  }
0x3c: {  	p2 =	seq.s32 s10, $0x1;
	s10 =	sld [smem:$0x3FA8]  }
0x3d: {  	_ =	shalt  }
0x3e: {  	_ =	shalt  }
0x3f: {  	_ =	shalt  }
0x40: {  	_ =	shalt  }
0x41: {  	_ =	shalt  }
0x42: {  	_ =	shalt  }
0x43: {  	_ =	shalt  }
0x44: {  	_ =	shalt  }
0x45: {  	_ =	shalt  }
0x46: {  	_ =	shalt  }
0x47: {  	_ =	shalt  }
0x48: {  	_ =	shalt  }
0x49: {  	_ =	shalt  }
0x4a: {  	_ =	shalt  }
0x4b: {  	_ =	shalt  }
0x4c: {  	_ =	shalt  }
0x4d: {  	_ =	shalt  }
0x4e: {  	_ =	shalt  }
0x4f: {  	_ =	shalt  }
0x50: {  	_ =	shalt  }
0x51: {  	_ =	shalt  }
0x52: {  	_ =	shalt  }
0x53: {  	_ =	shalt  }
0x54: {  	_ =	shalt  }
0x55: {  	_ =	shalt  }
0x56: {  	_ =	shalt  }
0x57: {  	_ =	shalt  }
0x58: {  	_ =	shalt  }
0x59: {  	_ =	shalt  }
0x5a: {  	_ =	shalt  }
0x5b: {  	_ =	shalt  }
0x5c: {  	_ =	shalt  }
0x5d: {  	_ =	shalt  }
0x5e: {  	_ =	shalt  }
0x5f: {  	_ =	shalt  }
0x60: {  	_ =	shalt  }
0x61: {  	_ =	shalt  }
0x62: {  	_ =	shalt  }
0x63: {  	_ =	shalt  }
0x64: {  	_ =	shalt  }
0x65: {  	_ =	shalt  }
0x66: {  	_ =	shalt  }
0x67: {  	_ =	shalt  }
0x68: {  	_ =	shalt  }
0x69: {  	_ =	shalt  }
0x6a: {  	_ =	shalt  }
0x6b: {  	_ =	shalt  }
0x6c: {  	_ =	shalt  }
0x6d: {  	_ =	shalt  }
0x6e: {  	_ =	shalt  }
0x6f: {  	_ =	shalt  }
0x70: {  	_ =	shalt  }
0x71: {  	_ =	shalt  }
0x72: {  	_ =	shalt  }
0x73: {  	_ =	shalt  }
0x74: {  	_ =	shalt  }
0x75: {  	_ =	shalt  }
0x76: {  	_ =	shalt  }
0x77: {  	_ =	shalt  }
0x78: {  	_ =	shalt  }
0x79: {  	_ =	shalt  }
0x7a: {  	_ =	shalt  }
0x7b: {  	_ =	shalt  }
0x7c: {  	_ =	shalt  }
0x7d: {  	_ =	shalt  }
0x7e: {  	_ =	shalt  }
0x7f: {  	_ =	shalt  }
0x80: {  	_ =	shalt  }
0x81: {  	_ =	shalt  }
0x82: {  	_ =	shalt  }
0x83: {  	_ =	shalt  }
0x84: {  	_ =	shalt  }
0x85: {  	_ =	shalt  }
0x86: {  	_ =	shalt  }
0x87: {  	_ =	shalt  }
.Lfunc_end0:
.L_simem_size_0:
called_computation_lowered:
.L_overlay_start_0:
0x88: {  	s2 =	sld [smem:$0x3FD9]  }
0x89: {  	s3 =	sld [smem:$0x3FFE];
	_ =	sdelay $0x1  }
0x8a: {  	s1 =	srdreg.scid  }
0x8b: {  	s0 =	sand.u32 $0x1, s1  }
0x8c: {  	s17 =	sshll.u32 s0, $0xA;
	s2 =	sadd.s32 s3, s2  }
0x8d: {  	s2 =	sadd.s32 s2, s17  }
0x8e: {  	[smem:$0x3FB4] =	sst s2  }
0x8f: {  	_ = 	snop  }
0x90: {  	s2 =	sld [smem:$0x3FC8]  }
0x91: {  	s18 =	sld [smem:$0x3FD0];
	(tm) =	ssettm $0x1  }
0x92: {  	s4 =	sld [smem:$0x3FFB];
	_ =	sdelay $0x3  }
0x93: {  	_ =	strace s4  }
0x94: {  	s4 =	sld [smem:$0x3FFC];
	_ =	sdelay $0x3  }
0x95: {  	_ =	strace s4  }
0x96: {  	s4 =	sld [smem:$0x3FFD];
	_ =	sdelay $0x3  }
0x97: {  	_ =	strace s4  }
0x98: {  	_ =	strace $0x8FFFFFFF  }
0x99: {  	s19 =	sld [smem:$0x3FDB];
	_ =	sdelay $0x1  }
0x9a: {  	s5 =	simm.s32 $_scs_section_size  }
0x9b: {  	s6 =	simm.s32 $_size__tile_overlayer_lowered;
	s7 =	simm.s32 $_tile_overlayer_lowered  }
0x9c: {  	s22 =	simm.s32 $0x1BFF;
	s21 =	sshll.u32 s7, $0x1;
	s4 =	sadd.s32 s5, s19  }
0x9d: {  	s8 =	simm.s32 $0x0;
	s20 =	sshll.u32 s6, $0x1;
	s6 =	sadd.s32 s21, s4  }
0x9e: {  	[timem:s8], [sflag:s22] =	dma.local [hbm:s6], s20  }
0x9f: {  	_ =	swait.ge [sflag:s22], s20  }
0xa0: {  	s5 =	ssub.s32 $0x0, s20;
	[sflag:s22] =	ssyncset.done $0x0  }
0xa1: {  	[sflag:s22] =	ssyncadd.s32 s5;
	_ =	sdelay $0x1  }
0xa2: {  	s23 =	simm.s32 $0x1B8B  }
0xa3: {  	_ =	swait.ge [sflag:s23], $0x1  }
0xa4: {  	[sflag:s23] =	ssyncset.done $0x0  }
0xa5: {  	s25 =	simm.s32 $0x1B8E;
	s24 =	sld [smem:$0x3FFE];
	[sflag:s23] =	ssyncadd.s32 $0xFFFFFFFF  }
0xa6: {  	s26 =	simm.s32 $execute0_lowered;
	[smem:$0x3FD2] =	sst s25  }
0xa7: {  	s6 =	sshll.u32 s26, $0x1;
	_ =	strace $0x80000046;
	[dreg:$0x1] =	wrdreg $0xFFFFFFFF  }
0xa8: {  	s28 =	simm.s32 $_size_execute0_lowered;
	s4 =	sadd.s32 s4, s6;
	[dreg:$0x0] =	wrdreg $0x0  }
0xa9: {  	s6 =	sshll.u32 s28, $0x1;
	[dreg:$0x2] =	wrdreg s4  }
0xaa: {  	[dreg:$0x3] =	wrdreg s6  }
0xab: {  	[dreg:$0x4] =	wrdreg $0xC0  }
0xac: {  	_ =	task [dreg:s8], $0x5FFFF  }
0xad: {  	[dreg:$0x1] =	wrdreg $0xFFFFFFFF  }
0xae: {  	[dreg:$0x0] =	wrdreg $0x60  }
0xaf: {  	[dreg:$0x2] =	wrdreg s24  }
0xb0: {  	[dreg:$0x3] =	wrdreg s2  }
0xb1: {  	[dreg:$0x4] =	wrdreg s18  }
0xb2: {  	[dreg:$0x5] =	wrdreg $0x57000  }
0xb3: {  	[dreg:$0x6] =	wrdreg $0x9  }
0xb4: {  	_ =	task.clear_ibuf [dreg:s8], $0x7FFFF;
	_ =	strace $0x90000046  }
0xb5: {  	s29 =	simm.s32 $0x9;
	_ =	strace $0x80000048  }
0xb6: {  	_ =	swait.ge [sflag:s29], $0x1  }
0xb7: {  	[sflag:s29] =	ssyncadd.s32 $0xFFFFFFFF  }
0xb8: {  	_ =	strace $0x90000048  }
0xb9: {  	_ =	sfence  }
0xba: {  	s30 =	sld [smem:$0x0];
	_ =	sdelay $0x2  }
0xbb: {  	s31 =	sshll.u32 s1, $0xD;
	s1 =	sshrl.u32 s1, $0x2  }
0xbc: {  	s3 =	sand.u32 $0x4000, s31;
	s1 =	sadd.s32 s1, s30  }
0xbd: {  	s0 =	sor.u32 s3, s0;
	s1 =	sshll.u32 s1, $0x11  }
0xbe: {  	s0 =	sor.u32 s1, s0  }
0xbf: {  	s0 =	sadd.s32 $0x8F2B, s0  }
0xc0: {  	[sflag:s0] =	ssyncadd.remote.s32 $0x1  }
0xc1: {  	_ =	sfence.sel $0xFFFF  }
0xc2: {  	[dreg:$0x0] =	wrdreg $0xFFFFFFFF;
	(pc) =	sbr.abs _section_cstart, $3  }
0xc3: {  	[dreg:$0x1] =	wrdreg $0xFFFFFFFF  }
0xc4: {  	_ =	task.clear_ibuf [dreg:s8], $0x2FFFF;
	_ =	strace $0x9FFFFFFF  }
0xc5: {  	(tm) =	ssettm $0x7FFFFFFF  }
tec
execute0_lowered:
.L_overlay_start_1:
0x0: {  	(tag) =	ssettag $0x1  }
0x1: {  	s6 =	rddreg [dreg:$0x0]  }
0x2: {  	s7 =	rddreg [dreg:$0x1]  }
0x3: {  	s2 =	rddreg [dreg:$0x2]  }
0x4: {  	s3 =	rddreg [dreg:$0x3];
	s4 =	srdreg.scid  }
0x5: {  	s0 =	rddreg [dreg:$0x4];
	s1 =	stileid.u32;
	s15 =	simm.s32 $0x4F00  }
0x6: {  	s18 =	simm.s32 $0x1;
	s19 =	simm.s32 $0x8;
	s20 =	simm.s32 $0x0  }
0x7: {  	s8 =	sand.u32 $0x1, s4;
	s4 =	simm.s32 $0x0;
	s9 =	smul.u32 $0xA000, s1  }
0x8: {  	s16 =	sshll.u32 s1, $0x6;
	s5 =	sshll.u32 s8, $0x4;
	[smem:$0x7FF] =	sst s4  }
0x9: {  	s10 =	smul.u32 $0xA0000, s8;
	s8 =	ssub.s32 $0x2, s8;
	s16 =	sor.u32 $0x1C02, s16  }
0xa: {  	s14 =	sor.u32 s1, s5;
	_ =	strace $0x80000047;
	s5 =	sadd.s32 $0x5600, s6  }
0xb: {  	s13 =	sshrl.u32 s8, $0x1;
	s11 =	smul.u32 $0x4E, s14;
	s10 =	sadd.s32 s9, s10  }
0xc: {  	s12 =	smin.u32 s14, $0x4;
	s13 =	ssub.s32 s8, s13;
	s9 =	sshrl.u32 s9, $0x2  }
0xd: {  	p0 =	slt.u32 s14, $0x4;
	s10 =	sshrl.u32 s10, $0x3;
	s17 =	sadd.s32 s9, s3  }
0xe: {  	s13 =	smax.u32 s13, $0x1;
	s11 =	sadd.s32 s12, s11;
	s30 =	sadd.s32 s10, s6  }
0xf: {  	s6 =	simm.s32 $0x4F;
	s17 =	sshrl.u32 s17, $0x3;
	s31 =	sshll.u32 s11, $0x5  }
0x10: {  	s6 =	simm.s32 @!p0 $0x4E;
	s9 =	sadd.s32 $0x5800, s30;
	s10 =	sadd.s32 $0x5802, s30  }
0x11: {  	s11 =	sadd.s32 $0x5804, s30;
	s12 =	sadd.s32 $0x5806, s30;
	s7 =	sadd.s32 s7, s31  }
0x12: {  	p0 =	sgt.u32 s14, $0x3;
	s14 =	simm.s32 $0x2;
	s8 =	sadd.s32 $0x9C0, s7  }
.LBB2_1:
0x13: {  	[tilespmem:s4], [sflag:$0x2] =	stream.linear.gather [hbm4b:s7+s4], $0x4E00, $0x38;
	[tilespmem:$0x7F00] =	vst v63  }
0x14: {  	_ =	swait.ge [sflag:s14], $0x4E00  }
0x15: {  	[sflag:s14] =	ssyncset.done $0x0  }
0x16: {  	s21 =	simm.s32 @!p0 $0x0;
	s22 =	simm.s32 @!p0 $0x4E00;
	[sflag:s14] =	ssyncadd.s32 $0xFFFFB200  }
0x17: {  	[tilespmem:s22], [sflag:$0x2] =	stream.linear.gather @!p0 [hbm4b:s8+s21], $0x100, $0x38;
	[tilespmem:$0x7F00] =	vst v63  }
0x18: {  	s21 =	simm.s32 @!p0 $0x2  }
0x19: {  	_ =	swait.ge @!p0 [sflag:s21], $0x100  }
0x1a: {  	[sflag:s21] =	ssyncset.done @!p0 $0x0  }
0x1b: {  	[sflag:s21] =	ssyncadd.s32 @!p0 $0xFFFFFF00  }
0x1c: {  	[tilespmem:s15], [sflag:$0x2] =	stream.linear.gather [hbm4b:s5+s4], $0x800, $0x38;
	[tilespmem:$0x7F00] =	vst v63  }
0x1d: {  	_ =	swait.ge [sflag:s14], $0x800  }
0x1e: {  	[sflag:s14] =	ssyncset.done $0x0  }
0x1f: {  	[sflag:s14] =	ssyncadd.s32 $0xFFFFF800  }
0x20: {  	[spmem:s17], [sflag:s16] =	dma.local [hbm:s2], $0x500  }
0x21: {  	_ =	swait.ge [sflag:s14], $0x500  }
0x22: {  	[sflag:s14] =	ssyncset.done $0x0  }
0x23: {  	[sflag:s14] =	ssyncadd.s32 $0xFFFFFB00  }
0x24: {  	s22 =	simm.s32 $0x0;
	s21 =	simm.s32 $0x80;
	[bflag:$0x0] =	sbarrier.arrive $0xFFFF  }
.LBB2_2:
0x25: {  	p1 =	sge.u32 s22, s6  }
0x26: {  	s22 =	sadd.s32 $0x1, s22;
	s23 =	simm.s32 @!p1 $0x80;
	s24 =	simm.s32 @!p1 $0x4F00  }
0x27: {  	[spmem:s3] =	stream.indirect.scatter.add.f32 @!p1 [tilespmem:s24], [sflag:$0x1], $0x10, s21, s23, $0xb8;
	[tilespmem:$0x7F00] =	vst v63  }
0x28: {  	p1 =	sne.s32 s22, $0x4F  }
.Ltmp0:
0x29: {  	_ = 	snop;
	(pc) =	sbr.rel @p1 .LBB2_2-.Ltmp0, $2  }
0x2a: {  	_ =	sdelay $0x2  }
0x2b: {  	s21 =	sadd.s32 $0x100, s21  }
0x2c: {  	p1 =	sle.u32 s6, $0x0  }
0x2d: {  	s22 =	simm.s32 @!p1 $0x1  }
0x2e: {  	_ =	swait.ge @!p1 [sflag:s22], $0x800  }
0x2f: {  	s21 =	simm.s32 $0x1;
	[sflag:s22] =	ssyncset.done @!p1 $0x0  }
.LBB2_4:
0x30: {  	[sflag:s22] =	ssyncadd.s32 @!p1 $0xFFFFF800;
	s22 =	smov.u32 s21;
	s21 =	sadd.s32 $0x1, s21  }
0x31: {  	p2 =	sne.s32 s21, $0x4F  }
.Ltmp1:
0x32: {  	(pc) =	sbr.rel @p2 .LBB2_4-.Ltmp1, $4  }
0x33: {  	p1 =	sge.u32 s22, s6  }
0x34: {  	s22 =	simm.s32 @!p1 $0x1  }
0x35: {  	_ =	swait.ge @!p1 [sflag:s22], $0x800  }
0x36: {  	[sflag:s22] =	ssyncset.done @!p1 $0x0  }
0x37: {  	[sflag:s22] =	ssyncadd.s32 @!p1 $0xFFFFF800  }
0x38: {  	[bflag:$0x0] =	sbarrier.arrive $0xFFFF  }
0x39: {  	[hbm:s9@s19], [sflag:s16] =	dma.strided [spmem:s17@s14], $0x500, s18, $0x2   }
0x3a: {  	_ =	swait.ge [sflag:s14], $0x500  }
0x3b: {  	[sflag:s14] =	ssyncset.done $0x0  }
0x3c: {  	[sflag:s14] =	ssyncadd.s32 $0xFFFFFB00  }
0x3d: {  	[hbm:s10@s19], [sflag:s16] =	dma.strided [spmem:s17@s14], $0x500, s18, $0x2   }
0x3e: {  	_ =	swait.ge [sflag:s14], $0x500  }
0x3f: {  	[sflag:s14] =	ssyncset.done $0x0  }
0x40: {  	[sflag:s14] =	ssyncadd.s32 $0xFFFFFB00  }
0x41: {  	[hbm:s11@s19], [sflag:s16] =	dma.strided [spmem:s17@s14], $0x500, s18, $0x2   }
0x42: {  	s20 =	sadd.s32 $0x1, s20;
	_ =	swait.ge [sflag:s14], $0x500  }
0x43: {  	p1 =	sne.s32 s20, s13;
	[sflag:s14] =	ssyncset.done $0x0  }
.Ltmp2:
0x44: {  	[sflag:s14] =	ssyncadd.s32 $0xFFFFFB00;
	(pc) =	sbr.rel @p1 .LBB2_1-.Ltmp2, $4  }
0x45: {  	[hbm:s12@s19], [sflag:s16] =	dma.strided [spmem:s17@s14], $0x500, s18, $0x2   }
0x46: {  	_ =	swait.ge [sflag:s14], $0x500  }
0x47: {  	[sflag:s14] =	ssyncset.done $0x0  }
0x48: {  	[sflag:s14] =	ssyncadd.s32 $0xFFFFFB00  }
0x49: {  	_ =	sfence.sel $0x180000  }
0x4a: {  	[bflag:$0x0] =	sbarrier.arrive $0xFFFF  }
0x4b: {  	p0 =	sne.s32 s1, $0x0;
	_ =	strace $0x90000047  }
0x4c: {  	s0 =	sadd.s32 @!p0 $0x100000, s0;
	[bflag:$0x2] =	sbarrier.arrive $0xFFFF  }
0x4d: {  	[sflag:s0] =	ssyncadd.tile.s32 @!p0 $0x1;
	_ =	shalt  }
.Lfunc_end2:
_tile_overlayer_lowered:
.L_overlay_start_2:
0x4e: {  	(tag) =	ssettag $0x2  }
0x4f: {  	s0 =	rddreg [dreg:$0x0];
	s2 =	stileid.u32  }
0x50: {  	s1 =	rddreg [dreg:$0x1];
	p0 =	sne.s32 s2, $0x0  }
0x51: {  	s3 =	rddreg [dreg:$0x2];
	[bflag:$0x3] =	sbarrier.arrive $0xFFFF;
	s2 =	simm.s32 @!p0 $0x1C02  }
0x52: {  	[timem:s3], [sflag:s2] =	dma.local @!p0 [hbm:s0], s1  }
0x53: {  	s0 =	simm.s32 @!p0 $0x2  }
0x54: {  	_ =	swait.ge @!p0 [sflag:s0], s1  }
0x55: {  	s1 =	ssub.s32 @!p0 $0x0, s1;
	[sflag:s0] =	ssyncset.done @!p0 $0x0  }
0x56: {  	[sflag:s0] =	ssyncadd.s32 @!p0 s1  }
0x57: {  	[bflag:$0x3] =	sbarrier.arrive $0xFFFF  }
0x58: {  	_ =	shalt  }

// kernel: kernel.15.cloned.1.call-start
scs
__scs_entry_jumppad:
0x0: {  	(pc) =	sbr.rel $0x88, $3  }
0x1: {  	(tag) =	ssettag $0x0;
	lr =	simm.s32 $0x1  }
0x2: {  	[smem:$0x3F8D] =	sst lr;
	_ =	strace $0xD0000000  }
0x3: {  	_ = 	snop  }
0x4: {  	_ = 	snop  }
0x5: {  	_ = 	snop  }
0x6: {  	_ = 	snop  }
0x7: {  	_ = 	snop  }
__scs_overlays_trampoline_lowered:
0x8: {  	[smem:$0x3F9C] =	sst s0  }
0x9: {  	[smem:$0x3F9D] =	sst s1  }
0xa: {  	[smem:$0x3F9E] =	sst s2  }
0xb: {  	[smem:$0x3F9F] =	sst s3  }
0xc: {  	[smem:$0x3FA0] =	sst s4  }
0xd: {  	[smem:$0x3FA1] =	sst s5  }
0xe: {  	[smem:$0x3FA2] =	sst s6  }
0xf: {  	[smem:$0x3FA3] =	sst s7  }
0x10: {  	[smem:$0x3FA4] =	sst s8  }
0x11: {  	[smem:$0x3FA5] =	sst s9;
	s0 =	simm.s32 @!p0 $0x0  }
0x12: {  	s1 =	sld [smem:$0x3F8B];
	s0 =	simm.s32 @p0 $0x1  }
0x13: {  	[smem:$0x3FA6] =	sst s0;
	s0 =	simm.s32 @!p1 $0x0  }
0x14: {  	s2 =	sld [smem:$0x3F8A];
	s0 =	simm.s32 @p1 $0x1  }
0x15: {  	[smem:$0x3FA7] =	sst s0;
	s0 =	simm.s32 @!p2 $0x0  }
0x16: {  	s3 =	sld [smem:$0x3FDB];
	s0 =	simm.s32 @p2 $0x1  }
0x17: {  	s4 =	simm.s32 $0x1BF5;
	[smem:$0x3FA9] =	sst s0  }
0x18: {  	s0 =	sld [smem:$0x3F8C];
	_ =	swait.ge [sflag:s4], $0x0  }
0x19: {  	s7 =	sld [smem:$0x3F8D]  }
0x1a: {  	s8 =	sadd.s32 $0xFFFFE003, lr  }
0x1b: {  	s9 =	sadd.s32 $0xFFFFFEF7, lr;
	s5 =	simm.s32 $0xFFFFFFFF;
	p2 =	slt.u32 s8, $0xFFFFF086  }
0x1c: {  	p1 =	slt.u32 s9, $0xF7A;
	s5 =	simm.s32 @!p2 $0x0  }
0x1d: {  	s5 =	simm.s32 @p1 $0x1;
	p0 =	seq.s32 s7, s2  }
0x1e: {  	s7 =	smul.u32 @!p0 $0xF7A, s2;
	p2 =	seq.s32 @!p0 s5, $0x0  }
0x1f: {  	s9 =	smul.u32 $0xF7A, s1;
	s8 =	simm.s32 @!p0 $0x1BF5;
	p2 =	por !p2, p0  }
0x20: {  	[sflag:s8] =	ssyncset.s32 @!p0 $0xFFFFF086;
	s6 =	sadd.s32 @!p0 s3, s7;
	s7 =	simm.s32 @!p0 $0x108  }
0x21: {  	s3 =	sadd.s32 s3, s9;
	s6 =	sadd.s32 @!p0 $0x88, s6;
	s7 =	simm.s32 @p2 $0x1082  }
0x22: {  	[simem:s7], [sflag:s8] =	dma.local @!p0 [hbm:s6], $0xF7A  }
0x23: {  	s9 =	sor.u32 $0xD0000000, s2;
	s6 =	simm.s32 $0x108;
	_ =	swait.ge @!p0 [sflag:s8], $0x0  }
0x24: {  	s3 =	sadd.s32 $0x88, s3;
	s6 =	simm.s32 @!p1 $0x1082;
	[sflag:s4] =	ssyncset.s32 $0xFFFFF086  }
0x25: {  	[simem:s6], [sflag:s4] =	dma.local [hbm:s3], $0xF7A  }
0x26: {  	[smem:$0x3F8D] =	sst s1;
	(tag) =	ssettag s2;
	_ =	strace s9  }
0x27: {  	s1 =	sld [smem:$0x3F9D]  }
0x28: {  	s2 =	sld [smem:$0x3F9E]  }
0x29: {  	s4 =	sld [smem:$0x3FA0]  }
0x2a: {  	p0 =	seq.s32 s5, $0x0;
	s5 =	sld [smem:$0x3FA1]  }
0x2b: {  	s6 =	sld [smem:$0x3FA2]  }
0x2c: {  	s7 =	sld [smem:$0x3FA3]  }
0x2d: {  	s3 =	simm.s32 $0x108;
	s8 =	sld [smem:$0x3FA4]  }
0x2e: {  	s3 =	simm.s32 @!p0 $0x1082;
	s9 =	sld [smem:$0x3FA5]  }
0x2f: {  	lr =	sadd.s32 s0, s3;
	s0 =	sld [smem:$0x3F9C]  }
0x30: {  	s3 =	sld [smem:$0x3F9F]  }
0x31: {  	[smem:$0x3FA8] =	sst s10  }
0x32: {  	s10 =	sld [smem:$0x3FA6];
	_ =	sdelay $0x3  }
0x33: {  	p0 =	seq.s32 s10, $0x1;
	s10 =	sld [smem:$0x3FA8];
	_ =	sdelay $0x3  }
0x34: {  	[smem:$0x3FA8] =	sst s10  }
0x35: {  	s10 =	sld [smem:$0x3FA7];
	_ =	sdelay $0x3  }
0x36: {  	p1 =	seq.s32 s10, $0x1;
	s10 =	sld [smem:$0x3FA8];
	_ =	sdelay $0x3  }
0x37: {  	[smem:$0x3FA8] =	sst s10  }
0x38: {  	s10 =	sld [smem:$0x3FA9]  }
0x39: {  	_ = 	snop;
	(pc) =	sbr.ind lr, $3  }
0x3a: {  	_ = 	snop  }
0x3b: {  	_ = 	snop  }
0x3c: {  	p2 =	seq.s32 s10, $0x1;
	s10 =	sld [smem:$0x3FA8]  }
0x3d: {  	_ =	shalt  }
0x3e: {  	_ =	shalt  }
0x3f: {  	_ =	shalt  }
0x40: {  	_ =	shalt  }
0x41: {  	_ =	shalt  }
0x42: {  	_ =	shalt  }
0x43: {  	_ =	shalt  }
0x44: {  	_ =	shalt  }
0x45: {  	_ =	shalt  }
0x46: {  	_ =	shalt  }
0x47: {  	_ =	shalt  }
0x48: {  	_ =	shalt  }
0x49: {  	_ =	shalt  }
0x4a: {  	_ =	shalt  }
0x4b: {  	_ =	shalt  }
0x4c: {  	_ =	shalt  }
0x4d: {  	_ =	shalt  }
0x4e: {  	_ =	shalt  }
0x4f: {  	_ =	shalt  }
0x50: {  	_ =	shalt  }
0x51: {  	_ =	shalt  }
0x52: {  	_ =	shalt  }
0x53: {  	_ =	shalt  }
0x54: {  	_ =	shalt  }
0x55: {  	_ =	shalt  }
0x56: {  	_ =	shalt  }
0x57: {  	_ =	shalt  }
0x58: {  	_ =	shalt  }
0x59: {  	_ =	shalt  }
0x5a: {  	_ =	shalt  }
0x5b: {  	_ =	shalt  }
0x5c: {  	_ =	shalt  }
0x5d: {  	_ =	shalt  }
0x5e: {  	_ =	shalt  }
0x5f: {  	_ =	shalt  }
0x60: {  	_ =	shalt  }
0x61: {  	_ =	shalt  }
0x62: {  	_ =	shalt  }
0x63: {  	_ =	shalt  }
0x64: {  	_ =	shalt  }
0x65: {  	_ =	shalt  }
0x66: {  	_ =	shalt  }
0x67: {  	_ =	shalt  }
0x68: {  	_ =	shalt  }
0x69: {  	_ =	shalt  }
0x6a: {  	_ =	shalt  }
0x6b: {  	_ =	shalt  }
0x6c: {  	_ =	shalt  }
0x6d: {  	_ =	shalt  }
0x6e: {  	_ =	shalt  }
0x6f: {  	_ =	shalt  }
0x70: {  	_ =	shalt  }
0x71: {  	_ =	shalt  }
0x72: {  	_ =	shalt  }
0x73: {  	_ =	shalt  }
0x74: {  	_ =	shalt  }
0x75: {  	_ =	shalt  }
0x76: {  	_ =	shalt  }
0x77: {  	_ =	shalt  }
0x78: {  	_ =	shalt  }
0x79: {  	_ =	shalt  }
0x7a: {  	_ =	shalt  }
0x7b: {  	_ =	shalt  }
0x7c: {  	_ =	shalt  }
0x7d: {  	_ =	shalt  }
0x7e: {  	_ =	shalt  }
0x7f: {  	_ =	shalt  }
0x80: {  	_ =	shalt  }
0x81: {  	_ =	shalt  }
0x82: {  	_ =	shalt  }
0x83: {  	_ =	shalt  }
0x84: {  	_ =	shalt  }
0x85: {  	_ =	shalt  }
0x86: {  	_ =	shalt  }
0x87: {  	_ =	shalt  }
.Lfunc_end0:
.L_simem_size_0:
called_computation.1_lowered:
.L_overlay_start_0:
0x88: {  	s2 =	sld [smem:$0x3FD9]  }
0x89: {  	s3 =	sld [smem:$0x3FFE];
	_ =	sdelay $0x1  }
0x8a: {  	s1 =	srdreg.scid  }
0x8b: {  	s0 =	sand.u32 $0x1, s1  }
0x8c: {  	s17 =	sshll.u32 s0, $0xA;
	s2 =	sadd.s32 s3, s2  }
0x8d: {  	s2 =	sadd.s32 s2, s17  }
0x8e: {  	[smem:$0x3FB4] =	sst s2  }
0x8f: {  	_ = 	snop  }
0x90: {  	s2 =	sld [smem:$0x3FC8];
	(tm) =	ssettm $0x1  }
0x91: {  	s18 =	sld [smem:$0x3FFB];
	_ =	sdelay $0x3  }
0x92: {  	_ =	strace s18  }
0x93: {  	s3 =	sld [smem:$0x3FFC];
	_ =	sdelay $0x3  }
0x94: {  	_ =	strace s3  }
0x95: {  	s3 =	sld [smem:$0x3FFD];
	_ =	sdelay $0x3  }
0x96: {  	_ =	strace s3  }
0x97: {  	_ =	strace $0x8FFFFFFF  }
0x98: {  	s19 =	sld [smem:$0x3FDB];
	_ =	sdelay $0x1  }
0x99: {  	s4 =	simm.s32 $_scs_section_size  }
0x9a: {  	s5 =	simm.s32 $_size__tile_overlayer_lowered;
	s6 =	simm.s32 $_tile_overlayer_lowered  }
0x9b: {  	s22 =	simm.s32 $0x1BFF;
	s21 =	sshll.u32 s6, $0x1;
	s3 =	sadd.s32 s4, s19  }
0x9c: {  	s7 =	simm.s32 $0x0;
	s20 =	sshll.u32 s5, $0x1;
	s5 =	sadd.s32 s21, s3  }
0x9d: {  	[timem:s7], [sflag:s22] =	dma.local [hbm:s5], s20  }
0x9e: {  	_ =	swait.ge [sflag:s22], s20  }
0x9f: {  	s4 =	ssub.s32 $0x0, s20;
	[sflag:s22] =	ssyncset.done $0x0  }
0xa0: {  	[sflag:s22] =	ssyncadd.s32 s4;
	_ =	sdelay $0x1  }
0xa1: {  	s23 =	simm.s32 $0x1B8B  }
0xa2: {  	_ =	swait.ge [sflag:s23], $0x1  }
0xa3: {  	[sflag:s23] =	ssyncset.done $0x0  }
0xa4: {  	s25 =	simm.s32 $0x1B8E;
	s24 =	sld [smem:$0x3FFE];
	[sflag:s23] =	ssyncadd.s32 $0xFFFFFFFF  }
0xa5: {  	s26 =	simm.s32 $execute0_lowered;
	[smem:$0x3FD2] =	sst s25  }
0xa6: {  	s5 =	sshll.u32 s26, $0x1;
	_ =	strace $0x80000049;
	[dreg:$0x1] =	wrdreg $0xFFFFFFFF  }
0xa7: {  	s28 =	simm.s32 $_size_execute0_lowered;
	s3 =	sadd.s32 s3, s5;
	[dreg:$0x0] =	wrdreg $0x0  }
0xa8: {  	s5 =	sshll.u32 s28, $0x1;
	[dreg:$0x2] =	wrdreg s3  }
0xa9: {  	[dreg:$0x3] =	wrdreg s5  }
0xaa: {  	[dreg:$0x4] =	wrdreg $0xC0  }
0xab: {  	_ =	task [dreg:s7], $0x5FFFF  }
0xac: {  	[dreg:$0x1] =	wrdreg $0xFFFFFFFF  }
0xad: {  	[dreg:$0x0] =	wrdreg $0x60  }
0xae: {  	[dreg:$0x2] =	wrdreg s24  }
0xaf: {  	[dreg:$0x3] =	wrdreg s2  }
0xb0: {  	[dreg:$0x4] =	wrdreg $0x14F000  }
0xb1: {  	[dreg:$0x5] =	wrdreg $0x9  }
0xb2: {  	_ =	task.clear_ibuf [dreg:s7], $0x6FFFF;
	_ =	strace $0x90000049  }
0xb3: {  	s29 =	simm.s32 $0x9;
	_ =	strace $0x8000004B  }
0xb4: {  	_ =	swait.ge [sflag:s29], $0x1  }
0xb5: {  	[sflag:s29] =	ssyncadd.s32 $0xFFFFFFFF  }
0xb6: {  	_ =	strace $0x9000004B  }
0xb7: {  	_ =	sfence  }
0xb8: {  	s30 =	sld [smem:$0x0];
	_ =	sdelay $0x2  }
0xb9: {  	s31 =	sshll.u32 s1, $0xD;
	s1 =	sshrl.u32 s1, $0x2  }
0xba: {  	s3 =	sand.u32 $0x4000, s31;
	s1 =	sadd.s32 s1, s30  }
0xbb: {  	s0 =	sor.u32 s3, s0;
	s1 =	sshll.u32 s1, $0x11  }
0xbc: {  	s0 =	sor.u32 s1, s0  }
0xbd: {  	s0 =	sadd.s32 $0x8F2B, s0  }
0xbe: {  	[sflag:s0] =	ssyncadd.remote.s32 $0x1  }
0xbf: {  	_ =	sfence.sel $0xFFFF  }
0xc0: {  	[dreg:$0x0] =	wrdreg $0xFFFFFFFF;
	(pc) =	sbr.abs _section_cstart, $3  }
0xc1: {  	[dreg:$0x1] =	wrdreg $0xFFFFFFFF  }
0xc2: {  	_ =	task.clear_ibuf [dreg:s7], $0x2FFFF;
	_ =	strace $0x9FFFFFFF  }
0xc3: {  	(tm) =	ssettm $0x7FFFFFFF  }
tec
execute0_lowered:
.L_overlay_start_1:
0x0: {  	(tag) =	ssettag $0x1  }
0x1: {  	s0 =	rddreg [dreg:$0x0]  }
0x2: {  	s1 =	rddreg [dreg:$0x1]  }
0x3: {  	s2 =	rddreg [dreg:$0x2];
	s3 =	srdreg.scid  }
0x4: {  	s4 =	simm.s32 $0x0;
	s5 =	stileid.u32;
	s14 =	simm.s32 $0x80  }
0x5: {  	s15 =	simm.s32 $0x4F00;
	s17 =	simm.s32 $0x6F00;
	s19 =	simm.s32 $0x8F00  }
0x6: {  	s21 =	simm.s32 $0xAF00;
	s29 =	simm.s32 $0x1;
	s30 =	simm.s32 $0x2  }
0x7: {  	s31 =	simm.s32 $0x0;
	s3 =	sand.u32 $0x1, s3;
	[smem:$0x7FF] =	sst s4  }
0x8: {  	s9 =	smul.u32 $0xA000, s5;
	s4 =	sadd.s32 $0x5600, s0;
	s7 =	sadd.s32 $0x19000, s0  }
0x9: {  	s28 =	sshll.u32 s5, $0x6;
	s23 =	sshll.u32 s3, $0x4;
	_ =	strace $0x8000004A  }
0xa: {  	s6 =	smul.u32 $0xA0000, s3;
	[dreg:$0x4] =	wrdreg s7;
	s3 =	ssub.s32 $0x2, s3  }
0xb: {  	s12 =	sor.u32 $0x1C03, s28;
	s11 =	sor.u32 s5, s23;
	s10 =	sshrl.u32 s3, $0x1  }
0xc: {  	s25 =	sadd.s32 s9, s2;
	s23 =	simm.s32 $0xCF00;
	s24 =	smul.u32 $0x4E, s11  }
0xd: {  	s6 =	sadd.s32 s9, s6;
	s8 =	smin.u32 s11, $0x4;
	s3 =	ssub.s32 s3, s10  }
0xe: {  	p0 =	slt.u32 s11, $0x4;
	s13 =	sshrl.u32 s25, $0x3;
	s25 =	simm.s32 $0xEF00  }
0xf: {  	s6 =	sshrl.u32 s6, $0x3;
	s26 =	smax.u32 s3, $0x1;
	s7 =	sadd.s32 s8, s24  }
0x10: {  	s0 =	sadd.s32 s6, s0;
	s6 =	simm.s32 $0x4F;
	s7 =	sshll.u32 s7, $0x5  }
0x11: {  	[dreg:$0x7] =	wrdreg s26;
	s0 =	sadd.s32 $0x1A400, s0;
	s7 =	sadd.s32 s1, s7  }
0x12: {  	s6 =	simm.s32 @!p0 $0x4E;
	[dreg:$0x6] =	wrdreg s0;
	s1 =	sadd.s32 $0x9C0, s7  }
0x13: {  	p0 =	sgt.u32 s11, $0x3;
	s11 =	simm.s32 $0x3;
	[dreg:$0x5] =	wrdreg s1  }
.LBB2_1:
0x14: {  	s3 =	simm.s32 $0x0  }
0x15: {  	[tilespmem:s3], [sflag:$0x3] =	stream.linear.gather [hbm4b:s7+s3], $0x4E00, $0x38;
	[tilespmem:$0x1EF00] =	vst v63  }
0x16: {  	_ =	swait.ge [sflag:s11], $0x4E00  }
0x17: {  	s0 =	simm.s32 @!p0 $0x0;
	[sflag:s11] =	ssyncset.done $0x0  }
0x18: {  	s1 =	simm.s32 @!p0 $0x4E00;
	s5 =	rddreg [dreg:$0x5];
	[sflag:s11] =	ssyncadd.s32 $0xFFFFB200  }
0x19: {  	[tilespmem:s1], [sflag:$0x3] =	stream.linear.gather @!p0 [hbm4b:s5+s0], $0x100, $0x38;
	[tilespmem:$0x1EF00] =	vst v63  }
0x1a: {  	s0 =	simm.s32 @!p0 $0x3  }
0x1b: {  	_ =	swait.ge @!p0 [sflag:s0], $0x100  }
0x1c: {  	[sflag:s0] =	ssyncset.done @!p0 $0x0  }
0x1d: {  	s22 =	rddreg [dreg:$0x4];
	[sflag:s0] =	ssyncadd.s32 @!p0 $0xFFFFFF00  }
0x1e: {  	[spmem:s13], [sflag:s12] =	dma.local [hbm:s22], $0x1400  }
0x1f: {  	_ =	swait.ge [sflag:s11], $0x1400  }
0x20: {  	[sflag:s11] =	ssyncset.done $0x0  }
0x21: {  	[sflag:s11] =	ssyncadd.s32 $0xFFFFEC00  }
0x22: {  	[bflag:$0x0] =	sbarrier.arrive $0xFFFF  }
0x23: {  	[tilespmem:s15], [sflag:$0x1] =	stream.indirect.gather [hbm4b:s4+s14], $0x40, s3, s14, $0xb8;
	[tilespmem:$0x1EF00] =	vst v63  }
0x24: {  	s24 =	simm.s32 $0x100  }
0x25: {  	[tilespmem:s17], [sflag:$0x1] =	stream.indirect.gather [hbm4b:s4+s14], $0x40, s24, s14, $0xb8;
	[tilespmem:$0x1EF00] =	vst v63  }
0x26: {  	s26 =	simm.s32 $0x200  }
0x27: {  	[tilespmem:s19], [sflag:$0x1] =	stream.indirect.gather [hbm4b:s4+s14], $0x40, s26, s14, $0xb8;
	[tilespmem:$0x1EF00] =	vst v63  }
0x28: {  	s1 =	simm.s32 $0x300  }
0x29: {  	[tilespmem:s21], [sflag:$0x1] =	stream.indirect.gather [hbm4b:s4+s14], $0x40, s1, s14, $0xb8;
	[tilespmem:$0x1EF00] =	vst v63  }
0x2a: {  	s3 =	simm.s32 $0x400  }
0x2b: {  	[tilespmem:s23], [sflag:$0x1] =	stream.indirect.gather [hbm4b:s4+s14], $0x40, s3, s14, $0xb8;
	[tilespmem:$0x1EF00] =	vst v63  }
0x2c: {  	s5 =	simm.s32 $0x500  }
0x2d: {  	[tilespmem:s25], [sflag:$0x1] =	stream.indirect.gather [hbm4b:s4+s14], $0x40, s5, s14, $0xb8;
	[tilespmem:$0x1EF00] =	vst v63  }
0x2e: {  	s8 =	simm.s32 $0x600;
	s9 =	simm.s32 $0x10F00  }
0x2f: {  	[tilespmem:s9], [sflag:$0x1] =	stream.indirect.gather [hbm4b:s4+s14], $0x40, s8, s14, $0xb8;
	[tilespmem:$0x1EF00] =	vst v63  }
0x30: {  	_ =	swait.ge [sflag:s29], $0x2000  }
0x31: {  	p2 =	por $0x1, $0x1;
	[sflag:s29] =	ssyncset.done $0x0  }
0x32: {  	s10 =	simm.s32 $0x80;
	s16 =	simm.s32 @!p2 $0x2;
	[sflag:s29] =	ssyncadd.s32 $0xFFFFE000  }
0x33: {  	[spmem:s2] =	stream.indirect.scatter.add.f32 [tilespmem:s15], [sflag:$0x2], $0x40, s10, s14, $0xb8;
	[tilespmem:$0x1EF00] =	vst v63  }
0x34: {  	p1 =	sle.u32 s6, $0x7;
	_ =	swait.ge @!p2 [sflag:s16], $0x2000  }
0x35: {  	s0 =	simm.s32 @!p1 $0x700;
	[sflag:s16] =	ssyncset.done @!p2 $0x0  }
0x36: {  	s1 =	simm.s32 @!p1 $0x12F00;
	s3 =	simm.s32 @!p1 $0x80;
	[sflag:s16] =	ssyncadd.s32 @!p2 $0xFFFFE000  }
0x37: {  	[tilespmem:s1], [sflag:$0x1] =	stream.indirect.gather @!p1 [hbm4b:s4+s3], $0x40, s0, s3, $0xb8;
	[tilespmem:$0x1EF00] =	vst v63  }
0x38: {  	_ =	swait.ge [sflag:s29], $0x2000  }
0x39: {  	[sflag:s29] =	ssyncset.done $0x0  }
0x3a: {  	s18 =	simm.s32 $0x180;
	[sflag:s29] =	ssyncadd.s32 $0xFFFFE000  }
0x3b: {  	[spmem:s2] =	stream.indirect.scatter.add.f32 [tilespmem:s17], [sflag:$0x2], $0x40, s18, s14, $0xb8;
	[tilespmem:$0x1EF00] =	vst v63  }
0x3c: {  	p2 =	sle.u32 s6, $0x8;
	_ =	swait.ge [sflag:s30], $0x2000  }
0x3d: {  	s0 =	simm.s32 @!p2 $0x4F00;
	[sflag:s30] =	ssyncset.done $0x0  }
0x3e: {  	s16 =	simm.s32 @!p2 $0x800;
	s18 =	simm.s32 @!p2 $0x80;
	[sflag:s30] =	ssyncadd.s32 $0xFFFFE000  }
0x3f: {  	[tilespmem:s0], [sflag:$0x1] =	stream.indirect.gather @!p2 [hbm4b:s4+s18], $0x40, s16, s18, $0xb8;
	[tilespmem:$0x1EF00] =	vst v63  }
0x40: {  	_ =	swait.ge [sflag:s29], $0x2000  }
0x41: {  	[sflag:s29] =	ssyncset.done $0x0  }
0x42: {  	s20 =	simm.s32 $0x280;
	[sflag:s29] =	ssyncadd.s32 $0xFFFFE000  }
0x43: {  	[spmem:s2] =	stream.indirect.scatter.add.f32 [tilespmem:s19], [sflag:$0x2], $0x40, s20, s14, $0xb8;
	[tilespmem:$0x1EF00] =	vst v63  }
0x44: {  	p2 =	sle.u32 s6, $0x9;
	_ =	swait.ge [sflag:s30], $0x2000  }
0x45: {  	s0 =	simm.s32 @!p2 $0x6F00;
	[sflag:s30] =	ssyncset.done $0x0  }
0x46: {  	s16 =	simm.s32 @!p2 $0x900;
	s18 =	simm.s32 @!p2 $0x80;
	[sflag:s30] =	ssyncadd.s32 $0xFFFFE000  }
0x47: {  	[tilespmem:s0], [sflag:$0x1] =	stream.indirect.gather @!p2 [hbm4b:s4+s18], $0x40, s16, s18, $0xb8;
	[tilespmem:$0x1EF00] =	vst v63  }
0x48: {  	_ =	swait.ge [sflag:s29], $0x2000  }
0x49: {  	[sflag:s29] =	ssyncset.done $0x0  }
0x4a: {  	s22 =	simm.s32 $0x380;
	[sflag:s29] =	ssyncadd.s32 $0xFFFFE000  }
0x4b: {  	[spmem:s2] =	stream.indirect.scatter.add.f32 [tilespmem:s21], [sflag:$0x2], $0x40, s22, s14, $0xb8;
	[tilespmem:$0x1EF00] =	vst v63  }
0x4c: {  	p2 =	sle.u32 s6, $0xA;
	_ =	swait.ge [sflag:s30], $0x2000  }
0x4d: {  	s0 =	simm.s32 @!p2 $0x8F00;
	[sflag:s30] =	ssyncset.done $0x0  }
0x4e: {  	s16 =	simm.s32 @!p2 $0xA00;
	s18 =	simm.s32 @!p2 $0x80;
	[sflag:s30] =	ssyncadd.s32 $0xFFFFE000  }
0x4f: {  	[tilespmem:s0], [sflag:$0x1] =	stream.indirect.gather @!p2 [hbm4b:s4+s18], $0x40, s16, s18, $0xb8;
	[tilespmem:$0x1EF00] =	vst v63  }
0x50: {  	_ =	swait.ge [sflag:s29], $0x2000  }
0x51: {  	[sflag:s29] =	ssyncset.done $0x0  }
0x52: {  	s24 =	simm.s32 $0x480;
	[sflag:s29] =	ssyncadd.s32 $0xFFFFE000  }
0x53: {  	[spmem:s2] =	stream.indirect.scatter.add.f32 [tilespmem:s23], [sflag:$0x2], $0x40, s24, s14, $0xb8;
	[tilespmem:$0x1EF00] =	vst v63  }
0x54: {  	p2 =	sle.u32 s6, $0xB;
	_ =	swait.ge [sflag:s30], $0x2000  }
0x55: {  	s0 =	simm.s32 @!p2 $0xAF00;
	[sflag:s30] =	ssyncset.done $0x0  }
0x56: {  	s16 =	simm.s32 @!p2 $0xB00;
	s18 =	simm.s32 @!p2 $0x80;
	[sflag:s30] =	ssyncadd.s32 $0xFFFFE000  }
0x57: {  	[tilespmem:s0], [sflag:$0x1] =	stream.indirect.gather @!p2 [hbm4b:s4+s18], $0x40, s16, s18, $0xb8;
	[tilespmem:$0x1EF00] =	vst v63  }
0x58: {  	_ =	swait.ge [sflag:s29], $0x2000  }
0x59: {  	[sflag:s29] =	ssyncset.done $0x0  }
0x5a: {  	p3 =	sle.u32 s6, $0xC;
	s26 =	simm.s32 $0x580;
	[sflag:s29] =	ssyncadd.s32 $0xFFFFE000  }
0x5b: {  	[spmem:s2] =	stream.indirect.scatter.add.f32 [tilespmem:s25], [sflag:$0x2], $0x40, s26, s14, $0xb8;
	[tilespmem:$0x1EF00] =	vst v63  }
0x5c: {  	s0 =	simm.s32 @!p3 $0x80;
	_ =	swait.ge [sflag:s30], $0x2000  }
0x5d: {  	p2 =	sle.u32 s6, $0x6;
	s16 =	simm.s32 @!p3 $0xC00;
	[sflag:s30] =	ssyncset.done $0x0  }
0x5e: {  	s18 =	simm.s32 @!p3 $0xCF00;
	s20 =	simm.s32 @!p2 $0x1;
	[sflag:s30] =	ssyncadd.s32 $0xFFFFE000  }
0x5f: {  	[tilespmem:s18], [sflag:$0x1] =	stream.indirect.gather @!p3 [hbm4b:s4+s0], $0x40, s16, s0, $0xb8;
	[tilespmem:$0x1EF00] =	vst v63  }
0x60: {  	s0 =	simm.s32 @!p2 $0x680;
	_ =	swait.ge @!p2 [sflag:s20], $0x2000  }
0x61: {  	s16 =	simm.s32 @!p2 $0x80;
	s18 =	simm.s32 @!p2 $0x10F00;
	[sflag:s20] =	ssyncset.done @!p2 $0x0  }
0x62: {  	p3 =	sle.u32 @!p2 s6, $0xD;
	[sflag:s20] =	ssyncadd.s32 @!p2 $0xFFFFE000;
	s20 =	simm.s32 @!p2 $0x2  }
0x63: {  	[spmem:s2] =	stream.indirect.scatter.add.f32 @!p2 [tilespmem:s18], [sflag:$0x2], $0x40, s0, s16, $0xb8;
	[tilespmem:$0x1EF00] =	vst v63  }
0x64: {  	p3 =	por p3, p2;
	_ =	swait.ge @!p2 [sflag:s20], $0x2000  }
0x65: {  	s16 =	simm.s32 @!p1 $0x1;
	s0 =	simm.s32 @!p3 $0x80;
	[sflag:s20] =	ssyncset.done @!p2 $0x0  }
0x66: {  	s18 =	simm.s32 @!p3 $0xD00;
	[sflag:s20] =	ssyncadd.s32 @!p2 $0xFFFFE000;
	s20 =	simm.s32 @!p3 $0xEF00  }
0x67: {  	[tilespmem:s20], [sflag:$0x1] =	stream.indirect.gather @!p3 [hbm4b:s4+s0], $0x40, s18, s0, $0xb8;
	[tilespmem:$0x1EF00] =	vst v63  }
0x68: {  	_ =	swait.ge @!p1 [sflag:s16], $0x2000  }
0x69: {  	p2 =	sle.u32 @!p1 s6, $0xE;
	s0 =	simm.s32 $0xE;
	[sflag:s16] =	ssyncset.done @!p1 $0x0  }
0x6a: {  	s18 =	simm.s32 @!p1 $0x780;
	p3 =	por p2, p1;
	[sflag:s16] =	ssyncadd.s32 @!p1 $0xFFFFE000  }
0x6b: {  	[spmem:s2] =	stream.indirect.scatter.add.f32 @!p1 [tilespmem:s1], [sflag:$0x2], $0x40, s18, s3, $0xb8;
	[tilespmem:$0x1EF00] =	vst v63  }
0x6c: {  	s24 =	simm.s32 @!p3 $0x80;
	s28 =	simm.s32 @!p3 $0x10F00;
	s3 =	simm.s32 @!p1 $0x2  }
0x6d: {  	s1 =	simm.s32 $0x2000;
	s18 =	simm.s32 @!p3 $0xE00;
	_ =	swait.ge @!p1 [sflag:s3], $0x2000  }
.LBB2_2:
0x6e: {  	[sflag:s3] =	ssyncset.done @!p1 $0x0  }
0x6f: {  	s0 =	sadd.s32 $0x8, s0;
	s16 =	smov.u32 s1;
	s1 =	sadd.s32 $0x2000, s1  }
0x70: {  	p2 =	sne.s32 s1, $0x14000;
	[sflag:s3] =	ssyncadd.s32 @!p1 $0xFFFFE000  }
0x71: {  	[tilespmem:s28], [sflag:$0x1] =	stream.indirect.gather @!p3 [hbm4b:s4+s24], $0x40, s18, s24, $0xb8;
	[tilespmem:$0x1EF00] =	vst v63  }
0x72: {  	s3 =	sshra.s32 s16, $0x2;
	s18 =	sadd.s32 $0xFFFFFFF9, s0;
	_ =	swait.ge [sflag:s29], $0x2000  }
0x73: {  	s20 =	sadd.s32 $0x80, s3;
	p3 =	seq.s32 s16, $0x0;
	[sflag:s29] =	ssyncset.done $0x0  }
0x74: {  	s24 =	simm.s32 @!p3 $0x2;
	p1 =	sge.u32 s18, s6;
	[sflag:s29] =	ssyncadd.s32 $0xFFFFE000  }
0x75: {  	[spmem:s2] =	stream.indirect.scatter.add.f32 [tilespmem:s15], [sflag:$0x2], $0x40, s20, s14, $0xb8;
	[tilespmem:$0x1EF00] =	vst v63  }
0x76: {  	s18 =	sshra.s32 @!p1 s16, $0x2;
	s20 =	simm.s32 @!p1 $0x12F00;
	_ =	swait.ge @!p3 [sflag:s24], $0x2000  }
0x77: {  	s22 =	simm.s32 @!p1 $0x80;
	s28 =	sadd.s32 @!p1 $0x700, s18;
	[sflag:s24] =	ssyncset.done @!p3 $0x0  }
0x78: {  	s26 =	sadd.s32 @!p1 $0x780, s18;
	[sflag:s24] =	ssyncadd.s32 @!p3 $0xFFFFE000;
	p3 =	sge.u32 @!p1 s0, s6  }
0x79: {  	[tilespmem:s20], [sflag:$0x1] =	stream.indirect.gather @!p1 [hbm4b:s4+s22], $0x40, s28, s22, $0xb8;
	[tilespmem:$0x1EF00] =	vst v63  }
0x7a: {  	p3 =	por p3, p1;
	_ =	swait.ge [sflag:s29], $0x2000  }
0x7b: {  	s24 =	sadd.s32 $0x180, s3;
	s18 =	sshra.s32 @!p3 s16, $0x2;
	[sflag:s29] =	ssyncset.done $0x0  }
0x7c: {  	s28 =	sadd.s32 $0xFFFFFFFA, s0;
	s18 =	sadd.s32 @!p3 $0xE00, s18;
	[sflag:s29] =	ssyncadd.s32 $0xFFFFE000  }
0x7d: {  	[spmem:s2] =	stream.indirect.scatter.add.f32 [tilespmem:s17], [sflag:$0x2], $0x40, s24, s14, $0xb8;
	[tilespmem:$0x1EF00] =	vst v63  }
0x7e: {  	p4 =	sge.u32 s28, s6;
	s24 =	simm.s32 @!p3 $0x80;
	_ =	swait.ge [sflag:s30], $0x2000  }
0x7f: {  	s28 =	sshra.s32 @!p4 s16, $0x2;
	s5 =	simm.s32 @!p4 $0x4F00;
	[sflag:s30] =	ssyncset.done $0x0  }
0x80: {  	s8 =	simm.s32 @!p4 $0x80;
	s28 =	sadd.s32 @!p4 $0x800, s28;
	[sflag:s30] =	ssyncadd.s32 $0xFFFFE000  }
0x81: {  	[tilespmem:s5], [sflag:$0x1] =	stream.indirect.gather @!p4 [hbm4b:s4+s8], $0x40, s28, s8, $0xb8;
	[tilespmem:$0x1EF00] =	vst v63  }
0x82: {  	s28 =	simm.s32 @!p3 $0x10F00;
	_ =	swait.ge [sflag:s29], $0x2000  }
0x83: {  	s5 =	sadd.s32 $0x280, s3;
	[sflag:s29] =	ssyncset.done $0x0  }
0x84: {  	s8 =	sadd.s32 $0xFFFFFFFB, s0;
	[sflag:s29] =	ssyncadd.s32 $0xFFFFE000  }
0x85: {  	[spmem:s2] =	stream.indirect.scatter.add.f32 [tilespmem:s19], [sflag:$0x2], $0x40, s5, s14, $0xb8;
	[tilespmem:$0x1EF00] =	vst v63  }
0x86: {  	p4 =	sge.u32 s8, s6;
	_ =	swait.ge [sflag:s30], $0x2000  }
0x87: {  	s8 =	simm.s32 @!p4 $0x6F00;
	s5 =	sshra.s32 @!p4 s16, $0x2;
	[sflag:s30] =	ssyncset.done $0x0  }
0x88: {  	s9 =	simm.s32 @!p4 $0x80;
	s5 =	sadd.s32 @!p4 $0x900, s5;
	[sflag:s30] =	ssyncadd.s32 $0xFFFFE000  }
0x89: {  	[tilespmem:s8], [sflag:$0x1] =	stream.indirect.gather @!p4 [hbm4b:s4+s9], $0x40, s5, s9, $0xb8;
	[tilespmem:$0x1EF00] =	vst v63  }
0x8a: {  	_ =	swait.ge [sflag:s29], $0x2000  }
0x8b: {  	s5 =	sadd.s32 $0x380, s3;
	[sflag:s29] =	ssyncset.done $0x0  }
0x8c: {  	s8 =	sadd.s32 $0xFFFFFFFC, s0;
	[sflag:s29] =	ssyncadd.s32 $0xFFFFE000  }
0x8d: {  	[spmem:s2] =	stream.indirect.scatter.add.f32 [tilespmem:s21], [sflag:$0x2], $0x40, s5, s14, $0xb8;
	[tilespmem:$0x1EF00] =	vst v63  }
0x8e: {  	p4 =	sge.u32 s8, s6;
	_ =	swait.ge [sflag:s30], $0x2000  }
0x8f: {  	s8 =	simm.s32 @!p4 $0x8F00;
	s5 =	sshra.s32 @!p4 s16, $0x2;
	[sflag:s30] =	ssyncset.done $0x0  }
0x90: {  	s9 =	simm.s32 @!p4 $0x80;
	s5 =	sadd.s32 @!p4 $0xA00, s5;
	[sflag:s30] =	ssyncadd.s32 $0xFFFFE000  }
0x91: {  	[tilespmem:s8], [sflag:$0x1] =	stream.indirect.gather @!p4 [hbm4b:s4+s9], $0x40, s5, s9, $0xb8;
	[tilespmem:$0x1EF00] =	vst v63  }
0x92: {  	_ =	swait.ge [sflag:s29], $0x2000  }
0x93: {  	s5 =	sadd.s32 $0x480, s3;
	[sflag:s29] =	ssyncset.done $0x0  }
0x94: {  	s8 =	sadd.s32 $0xFFFFFFFD, s0;
	[sflag:s29] =	ssyncadd.s32 $0xFFFFE000  }
0x95: {  	[spmem:s2] =	stream.indirect.scatter.add.f32 [tilespmem:s23], [sflag:$0x2], $0x40, s5, s14, $0xb8;
	[tilespmem:$0x1EF00] =	vst v63  }
0x96: {  	p4 =	sge.u32 s8, s6;
	_ =	swait.ge [sflag:s30], $0x2000  }
0x97: {  	s8 =	simm.s32 @!p4 $0xAF00;
	s5 =	sshra.s32 @!p4 s16, $0x2;
	[sflag:s30] =	ssyncset.done $0x0  }
0x98: {  	s9 =	simm.s32 @!p4 $0x80;
	s5 =	sadd.s32 @!p4 $0xB00, s5;
	[sflag:s30] =	ssyncadd.s32 $0xFFFFE000  }
0x99: {  	[tilespmem:s8], [sflag:$0x1] =	stream.indirect.gather @!p4 [hbm4b:s4+s9], $0x40, s5, s9, $0xb8;
	[tilespmem:$0x1EF00] =	vst v63  }
0x9a: {  	_ =	swait.ge [sflag:s29], $0x2000  }
0x9b: {  	s3 =	sadd.s32 $0x580, s3;
	[sflag:s29] =	ssyncset.done $0x0  }
0x9c: {  	s5 =	sadd.s32 $0xFFFFFFFE, s0;
	[sflag:s29] =	ssyncadd.s32 $0xFFFFE000  }
0x9d: {  	[spmem:s2] =	stream.indirect.scatter.add.f32 [tilespmem:s25], [sflag:$0x2], $0x40, s3, s14, $0xb8;
	[tilespmem:$0x1EF00] =	vst v63  }
0x9e: {  	p5 =	sge.u32 s5, s6;
	s3 =	sadd.s32 $0xFFFFFFF8, s0;
	_ =	swait.ge [sflag:s30], $0x2000  }
0x9f: {  	s5 =	sshra.s32 @!p5 s16, $0x2;
	s8 =	simm.s32 @!p5 $0x80;
	[sflag:s30] =	ssyncset.done $0x0  }
0xa0: {  	s5 =	sadd.s32 @!p5 $0xC00, s5;
	p4 =	sge.u32 s3, s6;
	[sflag:s30] =	ssyncadd.s32 $0xFFFFE000  }
0xa1: {  	s3 =	simm.s32 @!p5 $0xCF00;
	s9 =	simm.s32 @!p4 $0x1;
	s10 =	sshra.s32 @!p4 s16, $0x2  }
0xa2: {  	[tilespmem:s3], [sflag:$0x1] =	stream.indirect.gather @!p5 [hbm4b:s4+s8], $0x40, s5, s8, $0xb8;
	[tilespmem:$0x1EF00] =	vst v63  }
0xa3: {  	s3 =	sadd.s32 @!p4 $0x680, s10;
	s5 =	sadd.s32 @!p4 $0xFFFFFFFF, s0;
	_ =	swait.ge @!p4 [sflag:s9], $0x2000  }
0xa4: {  	s8 =	simm.s32 @!p4 $0x80;
	s10 =	simm.s32 @!p4 $0x10F00;
	[sflag:s9] =	ssyncset.done @!p4 $0x0  }
0xa5: {  	p5 =	sge.u32 @!p4 s5, s6;
	[sflag:s9] =	ssyncadd.s32 @!p4 $0xFFFFE000;
	s9 =	simm.s32 @!p4 $0x2  }
0xa6: {  	[spmem:s2] =	stream.indirect.scatter.add.f32 @!p4 [tilespmem:s10], [sflag:$0x2], $0x40, s3, s8, $0xb8;
	[tilespmem:$0x1EF00] =	vst v63  }
0xa7: {  	p5 =	por p5, p4;
	s3 =	simm.s32 @!p1 $0x1;
	_ =	swait.ge @!p4 [sflag:s9], $0x2000  }
0xa8: {  	s5 =	sshra.s32 @!p5 s16, $0x2;
	s8 =	simm.s32 @!p5 $0x80;
	[sflag:s9] =	ssyncset.done @!p4 $0x0  }
0xa9: {  	s5 =	sadd.s32 @!p5 $0xD00, s5;
	[sflag:s9] =	ssyncadd.s32 @!p4 $0xFFFFE000;
	s9 =	simm.s32 @!p5 $0xEF00  }
0xaa: {  	[tilespmem:s9], [sflag:$0x1] =	stream.indirect.gather @!p5 [hbm4b:s4+s8], $0x40, s5, s8, $0xb8;
	[tilespmem:$0x1EF00] =	vst v63  }
.Ltmp0:
0xab: {  	_ =	swait.ge @!p1 [sflag:s3], $0x2000;
	(pc) =	sbr.rel @p2 .LBB2_2-.Ltmp0, $4  }
0xac: {  	[sflag:s3] =	ssyncset.done @!p1 $0x0  }
0xad: {  	[sflag:s3] =	ssyncadd.s32 @!p1 $0xFFFFE000;
	s3 =	simm.s32 @!p1 $0x2  }
0xae: {  	[spmem:s2] =	stream.indirect.scatter.add.f32 @!p1 [tilespmem:s20], [sflag:$0x2], $0x40, s26, s22, $0xb8;
	[tilespmem:$0x1EF00] =	vst v63  }
0xaf: {  	_ =	swait.ge @!p1 [sflag:s3], $0x2000  }
0xb0: {  	[sflag:s3] =	ssyncset.done @!p1 $0x0  }
0xb1: {  	[sflag:s3] =	ssyncadd.s32 @!p1 $0xFFFFE000  }
0xb2: {  	[tilespmem:s28], [sflag:$0x1] =	stream.indirect.gather @!p3 [hbm4b:s4+s24], $0x40, s18, s24, $0xb8;
	[tilespmem:$0x1EF00] =	vst v63  }
0xb3: {  	_ =	swait.ge [sflag:s30], $0x2000  }
0xb4: {  	[sflag:s30] =	ssyncset.done $0x0  }
0xb5: {  	[sflag:s30] =	ssyncadd.s32 $0xFFFFE000  }
0xb6: {  	[bflag:$0x0] =	sbarrier.arrive $0xFFFF  }
0xb7: {  	s0 =	rddreg [dreg:$0x6]  }
0xb8: {  	[hbm:s0], [sflag:s12] =	dma.local [spmem:s13], $0x1400  }
0xb9: {  	_ =	swait.ge [sflag:s11], $0x1400  }
0xba: {  	s31 =	sadd.s32 $0x1, s31;
	s28 =	rddreg [dreg:$0x7]  }
0xbb: {  	p1 =	sne.s32 s31, s28  }
.Ltmp1:
0xbc: {  	_ = 	snop;
	(pc) =	sbr.rel @p1 .LBB2_1-.Ltmp1, $3  }
0xbd: {  	_ =	sdelay $0x1  }
0xbe: {  	[sflag:s11] =	ssyncset.done $0x0  }
0xbf: {  	[sflag:s11] =	ssyncadd.s32 $0xFFFFEC00  }
0xc0: {  	_ =	sfence.sel $0x180000  }
0xc1: {  	[bflag:$0x0] =	sbarrier.arrive $0xFFFF  }
0xc2: {  	_ =	strace $0x9000004A  }
0xc3: {  	s0 =	stileid.u32;
	[bflag:$0x2] =	sbarrier.arrive $0xFFFF  }
0xc4: {  	p0 =	sne.s32 s0, $0x0;
	s0 =	rddreg [dreg:$0x3]  }
0xc5: {  	s0 =	sadd.s32 @!p0 $0x100000, s0  }
0xc6: {  	[sflag:s0] =	ssyncadd.tile.s32 @!p0 $0x1;
	_ =	shalt  }
.Lfunc_end2:
_tile_overlayer_lowered:
.L_overlay_start_2:
0xc7: {  	(tag) =	ssettag $0x2  }
0xc8: {  	s0 =	rddreg [dreg:$0x0];
	s2 =	stileid.u32  }
0xc9: {  	s1 =	rddreg [dreg:$0x1];
	p0 =	sne.s32 s2, $0x0  }
0xca: {  	s3 =	rddreg [dreg:$0x2];
	[bflag:$0x3] =	sbarrier.arrive $0xFFFF;
	s2 =	simm.s32 @!p0 $0x1C03  }
0xcb: {  	[timem:s3], [sflag:s2] =	dma.local @!p0 [hbm:s0], s1  }
0xcc: {  	s0 =	simm.s32 @!p0 $0x3  }
0xcd: {  	_ =	swait.ge @!p0 [sflag:s0], s1  }
0xce: {  	s1 =	ssub.s32 @!p0 $0x0, s1;
	[sflag:s0] =	ssyncset.done @!p0 $0x0  }
0xcf: {  	[sflag:s0] =	ssyncadd.s32 @!p0 s1  }
0xd0: {  	[bflag:$0x3] =	sbarrier.arrive $0xFFFF  }
0xd1: {  	_ =	shalt  }

// kernel: kernel.18.cloned.1.call-start
scs
__scs_entry_jumppad:
0x0: {  	(pc) =	sbr.rel $0x88, $3  }
0x1: {  	(tag) =	ssettag $0x0;
	lr =	simm.s32 $0x1  }
0x2: {  	[smem:$0x3F8D] =	sst lr;
	_ =	strace $0xD0000000  }
0x3: {  	_ = 	snop  }
0x4: {  	_ = 	snop  }
0x5: {  	_ = 	snop  }
0x6: {  	_ = 	snop  }
0x7: {  	_ = 	snop  }
__scs_overlays_trampoline_lowered:
0x8: {  	[smem:$0x3F9C] =	sst s0  }
0x9: {  	[smem:$0x3F9D] =	sst s1  }
0xa: {  	[smem:$0x3F9E] =	sst s2  }
0xb: {  	[smem:$0x3F9F] =	sst s3  }
0xc: {  	[smem:$0x3FA0] =	sst s4  }
0xd: {  	[smem:$0x3FA1] =	sst s5  }
0xe: {  	[smem:$0x3FA2] =	sst s6  }
0xf: {  	[smem:$0x3FA3] =	sst s7  }
0x10: {  	[smem:$0x3FA4] =	sst s8  }
0x11: {  	[smem:$0x3FA5] =	sst s9;
	s0 =	simm.s32 @!p0 $0x0  }
0x12: {  	s1 =	sld [smem:$0x3F8B];
	s0 =	simm.s32 @p0 $0x1  }
0x13: {  	[smem:$0x3FA6] =	sst s0;
	s0 =	simm.s32 @!p1 $0x0  }
0x14: {  	s2 =	sld [smem:$0x3F8A];
	s0 =	simm.s32 @p1 $0x1  }
0x15: {  	[smem:$0x3FA7] =	sst s0;
	s0 =	simm.s32 @!p2 $0x0  }
0x16: {  	s3 =	sld [smem:$0x3FDB];
	s0 =	simm.s32 @p2 $0x1  }
0x17: {  	s4 =	simm.s32 $0x1BF5;
	[smem:$0x3FA9] =	sst s0  }
0x18: {  	s0 =	sld [smem:$0x3F8C];
	_ =	swait.ge [sflag:s4], $0x0  }
0x19: {  	s7 =	sld [smem:$0x3F8D]  }
0x1a: {  	s8 =	sadd.s32 $0xFFFFE003, lr  }
0x1b: {  	s9 =	sadd.s32 $0xFFFFFEF7, lr;
	s5 =	simm.s32 $0xFFFFFFFF;
	p2 =	slt.u32 s8, $0xFFFFF086  }
0x1c: {  	p1 =	slt.u32 s9, $0xF7A;
	s5 =	simm.s32 @!p2 $0x0  }
0x1d: {  	s5 =	simm.s32 @p1 $0x1;
	p0 =	seq.s32 s7, s2  }
0x1e: {  	s7 =	smul.u32 @!p0 $0xF7A, s2;
	p2 =	seq.s32 @!p0 s5, $0x0  }
0x1f: {  	s9 =	smul.u32 $0xF7A, s1;
	s8 =	simm.s32 @!p0 $0x1BF5;
	p2 =	por !p2, p0  }
0x20: {  	[sflag:s8] =	ssyncset.s32 @!p0 $0xFFFFF086;
	s6 =	sadd.s32 @!p0 s3, s7;
	s7 =	simm.s32 @!p0 $0x108  }
0x21: {  	s3 =	sadd.s32 s3, s9;
	s6 =	sadd.s32 @!p0 $0x88, s6;
	s7 =	simm.s32 @p2 $0x1082  }
0x22: {  	[simem:s7], [sflag:s8] =	dma.local @!p0 [hbm:s6], $0xF7A  }
0x23: {  	s9 =	sor.u32 $0xD0000000, s2;
	s6 =	simm.s32 $0x108;
	_ =	swait.ge @!p0 [sflag:s8], $0x0  }
0x24: {  	s3 =	sadd.s32 $0x88, s3;
	s6 =	simm.s32 @!p1 $0x1082;
	[sflag:s4] =	ssyncset.s32 $0xFFFFF086  }
0x25: {  	[simem:s6], [sflag:s4] =	dma.local [hbm:s3], $0xF7A  }
0x26: {  	[smem:$0x3F8D] =	sst s1;
	(tag) =	ssettag s2;
	_ =	strace s9  }
0x27: {  	s1 =	sld [smem:$0x3F9D]  }
0x28: {  	s2 =	sld [smem:$0x3F9E]  }
0x29: {  	s4 =	sld [smem:$0x3FA0]  }
0x2a: {  	p0 =	seq.s32 s5, $0x0;
	s5 =	sld [smem:$0x3FA1]  }
0x2b: {  	s6 =	sld [smem:$0x3FA2]  }
0x2c: {  	s7 =	sld [smem:$0x3FA3]  }
0x2d: {  	s3 =	simm.s32 $0x108;
	s8 =	sld [smem:$0x3FA4]  }
0x2e: {  	s3 =	simm.s32 @!p0 $0x1082;
	s9 =	sld [smem:$0x3FA5]  }
0x2f: {  	lr =	sadd.s32 s0, s3;
	s0 =	sld [smem:$0x3F9C]  }
0x30: {  	s3 =	sld [smem:$0x3F9F]  }
0x31: {  	[smem:$0x3FA8] =	sst s10  }
0x32: {  	s10 =	sld [smem:$0x3FA6];
	_ =	sdelay $0x3  }
0x33: {  	p0 =	seq.s32 s10, $0x1;
	s10 =	sld [smem:$0x3FA8];
	_ =	sdelay $0x3  }
0x34: {  	[smem:$0x3FA8] =	sst s10  }
0x35: {  	s10 =	sld [smem:$0x3FA7];
	_ =	sdelay $0x3  }
0x36: {  	p1 =	seq.s32 s10, $0x1;
	s10 =	sld [smem:$0x3FA8];
	_ =	sdelay $0x3  }
0x37: {  	[smem:$0x3FA8] =	sst s10  }
0x38: {  	s10 =	sld [smem:$0x3FA9]  }
0x39: {  	_ = 	snop;
	(pc) =	sbr.ind lr, $3  }
0x3a: {  	_ = 	snop  }
0x3b: {  	_ = 	snop  }
0x3c: {  	p2 =	seq.s32 s10, $0x1;
	s10 =	sld [smem:$0x3FA8]  }
0x3d: {  	_ =	shalt  }
0x3e: {  	_ =	shalt  }
0x3f: {  	_ =	shalt  }
0x40: {  	_ =	shalt  }
0x41: {  	_ =	shalt  }
0x42: {  	_ =	shalt  }
0x43: {  	_ =	shalt  }
0x44: {  	_ =	shalt  }
0x45: {  	_ =	shalt  }
0x46: {  	_ =	shalt  }
0x47: {  	_ =	shalt  }
0x48: {  	_ =	shalt  }
0x49: {  	_ =	shalt  }
0x4a: {  	_ =	shalt  }
0x4b: {  	_ =	shalt  }
0x4c: {  	_ =	shalt  }
0x4d: {  	_ =	shalt  }
0x4e: {  	_ =	shalt  }
0x4f: {  	_ =	shalt  }
0x50: {  	_ =	shalt  }
0x51: {  	_ =	shalt  }
0x52: {  	_ =	shalt  }
0x53: {  	_ =	shalt  }
0x54: {  	_ =	shalt  }
0x55: {  	_ =	shalt  }
0x56: {  	_ =	shalt  }
0x57: {  	_ =	shalt  }
0x58: {  	_ =	shalt  }
0x59: {  	_ =	shalt  }
0x5a: {  	_ =	shalt  }
0x5b: {  	_ =	shalt  }
0x5c: {  	_ =	shalt  }
0x5d: {  	_ =	shalt  }
0x5e: {  	_ =	shalt  }
0x5f: {  	_ =	shalt  }
0x60: {  	_ =	shalt  }
0x61: {  	_ =	shalt  }
0x62: {  	_ =	shalt  }
0x63: {  	_ =	shalt  }
0x64: {  	_ =	shalt  }
0x65: {  	_ =	shalt  }
0x66: {  	_ =	shalt  }
0x67: {  	_ =	shalt  }
0x68: {  	_ =	shalt  }
0x69: {  	_ =	shalt  }
0x6a: {  	_ =	shalt  }
0x6b: {  	_ =	shalt  }
0x6c: {  	_ =	shalt  }
0x6d: {  	_ =	shalt  }
0x6e: {  	_ =	shalt  }
0x6f: {  	_ =	shalt  }
0x70: {  	_ =	shalt  }
0x71: {  	_ =	shalt  }
0x72: {  	_ =	shalt  }
0x73: {  	_ =	shalt  }
0x74: {  	_ =	shalt  }
0x75: {  	_ =	shalt  }
0x76: {  	_ =	shalt  }
0x77: {  	_ =	shalt  }
0x78: {  	_ =	shalt  }
0x79: {  	_ =	shalt  }
0x7a: {  	_ =	shalt  }
0x7b: {  	_ =	shalt  }
0x7c: {  	_ =	shalt  }
0x7d: {  	_ =	shalt  }
0x7e: {  	_ =	shalt  }
0x7f: {  	_ =	shalt  }
0x80: {  	_ =	shalt  }
0x81: {  	_ =	shalt  }
0x82: {  	_ =	shalt  }
0x83: {  	_ =	shalt  }
0x84: {  	_ =	shalt  }
0x85: {  	_ =	shalt  }
0x86: {  	_ =	shalt  }
0x87: {  	_ =	shalt  }
.Lfunc_end0:
.L_simem_size_0:
called_computation.2_lowered:
.L_overlay_start_0:
0x88: {  	s2 =	sld [smem:$0x3FD9]  }
0x89: {  	s3 =	sld [smem:$0x3FFE];
	_ =	sdelay $0x1  }
0x8a: {  	s1 =	srdreg.scid  }
0x8b: {  	s0 =	sand.u32 $0x1, s1  }
0x8c: {  	s17 =	sshll.u32 s0, $0xA;
	s2 =	sadd.s32 s3, s2  }
0x8d: {  	s2 =	sadd.s32 s2, s17  }
0x8e: {  	[smem:$0x3FB4] =	sst s2  }
0x8f: {  	_ = 	snop  }
0x90: {  	s2 =	sld [smem:$0x3FC8];
	(tm) =	ssettm $0x1  }
0x91: {  	s18 =	sld [smem:$0x3FFB];
	_ =	sdelay $0x3  }
0x92: {  	_ =	strace s18  }
0x93: {  	s3 =	sld [smem:$0x3FFC];
	_ =	sdelay $0x3  }
0x94: {  	_ =	strace s3  }
0x95: {  	s3 =	sld [smem:$0x3FFD];
	_ =	sdelay $0x3  }
0x96: {  	_ =	strace s3  }
0x97: {  	_ =	strace $0x8FFFFFFF  }
0x98: {  	s19 =	sld [smem:$0x3FDB];
	_ =	sdelay $0x1  }
0x99: {  	s4 =	simm.s32 $_scs_section_size  }
0x9a: {  	s5 =	simm.s32 $_size__tile_overlayer_lowered;
	s6 =	simm.s32 $_tile_overlayer_lowered  }
0x9b: {  	s22 =	simm.s32 $0x1BFF;
	s21 =	sshll.u32 s6, $0x1;
	s3 =	sadd.s32 s4, s19  }
0x9c: {  	s7 =	simm.s32 $0x0;
	s20 =	sshll.u32 s5, $0x1;
	s5 =	sadd.s32 s21, s3  }
0x9d: {  	[timem:s7], [sflag:s22] =	dma.local [hbm:s5], s20  }
0x9e: {  	_ =	swait.ge [sflag:s22], s20  }
0x9f: {  	s4 =	ssub.s32 $0x0, s20;
	[sflag:s22] =	ssyncset.done $0x0  }
0xa0: {  	[sflag:s22] =	ssyncadd.s32 s4;
	_ =	sdelay $0x1  }
0xa1: {  	s23 =	simm.s32 $0x1B8B  }
0xa2: {  	_ =	swait.ge [sflag:s23], $0x1  }
0xa3: {  	[sflag:s23] =	ssyncset.done $0x0  }
0xa4: {  	s25 =	simm.s32 $0x1B8E;
	s24 =	sld [smem:$0x3FFE];
	[sflag:s23] =	ssyncadd.s32 $0xFFFFFFFF  }
0xa5: {  	s26 =	simm.s32 $execute0_lowered;
	[smem:$0x3FD2] =	sst s25  }
0xa6: {  	s5 =	sshll.u32 s26, $0x1;
	_ =	strace $0x8000004C;
	[dreg:$0x1] =	wrdreg $0xFFFFFFFF  }
0xa7: {  	s28 =	simm.s32 $_size_execute0_lowered;
	s3 =	sadd.s32 s3, s5;
	[dreg:$0x0] =	wrdreg $0x0  }
0xa8: {  	s5 =	sshll.u32 s28, $0x1;
	[dreg:$0x2] =	wrdreg s3  }
0xa9: {  	[dreg:$0x3] =	wrdreg s5  }
0xaa: {  	[dreg:$0x4] =	wrdreg $0xC0  }
0xab: {  	_ =	task [dreg:s7], $0x5FFFF  }
0xac: {  	[dreg:$0x1] =	wrdreg $0xFFFFFFFF  }
0xad: {  	[dreg:$0x0] =	wrdreg $0x60  }
0xae: {  	[dreg:$0x2] =	wrdreg s24  }
0xaf: {  	[dreg:$0x3] =	wrdreg s2  }
0xb0: {  	[dreg:$0x4] =	wrdreg $0x14F000  }
0xb1: {  	[dreg:$0x5] =	wrdreg $0x9  }
0xb2: {  	_ =	task.clear_ibuf [dreg:s7], $0x6FFFF;
	_ =	strace $0x9000004C  }
0xb3: {  	s29 =	simm.s32 $0x9;
	_ =	strace $0x8000004E  }
0xb4: {  	_ =	swait.ge [sflag:s29], $0x1  }
0xb5: {  	[sflag:s29] =	ssyncadd.s32 $0xFFFFFFFF  }
0xb6: {  	_ =	strace $0x9000004E  }
0xb7: {  	_ =	sfence  }
0xb8: {  	s30 =	sld [smem:$0x0];
	_ =	sdelay $0x2  }
0xb9: {  	s31 =	sshll.u32 s1, $0xD;
	s1 =	sshrl.u32 s1, $0x2  }
0xba: {  	s3 =	sand.u32 $0x4000, s31;
	s1 =	sadd.s32 s1, s30  }
0xbb: {  	s0 =	sor.u32 s3, s0;
	s1 =	sshll.u32 s1, $0x11  }
0xbc: {  	s0 =	sor.u32 s1, s0  }
0xbd: {  	s0 =	sadd.s32 $0x8F2B, s0  }
0xbe: {  	[sflag:s0] =	ssyncadd.remote.s32 $0x1  }
0xbf: {  	_ =	sfence.sel $0xFFFF  }
0xc0: {  	[dreg:$0x0] =	wrdreg $0xFFFFFFFF;
	(pc) =	sbr.abs _section_cstart, $3  }
0xc1: {  	[dreg:$0x1] =	wrdreg $0xFFFFFFFF  }
0xc2: {  	_ =	task.clear_ibuf [dreg:s7], $0x2FFFF;
	_ =	strace $0x9FFFFFFF  }
0xc3: {  	(tm) =	ssettm $0x7FFFFFFF  }
tec
execute0_lowered:
.L_overlay_start_1:
0x0: {  	(tag) =	ssettag $0x1  }
0x1: {  	s0 =	rddreg [dreg:$0x0]  }
0x2: {  	s1 =	rddreg [dreg:$0x1]  }
0x3: {  	s2 =	rddreg [dreg:$0x2];
	s3 =	srdreg.scid  }
0x4: {  	s4 =	simm.s32 $0x0;
	s5 =	stileid.u32;
	s14 =	simm.s32 $0x80  }
0x5: {  	s15 =	simm.s32 $0x4F00;
	s17 =	simm.s32 $0x6F00;
	s19 =	simm.s32 $0x8F00  }
0x6: {  	s21 =	simm.s32 $0xAF00;
	s29 =	simm.s32 $0x1;
	s30 =	simm.s32 $0x2  }
0x7: {  	s31 =	simm.s32 $0x0;
	s3 =	sand.u32 $0x1, s3;
	[smem:$0x7FF] =	sst s4  }
0x8: {  	s9 =	smul.u32 $0xA000, s5;
	s4 =	sadd.s32 $0x5600, s0;
	s7 =	sadd.s32 $0x19000, s0  }
0x9: {  	s28 =	sshll.u32 s5, $0x6;
	s23 =	sshll.u32 s3, $0x4;
	_ =	strace $0x8000004D  }
0xa: {  	s6 =	smul.u32 $0xA0000, s3;
	[dreg:$0x4] =	wrdreg s7;
	s3 =	ssub.s32 $0x2, s3  }
0xb: {  	s12 =	sor.u32 $0x1C03, s28;
	s11 =	sor.u32 s5, s23;
	s10 =	sshrl.u32 s3, $0x1  }
0xc: {  	s25 =	sadd.s32 s9, s2;
	s23 =	simm.s32 $0xCF00;
	s24 =	smul.u32 $0x4E, s11  }
0xd: {  	s6 =	sadd.s32 s9, s6;
	s8 =	smin.u32 s11, $0x4;
	s3 =	ssub.s32 s3, s10  }
0xe: {  	p0 =	slt.u32 s11, $0x4;
	s13 =	sshrl.u32 s25, $0x3;
	s25 =	simm.s32 $0xEF00  }
0xf: {  	s6 =	sshrl.u32 s6, $0x3;
	s26 =	smax.u32 s3, $0x1;
	s7 =	sadd.s32 s8, s24  }
0x10: {  	s0 =	sadd.s32 s6, s0;
	s6 =	simm.s32 $0x4F;
	s7 =	sshll.u32 s7, $0x5  }
0x11: {  	[dreg:$0x7] =	wrdreg s26;
	s0 =	sadd.s32 $0x1A400, s0;
	s7 =	sadd.s32 s1, s7  }
0x12: {  	s6 =	simm.s32 @!p0 $0x4E;
	[dreg:$0x6] =	wrdreg s0;
	s1 =	sadd.s32 $0x9C0, s7  }
0x13: {  	p0 =	sgt.u32 s11, $0x3;
	s11 =	simm.s32 $0x3;
	[dreg:$0x5] =	wrdreg s1  }
.LBB2_1:
0x14: {  	s3 =	simm.s32 $0x0  }
0x15: {  	[tilespmem:s3], [sflag:$0x3] =	stream.linear.gather [hbm4b:s7+s3], $0x4E00, $0x38;
	[tilespmem:$0x1EF00] =	vst v63  }
0x16: {  	_ =	swait.ge [sflag:s11], $0x4E00  }
0x17: {  	s0 =	simm.s32 @!p0 $0x0;
	[sflag:s11] =	ssyncset.done $0x0  }
0x18: {  	s1 =	simm.s32 @!p0 $0x4E00;
	s5 =	rddreg [dreg:$0x5];
	[sflag:s11] =	ssyncadd.s32 $0xFFFFB200  }
0x19: {  	[tilespmem:s1], [sflag:$0x3] =	stream.linear.gather @!p0 [hbm4b:s5+s0], $0x100, $0x38;
	[tilespmem:$0x1EF00] =	vst v63  }
0x1a: {  	s0 =	simm.s32 @!p0 $0x3  }
0x1b: {  	_ =	swait.ge @!p0 [sflag:s0], $0x100  }
0x1c: {  	[sflag:s0] =	ssyncset.done @!p0 $0x0  }
0x1d: {  	s22 =	rddreg [dreg:$0x4];
	[sflag:s0] =	ssyncadd.s32 @!p0 $0xFFFFFF00  }
0x1e: {  	[spmem:s13], [sflag:s12] =	dma.local [hbm:s22], $0x1400  }
0x1f: {  	_ =	swait.ge [sflag:s11], $0x1400  }
0x20: {  	[sflag:s11] =	ssyncset.done $0x0  }
0x21: {  	[sflag:s11] =	ssyncadd.s32 $0xFFFFEC00  }
0x22: {  	[bflag:$0x0] =	sbarrier.arrive $0xFFFF  }
0x23: {  	[tilespmem:s15], [sflag:$0x1] =	stream.indirect.gather [hbm4b:s4+s14], $0x40, s3, s14, $0xb8;
	[tilespmem:$0x1EF00] =	vst v63  }
0x24: {  	s24 =	simm.s32 $0x100  }
0x25: {  	[tilespmem:s17], [sflag:$0x1] =	stream.indirect.gather [hbm4b:s4+s14], $0x40, s24, s14, $0xb8;
	[tilespmem:$0x1EF00] =	vst v63  }
0x26: {  	s26 =	simm.s32 $0x200  }
0x27: {  	[tilespmem:s19], [sflag:$0x1] =	stream.indirect.gather [hbm4b:s4+s14], $0x40, s26, s14, $0xb8;
	[tilespmem:$0x1EF00] =	vst v63  }
0x28: {  	s1 =	simm.s32 $0x300  }
0x29: {  	[tilespmem:s21], [sflag:$0x1] =	stream.indirect.gather [hbm4b:s4+s14], $0x40, s1, s14, $0xb8;
	[tilespmem:$0x1EF00] =	vst v63  }
0x2a: {  	s3 =	simm.s32 $0x400  }
0x2b: {  	[tilespmem:s23], [sflag:$0x1] =	stream.indirect.gather [hbm4b:s4+s14], $0x40, s3, s14, $0xb8;
	[tilespmem:$0x1EF00] =	vst v63  }
0x2c: {  	s5 =	simm.s32 $0x500  }
0x2d: {  	[tilespmem:s25], [sflag:$0x1] =	stream.indirect.gather [hbm4b:s4+s14], $0x40, s5, s14, $0xb8;
	[tilespmem:$0x1EF00] =	vst v63  }
0x2e: {  	s8 =	simm.s32 $0x600;
	s9 =	simm.s32 $0x10F00  }
0x2f: {  	[tilespmem:s9], [sflag:$0x1] =	stream.indirect.gather [hbm4b:s4+s14], $0x40, s8, s14, $0xb8;
	[tilespmem:$0x1EF00] =	vst v63  }
0x30: {  	_ =	swait.ge [sflag:s29], $0x2000  }
0x31: {  	p2 =	por $0x1, $0x1;
	[sflag:s29] =	ssyncset.done $0x0  }
0x32: {  	s10 =	simm.s32 $0x80;
	s16 =	simm.s32 @!p2 $0x2;
	[sflag:s29] =	ssyncadd.s32 $0xFFFFE000  }
0x33: {  	[spmem:s2] =	stream.indirect.scatter.add.f32 [tilespmem:s15], [sflag:$0x2], $0x40, s10, s14, $0xb8;
	[tilespmem:$0x1EF00] =	vst v63  }
0x34: {  	p1 =	sle.u32 s6, $0x7;
	_ =	swait.ge @!p2 [sflag:s16], $0x2000  }
0x35: {  	s0 =	simm.s32 @!p1 $0x700;
	[sflag:s16] =	ssyncset.done @!p2 $0x0  }
0x36: {  	s1 =	simm.s32 @!p1 $0x12F00;
	s3 =	simm.s32 @!p1 $0x80;
	[sflag:s16] =	ssyncadd.s32 @!p2 $0xFFFFE000  }
0x37: {  	[tilespmem:s1], [sflag:$0x1] =	stream.indirect.gather @!p1 [hbm4b:s4+s3], $0x40, s0, s3, $0xb8;
	[tilespmem:$0x1EF00] =	vst v63  }
0x38: {  	_ =	swait.ge [sflag:s29], $0x2000  }
0x39: {  	[sflag:s29] =	ssyncset.done $0x0  }
0x3a: {  	s18 =	simm.s32 $0x180;
	[sflag:s29] =	ssyncadd.s32 $0xFFFFE000  }
0x3b: {  	[spmem:s2] =	stream.indirect.scatter.add.f32 [tilespmem:s17], [sflag:$0x2], $0x40, s18, s14, $0xb8;
	[tilespmem:$0x1EF00] =	vst v63  }
0x3c: {  	p2 =	sle.u32 s6, $0x8;
	_ =	swait.ge [sflag:s30], $0x2000  }
0x3d: {  	s0 =	simm.s32 @!p2 $0x4F00;
	[sflag:s30] =	ssyncset.done $0x0  }
0x3e: {  	s16 =	simm.s32 @!p2 $0x800;
	s18 =	simm.s32 @!p2 $0x80;
	[sflag:s30] =	ssyncadd.s32 $0xFFFFE000  }
0x3f: {  	[tilespmem:s0], [sflag:$0x1] =	stream.indirect.gather @!p2 [hbm4b:s4+s18], $0x40, s16, s18, $0xb8;
	[tilespmem:$0x1EF00] =	vst v63  }
0x40: {  	_ =	swait.ge [sflag:s29], $0x2000  }
0x41: {  	[sflag:s29] =	ssyncset.done $0x0  }
0x42: {  	s20 =	simm.s32 $0x280;
	[sflag:s29] =	ssyncadd.s32 $0xFFFFE000  }
0x43: {  	[spmem:s2] =	stream.indirect.scatter.add.f32 [tilespmem:s19], [sflag:$0x2], $0x40, s20, s14, $0xb8;
	[tilespmem:$0x1EF00] =	vst v63  }
0x44: {  	p2 =	sle.u32 s6, $0x9;
	_ =	swait.ge [sflag:s30], $0x2000  }
0x45: {  	s0 =	simm.s32 @!p2 $0x6F00;
	[sflag:s30] =	ssyncset.done $0x0  }
0x46: {  	s16 =	simm.s32 @!p2 $0x900;
	s18 =	simm.s32 @!p2 $0x80;
	[sflag:s30] =	ssyncadd.s32 $0xFFFFE000  }
0x47: {  	[tilespmem:s0], [sflag:$0x1] =	stream.indirect.gather @!p2 [hbm4b:s4+s18], $0x40, s16, s18, $0xb8;
	[tilespmem:$0x1EF00] =	vst v63  }
0x48: {  	_ =	swait.ge [sflag:s29], $0x2000  }
0x49: {  	[sflag:s29] =	ssyncset.done $0x0  }
0x4a: {  	s22 =	simm.s32 $0x380;
	[sflag:s29] =	ssyncadd.s32 $0xFFFFE000  }
0x4b: {  	[spmem:s2] =	stream.indirect.scatter.add.f32 [tilespmem:s21], [sflag:$0x2], $0x40, s22, s14, $0xb8;
	[tilespmem:$0x1EF00] =	vst v63  }
0x4c: {  	p2 =	sle.u32 s6, $0xA;
	_ =	swait.ge [sflag:s30], $0x2000  }
0x4d: {  	s0 =	simm.s32 @!p2 $0x8F00;
	[sflag:s30] =	ssyncset.done $0x0  }
0x4e: {  	s16 =	simm.s32 @!p2 $0xA00;
	s18 =	simm.s32 @!p2 $0x80;
	[sflag:s30] =	ssyncadd.s32 $0xFFFFE000  }
0x4f: {  	[tilespmem:s0], [sflag:$0x1] =	stream.indirect.gather @!p2 [hbm4b:s4+s18], $0x40, s16, s18, $0xb8;
	[tilespmem:$0x1EF00] =	vst v63  }
0x50: {  	_ =	swait.ge [sflag:s29], $0x2000  }
0x51: {  	[sflag:s29] =	ssyncset.done $0x0  }
0x52: {  	s24 =	simm.s32 $0x480;
	[sflag:s29] =	ssyncadd.s32 $0xFFFFE000  }
0x53: {  	[spmem:s2] =	stream.indirect.scatter.add.f32 [tilespmem:s23], [sflag:$0x2], $0x40, s24, s14, $0xb8;
	[tilespmem:$0x1EF00] =	vst v63  }
0x54: {  	p2 =	sle.u32 s6, $0xB;
	_ =	swait.ge [sflag:s30], $0x2000  }
0x55: {  	s0 =	simm.s32 @!p2 $0xAF00;
	[sflag:s30] =	ssyncset.done $0x0  }
0x56: {  	s16 =	simm.s32 @!p2 $0xB00;
	s18 =	simm.s32 @!p2 $0x80;
	[sflag:s30] =	ssyncadd.s32 $0xFFFFE000  }
0x57: {  	[tilespmem:s0], [sflag:$0x1] =	stream.indirect.gather @!p2 [hbm4b:s4+s18], $0x40, s16, s18, $0xb8;
	[tilespmem:$0x1EF00] =	vst v63  }
0x58: {  	_ =	swait.ge [sflag:s29], $0x2000  }
0x59: {  	[sflag:s29] =	ssyncset.done $0x0  }
0x5a: {  	p3 =	sle.u32 s6, $0xC;
	s26 =	simm.s32 $0x580;
	[sflag:s29] =	ssyncadd.s32 $0xFFFFE000  }
0x5b: {  	[spmem:s2] =	stream.indirect.scatter.add.f32 [tilespmem:s25], [sflag:$0x2], $0x40, s26, s14, $0xb8;
	[tilespmem:$0x1EF00] =	vst v63  }
0x5c: {  	s0 =	simm.s32 @!p3 $0x80;
	_ =	swait.ge [sflag:s30], $0x2000  }
0x5d: {  	p2 =	sle.u32 s6, $0x6;
	s16 =	simm.s32 @!p3 $0xC00;
	[sflag:s30] =	ssyncset.done $0x0  }
0x5e: {  	s18 =	simm.s32 @!p3 $0xCF00;
	s20 =	simm.s32 @!p2 $0x1;
	[sflag:s30] =	ssyncadd.s32 $0xFFFFE000  }
0x5f: {  	[tilespmem:s18], [sflag:$0x1] =	stream.indirect.gather @!p3 [hbm4b:s4+s0], $0x40, s16, s0, $0xb8;
	[tilespmem:$0x1EF00] =	vst v63  }
0x60: {  	s0 =	simm.s32 @!p2 $0x680;
	_ =	swait.ge @!p2 [sflag:s20], $0x2000  }
0x61: {  	s16 =	simm.s32 @!p2 $0x80;
	s18 =	simm.s32 @!p2 $0x10F00;
	[sflag:s20] =	ssyncset.done @!p2 $0x0  }
0x62: {  	p3 =	sle.u32 @!p2 s6, $0xD;
	[sflag:s20] =	ssyncadd.s32 @!p2 $0xFFFFE000;
	s20 =	simm.s32 @!p2 $0x2  }
0x63: {  	[spmem:s2] =	stream.indirect.scatter.add.f32 @!p2 [tilespmem:s18], [sflag:$0x2], $0x40, s0, s16, $0xb8;
	[tilespmem:$0x1EF00] =	vst v63  }
0x64: {  	p3 =	por p3, p2;
	_ =	swait.ge @!p2 [sflag:s20], $0x2000  }
0x65: {  	s16 =	simm.s32 @!p1 $0x1;
	s0 =	simm.s32 @!p3 $0x80;
	[sflag:s20] =	ssyncset.done @!p2 $0x0  }
0x66: {  	s18 =	simm.s32 @!p3 $0xD00;
	[sflag:s20] =	ssyncadd.s32 @!p2 $0xFFFFE000;
	s20 =	simm.s32 @!p3 $0xEF00  }
0x67: {  	[tilespmem:s20], [sflag:$0x1] =	stream.indirect.gather @!p3 [hbm4b:s4+s0], $0x40, s18, s0, $0xb8;
	[tilespmem:$0x1EF00] =	vst v63  }
0x68: {  	_ =	swait.ge @!p1 [sflag:s16], $0x2000  }
0x69: {  	p2 =	sle.u32 @!p1 s6, $0xE;
	s0 =	simm.s32 $0xE;
	[sflag:s16] =	ssyncset.done @!p1 $0x0  }
0x6a: {  	s18 =	simm.s32 @!p1 $0x780;
	p3 =	por p2, p1;
	[sflag:s16] =	ssyncadd.s32 @!p1 $0xFFFFE000  }
0x6b: {  	[spmem:s2] =	stream.indirect.scatter.add.f32 @!p1 [tilespmem:s1], [sflag:$0x2], $0x40, s18, s3, $0xb8;
	[tilespmem:$0x1EF00] =	vst v63  }
0x6c: {  	s24 =	simm.s32 @!p3 $0x80;
	s28 =	simm.s32 @!p3 $0x10F00;
	s3 =	simm.s32 @!p1 $0x2  }
0x6d: {  	s1 =	simm.s32 $0x2000;
	s18 =	simm.s32 @!p3 $0xE00;
	_ =	swait.ge @!p1 [sflag:s3], $0x2000  }
.LBB2_2:
0x6e: {  	[sflag:s3] =	ssyncset.done @!p1 $0x0  }
0x6f: {  	s0 =	sadd.s32 $0x8, s0;
	s16 =	smov.u32 s1;
	s1 =	sadd.s32 $0x2000, s1  }
0x70: {  	p2 =	sne.s32 s1, $0x14000;
	[sflag:s3] =	ssyncadd.s32 @!p1 $0xFFFFE000  }
0x71: {  	[tilespmem:s28], [sflag:$0x1] =	stream.indirect.gather @!p3 [hbm4b:s4+s24], $0x40, s18, s24, $0xb8;
	[tilespmem:$0x1EF00] =	vst v63  }
0x72: {  	s3 =	sshra.s32 s16, $0x2;
	s18 =	sadd.s32 $0xFFFFFFF9, s0;
	_ =	swait.ge [sflag:s29], $0x2000  }
0x73: {  	s20 =	sadd.s32 $0x80, s3;
	p3 =	seq.s32 s16, $0x0;
	[sflag:s29] =	ssyncset.done $0x0  }
0x74: {  	s24 =	simm.s32 @!p3 $0x2;
	p1 =	sge.u32 s18, s6;
	[sflag:s29] =	ssyncadd.s32 $0xFFFFE000  }
0x75: {  	[spmem:s2] =	stream.indirect.scatter.add.f32 [tilespmem:s15], [sflag:$0x2], $0x40, s20, s14, $0xb8;
	[tilespmem:$0x1EF00] =	vst v63  }
0x76: {  	s18 =	sshra.s32 @!p1 s16, $0x2;
	s20 =	simm.s32 @!p1 $0x12F00;
	_ =	swait.ge @!p3 [sflag:s24], $0x2000  }
0x77: {  	s22 =	simm.s32 @!p1 $0x80;
	s28 =	sadd.s32 @!p1 $0x700, s18;
	[sflag:s24] =	ssyncset.done @!p3 $0x0  }
0x78: {  	s26 =	sadd.s32 @!p1 $0x780, s18;
	[sflag:s24] =	ssyncadd.s32 @!p3 $0xFFFFE000;
	p3 =	sge.u32 @!p1 s0, s6  }
0x79: {  	[tilespmem:s20], [sflag:$0x1] =	stream.indirect.gather @!p1 [hbm4b:s4+s22], $0x40, s28, s22, $0xb8;
	[tilespmem:$0x1EF00] =	vst v63  }
0x7a: {  	p3 =	por p3, p1;
	_ =	swait.ge [sflag:s29], $0x2000  }
0x7b: {  	s24 =	sadd.s32 $0x180, s3;
	s18 =	sshra.s32 @!p3 s16, $0x2;
	[sflag:s29] =	ssyncset.done $0x0  }
0x7c: {  	s28 =	sadd.s32 $0xFFFFFFFA, s0;
	s18 =	sadd.s32 @!p3 $0xE00, s18;
	[sflag:s29] =	ssyncadd.s32 $0xFFFFE000  }
0x7d: {  	[spmem:s2] =	stream.indirect.scatter.add.f32 [tilespmem:s17], [sflag:$0x2], $0x40, s24, s14, $0xb8;
	[tilespmem:$0x1EF00] =	vst v63  }
0x7e: {  	p4 =	sge.u32 s28, s6;
	s24 =	simm.s32 @!p3 $0x80;
	_ =	swait.ge [sflag:s30], $0x2000  }
0x7f: {  	s28 =	sshra.s32 @!p4 s16, $0x2;
	s5 =	simm.s32 @!p4 $0x4F00;
	[sflag:s30] =	ssyncset.done $0x0  }
0x80: {  	s8 =	simm.s32 @!p4 $0x80;
	s28 =	sadd.s32 @!p4 $0x800, s28;
	[sflag:s30] =	ssyncadd.s32 $0xFFFFE000  }
0x81: {  	[tilespmem:s5], [sflag:$0x1] =	stream.indirect.gather @!p4 [hbm4b:s4+s8], $0x40, s28, s8, $0xb8;
	[tilespmem:$0x1EF00] =	vst v63  }
0x82: {  	s28 =	simm.s32 @!p3 $0x10F00;
	_ =	swait.ge [sflag:s29], $0x2000  }
0x83: {  	s5 =	sadd.s32 $0x280, s3;
	[sflag:s29] =	ssyncset.done $0x0  }
0x84: {  	s8 =	sadd.s32 $0xFFFFFFFB, s0;
	[sflag:s29] =	ssyncadd.s32 $0xFFFFE000  }
0x85: {  	[spmem:s2] =	stream.indirect.scatter.add.f32 [tilespmem:s19], [sflag:$0x2], $0x40, s5, s14, $0xb8;
	[tilespmem:$0x1EF00] =	vst v63  }
0x86: {  	p4 =	sge.u32 s8, s6;
	_ =	swait.ge [sflag:s30], $0x2000  }
0x87: {  	s8 =	simm.s32 @!p4 $0x6F00;
	s5 =	sshra.s32 @!p4 s16, $0x2;
	[sflag:s30] =	ssyncset.done $0x0  }
0x88: {  	s9 =	simm.s32 @!p4 $0x80;
	s5 =	sadd.s32 @!p4 $0x900, s5;
	[sflag:s30] =	ssyncadd.s32 $0xFFFFE000  }
0x89: {  	[tilespmem:s8], [sflag:$0x1] =	stream.indirect.gather @!p4 [hbm4b:s4+s9], $0x40, s5, s9, $0xb8;
	[tilespmem:$0x1EF00] =	vst v63  }
0x8a: {  	_ =	swait.ge [sflag:s29], $0x2000  }
0x8b: {  	s5 =	sadd.s32 $0x380, s3;
	[sflag:s29] =	ssyncset.done $0x0  }
0x8c: {  	s8 =	sadd.s32 $0xFFFFFFFC, s0;
	[sflag:s29] =	ssyncadd.s32 $0xFFFFE000  }
0x8d: {  	[spmem:s2] =	stream.indirect.scatter.add.f32 [tilespmem:s21], [sflag:$0x2], $0x40, s5, s14, $0xb8;
	[tilespmem:$0x1EF00] =	vst v63  }
0x8e: {  	p4 =	sge.u32 s8, s6;
	_ =	swait.ge [sflag:s30], $0x2000  }
0x8f: {  	s8 =	simm.s32 @!p4 $0x8F00;
	s5 =	sshra.s32 @!p4 s16, $0x2;
	[sflag:s30] =	ssyncset.done $0x0  }
0x90: {  	s9 =	simm.s32 @!p4 $0x80;
	s5 =	sadd.s32 @!p4 $0xA00, s5;
	[sflag:s30] =	ssyncadd.s32 $0xFFFFE000  }
0x91: {  	[tilespmem:s8], [sflag:$0x1] =	stream.indirect.gather @!p4 [hbm4b:s4+s9], $0x40, s5, s9, $0xb8;
	[tilespmem:$0x1EF00] =	vst v63  }
0x92: {  	_ =	swait.ge [sflag:s29], $0x2000  }
0x93: {  	s5 =	sadd.s32 $0x480, s3;
	[sflag:s29] =	ssyncset.done $0x0  }
0x94: {  	s8 =	sadd.s32 $0xFFFFFFFD, s0;
	[sflag:s29] =	ssyncadd.s32 $0xFFFFE000  }
0x95: {  	[spmem:s2] =	stream.indirect.scatter.add.f32 [tilespmem:s23], [sflag:$0x2], $0x40, s5, s14, $0xb8;
	[tilespmem:$0x1EF00] =	vst v63  }
0x96: {  	p4 =	sge.u32 s8, s6;
	_ =	swait.ge [sflag:s30], $0x2000  }
0x97: {  	s8 =	simm.s32 @!p4 $0xAF00;
	s5 =	sshra.s32 @!p4 s16, $0x2;
	[sflag:s30] =	ssyncset.done $0x0  }
0x98: {  	s9 =	simm.s32 @!p4 $0x80;
	s5 =	sadd.s32 @!p4 $0xB00, s5;
	[sflag:s30] =	ssyncadd.s32 $0xFFFFE000  }
0x99: {  	[tilespmem:s8], [sflag:$0x1] =	stream.indirect.gather @!p4 [hbm4b:s4+s9], $0x40, s5, s9, $0xb8;
	[tilespmem:$0x1EF00] =	vst v63  }
0x9a: {  	_ =	swait.ge [sflag:s29], $0x2000  }
0x9b: {  	s3 =	sadd.s32 $0x580, s3;
	[sflag:s29] =	ssyncset.done $0x0  }
0x9c: {  	s5 =	sadd.s32 $0xFFFFFFFE, s0;
	[sflag:s29] =	ssyncadd.s32 $0xFFFFE000  }
0x9d: {  	[spmem:s2] =	stream.indirect.scatter.add.f32 [tilespmem:s25], [sflag:$0x2], $0x40, s3, s14, $0xb8;
	[tilespmem:$0x1EF00] =	vst v63  }
0x9e: {  	p5 =	sge.u32 s5, s6;
	s3 =	sadd.s32 $0xFFFFFFF8, s0;
	_ =	swait.ge [sflag:s30], $0x2000  }
0x9f: {  	s5 =	sshra.s32 @!p5 s16, $0x2;
	s8 =	simm.s32 @!p5 $0x80;
	[sflag:s30] =	ssyncset.done $0x0  }
0xa0: {  	s5 =	sadd.s32 @!p5 $0xC00, s5;
	p4 =	sge.u32 s3, s6;
	[sflag:s30] =	ssyncadd.s32 $0xFFFFE000  }
0xa1: {  	s3 =	simm.s32 @!p5 $0xCF00;
	s9 =	simm.s32 @!p4 $0x1;
	s10 =	sshra.s32 @!p4 s16, $0x2  }
0xa2: {  	[tilespmem:s3], [sflag:$0x1] =	stream.indirect.gather @!p5 [hbm4b:s4+s8], $0x40, s5, s8, $0xb8;
	[tilespmem:$0x1EF00] =	vst v63  }
0xa3: {  	s3 =	sadd.s32 @!p4 $0x680, s10;
	s5 =	sadd.s32 @!p4 $0xFFFFFFFF, s0;
	_ =	swait.ge @!p4 [sflag:s9], $0x2000  }
0xa4: {  	s8 =	simm.s32 @!p4 $0x80;
	s10 =	simm.s32 @!p4 $0x10F00;
	[sflag:s9] =	ssyncset.done @!p4 $0x0  }
0xa5: {  	p5 =	sge.u32 @!p4 s5, s6;
	[sflag:s9] =	ssyncadd.s32 @!p4 $0xFFFFE000;
	s9 =	simm.s32 @!p4 $0x2  }
0xa6: {  	[spmem:s2] =	stream.indirect.scatter.add.f32 @!p4 [tilespmem:s10], [sflag:$0x2], $0x40, s3, s8, $0xb8;
	[tilespmem:$0x1EF00] =	vst v63  }
0xa7: {  	p5 =	por p5, p4;
	s3 =	simm.s32 @!p1 $0x1;
	_ =	swait.ge @!p4 [sflag:s9], $0x2000  }
0xa8: {  	s5 =	sshra.s32 @!p5 s16, $0x2;
	s8 =	simm.s32 @!p5 $0x80;
	[sflag:s9] =	ssyncset.done @!p4 $0x0  }
0xa9: {  	s5 =	sadd.s32 @!p5 $0xD00, s5;
	[sflag:s9] =	ssyncadd.s32 @!p4 $0xFFFFE000;
	s9 =	simm.s32 @!p5 $0xEF00  }
0xaa: {  	[tilespmem:s9], [sflag:$0x1] =	stream.indirect.gather @!p5 [hbm4b:s4+s8], $0x40, s5, s8, $0xb8;
	[tilespmem:$0x1EF00] =	vst v63  }
.Ltmp0:
0xab: {  	_ =	swait.ge @!p1 [sflag:s3], $0x2000;
	(pc) =	sbr.rel @p2 .LBB2_2-.Ltmp0, $4  }
0xac: {  	[sflag:s3] =	ssyncset.done @!p1 $0x0  }
0xad: {  	[sflag:s3] =	ssyncadd.s32 @!p1 $0xFFFFE000;
	s3 =	simm.s32 @!p1 $0x2  }
0xae: {  	[spmem:s2] =	stream.indirect.scatter.add.f32 @!p1 [tilespmem:s20], [sflag:$0x2], $0x40, s26, s22, $0xb8;
	[tilespmem:$0x1EF00] =	vst v63  }
0xaf: {  	_ =	swait.ge @!p1 [sflag:s3], $0x2000  }
0xb0: {  	[sflag:s3] =	ssyncset.done @!p1 $0x0  }
0xb1: {  	[sflag:s3] =	ssyncadd.s32 @!p1 $0xFFFFE000  }
0xb2: {  	[tilespmem:s28], [sflag:$0x1] =	stream.indirect.gather @!p3 [hbm4b:s4+s24], $0x40, s18, s24, $0xb8;
	[tilespmem:$0x1EF00] =	vst v63  }
0xb3: {  	_ =	swait.ge [sflag:s30], $0x2000  }
0xb4: {  	[sflag:s30] =	ssyncset.done $0x0  }
0xb5: {  	[sflag:s30] =	ssyncadd.s32 $0xFFFFE000  }
0xb6: {  	[bflag:$0x0] =	sbarrier.arrive $0xFFFF  }
0xb7: {  	s0 =	rddreg [dreg:$0x6]  }
0xb8: {  	[hbm:s0], [sflag:s12] =	dma.local [spmem:s13], $0x1400  }
0xb9: {  	_ =	swait.ge [sflag:s11], $0x1400  }
0xba: {  	s31 =	sadd.s32 $0x1, s31;
	s28 =	rddreg [dreg:$0x7]  }
0xbb: {  	p1 =	sne.s32 s31, s28  }
.Ltmp1:
0xbc: {  	_ = 	snop;
	(pc) =	sbr.rel @p1 .LBB2_1-.Ltmp1, $3  }
0xbd: {  	_ =	sdelay $0x1  }
0xbe: {  	[sflag:s11] =	ssyncset.done $0x0  }
0xbf: {  	[sflag:s11] =	ssyncadd.s32 $0xFFFFEC00  }
0xc0: {  	_ =	sfence.sel $0x180000  }
0xc1: {  	[bflag:$0x0] =	sbarrier.arrive $0xFFFF  }
0xc2: {  	_ =	strace $0x9000004D  }
0xc3: {  	s0 =	stileid.u32;
	[bflag:$0x2] =	sbarrier.arrive $0xFFFF  }
0xc4: {  	p0 =	sne.s32 s0, $0x0;
	s0 =	rddreg [dreg:$0x3]  }
0xc5: {  	s0 =	sadd.s32 @!p0 $0x100000, s0  }
0xc6: {  	[sflag:s0] =	ssyncadd.tile.s32 @!p0 $0x1;
	_ =	shalt  }
.Lfunc_end2:
_tile_overlayer_lowered:
.L_overlay_start_2:
0xc7: {  	(tag) =	ssettag $0x2  }
0xc8: {  	s0 =	rddreg [dreg:$0x0];
	s2 =	stileid.u32  }
0xc9: {  	s1 =	rddreg [dreg:$0x1];
	p0 =	sne.s32 s2, $0x0  }
0xca: {  	s3 =	rddreg [dreg:$0x2];
	[bflag:$0x3] =	sbarrier.arrive $0xFFFF;
	s2 =	simm.s32 @!p0 $0x1C03  }
0xcb: {  	[timem:s3], [sflag:s2] =	dma.local @!p0 [hbm:s0], s1  }
0xcc: {  	s0 =	simm.s32 @!p0 $0x3  }
0xcd: {  	_ =	swait.ge @!p0 [sflag:s0], s1  }
0xce: {  	s1 =	ssub.s32 @!p0 $0x0, s1;
	[sflag:s0] =	ssyncset.done @!p0 $0x0  }
0xcf: {  	[sflag:s0] =	ssyncadd.s32 @!p0 s1  }
0xd0: {  	[bflag:$0x3] =	sbarrier.arrive $0xFFFF  }
0xd1: {  	_ =	shalt  }

// kernel: kernel.21.cloned.1.call-start
scs
__scs_entry_jumppad:
0x0: {  	(pc) =	sbr.rel $0x88, $3  }
0x1: {  	(tag) =	ssettag $0x0;
	lr =	simm.s32 $0x1  }
0x2: {  	[smem:$0x3F8D] =	sst lr;
	_ =	strace $0xD0000000  }
0x3: {  	_ = 	snop  }
0x4: {  	_ = 	snop  }
0x5: {  	_ = 	snop  }
0x6: {  	_ = 	snop  }
0x7: {  	_ = 	snop  }
__scs_overlays_trampoline_lowered:
0x8: {  	[smem:$0x3F9C] =	sst s0  }
0x9: {  	[smem:$0x3F9D] =	sst s1  }
0xa: {  	[smem:$0x3F9E] =	sst s2  }
0xb: {  	[smem:$0x3F9F] =	sst s3  }
0xc: {  	[smem:$0x3FA0] =	sst s4  }
0xd: {  	[smem:$0x3FA1] =	sst s5  }
0xe: {  	[smem:$0x3FA2] =	sst s6  }
0xf: {  	[smem:$0x3FA3] =	sst s7  }
0x10: {  	[smem:$0x3FA4] =	sst s8  }
0x11: {  	[smem:$0x3FA5] =	sst s9;
	s0 =	simm.s32 @!p0 $0x0  }
0x12: {  	s1 =	sld [smem:$0x3F8B];
	s0 =	simm.s32 @p0 $0x1  }
0x13: {  	[smem:$0x3FA6] =	sst s0;
	s0 =	simm.s32 @!p1 $0x0  }
0x14: {  	s2 =	sld [smem:$0x3F8A];
	s0 =	simm.s32 @p1 $0x1  }
0x15: {  	[smem:$0x3FA7] =	sst s0;
	s0 =	simm.s32 @!p2 $0x0  }
0x16: {  	s3 =	sld [smem:$0x3FDB];
	s0 =	simm.s32 @p2 $0x1  }
0x17: {  	s4 =	simm.s32 $0x1BF5;
	[smem:$0x3FA9] =	sst s0  }
0x18: {  	s0 =	sld [smem:$0x3F8C];
	_ =	swait.ge [sflag:s4], $0x0  }
0x19: {  	s7 =	sld [smem:$0x3F8D]  }
0x1a: {  	s8 =	sadd.s32 $0xFFFFE003, lr  }
0x1b: {  	s9 =	sadd.s32 $0xFFFFFEF7, lr;
	s5 =	simm.s32 $0xFFFFFFFF;
	p2 =	slt.u32 s8, $0xFFFFF086  }
0x1c: {  	p1 =	slt.u32 s9, $0xF7A;
	s5 =	simm.s32 @!p2 $0x0  }
0x1d: {  	s5 =	simm.s32 @p1 $0x1;
	p0 =	seq.s32 s7, s2  }
0x1e: {  	s7 =	smul.u32 @!p0 $0xF7A, s2;
	p2 =	seq.s32 @!p0 s5, $0x0  }
0x1f: {  	s9 =	smul.u32 $0xF7A, s1;
	s8 =	simm.s32 @!p0 $0x1BF5;
	p2 =	por !p2, p0  }
0x20: {  	[sflag:s8] =	ssyncset.s32 @!p0 $0xFFFFF086;
	s6 =	sadd.s32 @!p0 s3, s7;
	s7 =	simm.s32 @!p0 $0x108  }
0x21: {  	s3 =	sadd.s32 s3, s9;
	s6 =	sadd.s32 @!p0 $0x88, s6;
	s7 =	simm.s32 @p2 $0x1082  }
0x22: {  	[simem:s7], [sflag:s8] =	dma.local @!p0 [hbm:s6], $0xF7A  }
0x23: {  	s9 =	sor.u32 $0xD0000000, s2;
	s6 =	simm.s32 $0x108;
	_ =	swait.ge @!p0 [sflag:s8], $0x0  }
0x24: {  	s3 =	sadd.s32 $0x88, s3;
	s6 =	simm.s32 @!p1 $0x1082;
	[sflag:s4] =	ssyncset.s32 $0xFFFFF086  }
0x25: {  	[simem:s6], [sflag:s4] =	dma.local [hbm:s3], $0xF7A  }
0x26: {  	[smem:$0x3F8D] =	sst s1;
	(tag) =	ssettag s2;
	_ =	strace s9  }
0x27: {  	s1 =	sld [smem:$0x3F9D]  }
0x28: {  	s2 =	sld [smem:$0x3F9E]  }
0x29: {  	s4 =	sld [smem:$0x3FA0]  }
0x2a: {  	p0 =	seq.s32 s5, $0x0;
	s5 =	sld [smem:$0x3FA1]  }
0x2b: {  	s6 =	sld [smem:$0x3FA2]  }
0x2c: {  	s7 =	sld [smem:$0x3FA3]  }
0x2d: {  	s3 =	simm.s32 $0x108;
	s8 =	sld [smem:$0x3FA4]  }
0x2e: {  	s3 =	simm.s32 @!p0 $0x1082;
	s9 =	sld [smem:$0x3FA5]  }
0x2f: {  	lr =	sadd.s32 s0, s3;
	s0 =	sld [smem:$0x3F9C]  }
0x30: {  	s3 =	sld [smem:$0x3F9F]  }
0x31: {  	[smem:$0x3FA8] =	sst s10  }
0x32: {  	s10 =	sld [smem:$0x3FA6];
	_ =	sdelay $0x3  }
0x33: {  	p0 =	seq.s32 s10, $0x1;
	s10 =	sld [smem:$0x3FA8];
	_ =	sdelay $0x3  }
0x34: {  	[smem:$0x3FA8] =	sst s10  }
0x35: {  	s10 =	sld [smem:$0x3FA7];
	_ =	sdelay $0x3  }
0x36: {  	p1 =	seq.s32 s10, $0x1;
	s10 =	sld [smem:$0x3FA8];
	_ =	sdelay $0x3  }
0x37: {  	[smem:$0x3FA8] =	sst s10  }
0x38: {  	s10 =	sld [smem:$0x3FA9]  }
0x39: {  	_ = 	snop;
	(pc) =	sbr.ind lr, $3  }
0x3a: {  	_ = 	snop  }
0x3b: {  	_ = 	snop  }
0x3c: {  	p2 =	seq.s32 s10, $0x1;
	s10 =	sld [smem:$0x3FA8]  }
0x3d: {  	_ =	shalt  }
0x3e: {  	_ =	shalt  }
0x3f: {  	_ =	shalt  }
0x40: {  	_ =	shalt  }
0x41: {  	_ =	shalt  }
0x42: {  	_ =	shalt  }
0x43: {  	_ =	shalt  }
0x44: {  	_ =	shalt  }
0x45: {  	_ =	shalt  }
0x46: {  	_ =	shalt  }
0x47: {  	_ =	shalt  }
0x48: {  	_ =	shalt  }
0x49: {  	_ =	shalt  }
0x4a: {  	_ =	shalt  }
0x4b: {  	_ =	shalt  }
0x4c: {  	_ =	shalt  }
0x4d: {  	_ =	shalt  }
0x4e: {  	_ =	shalt  }
0x4f: {  	_ =	shalt  }
0x50: {  	_ =	shalt  }
0x51: {  	_ =	shalt  }
0x52: {  	_ =	shalt  }
0x53: {  	_ =	shalt  }
0x54: {  	_ =	shalt  }
0x55: {  	_ =	shalt  }
0x56: {  	_ =	shalt  }
0x57: {  	_ =	shalt  }
0x58: {  	_ =	shalt  }
0x59: {  	_ =	shalt  }
0x5a: {  	_ =	shalt  }
0x5b: {  	_ =	shalt  }
0x5c: {  	_ =	shalt  }
0x5d: {  	_ =	shalt  }
0x5e: {  	_ =	shalt  }
0x5f: {  	_ =	shalt  }
0x60: {  	_ =	shalt  }
0x61: {  	_ =	shalt  }
0x62: {  	_ =	shalt  }
0x63: {  	_ =	shalt  }
0x64: {  	_ =	shalt  }
0x65: {  	_ =	shalt  }
0x66: {  	_ =	shalt  }
0x67: {  	_ =	shalt  }
0x68: {  	_ =	shalt  }
0x69: {  	_ =	shalt  }
0x6a: {  	_ =	shalt  }
0x6b: {  	_ =	shalt  }
0x6c: {  	_ =	shalt  }
0x6d: {  	_ =	shalt  }
0x6e: {  	_ =	shalt  }
0x6f: {  	_ =	shalt  }
0x70: {  	_ =	shalt  }
0x71: {  	_ =	shalt  }
0x72: {  	_ =	shalt  }
0x73: {  	_ =	shalt  }
0x74: {  	_ =	shalt  }
0x75: {  	_ =	shalt  }
0x76: {  	_ =	shalt  }
0x77: {  	_ =	shalt  }
0x78: {  	_ =	shalt  }
0x79: {  	_ =	shalt  }
0x7a: {  	_ =	shalt  }
0x7b: {  	_ =	shalt  }
0x7c: {  	_ =	shalt  }
0x7d: {  	_ =	shalt  }
0x7e: {  	_ =	shalt  }
0x7f: {  	_ =	shalt  }
0x80: {  	_ =	shalt  }
0x81: {  	_ =	shalt  }
0x82: {  	_ =	shalt  }
0x83: {  	_ =	shalt  }
0x84: {  	_ =	shalt  }
0x85: {  	_ =	shalt  }
0x86: {  	_ =	shalt  }
0x87: {  	_ =	shalt  }
.Lfunc_end0:
.L_simem_size_0:
called_computation.3_lowered:
.L_overlay_start_0:
0x88: {  	s2 =	sld [smem:$0x3FD9]  }
0x89: {  	s3 =	sld [smem:$0x3FFE];
	_ =	sdelay $0x1  }
0x8a: {  	s1 =	srdreg.scid  }
0x8b: {  	s0 =	sand.u32 $0x1, s1  }
0x8c: {  	s17 =	sshll.u32 s0, $0xA;
	s2 =	sadd.s32 s3, s2  }
0x8d: {  	s2 =	sadd.s32 s2, s17  }
0x8e: {  	[smem:$0x3FB4] =	sst s2  }
0x8f: {  	_ = 	snop  }
0x90: {  	s2 =	sld [smem:$0x3FC8];
	(tm) =	ssettm $0x1  }
0x91: {  	s18 =	sld [smem:$0x3FFB];
	_ =	sdelay $0x3  }
0x92: {  	_ =	strace s18  }
0x93: {  	s3 =	sld [smem:$0x3FFC];
	_ =	sdelay $0x3  }
0x94: {  	_ =	strace s3  }
0x95: {  	s3 =	sld [smem:$0x3FFD];
	_ =	sdelay $0x3  }
0x96: {  	_ =	strace s3  }
0x97: {  	_ =	strace $0x8FFFFFFF  }
0x98: {  	s19 =	sld [smem:$0x3FDB];
	_ =	sdelay $0x1  }
0x99: {  	s4 =	simm.s32 $_scs_section_size  }
0x9a: {  	s5 =	simm.s32 $_size__tile_overlayer_lowered;
	s6 =	simm.s32 $_tile_overlayer_lowered  }
0x9b: {  	s22 =	simm.s32 $0x1BFF;
	s21 =	sshll.u32 s6, $0x1;
	s3 =	sadd.s32 s4, s19  }
0x9c: {  	s7 =	simm.s32 $0x0;
	s20 =	sshll.u32 s5, $0x1;
	s5 =	sadd.s32 s21, s3  }
0x9d: {  	[timem:s7], [sflag:s22] =	dma.local [hbm:s5], s20  }
0x9e: {  	_ =	swait.ge [sflag:s22], s20  }
0x9f: {  	s4 =	ssub.s32 $0x0, s20;
	[sflag:s22] =	ssyncset.done $0x0  }
0xa0: {  	[sflag:s22] =	ssyncadd.s32 s4;
	_ =	sdelay $0x1  }
0xa1: {  	s23 =	simm.s32 $0x1B8B  }
0xa2: {  	_ =	swait.ge [sflag:s23], $0x1  }
0xa3: {  	[sflag:s23] =	ssyncset.done $0x0  }
0xa4: {  	s25 =	simm.s32 $0x1B8E;
	s24 =	sld [smem:$0x3FFE];
	[sflag:s23] =	ssyncadd.s32 $0xFFFFFFFF  }
0xa5: {  	s26 =	simm.s32 $execute0_lowered;
	[smem:$0x3FD2] =	sst s25  }
0xa6: {  	s5 =	sshll.u32 s26, $0x1;
	_ =	strace $0x8000004F;
	[dreg:$0x1] =	wrdreg $0xFFFFFFFF  }
0xa7: {  	s28 =	simm.s32 $_size_execute0_lowered;
	s3 =	sadd.s32 s3, s5;
	[dreg:$0x0] =	wrdreg $0x0  }
0xa8: {  	s5 =	sshll.u32 s28, $0x1;
	[dreg:$0x2] =	wrdreg s3  }
0xa9: {  	[dreg:$0x3] =	wrdreg s5  }
0xaa: {  	[dreg:$0x4] =	wrdreg $0xC0  }
0xab: {  	_ =	task [dreg:s7], $0x5FFFF  }
0xac: {  	[dreg:$0x1] =	wrdreg $0xFFFFFFFF  }
0xad: {  	[dreg:$0x0] =	wrdreg $0x60  }
0xae: {  	[dreg:$0x2] =	wrdreg s24  }
0xaf: {  	[dreg:$0x3] =	wrdreg s2  }
0xb0: {  	[dreg:$0x4] =	wrdreg $0x14F000  }
0xb1: {  	[dreg:$0x5] =	wrdreg $0x9  }
0xb2: {  	_ =	task.clear_ibuf [dreg:s7], $0x6FFFF;
	_ =	strace $0x9000004F  }
0xb3: {  	s29 =	simm.s32 $0x9;
	_ =	strace $0x80000051  }
0xb4: {  	_ =	swait.ge [sflag:s29], $0x1  }
0xb5: {  	[sflag:s29] =	ssyncadd.s32 $0xFFFFFFFF  }
0xb6: {  	_ =	strace $0x90000051  }
0xb7: {  	_ =	sfence  }
0xb8: {  	s30 =	sld [smem:$0x0];
	_ =	sdelay $0x2  }
0xb9: {  	s31 =	sshll.u32 s1, $0xD;
	s1 =	sshrl.u32 s1, $0x2  }
0xba: {  	s3 =	sand.u32 $0x4000, s31;
	s1 =	sadd.s32 s1, s30  }
0xbb: {  	s0 =	sor.u32 s3, s0;
	s1 =	sshll.u32 s1, $0x11  }
0xbc: {  	s0 =	sor.u32 s1, s0  }
0xbd: {  	s0 =	sadd.s32 $0x8F2B, s0  }
0xbe: {  	[sflag:s0] =	ssyncadd.remote.s32 $0x1  }
0xbf: {  	_ =	sfence.sel $0xFFFF  }
0xc0: {  	[dreg:$0x0] =	wrdreg $0xFFFFFFFF;
	(pc) =	sbr.abs _section_cstart, $3  }
0xc1: {  	[dreg:$0x1] =	wrdreg $0xFFFFFFFF  }
0xc2: {  	_ =	task.clear_ibuf [dreg:s7], $0x2FFFF;
	_ =	strace $0x9FFFFFFF  }
0xc3: {  	(tm) =	ssettm $0x7FFFFFFF  }
tec
execute0_lowered:
.L_overlay_start_1:
0x0: {  	(tag) =	ssettag $0x1  }
0x1: {  	s0 =	rddreg [dreg:$0x0]  }
0x2: {  	s1 =	rddreg [dreg:$0x1]  }
0x3: {  	s2 =	rddreg [dreg:$0x2];
	s3 =	srdreg.scid  }
0x4: {  	s4 =	simm.s32 $0x0;
	s5 =	stileid.u32;
	s14 =	simm.s32 $0x80  }
0x5: {  	s15 =	simm.s32 $0x4F00;
	s17 =	simm.s32 $0x6F00;
	s19 =	simm.s32 $0x8F00  }
0x6: {  	s21 =	simm.s32 $0xAF00;
	s29 =	simm.s32 $0x1;
	s30 =	simm.s32 $0x2  }
0x7: {  	s31 =	simm.s32 $0x0;
	s3 =	sand.u32 $0x1, s3;
	[smem:$0x7FF] =	sst s4  }
0x8: {  	s9 =	smul.u32 $0xA000, s5;
	s4 =	sadd.s32 $0x5600, s0;
	s7 =	sadd.s32 $0x19000, s0  }
0x9: {  	s28 =	sshll.u32 s5, $0x6;
	s23 =	sshll.u32 s3, $0x4;
	_ =	strace $0x80000050  }
0xa: {  	s6 =	smul.u32 $0xA0000, s3;
	[dreg:$0x4] =	wrdreg s7;
	s3 =	ssub.s32 $0x2, s3  }
0xb: {  	s12 =	sor.u32 $0x1C03, s28;
	s11 =	sor.u32 s5, s23;
	s10 =	sshrl.u32 s3, $0x1  }
0xc: {  	s25 =	sadd.s32 s9, s2;
	s23 =	simm.s32 $0xCF00;
	s24 =	smul.u32 $0x4E, s11  }
0xd: {  	s6 =	sadd.s32 s9, s6;
	s8 =	smin.u32 s11, $0x4;
	s3 =	ssub.s32 s3, s10  }
0xe: {  	p0 =	slt.u32 s11, $0x4;
	s13 =	sshrl.u32 s25, $0x3;
	s25 =	simm.s32 $0xEF00  }
0xf: {  	s6 =	sshrl.u32 s6, $0x3;
	s26 =	smax.u32 s3, $0x1;
	s7 =	sadd.s32 s8, s24  }
0x10: {  	s0 =	sadd.s32 s6, s0;
	s6 =	simm.s32 $0x4F;
	s7 =	sshll.u32 s7, $0x5  }
0x11: {  	[dreg:$0x7] =	wrdreg s26;
	s0 =	sadd.s32 $0x1A400, s0;
	s7 =	sadd.s32 s1, s7  }
0x12: {  	s6 =	simm.s32 @!p0 $0x4E;
	[dreg:$0x6] =	wrdreg s0;
	s1 =	sadd.s32 $0x9C0, s7  }
0x13: {  	p0 =	sgt.u32 s11, $0x3;
	s11 =	simm.s32 $0x3;
	[dreg:$0x5] =	wrdreg s1  }
.LBB2_1:
0x14: {  	s3 =	simm.s32 $0x0  }
0x15: {  	[tilespmem:s3], [sflag:$0x3] =	stream.linear.gather [hbm4b:s7+s3], $0x4E00, $0x38;
	[tilespmem:$0x1EF00] =	vst v63  }
0x16: {  	_ =	swait.ge [sflag:s11], $0x4E00  }
0x17: {  	s0 =	simm.s32 @!p0 $0x0;
	[sflag:s11] =	ssyncset.done $0x0  }
0x18: {  	s1 =	simm.s32 @!p0 $0x4E00;
	s5 =	rddreg [dreg:$0x5];
	[sflag:s11] =	ssyncadd.s32 $0xFFFFB200  }
0x19: {  	[tilespmem:s1], [sflag:$0x3] =	stream.linear.gather @!p0 [hbm4b:s5+s0], $0x100, $0x38;
	[tilespmem:$0x1EF00] =	vst v63  }
0x1a: {  	s0 =	simm.s32 @!p0 $0x3  }
0x1b: {  	_ =	swait.ge @!p0 [sflag:s0], $0x100  }
0x1c: {  	[sflag:s0] =	ssyncset.done @!p0 $0x0  }
0x1d: {  	s22 =	rddreg [dreg:$0x4];
	[sflag:s0] =	ssyncadd.s32 @!p0 $0xFFFFFF00  }
0x1e: {  	[spmem:s13], [sflag:s12] =	dma.local [hbm:s22], $0x1400  }
0x1f: {  	_ =	swait.ge [sflag:s11], $0x1400  }
0x20: {  	[sflag:s11] =	ssyncset.done $0x0  }
0x21: {  	[sflag:s11] =	ssyncadd.s32 $0xFFFFEC00  }
0x22: {  	[bflag:$0x0] =	sbarrier.arrive $0xFFFF  }
0x23: {  	[tilespmem:s15], [sflag:$0x1] =	stream.indirect.gather [hbm4b:s4+s14], $0x40, s3, s14, $0xb8;
	[tilespmem:$0x1EF00] =	vst v63  }
0x24: {  	s24 =	simm.s32 $0x100  }
0x25: {  	[tilespmem:s17], [sflag:$0x1] =	stream.indirect.gather [hbm4b:s4+s14], $0x40, s24, s14, $0xb8;
	[tilespmem:$0x1EF00] =	vst v63  }
0x26: {  	s26 =	simm.s32 $0x200  }
0x27: {  	[tilespmem:s19], [sflag:$0x1] =	stream.indirect.gather [hbm4b:s4+s14], $0x40, s26, s14, $0xb8;
	[tilespmem:$0x1EF00] =	vst v63  }
0x28: {  	s1 =	simm.s32 $0x300  }
0x29: {  	[tilespmem:s21], [sflag:$0x1] =	stream.indirect.gather [hbm4b:s4+s14], $0x40, s1, s14, $0xb8;
	[tilespmem:$0x1EF00] =	vst v63  }
0x2a: {  	s3 =	simm.s32 $0x400  }
0x2b: {  	[tilespmem:s23], [sflag:$0x1] =	stream.indirect.gather [hbm4b:s4+s14], $0x40, s3, s14, $0xb8;
	[tilespmem:$0x1EF00] =	vst v63  }
0x2c: {  	s5 =	simm.s32 $0x500  }
0x2d: {  	[tilespmem:s25], [sflag:$0x1] =	stream.indirect.gather [hbm4b:s4+s14], $0x40, s5, s14, $0xb8;
	[tilespmem:$0x1EF00] =	vst v63  }
0x2e: {  	s8 =	simm.s32 $0x600;
	s9 =	simm.s32 $0x10F00  }
0x2f: {  	[tilespmem:s9], [sflag:$0x1] =	stream.indirect.gather [hbm4b:s4+s14], $0x40, s8, s14, $0xb8;
	[tilespmem:$0x1EF00] =	vst v63  }
0x30: {  	_ =	swait.ge [sflag:s29], $0x2000  }
0x31: {  	p2 =	por $0x1, $0x1;
	[sflag:s29] =	ssyncset.done $0x0  }
0x32: {  	s10 =	simm.s32 $0x80;
	s16 =	simm.s32 @!p2 $0x2;
	[sflag:s29] =	ssyncadd.s32 $0xFFFFE000  }
0x33: {  	[spmem:s2] =	stream.indirect.scatter.add.f32 [tilespmem:s15], [sflag:$0x2], $0x40, s10, s14, $0xb8;
	[tilespmem:$0x1EF00] =	vst v63  }
0x34: {  	p1 =	sle.u32 s6, $0x7;
	_ =	swait.ge @!p2 [sflag:s16], $0x2000  }
0x35: {  	s0 =	simm.s32 @!p1 $0x700;
	[sflag:s16] =	ssyncset.done @!p2 $0x0  }
0x36: {  	s1 =	simm.s32 @!p1 $0x12F00;
	s3 =	simm.s32 @!p1 $0x80;
	[sflag:s16] =	ssyncadd.s32 @!p2 $0xFFFFE000  }
0x37: {  	[tilespmem:s1], [sflag:$0x1] =	stream.indirect.gather @!p1 [hbm4b:s4+s3], $0x40, s0, s3, $0xb8;
	[tilespmem:$0x1EF00] =	vst v63  }
0x38: {  	_ =	swait.ge [sflag:s29], $0x2000  }
0x39: {  	[sflag:s29] =	ssyncset.done $0x0  }
0x3a: {  	s18 =	simm.s32 $0x180;
	[sflag:s29] =	ssyncadd.s32 $0xFFFFE000  }
0x3b: {  	[spmem:s2] =	stream.indirect.scatter.add.f32 [tilespmem:s17], [sflag:$0x2], $0x40, s18, s14, $0xb8;
	[tilespmem:$0x1EF00] =	vst v63  }
0x3c: {  	p2 =	sle.u32 s6, $0x8;
	_ =	swait.ge [sflag:s30], $0x2000  }
0x3d: {  	s0 =	simm.s32 @!p2 $0x4F00;
	[sflag:s30] =	ssyncset.done $0x0  }
0x3e: {  	s16 =	simm.s32 @!p2 $0x800;
	s18 =	simm.s32 @!p2 $0x80;
	[sflag:s30] =	ssyncadd.s32 $0xFFFFE000  }
0x3f: {  	[tilespmem:s0], [sflag:$0x1] =	stream.indirect.gather @!p2 [hbm4b:s4+s18], $0x40, s16, s18, $0xb8;
	[tilespmem:$0x1EF00] =	vst v63  }
0x40: {  	_ =	swait.ge [sflag:s29], $0x2000  }
0x41: {  	[sflag:s29] =	ssyncset.done $0x0  }
0x42: {  	s20 =	simm.s32 $0x280;
	[sflag:s29] =	ssyncadd.s32 $0xFFFFE000  }
0x43: {  	[spmem:s2] =	stream.indirect.scatter.add.f32 [tilespmem:s19], [sflag:$0x2], $0x40, s20, s14, $0xb8;
	[tilespmem:$0x1EF00] =	vst v63  }
0x44: {  	p2 =	sle.u32 s6, $0x9;
	_ =	swait.ge [sflag:s30], $0x2000  }
0x45: {  	s0 =	simm.s32 @!p2 $0x6F00;
	[sflag:s30] =	ssyncset.done $0x0  }
0x46: {  	s16 =	simm.s32 @!p2 $0x900;
	s18 =	simm.s32 @!p2 $0x80;
	[sflag:s30] =	ssyncadd.s32 $0xFFFFE000  }
0x47: {  	[tilespmem:s0], [sflag:$0x1] =	stream.indirect.gather @!p2 [hbm4b:s4+s18], $0x40, s16, s18, $0xb8;
	[tilespmem:$0x1EF00] =	vst v63  }
0x48: {  	_ =	swait.ge [sflag:s29], $0x2000  }
0x49: {  	[sflag:s29] =	ssyncset.done $0x0  }
0x4a: {  	s22 =	simm.s32 $0x380;
	[sflag:s29] =	ssyncadd.s32 $0xFFFFE000  }
0x4b: {  	[spmem:s2] =	stream.indirect.scatter.add.f32 [tilespmem:s21], [sflag:$0x2], $0x40, s22, s14, $0xb8;
	[tilespmem:$0x1EF00] =	vst v63  }
0x4c: {  	p2 =	sle.u32 s6, $0xA;
	_ =	swait.ge [sflag:s30], $0x2000  }
0x4d: {  	s0 =	simm.s32 @!p2 $0x8F00;
	[sflag:s30] =	ssyncset.done $0x0  }
0x4e: {  	s16 =	simm.s32 @!p2 $0xA00;
	s18 =	simm.s32 @!p2 $0x80;
	[sflag:s30] =	ssyncadd.s32 $0xFFFFE000  }
0x4f: {  	[tilespmem:s0], [sflag:$0x1] =	stream.indirect.gather @!p2 [hbm4b:s4+s18], $0x40, s16, s18, $0xb8;
	[tilespmem:$0x1EF00] =	vst v63  }
0x50: {  	_ =	swait.ge [sflag:s29], $0x2000  }
0x51: {  	[sflag:s29] =	ssyncset.done $0x0  }
0x52: {  	s24 =	simm.s32 $0x480;
	[sflag:s29] =	ssyncadd.s32 $0xFFFFE000  }
0x53: {  	[spmem:s2] =	stream.indirect.scatter.add.f32 [tilespmem:s23], [sflag:$0x2], $0x40, s24, s14, $0xb8;
	[tilespmem:$0x1EF00] =	vst v63  }
0x54: {  	p2 =	sle.u32 s6, $0xB;
	_ =	swait.ge [sflag:s30], $0x2000  }
0x55: {  	s0 =	simm.s32 @!p2 $0xAF00;
	[sflag:s30] =	ssyncset.done $0x0  }
0x56: {  	s16 =	simm.s32 @!p2 $0xB00;
	s18 =	simm.s32 @!p2 $0x80;
	[sflag:s30] =	ssyncadd.s32 $0xFFFFE000  }
0x57: {  	[tilespmem:s0], [sflag:$0x1] =	stream.indirect.gather @!p2 [hbm4b:s4+s18], $0x40, s16, s18, $0xb8;
	[tilespmem:$0x1EF00] =	vst v63  }
0x58: {  	_ =	swait.ge [sflag:s29], $0x2000  }
0x59: {  	[sflag:s29] =	ssyncset.done $0x0  }
0x5a: {  	p3 =	sle.u32 s6, $0xC;
	s26 =	simm.s32 $0x580;
	[sflag:s29] =	ssyncadd.s32 $0xFFFFE000  }
0x5b: {  	[spmem:s2] =	stream.indirect.scatter.add.f32 [tilespmem:s25], [sflag:$0x2], $0x40, s26, s14, $0xb8;
	[tilespmem:$0x1EF00] =	vst v63  }
0x5c: {  	s0 =	simm.s32 @!p3 $0x80;
	_ =	swait.ge [sflag:s30], $0x2000  }
0x5d: {  	p2 =	sle.u32 s6, $0x6;
	s16 =	simm.s32 @!p3 $0xC00;
	[sflag:s30] =	ssyncset.done $0x0  }
0x5e: {  	s18 =	simm.s32 @!p3 $0xCF00;
	s20 =	simm.s32 @!p2 $0x1;
	[sflag:s30] =	ssyncadd.s32 $0xFFFFE000  }
0x5f: {  	[tilespmem:s18], [sflag:$0x1] =	stream.indirect.gather @!p3 [hbm4b:s4+s0], $0x40, s16, s0, $0xb8;
	[tilespmem:$0x1EF00] =	vst v63  }
0x60: {  	s0 =	simm.s32 @!p2 $0x680;
	_ =	swait.ge @!p2 [sflag:s20], $0x2000  }
0x61: {  	s16 =	simm.s32 @!p2 $0x80;
	s18 =	simm.s32 @!p2 $0x10F00;
	[sflag:s20] =	ssyncset.done @!p2 $0x0  }
0x62: {  	p3 =	sle.u32 @!p2 s6, $0xD;
	[sflag:s20] =	ssyncadd.s32 @!p2 $0xFFFFE000;
	s20 =	simm.s32 @!p2 $0x2  }
0x63: {  	[spmem:s2] =	stream.indirect.scatter.add.f32 @!p2 [tilespmem:s18], [sflag:$0x2], $0x40, s0, s16, $0xb8;
	[tilespmem:$0x1EF00] =	vst v63  }
0x64: {  	p3 =	por p3, p2;
	_ =	swait.ge @!p2 [sflag:s20], $0x2000  }
0x65: {  	s16 =	simm.s32 @!p1 $0x1;
	s0 =	simm.s32 @!p3 $0x80;
	[sflag:s20] =	ssyncset.done @!p2 $0x0  }
0x66: {  	s18 =	simm.s32 @!p3 $0xD00;
	[sflag:s20] =	ssyncadd.s32 @!p2 $0xFFFFE000;
	s20 =	simm.s32 @!p3 $0xEF00  }
0x67: {  	[tilespmem:s20], [sflag:$0x1] =	stream.indirect.gather @!p3 [hbm4b:s4+s0], $0x40, s18, s0, $0xb8;
	[tilespmem:$0x1EF00] =	vst v63  }
0x68: {  	_ =	swait.ge @!p1 [sflag:s16], $0x2000  }
0x69: {  	p2 =	sle.u32 @!p1 s6, $0xE;
	s0 =	simm.s32 $0xE;
	[sflag:s16] =	ssyncset.done @!p1 $0x0  }
0x6a: {  	s18 =	simm.s32 @!p1 $0x780;
	p3 =	por p2, p1;
	[sflag:s16] =	ssyncadd.s32 @!p1 $0xFFFFE000  }
0x6b: {  	[spmem:s2] =	stream.indirect.scatter.add.f32 @!p1 [tilespmem:s1], [sflag:$0x2], $0x40, s18, s3, $0xb8;
	[tilespmem:$0x1EF00] =	vst v63  }
0x6c: {  	s24 =	simm.s32 @!p3 $0x80;
	s28 =	simm.s32 @!p3 $0x10F00;
	s3 =	simm.s32 @!p1 $0x2  }
0x6d: {  	s1 =	simm.s32 $0x2000;
	s18 =	simm.s32 @!p3 $0xE00;
	_ =	swait.ge @!p1 [sflag:s3], $0x2000  }
.LBB2_2:
0x6e: {  	[sflag:s3] =	ssyncset.done @!p1 $0x0  }
0x6f: {  	s0 =	sadd.s32 $0x8, s0;
	s16 =	smov.u32 s1;
	s1 =	sadd.s32 $0x2000, s1  }
0x70: {  	p2 =	sne.s32 s1, $0x14000;
	[sflag:s3] =	ssyncadd.s32 @!p1 $0xFFFFE000  }
0x71: {  	[tilespmem:s28], [sflag:$0x1] =	stream.indirect.gather @!p3 [hbm4b:s4+s24], $0x40, s18, s24, $0xb8;
	[tilespmem:$0x1EF00] =	vst v63  }
0x72: {  	s3 =	sshra.s32 s16, $0x2;
	s18 =	sadd.s32 $0xFFFFFFF9, s0;
	_ =	swait.ge [sflag:s29], $0x2000  }
0x73: {  	s20 =	sadd.s32 $0x80, s3;
	p3 =	seq.s32 s16, $0x0;
	[sflag:s29] =	ssyncset.done $0x0  }
0x74: {  	s24 =	simm.s32 @!p3 $0x2;
	p1 =	sge.u32 s18, s6;
	[sflag:s29] =	ssyncadd.s32 $0xFFFFE000  }
0x75: {  	[spmem:s2] =	stream.indirect.scatter.add.f32 [tilespmem:s15], [sflag:$0x2], $0x40, s20, s14, $0xb8;
	[tilespmem:$0x1EF00] =	vst v63  }
0x76: {  	s18 =	sshra.s32 @!p1 s16, $0x2;
	s20 =	simm.s32 @!p1 $0x12F00;
	_ =	swait.ge @!p3 [sflag:s24], $0x2000  }
0x77: {  	s22 =	simm.s32 @!p1 $0x80;
	s28 =	sadd.s32 @!p1 $0x700, s18;
	[sflag:s24] =	ssyncset.done @!p3 $0x0  }
0x78: {  	s26 =	sadd.s32 @!p1 $0x780, s18;
	[sflag:s24] =	ssyncadd.s32 @!p3 $0xFFFFE000;
	p3 =	sge.u32 @!p1 s0, s6  }
0x79: {  	[tilespmem:s20], [sflag:$0x1] =	stream.indirect.gather @!p1 [hbm4b:s4+s22], $0x40, s28, s22, $0xb8;
	[tilespmem:$0x1EF00] =	vst v63  }
0x7a: {  	p3 =	por p3, p1;
	_ =	swait.ge [sflag:s29], $0x2000  }
0x7b: {  	s24 =	sadd.s32 $0x180, s3;
	s18 =	sshra.s32 @!p3 s16, $0x2;
	[sflag:s29] =	ssyncset.done $0x0  }
0x7c: {  	s28 =	sadd.s32 $0xFFFFFFFA, s0;
	s18 =	sadd.s32 @!p3 $0xE00, s18;
	[sflag:s29] =	ssyncadd.s32 $0xFFFFE000  }
0x7d: {  	[spmem:s2] =	stream.indirect.scatter.add.f32 [tilespmem:s17], [sflag:$0x2], $0x40, s24, s14, $0xb8;
	[tilespmem:$0x1EF00] =	vst v63  }
0x7e: {  	p4 =	sge.u32 s28, s6;
	s24 =	simm.s32 @!p3 $0x80;
	_ =	swait.ge [sflag:s30], $0x2000  }
0x7f: {  	s28 =	sshra.s32 @!p4 s16, $0x2;
	s5 =	simm.s32 @!p4 $0x4F00;
	[sflag:s30] =	ssyncset.done $0x0  }
0x80: {  	s8 =	simm.s32 @!p4 $0x80;
	s28 =	sadd.s32 @!p4 $0x800, s28;
	[sflag:s30] =	ssyncadd.s32 $0xFFFFE000  }
0x81: {  	[tilespmem:s5], [sflag:$0x1] =	stream.indirect.gather @!p4 [hbm4b:s4+s8], $0x40, s28, s8, $0xb8;
	[tilespmem:$0x1EF00] =	vst v63  }
0x82: {  	s28 =	simm.s32 @!p3 $0x10F00;
	_ =	swait.ge [sflag:s29], $0x2000  }
0x83: {  	s5 =	sadd.s32 $0x280, s3;
	[sflag:s29] =	ssyncset.done $0x0  }
0x84: {  	s8 =	sadd.s32 $0xFFFFFFFB, s0;
	[sflag:s29] =	ssyncadd.s32 $0xFFFFE000  }
0x85: {  	[spmem:s2] =	stream.indirect.scatter.add.f32 [tilespmem:s19], [sflag:$0x2], $0x40, s5, s14, $0xb8;
	[tilespmem:$0x1EF00] =	vst v63  }
0x86: {  	p4 =	sge.u32 s8, s6;
	_ =	swait.ge [sflag:s30], $0x2000  }
0x87: {  	s8 =	simm.s32 @!p4 $0x6F00;
	s5 =	sshra.s32 @!p4 s16, $0x2;
	[sflag:s30] =	ssyncset.done $0x0  }
0x88: {  	s9 =	simm.s32 @!p4 $0x80;
	s5 =	sadd.s32 @!p4 $0x900, s5;
	[sflag:s30] =	ssyncadd.s32 $0xFFFFE000  }
0x89: {  	[tilespmem:s8], [sflag:$0x1] =	stream.indirect.gather @!p4 [hbm4b:s4+s9], $0x40, s5, s9, $0xb8;
	[tilespmem:$0x1EF00] =	vst v63  }
0x8a: {  	_ =	swait.ge [sflag:s29], $0x2000  }
0x8b: {  	s5 =	sadd.s32 $0x380, s3;
	[sflag:s29] =	ssyncset.done $0x0  }
0x8c: {  	s8 =	sadd.s32 $0xFFFFFFFC, s0;
	[sflag:s29] =	ssyncadd.s32 $0xFFFFE000  }
0x8d: {  	[spmem:s2] =	stream.indirect.scatter.add.f32 [tilespmem:s21], [sflag:$0x2], $0x40, s5, s14, $0xb8;
	[tilespmem:$0x1EF00] =	vst v63  }
0x8e: {  	p4 =	sge.u32 s8, s6;
	_ =	swait.ge [sflag:s30], $0x2000  }
0x8f: {  	s8 =	simm.s32 @!p4 $0x8F00;
	s5 =	sshra.s32 @!p4 s16, $0x2;
	[sflag:s30] =	ssyncset.done $0x0  }
0x90: {  	s9 =	simm.s32 @!p4 $0x80;
	s5 =	sadd.s32 @!p4 $0xA00, s5;
	[sflag:s30] =	ssyncadd.s32 $0xFFFFE000  }
0x91: {  	[tilespmem:s8], [sflag:$0x1] =	stream.indirect.gather @!p4 [hbm4b:s4+s9], $0x40, s5, s9, $0xb8;
	[tilespmem:$0x1EF00] =	vst v63  }
0x92: {  	_ =	swait.ge [sflag:s29], $0x2000  }
0x93: {  	s5 =	sadd.s32 $0x480, s3;
	[sflag:s29] =	ssyncset.done $0x0  }
0x94: {  	s8 =	sadd.s32 $0xFFFFFFFD, s0;
	[sflag:s29] =	ssyncadd.s32 $0xFFFFE000  }
0x95: {  	[spmem:s2] =	stream.indirect.scatter.add.f32 [tilespmem:s23], [sflag:$0x2], $0x40, s5, s14, $0xb8;
	[tilespmem:$0x1EF00] =	vst v63  }
0x96: {  	p4 =	sge.u32 s8, s6;
	_ =	swait.ge [sflag:s30], $0x2000  }
0x97: {  	s8 =	simm.s32 @!p4 $0xAF00;
	s5 =	sshra.s32 @!p4 s16, $0x2;
	[sflag:s30] =	ssyncset.done $0x0  }
0x98: {  	s9 =	simm.s32 @!p4 $0x80;
	s5 =	sadd.s32 @!p4 $0xB00, s5;
	[sflag:s30] =	ssyncadd.s32 $0xFFFFE000  }
0x99: {  	[tilespmem:s8], [sflag:$0x1] =	stream.indirect.gather @!p4 [hbm4b:s4+s9], $0x40, s5, s9, $0xb8;
	[tilespmem:$0x1EF00] =	vst v63  }
0x9a: {  	_ =	swait.ge [sflag:s29], $0x2000  }
0x9b: {  	s3 =	sadd.s32 $0x580, s3;
	[sflag:s29] =	ssyncset.done $0x0  }
0x9c: {  	s5 =	sadd.s32 $0xFFFFFFFE, s0;
	[sflag:s29] =	ssyncadd.s32 $0xFFFFE000  }
0x9d: {  	[spmem:s2] =	stream.indirect.scatter.add.f32 [tilespmem:s25], [sflag:$0x2], $0x40, s3, s14, $0xb8;
	[tilespmem:$0x1EF00] =	vst v63  }
0x9e: {  	p5 =	sge.u32 s5, s6;
	s3 =	sadd.s32 $0xFFFFFFF8, s0;
	_ =	swait.ge [sflag:s30], $0x2000  }
0x9f: {  	s5 =	sshra.s32 @!p5 s16, $0x2;
	s8 =	simm.s32 @!p5 $0x80;
	[sflag:s30] =	ssyncset.done $0x0  }
0xa0: {  	s5 =	sadd.s32 @!p5 $0xC00, s5;
	p4 =	sge.u32 s3, s6;
	[sflag:s30] =	ssyncadd.s32 $0xFFFFE000  }
0xa1: {  	s3 =	simm.s32 @!p5 $0xCF00;
	s9 =	simm.s32 @!p4 $0x1;
	s10 =	sshra.s32 @!p4 s16, $0x2  }
0xa2: {  	[tilespmem:s3], [sflag:$0x1] =	stream.indirect.gather @!p5 [hbm4b:s4+s8], $0x40, s5, s8, $0xb8;
	[tilespmem:$0x1EF00] =	vst v63  }
0xa3: {  	s3 =	sadd.s32 @!p4 $0x680, s10;
	s5 =	sadd.s32 @!p4 $0xFFFFFFFF, s0;
	_ =	swait.ge @!p4 [sflag:s9], $0x2000  }
0xa4: {  	s8 =	simm.s32 @!p4 $0x80;
	s10 =	simm.s32 @!p4 $0x10F00;
	[sflag:s9] =	ssyncset.done @!p4 $0x0  }
0xa5: {  	p5 =	sge.u32 @!p4 s5, s6;
	[sflag:s9] =	ssyncadd.s32 @!p4 $0xFFFFE000;
	s9 =	simm.s32 @!p4 $0x2  }
0xa6: {  	[spmem:s2] =	stream.indirect.scatter.add.f32 @!p4 [tilespmem:s10], [sflag:$0x2], $0x40, s3, s8, $0xb8;
	[tilespmem:$0x1EF00] =	vst v63  }
0xa7: {  	p5 =	por p5, p4;
	s3 =	simm.s32 @!p1 $0x1;
	_ =	swait.ge @!p4 [sflag:s9], $0x2000  }
0xa8: {  	s5 =	sshra.s32 @!p5 s16, $0x2;
	s8 =	simm.s32 @!p5 $0x80;
	[sflag:s9] =	ssyncset.done @!p4 $0x0  }
0xa9: {  	s5 =	sadd.s32 @!p5 $0xD00, s5;
	[sflag:s9] =	ssyncadd.s32 @!p4 $0xFFFFE000;
	s9 =	simm.s32 @!p5 $0xEF00  }
0xaa: {  	[tilespmem:s9], [sflag:$0x1] =	stream.indirect.gather @!p5 [hbm4b:s4+s8], $0x40, s5, s8, $0xb8;
	[tilespmem:$0x1EF00] =	vst v63  }
.Ltmp0:
0xab: {  	_ =	swait.ge @!p1 [sflag:s3], $0x2000;
	(pc) =	sbr.rel @p2 .LBB2_2-.Ltmp0, $4  }
0xac: {  	[sflag:s3] =	ssyncset.done @!p1 $0x0  }
0xad: {  	[sflag:s3] =	ssyncadd.s32 @!p1 $0xFFFFE000;
	s3 =	simm.s32 @!p1 $0x2  }
0xae: {  	[spmem:s2] =	stream.indirect.scatter.add.f32 @!p1 [tilespmem:s20], [sflag:$0x2], $0x40, s26, s22, $0xb8;
	[tilespmem:$0x1EF00] =	vst v63  }
0xaf: {  	_ =	swait.ge @!p1 [sflag:s3], $0x2000  }
0xb0: {  	[sflag:s3] =	ssyncset.done @!p1 $0x0  }
0xb1: {  	[sflag:s3] =	ssyncadd.s32 @!p1 $0xFFFFE000  }
0xb2: {  	[tilespmem:s28], [sflag:$0x1] =	stream.indirect.gather @!p3 [hbm4b:s4+s24], $0x40, s18, s24, $0xb8;
	[tilespmem:$0x1EF00] =	vst v63  }
0xb3: {  	_ =	swait.ge [sflag:s30], $0x2000  }
0xb4: {  	[sflag:s30] =	ssyncset.done $0x0  }
0xb5: {  	[sflag:s30] =	ssyncadd.s32 $0xFFFFE000  }
0xb6: {  	[bflag:$0x0] =	sbarrier.arrive $0xFFFF  }
0xb7: {  	s0 =	rddreg [dreg:$0x6]  }
0xb8: {  	[hbm:s0], [sflag:s12] =	dma.local [spmem:s13], $0x1400  }
0xb9: {  	_ =	swait.ge [sflag:s11], $0x1400  }
0xba: {  	s31 =	sadd.s32 $0x1, s31;
	s28 =	rddreg [dreg:$0x7]  }
0xbb: {  	p1 =	sne.s32 s31, s28  }
.Ltmp1:
0xbc: {  	_ = 	snop;
	(pc) =	sbr.rel @p1 .LBB2_1-.Ltmp1, $3  }
0xbd: {  	_ =	sdelay $0x1  }
0xbe: {  	[sflag:s11] =	ssyncset.done $0x0  }
0xbf: {  	[sflag:s11] =	ssyncadd.s32 $0xFFFFEC00  }
0xc0: {  	_ =	sfence.sel $0x180000  }
0xc1: {  	[bflag:$0x0] =	sbarrier.arrive $0xFFFF  }
0xc2: {  	_ =	strace $0x90000050  }
0xc3: {  	s0 =	stileid.u32;
	[bflag:$0x2] =	sbarrier.arrive $0xFFFF  }
0xc4: {  	p0 =	sne.s32 s0, $0x0;
	s0 =	rddreg [dreg:$0x3]  }
0xc5: {  	s0 =	sadd.s32 @!p0 $0x100000, s0  }
0xc6: {  	[sflag:s0] =	ssyncadd.tile.s32 @!p0 $0x1;
	_ =	shalt  }
.Lfunc_end2:
_tile_overlayer_lowered:
.L_overlay_start_2:
0xc7: {  	(tag) =	ssettag $0x2  }
0xc8: {  	s0 =	rddreg [dreg:$0x0];
	s2 =	stileid.u32  }
0xc9: {  	s1 =	rddreg [dreg:$0x1];
	p0 =	sne.s32 s2, $0x0  }
0xca: {  	s3 =	rddreg [dreg:$0x2];
	[bflag:$0x3] =	sbarrier.arrive $0xFFFF;
	s2 =	simm.s32 @!p0 $0x1C03  }
0xcb: {  	[timem:s3], [sflag:s2] =	dma.local @!p0 [hbm:s0], s1  }
0xcc: {  	s0 =	simm.s32 @!p0 $0x3  }
0xcd: {  	_ =	swait.ge @!p0 [sflag:s0], s1  }
0xce: {  	s1 =	ssub.s32 @!p0 $0x0, s1;
	[sflag:s0] =	ssyncset.done @!p0 $0x0  }
0xcf: {  	[sflag:s0] =	ssyncadd.s32 @!p0 s1  }
0xd0: {  	[bflag:$0x3] =	sbarrier.arrive $0xFFFF  }
0xd1: {  	_ =	shalt  }

</sc_bundles>
